<compile_context>
chip_gen: v7x
topology: tpu7x:2x2x1
jax: 0.10.2.dev20260603
libtpu: 0.0.44.dev20260713+nightly
codegen_flags: <defaults>
</compile_context>

<pallas_src>
import functools

import jax
import jax.numpy as jnp
from jax import lax
from jax.experimental import pallas as pl
from jax.experimental.pallas import tpu as pltpu
from jax.experimental.pallas import tpu_sc as plsc

N_NODES = 10000
N_EDGES = 160000
C = 128
K = 16
NUM_BESSEL = 8
R_MAX = 5.0
P_CUT = 5.0
AVG_N = 16.0

NC = 2
NS = 16
LANES = 16

N_PAD = 10240
E_PAD = 163840
CH = 256
NCHUNK = N_PAD // CH
EPT = E_PAD // NS
EPW = E_PAD // (NC * NS)
GCH = 128
BS = 16
RECV_SENTINEL = N_PAD - 8


def _f32(x):
    return jnp.asarray(x, jnp.float32)


def _pos_gather(pos_pad, send_p, recv_p):
    mesh = plsc.VectorSubcoreMesh(core_axis_name="c", subcore_axis_name="s")

    @functools.partial(
        pl.kernel,
        mesh=mesh,
        compiler_params=pltpu.CompilerParams(use_tc_tiling_on_sc=False, needs_layout_passes=False),
        out_type=(
            jax.ShapeDtypeStruct((E_PAD, 16), jnp.float32),
            jax.ShapeDtypeStruct((E_PAD, 16), jnp.float32),
        ),
        scratch_types=[
            pltpu.VMEM((GCH,), jnp.int32),
            pltpu.VMEM((GCH, 16), jnp.float32),
            pltpu.SemaphoreType.DMA,
        ],
    )
    def run(pos_hbm, send_hbm, recv_hbm, out_s, out_r, idx_v, rows_v, sem):
        wid = lax.axis_index("s") * NC + lax.axis_index("c")
        base = wid * EPW

        def body(g, _):
            off = base + g * GCH
            pltpu.sync_copy(send_hbm.at[pl.ds(off, GCH)], idx_v)
            pltpu.async_copy(pos_hbm.at[idx_v], rows_v, sem).wait()
            pltpu.sync_copy(rows_v, out_s.at[pl.ds(off, GCH)])
            pltpu.sync_copy(recv_hbm.at[pl.ds(off, GCH)], idx_v)
            pltpu.async_copy(pos_hbm.at[idx_v], rows_v, sem).wait()
            pltpu.sync_copy(rows_v, out_r.at[pl.ds(off, GCH)])
            return _

        lax.fori_loop(0, EPW // GCH, body, 0)

    return run(pos_pad, send_p, recv_p)


def _silu(x):
    return x / (1.0 + jnp.exp(-x))


def _edge_w_kernel(ps_ref, pr_ref, m1_ref, m2_ref, w1_ref, w2_ref):
    vec = pr_ref[...] - ps_ref[...]
    vt = jnp.transpose(vec)
    x = vt[0:1, :]
    y = vt[1:2, :]
    z = vt[2:3, :]
    r = jnp.sqrt(x * x + y * y + z * z) + 1e-9
    xu = x / r
    yu = y / r
    zu = z / r

    s3 = 3.0 ** 0.5
    s15 = 15.0 ** 0.5
    one = jnp.ones_like(xu)
    sh_rows = [
        one,
        s3 * xu, s3 * yu, s3 * zu,
        s15 * xu * yu, s15 * yu * zu,
        (5.0 ** 0.5 / 2.0) * (3.0 * zu * zu - 1.0),
        s15 * xu * zu, (s15 / 2.0) * (xu * xu - yu * yu),
        (35.0 / 8.0) ** 0.5 * yu * (3.0 * xu * xu - yu * yu),
        (105.0 ** 0.5) * xu * yu * zu,
        (21.0 / 8.0) ** 0.5 * yu * (5.0 * zu * zu - 1.0),
        (7.0 ** 0.5 / 2.0) * (5.0 * zu * zu * zu - 3.0 * zu),
        (21.0 / 8.0) ** 0.5 * xu * (5.0 * zu * zu - 1.0),
        (105.0 ** 0.5 / 2.0) * zu * (xu * xu - yu * yu),
        (35.0 / 8.0) ** 0.5 * xu * (xu * xu - 3.0 * yu * yu),
    ]
    sh = jnp.concatenate(sh_rows, axis=0)

    scale = (2.0 / R_MAX) ** 0.5
    n8 = (lax.broadcasted_iota(jnp.int32, (NUM_BESSEL, 1), 0) + 1).astype(
        jnp.float32)
    rb = jnp.broadcast_to(r, (NUM_BESSEL, r.shape[1]))
    bess = jnp.sin(rb * (n8 * (jnp.pi / R_MAX))) * (scale / rb)
    u = r / R_MAX
    p = P_CUT
    u2 = u * u
    u4 = u2 * u2
    u5 = u4 * u
    u6 = u4 * u2
    u7 = u6 * u
    env = (1.0
           - (p + 1.0) * (p + 2.0) / 2.0 * u5
           + p * (p + 2.0) * u6
           - p * (p + 1.0) / 2.0 * u7)
    env = jnp.where(u < 1.0, env, 0.0)
    ef = bess * env

    for m_ref, w_ref in ((m1_ref, w1_ref), (m2_ref, w2_ref)):
        m = m_ref[...]
        a1t = m[:, 0:8]
        a2t = m[:, 8:72]
        a3t = m[:, 72:136]
        a4t = m[0:16, 136:200]
        h = _silu(jnp.dot(a1t, ef, preferred_element_type=jnp.float32,
                precision=lax.Precision.HIGHEST))
        h = _silu(jnp.dot(a2t, h, preferred_element_type=jnp.float32,
                precision=lax.Precision.HIGHEST))
        h = _silu(jnp.dot(a3t, h, preferred_element_type=jnp.float32,
                precision=lax.Precision.HIGHEST))
        rr = jnp.dot(a4t, h, preferred_element_type=jnp.float32,
                precision=lax.Precision.HIGHEST)
        w_ref[...] = jnp.transpose(sh * rr)


def _edge_w(pos_s, pos_r, mlp1, mlp2):
    be = 1024
    grid = (E_PAD // be,)
    return pl.pallas_call(
        _edge_w_kernel,
        grid=grid,
        in_specs=[
            pl.BlockSpec((be, 16), lambda i: (i, 0)),
            pl.BlockSpec((be, 16), lambda i: (i, 0)),
            pl.BlockSpec((64, 200), lambda i: (0, 0)),
            pl.BlockSpec((64, 200), lambda i: (0, 0)),
        ],
        out_specs=[
            pl.BlockSpec((be, K), lambda i: (i, 0)),
            pl.BlockSpec((be, K), lambda i: (i, 0)),
        ],
        out_shape=[
            jax.ShapeDtypeStruct((E_PAD, K), jnp.float32),
            jax.ShapeDtypeStruct((E_PAD, K), jnp.float32),
        ],
    )(pos_s, pos_r, mlp1, mlp2)


def _embed_kernel(sp_ref, w_ref, o_ref):
    sp = sp_ref[...]
    io = lax.broadcasted_iota(jnp.int32, (sp.shape[0], 16), 1).astype(
        jnp.float32)
    oh = (sp == io).astype(jnp.float32)
    o_ref[...] = jnp.dot(oh, w_ref[...], preferred_element_type=jnp.float32,
                precision=lax.Precision.HIGHEST)


def _embed(species_f, w_pad):
    bn = 1024
    return pl.pallas_call(
        _embed_kernel,
        grid=(N_PAD // bn,),
        in_specs=[
            pl.BlockSpec((bn, 1), lambda i: (i, 0)),
            pl.BlockSpec((16, C), lambda i: (0, 0)),
        ],
        out_specs=pl.BlockSpec((bn, C), lambda i: (i, 0)),
        out_shape=jax.ShapeDtypeStruct((N_PAD, C), jnp.float32),
    )(species_f, w_pad)


def _msg_agg(feats, send_p, recv_p, w_pad):
    mesh = plsc.VectorSubcoreMesh(core_axis_name="c", subcore_axis_name="s")
    mbuf = EPT + BS
    rpt = CH // NS

    @functools.partial(
        pl.kernel,
        mesh=mesh,
        compiler_params=pltpu.CompilerParams(
            use_tc_tiling_on_sc=False, needs_layout_passes=False),
        out_type=jax.ShapeDtypeStruct((N_PAD, K * C), jnp.float32),
        scratch_types=[
            pltpu.VMEM((mbuf,), jnp.int32),
            pltpu.VMEM((mbuf,), jnp.int32),
            pltpu.VMEM((mbuf,), jnp.int32),
            pltpu.VMEM((BS, C), jnp.float32),
            pltpu.VMEM((BS, K), jnp.float32),
            pltpu.VMEM((BS, K * C), jnp.float32),
            pltpu.VMEM((2, K * C), jnp.float32),
            pltpu.VMEM_SHARED((CH, K * C), jnp.float32),
            pltpu.SemaphoreType.DMA,
            pltpu.SemaphoreType.DMA,
        ],
    )
    def run(feats_hbm, send_hbm, recv_hbm, w_hbm, agg_hbm,
            sendbuf, recvbuf, meid, srcb, wb, msg, zbuf,
            agg_s, sem1, sem2):
        cc = lax.axis_index("c")
        ss = lax.axis_index("s")
        tilebase = ss * EPT

        def zinit(j, _):
            for rr in range(2):
                zbuf[rr, pl.ds(j * LANES, LANES)] = jnp.zeros(
                    (LANES,), jnp.float32)
            return _
        lax.fori_loop(0, (K * C) // LANES, zinit, 0)

        pltpu.sync_copy(send_hbm.at[pl.ds(tilebase, EPT)],
                        sendbuf.at[pl.ds(0, EPT)])
        pltpu.sync_copy(recv_hbm.at[pl.ds(tilebase, EPT)],
                        recvbuf.at[pl.ds(0, EPT)])
        sendbuf[pl.ds(EPT, LANES)] = jnp.zeros((LANES,), jnp.int32)

        def pass_body(p_idx, _):
            chunk = NC * p_idx + cc
            nbase = chunk * CH
            recvbuf[pl.ds(EPT, LANES)] = jnp.full((LANES,), nbase, jnp.int32)

            def zrow(i, _):
                pltpu.sync_copy(zbuf, agg_s.at[pl.ds(ss * rpt + i * 2, 2)])
                return _
            lax.fori_loop(0, rpt // 2, zrow, 0)
            plsc.subcore_barrier()

            def scan_body(g, cnt):
                rv = recvbuf[pl.ds(g * LANES, LANES)]
                m = (rv >= nbase) & (rv < nbase + CH)
                mi = m.astype(jnp.int32)
                dest = cnt + plsc.cumsum(mi) - 1
                eid = (tilebase + g * LANES) + lax.iota(jnp.int32, LANES)
                plsc.store_scatter(meid, [dest], eid, mask=m)
                return cnt + jnp.sum(mi)

            cnt = lax.fori_loop(0, EPT // LANES, scan_body, 0)

            meid[pl.ds(cnt, LANES)] = jnp.full((LANES,), E_PAD, jnp.int32)

            nb = (cnt + BS - 1) // BS

            def proc_body(b, _):
                off = b * BS
                eidx = meid[pl.ds(off, BS)]
                rel = jnp.minimum(eidx - tilebase, EPT)
                sidx = plsc.load_gather(sendbuf, [rel])
                ridx = plsc.load_gather(recvbuf, [rel]) - nbase
                cp1 = pltpu.async_copy(feats_hbm.at[sidx], srcb, sem1)
                cp2 = pltpu.async_copy(w_hbm.at[eidx], wb, sem2)
                cp1.wait()
                cp2.wait()

                def edge_body(e, _):
                    srow = [srcb[e, pl.ds(j * LANES, LANES)] for j in range(8)]
                    for k in range(K):
                        wspl = plsc.load_gather(
                            wb, [jnp.full((LANES,), e, jnp.int32),
                                 jnp.full((LANES,), k, jnp.int32)])
                        for j in range(8):
                            msg[e, pl.ds(k * C + j * LANES, LANES)] = (
                                wspl * srow[j])
                    return _

                lax.fori_loop(0, BS, edge_body, 0)
                pltpu.sync_copy(msg, agg_s.at[ridx], add=True)
                return _

            lax.fori_loop(0, nb, proc_body, 0)
            plsc.subcore_barrier()

            pltpu.sync_copy(
                agg_s.at[pl.ds(ss * rpt, rpt)],
                agg_hbm.at[pl.ds(nbase + ss * rpt, rpt)])
            return _

        lax.fori_loop(0, NCHUNK // NC, pass_body, 0)

    return run(feats, send_p, recv_p, w_pad)


def _node_update_kernel(agg_ref, f_ref, pp_ref, l_ref, s_ref, o_ref):
    inv_avg = 1.0 / AVG_N
    a = agg_ref[...] * inv_avg
    pp = pp_ref[...]
    p2 = pp[0:1, :]
    p3 = pp[1:2, :]

    m0 = a[:, 0:C]
    inv0 = m0 * m0
    inv1 = (a[:, C:2 * C] * a[:, C:2 * C]
            + a[:, 2 * C:3 * C] * a[:, 2 * C:3 * C]
            + a[:, 3 * C:4 * C] * a[:, 3 * C:4 * C])
    inv2 = sum(a[:, k * C:(k + 1) * C] * a[:, k * C:(k + 1) * C]
               for k in range(4, 9))
    inv3 = sum(a[:, k * C:(k + 1) * C] * a[:, k * C:(k + 1) * C]
               for k in range(9, 16))
    b = (m0 + inv0 * pp[2:3, :] + inv1 * pp[3:4, :]
         + inv2 * pp[4:5, :] + inv3 * pp[5:6, :])
    b = b + (b * b) * p2 + (b * b * b) * p3
    bl = jnp.dot(b, l_ref[...], preferred_element_type=jnp.float32,
                precision=lax.Precision.HIGHEST)
    f = f_ref[...]
    o_ref[...] = _silu(bl) + jnp.dot(f, s_ref[...],
                                     preferred_element_type=jnp.float32,
                precision=lax.Precision.HIGHEST)


def _node_update(agg, feats, pp, l_mat, s_mat):
    bn = 256
    return pl.pallas_call(
        _node_update_kernel,
        grid=(N_PAD // bn,),
        in_specs=[
            pl.BlockSpec((bn, K * C), lambda i: (i, 0)),
            pl.BlockSpec((bn, C), lambda i: (i, 0)),
            pl.BlockSpec((8, C), lambda i: (0, 0)),
            pl.BlockSpec((C, C), lambda i: (0, 0)),
            pl.BlockSpec((C, C), lambda i: (0, 0)),
        ],
        out_specs=pl.BlockSpec((bn, C), lambda i: (i, 0)),
        out_shape=jax.ShapeDtypeStruct((N_PAD, C), jnp.float32),
    )(agg, feats, pp, l_mat, s_mat)


def _readout_kernel(h1_ref, h2_ref, sp_ref, ae_ref, r1_ref, r2a_ref, r2b_ref,
                    o_ref):
    sp = sp_ref[...]
    io = lax.broadcasted_iota(jnp.int32, (sp.shape[0], 16), 1).astype(
        jnp.float32)
    oh = (sp == io).astype(jnp.float32)
    e0 = jnp.sum(oh * ae_ref[...], axis=1, keepdims=True)
    e1 = jnp.sum(h1_ref[...] * r1_ref[...], axis=1, keepdims=True)
    t = _silu(jnp.dot(h2_ref[...], r2a_ref[...],
                      preferred_element_type=jnp.float32,
                precision=lax.Precision.HIGHEST))
    e2 = jnp.sum(t * r2b_ref[...], axis=1, keepdims=True)
    o_ref[...] = e0 + e1 + e2


def _readout(h1, h2, species_f, ae_row, r1_row, r2a, r2b_row):
    bn = 1024
    return pl.pallas_call(
        _readout_kernel,
        grid=(N_PAD // bn,),
        in_specs=[
            pl.BlockSpec((bn, C), lambda i: (i, 0)),
            pl.BlockSpec((bn, C), lambda i: (i, 0)),
            pl.BlockSpec((bn, 1), lambda i: (i, 0)),
            pl.BlockSpec((1, 16), lambda i: (0, 0)),
            pl.BlockSpec((1, C), lambda i: (0, 0)),
            pl.BlockSpec((C, 16), lambda i: (0, 0)),
            pl.BlockSpec((1, 16), lambda i: (0, 0)),
        ],
        out_specs=pl.BlockSpec((bn, 1), lambda i: (i, 0)),
        out_shape=jax.ShapeDtypeStruct((N_PAD, 1), jnp.float32),
    )(h1, h2, species_f, ae_row, r1_row, r2a, r2b_row)


def _pack_mlp(p):
    m = jnp.zeros((64, 200), jnp.float32)
    m = m.at[:, 0:8].set(p['A1'].T)
    m = m.at[:, 8:72].set(p['A2'].T)
    m = m.at[:, 72:136].set(p['A3'].T)
    m = m.at[0:16, 136:200].set(p['A4'].T)
    return m


def _pack_pp(p):
    pp = jnp.zeros((8, C), jnp.float32)
    pp = pp.at[0, :].set(p['P2'])
    pp = pp.at[1, :].set(p['P3'])
    pp = pp.at[2:6, :].set(p['C'])
    return pp


def kernel(positions, species, edge_index, params):
    f32 = jnp.float32
    i32 = jnp.int32
    sender = edge_index[0].astype(i32)
    receiver = edge_index[1].astype(i32)
    epad = E_PAD - N_EDGES
    send_p = jnp.concatenate([sender, jnp.zeros((epad,), i32)])
    recv_p = jnp.concatenate(
        [receiver, jnp.full((epad,), RECV_SENTINEL, i32)])

    pos_pad = jnp.pad(positions.astype(f32),
                      ((0, N_PAD - N_NODES), (0, 13)))
    species_f = jnp.pad(species.astype(f32), (0, N_PAD - N_NODES))[:, None]

    p = params
    w_embed_pad = jnp.pad(p['W_embed'].astype(f32), ((0, 6), (0, 0)))
    ae_row = jnp.pad(p['AE'].astype(f32), (0, 6))[None, :]
    r1_row = p['R1'].astype(f32)[:, 0][None, :]
    r2b_row = jnp.pad(p['R2b'].astype(f32)[:, 0], (0, 0))[None, :]

    mlp1 = _pack_mlp(p['int1'])
    mlp2 = _pack_mlp(p['int2'])
    pp1 = _pack_pp(p['int1'])
    pp2 = _pack_pp(p['int2'])

    pos_s, pos_r = _pos_gather(pos_pad, send_p, recv_p)
    w1, w2 = _edge_w(pos_s, pos_r, mlp1, mlp2)
    w1p = jnp.pad(w1, ((0, BS), (0, 0)))
    w2p = jnp.pad(w2, ((0, BS), (0, 0)))

    feats0 = _embed(species_f, w_embed_pad)
    agg1 = _msg_agg(feats0, send_p, recv_p, w1p)
    h1 = _node_update(agg1, feats0, pp1, p['int1']['L'], p['int1']['S'])
    agg2 = _msg_agg(h1, send_p, recv_p, w2p)
    h2 = _node_update(agg2, h1, pp2, p['int2']['L'], p['int2']['S'])

    out = _readout(h1, h2, species_f, ae_row, r1_row, p['R2a'], r2b_row)
    return out[:N_NODES, 0]

# --- scband reference (transcript-rebuilt; emitter-appended) ---
"""Pipeline reference for scband-mace-29729763623062 (READ-ONLY COPY).

The authoritative reference and input builder live on the scoring server;
editing this copy changes nothing except your own understanding.
"""

import jax, jax.numpy as jnp
import numpy as np

N_NODES = 10000
N_EDGES = 160000
C = 128
NUM_EL = 10
NUM_BESSEL = 8
R_MAX = 5.0
P_CUT = 5.0
AVG_N = 16.0


def _param(key, shape, scale):
    return jax.random.normal(key, shape, dtype=jnp.float32) * scale


def _interaction_params(key):
    kk = jax.random.split(key, 9)
    return {
        'A1': _param(kk[0], (NUM_BESSEL, 64), 0.3),
        'A2': _param(kk[1], (64, 64), 0.12),
        'A3': _param(kk[2], (64, 64), 0.12),
        'A4': _param(kk[3], (64, 16), 0.12),
        'C': _param(kk[4], (4, C), 0.1),
        'P2': _param(kk[5], (C,), 0.05),
        'P3': _param(kk[6], (C,), 0.02),
        'L': _param(kk[7], (C, C), 0.08),
        'S': _param(kk[8], (C, C), 0.08),
    }


def setup_inputs(seed: int = 0) -> dict:
    key = jax.random.key(seed)
    ks = jax.random.split(key, 16)
    positions = jax.random.normal(ks[0], (N_NODES, 3), dtype=jnp.float32)
    species = jax.random.randint(ks[1], (N_NODES,), 0, NUM_EL)
    edge_index = jax.random.randint(ks[2], (2, N_EDGES), 0, N_NODES)
    params = {
        'W_embed': _param(ks[3], (NUM_EL, C), 0.5),
        'AE': _param(ks[4], (NUM_EL,), 1.0),
        'int1': _interaction_params(ks[5]),
        'int2': _interaction_params(ks[6]),
        'R1': _param(ks[7], (C, 1), 0.1),
        'R2a': _param(ks[8], (C, 16), 0.1),
        'R2b': _param(ks[9], (16, 1), 0.1),
    }
    return {'positions': positions, 'species': species, 'edge_index': edge_index, 'params': params}


def _spherical_harmonics(u):
    # real spherical harmonics up to l=3, component normalization (e3nn style)
    x, y, z = u[:, 0], u[:, 1], u[:, 2]
    s3 = jnp.sqrt(3.0)
    s15 = jnp.sqrt(15.0)
    sh = [
        jnp.ones_like(x),
        s3 * x, s3 * y, s3 * z,
        s15 * x * y, s15 * y * z, (jnp.sqrt(5.0) / 2.0) * (3.0 * z * z - 1.0), s15 * x * z, (s15 / 2.0) * (x * x - y * y),
        jnp.sqrt(35.0 / 8.0) * y * (3.0 * x * x - y * y),
        jnp.sqrt(105.0) * x * y * z,
        jnp.sqrt(21.0 / 8.0) * y * (5.0 * z * z - 1.0),
        (jnp.sqrt(7.0) / 2.0) * (5.0 * z ** 3 - 3.0 * z),
        jnp.sqrt(21.0 / 8.0) * x * (5.0 * z * z - 1.0),
        (jnp.sqrt(105.0) / 2.0) * z * (x * x - y * y),
        jnp.sqrt(35.0 / 8.0) * x * (x * x - 3.0 * y * y),
    ]
    return jnp.stack(sh, axis=1)


def _radial_embedding(r):
    # Bessel radial basis with polynomial cutoff envelope (num_bessel=8, p=5)
    n = jnp.arange(1, NUM_BESSEL + 1, dtype=jnp.float32)
    bess = jnp.sqrt(2.0 / R_MAX) * jnp.sin(r[:, None] * n[None, :] * jnp.pi / R_MAX) / r[:, None]
    u = r / R_MAX
    p = P_CUT
    env = 1.0 - (p + 1.0) * (p + 2.0) / 2.0 * u ** p + p * (p + 2.0) * u ** (p + 1.0) - p * (p + 1.0) / 2.0 * u ** (p + 2.0)
    env = jnp.where(u < 1.0, env, 0.0)
    return bess * env[:, None]


def _interaction(feats, sender, receiver, sh, edge_feats, p):
    # radial MLP [8 -> 64 -> 64 -> 64 -> 16] producing per-edge tensor-product path weights
    h = jax.nn.silu(edge_feats @ p['A1'])
    h = jax.nn.silu(h @ p['A2'])
    h = jax.nn.silu(h @ p['A3'])
    R = h @ p['A4']
    src = feats[sender]  # gather (SparseCore)
    offs = [0, 1, 4, 9, 16]
    m0 = None
    inv = []
    for l in range(4):
        s, e = offs[l], offs[l + 1]
        w = sh[:, s:e] * R[:, s:e]
        msg = w[:, :, None] * src[:, None, :]
        agg = jax.ops.segment_sum(msg, receiver, num_segments=N_NODES) / AVG_N  # scatter-add
        if l == 0:
            m0 = agg[:, 0, :]
        inv.append(jnp.sum(agg * agg, axis=1))  # rotation-invariant contraction per l
    B = m0 + sum(inv[l] * p['C'][l][None, :] for l in range(4))
    # symmetric contraction / product basis up to correlation order 3
    B = B + (B * B) * p['P2'][None, :] + (B * B * B) * p['P3'][None, :]
    return jax.nn.silu(B @ p['L']) + feats @ p['S']  # residual (use_sc)


def _forward(positions, params, species, edge_index):
    sender = edge_index[0]
    receiver = edge_index[1]
    vec = positions[receiver] - positions[sender]
    r = jnp.linalg.norm(vec, axis=-1) + 1e-9
    u = vec / r[:, None]
    edge_feats = _radial_embedding(r)
    sh = _spherical_harmonics(u)
    onehot = jax.nn.one_hot(species, NUM_EL, dtype=jnp.float32)
    feats = onehot @ params['W_embed']  # LinearNodeEmbeddingBlock
    h1 = _interaction(feats, sender, receiver, sh, edge_feats, params['int1'])
    h2 = _interaction(h1, sender, receiver, sh, edge_feats, params['int2'])
    e0 = params['AE'][species]  # AtomicEnergiesBlock
    e1 = (h1 @ params['R1'])[:, 0]  # LinearReadoutBlock
    e2 = (jax.nn.silu(h2 @ params['R2a']) @ params['R2b'])[:, 0]  # NonLinearReadoutBlock
    return e0 + e1 + e2  # per-node energies [N]


def reference(positions, species, edge_index, params):
    return _forward(positions, params, species, edge_index)

if __name__ == "__main__":
    import jax
    _d = setup_inputs()
    print(jax.jit(kernel)(*tuple(_d.values())))

</pallas_src>

<mosaic_0001>
#map = affine_map<(d0, d1) -> (0, 0)>
#map1 = affine_map<(d0, d1) -> (0)>
module attributes {stable_mosaic.version = 14 : i64} {
  func.func @run(%arg0: i32, %arg1: i32, %arg2: memref<10240x16xf32, #tpu.memory_space<hbm>>, %arg3: memref<163840xi32, #tpu.memory_space<hbm>>, %arg4: memref<163840xi32, #tpu.memory_space<hbm>>, %arg5: memref<163840x16xf32, #tpu.memory_space<hbm>>, %arg6: memref<163840x16xf32, #tpu.memory_space<hbm>>, %arg7: memref<128xi32, #tpu.memory_space<vmem>>, %arg8: memref<128x16xf32, #tpu.memory_space<vmem>>, %arg9: memref<!tpu.dma_semaphore, #tpu.memory_space<semaphore_mem>>) attributes {dimension_semantics = [#tpu.dimension_semantics<core_parallel>, #tpu.dimension_semantics<subcore_parallel>], iteration_bounds = array<i64: 2, 16>, scalar_prefetch = 0 : i64, scratch_operands = 3 : i64, tpu.core_type = #tpu.core_type<sc_vector_subcore>, window_params = [{transform_indices = #map}, {transform_indices = #map1}, {transform_indices = #map1}, {transform_indices = #map}, {transform_indices = #map}]} {
    %mul3A = arith.constant 2 : i32
    %mul3A_0 = arith.muli %arg1, %mul3A : i32
    %add3A = arith.addi %mul3A_0, %arg0 : i32
    %mul3A_1 = arith.constant 5120 : i32
    %mul3A_2 = arith.muli %add3A, %mul3A_1 : i32
    %scan3A = arith.constant 0 : i32
    %scan3A_3 = arith.constant 0 : i32
    %scan3A_4 = arith.constant 40 : i32
    %scan3A_5 = arith.addi %scan3A_3, %scan3A_4 : i32
    %scan3A_6 = arith.constant 1 : i32
    scf.for %scan3A_8 = %scan3A_3 to %scan3A_5 step %scan3A_6  : i32 {
      %mul3A_9 = arith.constant 128 : i32
      %mul3A_10 = arith.muli %scan3A_8, %mul3A_9 : i32
      %add3A_11 = arith.addi %mul3A_2, %mul3A_10 : i32
      "tpu.region"() ({
        %run_scoped3A = tpu.sem_alloc : memref<!tpu.dma_semaphore, #tpu.memory_space<semaphore_mem>>
        %dma_start3A_22 = tpu.memref_slice %arg3[%add3A_11] : memref<163840xi32, #tpu.memory_space<hbm>> -> memref<128xi32, #tpu.memory_space<hbm>>
        %dma_start3A_23 = tpu.memref_slice %arg3[%add3A_11] : memref<163840xi32, #tpu.memory_space<hbm>> -> memref<128xi32, #tpu.memory_space<hbm>>
        tpu.enqueue_dma source(%dma_start3A_23 : memref<128xi32, #tpu.memory_space<hbm>>) target(%arg7 : memref<128xi32, #tpu.memory_space<vmem>>) target_semaphore(%run_scoped3A : memref<!tpu.dma_semaphore, #tpu.memory_space<semaphore_mem>>)
        %dma_wait3A_24 = tpu.memref_slice %arg3[%add3A_11] : memref<163840xi32, #tpu.memory_space<hbm>> -> memref<128xi32, #tpu.memory_space<hbm>>
        %dma_wait3A_25 = tpu.memref_slice %arg3[%add3A_11] : memref<163840xi32, #tpu.memory_space<hbm>> -> memref<128xi32, #tpu.memory_space<hbm>>
        tpu.wait_dma2 semaphore(%run_scoped3A : memref<!tpu.dma_semaphore, #tpu.memory_space<semaphore_mem>>) src(%dma_wait3A_25 : memref<128xi32, #tpu.memory_space<hbm>>) dst(%arg7 : memref<128xi32, #tpu.memory_space<vmem>>)
        tpu.yield
      }) : () -> ()
      %dma_start3A = arith.constant 0 : i32
      %dma_start3A_12 = arith.constant 0 : i32
      %dma_start3A_13 = tpu.memref_slice %arg2[%dma_start3A, %dma_start3A_12] : memref<10240x16xf32, #tpu.memory_space<hbm>> -> memref<10240x16xf32, #tpu.memory_space<hbm>>
      tpu.enqueue_indirect_dma source(%dma_start3A_13 : memref<10240x16xf32, #tpu.memory_space<hbm>>) target(%arg8 : memref<128x16xf32, #tpu.memory_space<vmem>>) offsets(%arg7 : memref<128xi32, #tpu.memory_space<vmem>>) semaphore(%arg9 : memref<!tpu.dma_semaphore, #tpu.memory_space<semaphore_mem>>)
      %dma_wait3A = arith.constant 0 : i32
      %dma_wait3A_14 = arith.constant 0 : i32
      %dma_wait3A_15 = tpu.memref_slice %arg2[%dma_wait3A, %dma_wait3A_14] : memref<10240x16xf32, #tpu.memory_space<hbm>> -> memref<10240x16xf32, #tpu.memory_space<hbm>>
      tpu.wait_indirect_dma semaphore(%arg9 : memref<!tpu.dma_semaphore, #tpu.memory_space<semaphore_mem>>) src(%dma_wait3A_15 : memref<10240x16xf32, #tpu.memory_space<hbm>>) dst(%arg8 : memref<128x16xf32, #tpu.memory_space<vmem>>)
      "tpu.region"() ({
        %run_scoped3A = tpu.sem_alloc : memref<!tpu.dma_semaphore, #tpu.memory_space<semaphore_mem>>
        %dma_start3A_22 = arith.constant 0 : i32
        %dma_start3A_23 = tpu.memref_slice %arg5[%add3A_11, %dma_start3A_22] : memref<163840x16xf32, #tpu.memory_space<hbm>> -> memref<128x16xf32, #tpu.memory_space<hbm>>
        %dma_start3A_24 = arith.constant 0 : i32
        %dma_start3A_25 = tpu.memref_slice %arg5[%add3A_11, %dma_start3A_24] : memref<163840x16xf32, #tpu.memory_space<hbm>> -> memref<128x16xf32, #tpu.memory_space<hbm>>
        tpu.enqueue_dma source(%arg8 : memref<128x16xf32, #tpu.memory_space<vmem>>) target(%dma_start3A_25 : memref<128x16xf32, #tpu.memory_space<hbm>>) target_semaphore(%run_scoped3A : memref<!tpu.dma_semaphore, #tpu.memory_space<semaphore_mem>>)
        %dma_wait3A_26 = arith.constant 0 : i32
        %dma_wait3A_27 = tpu.memref_slice %arg5[%add3A_11, %dma_wait3A_26] : memref<163840x16xf32, #tpu.memory_space<hbm>> -> memref<128x16xf32, #tpu.memory_space<hbm>>
        %dma_wait3A_28 = arith.constant 0 : i32
        %dma_wait3A_29 = tpu.memref_slice %arg5[%add3A_11, %dma_wait3A_28] : memref<163840x16xf32, #tpu.memory_space<hbm>> -> memref<128x16xf32, #tpu.memory_space<hbm>>
        tpu.wait_dma2 semaphore(%run_scoped3A : memref<!tpu.dma_semaphore, #tpu.memory_space<semaphore_mem>>) src(%arg8 : memref<128x16xf32, #tpu.memory_space<vmem>>) dst(%dma_wait3A_29 : memref<128x16xf32, #tpu.memory_space<hbm>>)
        tpu.yield
      }) : () -> ()
      "tpu.region"() ({
        %run_scoped3A = tpu.sem_alloc : memref<!tpu.dma_semaphore, #tpu.memory_space<semaphore_mem>>
        %dma_start3A_22 = tpu.memref_slice %arg4[%add3A_11] : memref<163840xi32, #tpu.memory_space<hbm>> -> memref<128xi32, #tpu.memory_space<hbm>>
        %dma_start3A_23 = tpu.memref_slice %arg4[%add3A_11] : memref<163840xi32, #tpu.memory_space<hbm>> -> memref<128xi32, #tpu.memory_space<hbm>>
        tpu.enqueue_dma source(%dma_start3A_23 : memref<128xi32, #tpu.memory_space<hbm>>) target(%arg7 : memref<128xi32, #tpu.memory_space<vmem>>) target_semaphore(%run_scoped3A : memref<!tpu.dma_semaphore, #tpu.memory_space<semaphore_mem>>)
        %dma_wait3A_24 = tpu.memref_slice %arg4[%add3A_11] : memref<163840xi32, #tpu.memory_space<hbm>> -> memref<128xi32, #tpu.memory_space<hbm>>
        %dma_wait3A_25 = tpu.memref_slice %arg4[%add3A_11] : memref<163840xi32, #tpu.memory_space<hbm>> -> memref<128xi32, #tpu.memory_space<hbm>>
        tpu.wait_dma2 semaphore(%run_scoped3A : memref<!tpu.dma_semaphore, #tpu.memory_space<semaphore_mem>>) src(%dma_wait3A_25 : memref<128xi32, #tpu.memory_space<hbm>>) dst(%arg7 : memref<128xi32, #tpu.memory_space<vmem>>)
        tpu.yield
      }) : () -> ()
      %dma_start3A_16 = arith.constant 0 : i32
      %dma_start3A_17 = arith.constant 0 : i32
      %dma_start3A_18 = tpu.memref_slice %arg2[%dma_start3A_16, %dma_start3A_17] : memref<10240x16xf32, #tpu.memory_space<hbm>> -> memref<10240x16xf32, #tpu.memory_space<hbm>>
      tpu.enqueue_indirect_dma source(%dma_start3A_18 : memref<10240x16xf32, #tpu.memory_space<hbm>>) target(%arg8 : memref<128x16xf32, #tpu.memory_space<vmem>>) offsets(%arg7 : memref<128xi32, #tpu.memory_space<vmem>>) semaphore(%arg9 : memref<!tpu.dma_semaphore, #tpu.memory_space<semaphore_mem>>)
      %dma_wait3A_19 = arith.constant 0 : i32
      %dma_wait3A_20 = arith.constant 0 : i32
      %dma_wait3A_21 = tpu.memref_slice %arg2[%dma_wait3A_19, %dma_wait3A_20] : memref<10240x16xf32, #tpu.memory_space<hbm>> -> memref<10240x16xf32, #tpu.memory_space<hbm>>
      tpu.wait_indirect_dma semaphore(%arg9 : memref<!tpu.dma_semaphore, #tpu.memory_space<semaphore_mem>>) src(%dma_wait3A_21 : memref<10240x16xf32, #tpu.memory_space<hbm>>) dst(%arg8 : memref<128x16xf32, #tpu.memory_space<vmem>>)
      "tpu.region"() ({
        %run_scoped3A = tpu.sem_alloc : memref<!tpu.dma_semaphore, #tpu.memory_space<semaphore_mem>>
        %dma_start3A_22 = arith.constant 0 : i32
        %dma_start3A_23 = tpu.memref_slice %arg6[%add3A_11, %dma_start3A_22] : memref<163840x16xf32, #tpu.memory_space<hbm>> -> memref<128x16xf32, #tpu.memory_space<hbm>>
        %dma_start3A_24 = arith.constant 0 : i32
        %dma_start3A_25 = tpu.memref_slice %arg6[%add3A_11, %dma_start3A_24] : memref<163840x16xf32, #tpu.memory_space<hbm>> -> memref<128x16xf32, #tpu.memory_space<hbm>>
        tpu.enqueue_dma source(%arg8 : memref<128x16xf32, #tpu.memory_space<vmem>>) target(%dma_start3A_25 : memref<128x16xf32, #tpu.memory_space<hbm>>) target_semaphore(%run_scoped3A : memref<!tpu.dma_semaphore, #tpu.memory_space<semaphore_mem>>)
        %dma_wait3A_26 = arith.constant 0 : i32
        %dma_wait3A_27 = tpu.memref_slice %arg6[%add3A_11, %dma_wait3A_26] : memref<163840x16xf32, #tpu.memory_space<hbm>> -> memref<128x16xf32, #tpu.memory_space<hbm>>
        %dma_wait3A_28 = arith.constant 0 : i32
        %dma_wait3A_29 = tpu.memref_slice %arg6[%add3A_11, %dma_wait3A_28] : memref<163840x16xf32, #tpu.memory_space<hbm>> -> memref<128x16xf32, #tpu.memory_space<hbm>>
        tpu.wait_dma2 semaphore(%run_scoped3A : memref<!tpu.dma_semaphore, #tpu.memory_space<semaphore_mem>>) src(%arg8 : memref<128x16xf32, #tpu.memory_space<vmem>>) dst(%dma_wait3A_29 : memref<128x16xf32, #tpu.memory_space<hbm>>)
        tpu.yield
      }) : () -> ()
    }
    %scan3A_7 = arith.constant 40 : i32
    return
  }
}

#map = affine_map<(d0, d1) -> (0, 0)>
#map1 = affine_map<(d0, d1) -> (0)>
module attributes {stable_mosaic.version = 14 : i64} {
  func.func @run(%arg0: i32, %arg1: i32, %arg2: memref<10240x128xf32, #tpu.memory_space<hbm>>, %arg3: memref<163840xi32, #tpu.memory_space<hbm>>, %arg4: memref<163840xi32, #tpu.memory_space<hbm>>, %arg5: memref<163856x16xf32, #tpu.memory_space<hbm>>, %arg6: memref<10240x2048xf32, #tpu.memory_space<hbm>>, %arg7: memref<10256xi32, #tpu.memory_space<vmem>>, %arg8: memref<10256xi32, #tpu.memory_space<vmem>>, %arg9: memref<10256xi32, #tpu.memory_space<vmem>>, %arg10: memref<16x128xf32, #tpu.memory_space<vmem>>, %arg11: memref<16x16xf32, #tpu.memory_space<vmem>>, %arg12: memref<16x2048xf32, #tpu.memory_space<vmem>>, %arg13: memref<2x2048xf32, #tpu.memory_space<vmem>>, %arg14: memref<256x2048xf32, #tpu.memory_space<vmem_shared>>, %arg15: memref<!tpu.dma_semaphore, #tpu.memory_space<semaphore_mem>>, %arg16: memref<!tpu.dma_semaphore, #tpu.memory_space<semaphore_mem>>) attributes {dimension_semantics = [#tpu.dimension_semantics<core_parallel>, #tpu.dimension_semantics<subcore_parallel>], iteration_bounds = array<i64: 2, 16>, scalar_prefetch = 0 : i64, scratch_operands = 10 : i64, tpu.core_type = #tpu.core_type<sc_vector_subcore>, window_params = [{transform_indices = #map}, {transform_indices = #map1}, {transform_indices = #map1}, {transform_indices = #map}, {transform_indices = #map}]} {
    %mul3A = arith.constant 10240 : i32
    %mul3A_0 = arith.muli %arg1, %mul3A : i32
    %scan3A = arith.constant 0 : i32
    %scan3A_1 = arith.constant 0 : i32
    %scan3A_2 = arith.constant 128 : i32
    %scan3A_3 = arith.addi %scan3A_1, %scan3A_2 : i32
    %scan3A_4 = arith.constant 1 : i32
    scf.for %scan3A_14 = %scan3A_1 to %scan3A_3 step %scan3A_4  : i32 {
      %broadcast_in_dim3A_15 = arith.constant 0.000000e+00 : f32
      %broadcast_in_dim3A_16 = vector.broadcast %broadcast_in_dim3A_15 : f32 to vector<16xf32>
      %mul3A_17 = arith.constant 16 : i32
      %mul3A_18 = arith.muli %scan3A_14, %mul3A_17 : i32
      %swap3A_19 = arith.constant 0 : i32
      %swap3A_20 = arith.index_cast %swap3A_19 : i32 to index
      %swap3A_21 = arith.index_cast %mul3A_18 : i32 to index
      %swap3A_22 = tpu.vector_load %arg13[%swap3A_20, %swap3A_21] {strides = array<i32>} : memref<2x2048xf32, #tpu.memory_space<vmem>>, vector<16xf32>,
      tpu.vector_store %arg13[%swap3A_20, %swap3A_21], %broadcast_in_dim3A_16 {strides = array<i32>} : memref<2x2048xf32, #tpu.memory_space<vmem>>, vector<16xf32>,
      %broadcast_in_dim3A_23 = arith.constant 0.000000e+00 : f32
      %broadcast_in_dim3A_24 = vector.broadcast %broadcast_in_dim3A_23 : f32 to vector<16xf32>
      %mul3A_25 = arith.constant 16 : i32
      %mul3A_26 = arith.muli %scan3A_14, %mul3A_25 : i32
      %swap3A_27 = arith.constant 1 : i32
      %swap3A_28 = arith.index_cast %swap3A_27 : i32 to index
      %swap3A_29 = arith.index_cast %mul3A_26 : i32 to index
      %swap3A_30 = tpu.vector_load %arg13[%swap3A_28, %swap3A_29] {strides = array<i32>} : memref<2x2048xf32, #tpu.memory_space<vmem>>, vector<16xf32>,
      tpu.vector_store %arg13[%swap3A_28, %swap3A_29], %broadcast_in_dim3A_24 {strides = array<i32>} : memref<2x2048xf32, #tpu.memory_space<vmem>>, vector<16xf32>,
    }
    %scan3A_5 = arith.constant 128 : i32
    "tpu.region"() ({
      %run_scoped3A = tpu.sem_alloc : memref<!tpu.dma_semaphore, #tpu.memory_space<semaphore_mem>>
      %dma_start3A = arith.constant 0 : i32
      %dma_start3A_14 = tpu.memref_slice %arg7[%dma_start3A] : memref<10256xi32, #tpu.memory_space<vmem>> -> memref<10240xi32, #tpu.memory_space<vmem>>
      %dma_start3A_15 = tpu.memref_slice %arg3[%mul3A_0] : memref<163840xi32, #tpu.memory_space<hbm>> -> memref<10240xi32, #tpu.memory_space<hbm>>
      %dma_start3A_16 = arith.constant 0 : i32
      %dma_start3A_17 = tpu.memref_slice %arg7[%dma_start3A_16] : memref<10256xi32, #tpu.memory_space<vmem>> -> memref<10240xi32, #tpu.memory_space<vmem>>
      %dma_start3A_18 = tpu.memref_slice %arg3[%mul3A_0] : memref<163840xi32, #tpu.memory_space<hbm>> -> memref<10240xi32, #tpu.memory_space<hbm>>
      tpu.enqueue_dma source(%dma_start3A_18 : memref<10240xi32, #tpu.memory_space<hbm>>) target(%dma_start3A_17 : memref<10240xi32, #tpu.memory_space<vmem>>) target_semaphore(%run_scoped3A : memref<!tpu.dma_semaphore, #tpu.memory_space<semaphore_mem>>)
      %dma_wait3A = arith.constant 0 : i32
      %dma_wait3A_19 = tpu.memref_slice %arg7[%dma_wait3A] : memref<10256xi32, #tpu.memory_space<vmem>> -> memref<10240xi32, #tpu.memory_space<vmem>>
      %dma_wait3A_20 = tpu.memref_slice %arg3[%mul3A_0] : memref<163840xi32, #tpu.memory_space<hbm>> -> memref<10240xi32, #tpu.memory_space<hbm>>
      %dma_wait3A_21 = arith.constant 0 : i32
      %dma_wait3A_22 = tpu.memref_slice %arg7[%dma_wait3A_21] : memref<10256xi32, #tpu.memory_space<vmem>> -> memref<10240xi32, #tpu.memory_space<vmem>>
      %dma_wait3A_23 = tpu.memref_slice %arg3[%mul3A_0] : memref<163840xi32, #tpu.memory_space<hbm>> -> memref<10240xi32, #tpu.memory_space<hbm>>
      tpu.wait_dma2 semaphore(%run_scoped3A : memref<!tpu.dma_semaphore, #tpu.memory_space<semaphore_mem>>) src(%dma_wait3A_23 : memref<10240xi32, #tpu.memory_space<hbm>>) dst(%dma_wait3A_22 : memref<10240xi32, #tpu.memory_space<vmem>>)
      tpu.yield
    }) : () -> ()
    "tpu.region"() ({
      %run_scoped3A = tpu.sem_alloc : memref<!tpu.dma_semaphore, #tpu.memory_space<semaphore_mem>>
      %dma_start3A = arith.constant 0 : i32
      %dma_start3A_14 = tpu.memref_slice %arg8[%dma_start3A] : memref<10256xi32, #tpu.memory_space<vmem>> -> memref<10240xi32, #tpu.memory_space<vmem>>
      %dma_start3A_15 = tpu.memref_slice %arg4[%mul3A_0] : memref<163840xi32, #tpu.memory_space<hbm>> -> memref<10240xi32, #tpu.memory_space<hbm>>
      %dma_start3A_16 = arith.constant 0 : i32
      %dma_start3A_17 = tpu.memref_slice %arg8[%dma_start3A_16] : memref<10256xi32, #tpu.memory_space<vmem>> -> memref<10240xi32, #tpu.memory_space<vmem>>
      %dma_start3A_18 = tpu.memref_slice %arg4[%mul3A_0] : memref<163840xi32, #tpu.memory_space<hbm>> -> memref<10240xi32, #tpu.memory_space<hbm>>
      tpu.enqueue_dma source(%dma_start3A_18 : memref<10240xi32, #tpu.memory_space<hbm>>) target(%dma_start3A_17 : memref<10240xi32, #tpu.memory_space<vmem>>) target_semaphore(%run_scoped3A : memref<!tpu.dma_semaphore, #tpu.memory_space<semaphore_mem>>)
      %dma_wait3A = arith.constant 0 : i32
      %dma_wait3A_19 = tpu.memref_slice %arg8[%dma_wait3A] : memref<10256xi32, #tpu.memory_space<vmem>> -> memref<10240xi32, #tpu.memory_space<vmem>>
      %dma_wait3A_20 = tpu.memref_slice %arg4[%mul3A_0] : memref<163840xi32, #tpu.memory_space<hbm>> -> memref<10240xi32, #tpu.memory_space<hbm>>
      %dma_wait3A_21 = arith.constant 0 : i32
      %dma_wait3A_22 = tpu.memref_slice %arg8[%dma_wait3A_21] : memref<10256xi32, #tpu.memory_space<vmem>> -> memref<10240xi32, #tpu.memory_space<vmem>>
      %dma_wait3A_23 = tpu.memref_slice %arg4[%mul3A_0] : memref<163840xi32, #tpu.memory_space<hbm>> -> memref<10240xi32, #tpu.memory_space<hbm>>
      tpu.wait_dma2 semaphore(%run_scoped3A : memref<!tpu.dma_semaphore, #tpu.memory_space<semaphore_mem>>) src(%dma_wait3A_23 : memref<10240xi32, #tpu.memory_space<hbm>>) dst(%dma_wait3A_22 : memref<10240xi32, #tpu.memory_space<vmem>>)
      tpu.yield
    }) : () -> ()
    %broadcast_in_dim3A = arith.constant 0 : i32
    %broadcast_in_dim3A_6 = vector.broadcast %broadcast_in_dim3A : i32 to vector<16xi32>
    %swap3A = arith.constant 10240 : index
    %swap3A_7 = tpu.vector_load %arg7[%swap3A] {strides = array<i32>} : memref<10256xi32, #tpu.memory_space<vmem>>, vector<16xi32>,
    tpu.vector_store %arg7[%swap3A], %broadcast_in_dim3A_6 {strides = array<i32>} : memref<10256xi32, #tpu.memory_space<vmem>>, vector<16xi32>,
    %scan3A_8 = arith.constant 0 : i32
    %scan3A_9 = arith.constant 0 : i32
    %scan3A_10 = arith.constant 20 : i32
    %scan3A_11 = arith.addi %scan3A_9, %scan3A_10 : i32
    %scan3A_12 = arith.constant 1 : i32
    scf.for %scan3A_14 = %scan3A_9 to %scan3A_11 step %scan3A_12  : i32 {
      %mul3A_15 = arith.constant 2 : i32
      %mul3A_16 = arith.muli %mul3A_15, %scan3A_14 : i32
      %add3A = arith.addi %mul3A_16, %arg0 : i32
      %mul3A_17 = arith.constant 256 : i32
      %mul3A_18 = arith.muli %add3A, %mul3A_17 : i32
      %broadcast_in_dim3A_19 = vector.broadcast %mul3A_18 : i32 to vector<16xi32>
      %swap3A_20 = arith.constant 10240 : index
      %swap3A_21 = tpu.vector_load %arg8[%swap3A_20] {strides = array<i32>} : memref<10256xi32, #tpu.memory_space<vmem>>, vector<16xi32>,
      tpu.vector_store %arg8[%swap3A_20], %broadcast_in_dim3A_19 {strides = array<i32>} : memref<10256xi32, #tpu.memory_space<vmem>>, vector<16xi32>,
      %scan3A_22 = arith.constant 0 : i32
      %scan3A_23 = arith.constant 0 : i32
      %scan3A_24 = arith.constant 8 : i32
      %scan3A_25 = arith.addi %scan3A_23, %scan3A_24 : i32
      %scan3A_26 = arith.constant 1 : i32
      scf.for %scan3A_74 = %scan3A_23 to %scan3A_25 step %scan3A_26  : i32 {
        %mul3A_75 = arith.constant 16 : i32
        %mul3A_76 = arith.muli %arg1, %mul3A_75 : i32
        %mul3A_77 = arith.constant 2 : i32
        %mul3A_78 = arith.muli %scan3A_74, %mul3A_77 : i32
        %add3A_79 = arith.addi %mul3A_76, %mul3A_78 : i32
        "tpu.region"() ({
          %run_scoped3A = tpu.sem_alloc : memref<!tpu.dma_semaphore, #tpu.memory_space<semaphore_mem>>
          %dma_start3A = arith.constant 0 : i32
          %dma_start3A_80 = tpu.memref_slice %arg14[%add3A_79, %dma_start3A] : memref<256x2048xf32, #tpu.memory_space<vmem_shared>> -> memref<2x2048xf32, #tpu.memory_space<vmem_shared>>
          %dma_start3A_81 = arith.constant 0 : i32
          %dma_start3A_82 = tpu.memref_slice %arg14[%add3A_79, %dma_start3A_81] : memref<256x2048xf32, #tpu.memory_space<vmem_shared>> -> memref<2x2048xf32, #tpu.memory_space<vmem_shared>>
          tpu.enqueue_dma source(%arg13 : memref<2x2048xf32, #tpu.memory_space<vmem>>) target(%dma_start3A_82 : memref<2x2048xf32, #tpu.memory_space<vmem_shared>>) target_semaphore(%run_scoped3A : memref<!tpu.dma_semaphore, #tpu.memory_space<semaphore_mem>>)
          %dma_wait3A = arith.constant 0 : i32
          %dma_wait3A_83 = tpu.memref_slice %arg14[%add3A_79, %dma_wait3A] : memref<256x2048xf32, #tpu.memory_space<vmem_shared>> -> memref<2x2048xf32, #tpu.memory_space<vmem_shared>>
          %dma_wait3A_84 = arith.constant 0 : i32
          %dma_wait3A_85 = tpu.memref_slice %arg14[%add3A_79, %dma_wait3A_84] : memref<256x2048xf32, #tpu.memory_space<vmem_shared>> -> memref<2x2048xf32, #tpu.memory_space<vmem_shared>>
          tpu.wait_dma2 semaphore(%run_scoped3A : memref<!tpu.dma_semaphore, #tpu.memory_space<semaphore_mem>>) src(%arg13 : memref<2x2048xf32, #tpu.memory_space<vmem>>) dst(%dma_wait3A_85 : memref<2x2048xf32, #tpu.memory_space<vmem_shared>>)
          tpu.yield
        }) : () -> ()
      }
      %scan3A_27 = arith.constant 8 : i32
      %barrier3A = arith.constant 0 : index
      tpu.barrier barrier_id(%barrier3A)
      %scan3A_28 = arith.constant 0 : i32
      %scan3A_29 = arith.constant 0 : i32
      %scan3A_30 = arith.constant 640 : i32
      %scan3A_31 = arith.addi %scan3A_29, %scan3A_30 : i32
      %scan3A_32 = arith.constant 1 : i32
      %scan3A_33 = scf.for %scan3A_74 = %scan3A_29 to %scan3A_31 step %scan3A_32 iter_args(%scan3A_75 = %scan3A_28) -> (i32)  : i32 {
        %mul3A_76 = arith.constant 16 : i32
        %mul3A_77 = arith.muli %scan3A_74, %mul3A_76 : i32
        %get3A = arith.index_cast %mul3A_77 : i32 to index
        %get3A_78 = tpu.vector_load %arg8[%get3A] {strides = array<i32>} : memref<10256xi32, #tpu.memory_space<vmem>>, vector<16xi32>,
        %ge3A = vector.broadcast %mul3A_18 : i32 to vector<16xi32>
        %ge3A_79 = arith.cmpi sge, %get3A_78, %ge3A : vector<16xi32>
        %add3A_80 = arith.constant 256 : i32
        %add3A_81 = arith.addi %mul3A_18, %add3A_80 : i32
        %lt3A = vector.broadcast %add3A_81 : i32 to vector<16xi32>
        %lt3A_82 = arith.cmpi slt, %get3A_78, %lt3A : vector<16xi32>
        %and3A_83 = arith.andi %ge3A_79, %lt3A_82 : vector<16xi1>
        %convert_element_type3A = arith.extui %and3A_83 : vector<16xi1> to vector<16xi32>
        %broadcast_in_dim3A_84 = arith.constant true
        %broadcast_in_dim3A_85 = vector.broadcast %broadcast_in_dim3A_84 : i1 to vector<16xi1>
        %masked_cumsum3A = tpu.scan <sum>, %convert_element_type3A masked %broadcast_in_dim3A_85 : vector<16xi32>, vector<16xi1> -> vector<16xi32>
        %add3A_86 = vector.broadcast %scan3A_75 : i32 to vector<16xi32>
        %add3A_87 = arith.addi %add3A_86, %masked_cumsum3A : vector<16xi32>
        %sub3A_88 = arith.constant 1 : i32
        %sub3A_89 = vector.broadcast %sub3A_88 : i32 to vector<16xi32>
        %sub3A_90 = arith.subi %add3A_87, %sub3A_89 : vector<16xi32>
        %mul3A_91 = arith.constant 16 : i32
        %mul3A_92 = arith.muli %scan3A_74, %mul3A_91 : i32
        %add3A_93 = arith.addi %mul3A_0, %mul3A_92 : i32
        %iota3A = tpu.iota {dimensions = array<i32: 0>} : vector<16xi32>
        %add3A_94 = vector.broadcast %add3A_93 : i32 to vector<16xi32>
        %add3A_95 = arith.addi %add3A_94, %iota3A : vector<16xi32>
        tpu.vector_store_idx %arg9[%sub3A_90], %add3A_95 masked %and3A_83 : memref<10256xi32, #tpu.memory_space<vmem>>[vector<16xi32>], vector<16xi32>, vector<16xi1>
        %reduce_sum3A = arith.constant true
        %reduce_sum3A_96 = vector.broadcast %reduce_sum3A : i1 to vector<16xi1>
        %reduce_sum3A_97 = tpu.scan <sum>, %convert_element_type3A masked %reduce_sum3A_96 : vector<16xi32>, vector<16xi1> -> vector<16xi32>
        %reduce_sum3A_98 = vector.extract %reduce_sum3A_97[15] : i32 from vector<16xi32>
        %add3A_99 = arith.addi %scan3A_75, %reduce_sum3A_98 : i32
        scf.yield %add3A_99 : i32
      }
      %scan3A_34 = arith.constant 640 : i32
      %broadcast_in_dim3A_35 = arith.constant 163840 : i32
      %broadcast_in_dim3A_36 = vector.broadcast %broadcast_in_dim3A_35 : i32 to vector<16xi32>
      %swap3A_37 = arith.index_cast %scan3A_33 : i32 to index
      %swap3A_38 = tpu.vector_load %arg9[%swap3A_37] {strides = array<i32>} : memref<10256xi32, #tpu.memory_space<vmem>>, vector<16xi32>,
      tpu.vector_store %arg9[%swap3A_37], %broadcast_in_dim3A_36 {strides = array<i32>} : memref<10256xi32, #tpu.memory_space<vmem>>, vector<16xi32>,
      %add3A_39 = arith.constant 16 : i32
      %add3A_40 = arith.addi %scan3A_33, %add3A_39 : i32
      %sub3A = arith.constant 1 : i32
      %sub3A_41 = arith.subi %add3A_40, %sub3A : i32
      %jit3A = arith.constant 16 : i32
      %div3A = arith.divsi %sub3A_41, %jit3A : i32
      %sign3A = arith.constant 0 : i32
      %sign3A_42 = arith.cmpi sgt, %sub3A_41, %sign3A : i32
      %sign3A_43 = arith.extui %sign3A_42 : i1 to i32
      %sign3A_44 = arith.constant 0 : i32
      %sign3A_45 = arith.cmpi slt, %sub3A_41, %sign3A_44 : i32
      %sign3A_46 = arith.extui %sign3A_45 : i1 to i32
      %sign3A_47 = arith.subi %sign3A_43, %sign3A_46 : i32
      %sign3A_48 = arith.constant 0 : i32
      %sign3A_49 = arith.cmpi sgt, %jit3A, %sign3A_48 : i32
      %sign3A_50 = arith.extui %sign3A_49 : i1 to i32
      %sign3A_51 = arith.constant 0 : i32
      %sign3A_52 = arith.cmpi slt, %jit3A, %sign3A_51 : i32
      %sign3A_53 = arith.extui %sign3A_52 : i1 to i32
      %sign3A_54 = arith.subi %sign3A_50, %sign3A_53 : i32
      %ne3A = arith.cmpi ne, %sign3A_47, %sign3A_54 : i32
      %rem3A = arith.remsi %sub3A_41, %jit3A : i32
      %ne3A_55 = arith.constant 0 : i32
      %ne3A_56 = arith.cmpi ne, %rem3A, %ne3A_55 : i32
      %and3A = arith.andi %ne3A, %ne3A_56 : i1
      %sub3A_57 = arith.constant 1 : i32
      %sub3A_58 = arith.subi %div3A, %sub3A_57 : i32
      %select_n3A = arith.select %and3A, %sub3A_58, %div3A : i32
      %while3A = arith.constant 0 : i32
      %while3A_59 = arith.constant 0 : i32
      %while3A_60 = arith.subi %select_n3A, %while3A_59 : i32
      %while3A_61 = arith.addi %while3A_59, %while3A_60 : i32
      %while3A_62 = arith.constant 1 : i32
      %while3A_63 = arith.divsi %while3A_60, %while3A_62 : i32
      %while3A_64 = arith.muli %while3A_63, %while3A_62 : i32
      %while3A_65 = arith.addi %while3A_59, %while3A_64 : i32
      %while3A_66 = arith.constant 1 : i32
      scf.for %while3A_74 = %while3A_59 to %while3A_65 step %while3A_66  : i32 {
        %mul3A_75 = arith.constant 16 : i32
        %mul3A_76 = arith.muli %while3A_74, %mul3A_75 : i32
        %get3A = arith.index_cast %mul3A_76 : i32 to index
        %get3A_77 = tpu.vector_load %arg9[%get3A] {strides = array<i32>} : memref<10256xi32, #tpu.memory_space<vmem>>, vector<16xi32>,
        %sub3A_78 = vector.broadcast %mul3A_0 : i32 to vector<16xi32>
        %sub3A_79 = arith.subi %get3A_77, %sub3A_78 : vector<16xi32>
        %min3A = arith.constant 10240 : i32
        %min3A_80 = vector.broadcast %min3A : i32 to vector<16xi32>
        %min3A_81 = arith.minsi %sub3A_79, %min3A_80 : vector<16xi32>
        %gather3A = tpu.vector_load_idx %arg7[%min3A_81] : memref<10256xi32, #tpu.memory_space<vmem>>[vector<16xi32>], vector<16xi32>,
        %gather3A_82 = tpu.vector_load_idx %arg8[%min3A_81] : memref<10256xi32, #tpu.memory_space<vmem>>[vector<16xi32>], vector<16xi32>,
        %sub3A_83 = vector.broadcast %mul3A_18 : i32 to vector<16xi32>
        %sub3A_84 = arith.subi %gather3A_82, %sub3A_83 : vector<16xi32>
        %dma_start3A = arith.constant 0 : i32
        %dma_start3A_85 = arith.constant 0 : i32
        %dma_start3A_86 = tpu.memref_slice %arg2[%dma_start3A, %dma_start3A_85] : memref<10240x128xf32, #tpu.memory_space<hbm>> -> memref<10240x128xf32, #tpu.memory_space<hbm>>
        tpu.enqueue_indirect_dma source(%dma_start3A_86 : memref<10240x128xf32, #tpu.memory_space<hbm>>) target(%arg10 : memref<16x128xf32, #tpu.memory_space<vmem>>) offsets(%gather3A : vector<16xi32>) semaphore(%arg15 : memref<!tpu.dma_semaphore, #tpu.memory_space<semaphore_mem>>)
        %dma_start3A_87 = arith.constant 0 : i32
        %dma_start3A_88 = arith.constant 0 : i32
        %dma_start3A_89 = tpu.memref_slice %arg5[%dma_start3A_87, %dma_start3A_88] : memref<163856x16xf32, #tpu.memory_space<hbm>> -> memref<163856x16xf32, #tpu.memory_space<hbm>>
        tpu.enqueue_indirect_dma source(%dma_start3A_89 : memref<163856x16xf32, #tpu.memory_space<hbm>>) target(%arg11 : memref<16x16xf32, #tpu.memory_space<vmem>>) offsets(%get3A_77 : vector<16xi32>) semaphore(%arg16 : memref<!tpu.dma_semaphore, #tpu.memory_space<semaphore_mem>>)
        %dma_wait3A = arith.constant 0 : i32
        %dma_wait3A_90 = arith.constant 0 : i32
        %dma_wait3A_91 = tpu.memref_slice %arg2[%dma_wait3A, %dma_wait3A_90] : memref<10240x128xf32, #tpu.memory_space<hbm>> -> memref<10240x128xf32, #tpu.memory_space<hbm>>
        tpu.wait_indirect_dma semaphore(%arg15 : memref<!tpu.dma_semaphore, #tpu.memory_space<semaphore_mem>>) src(%dma_wait3A_91 : memref<10240x128xf32, #tpu.memory_space<hbm>>) dst(%arg10 : memref<16x128xf32, #tpu.memory_space<vmem>>)
        %dma_wait3A_92 = arith.constant 0 : i32
        %dma_wait3A_93 = arith.constant 0 : i32
        %dma_wait3A_94 = tpu.memref_slice %arg5[%dma_wait3A_92, %dma_wait3A_93] : memref<163856x16xf32, #tpu.memory_space<hbm>> -> memref<163856x16xf32, #tpu.memory_space<hbm>>
        tpu.wait_indirect_dma semaphore(%arg16 : memref<!tpu.dma_semaphore, #tpu.memory_space<semaphore_mem>>) src(%dma_wait3A_94 : memref<163856x16xf32, #tpu.memory_space<hbm>>) dst(%arg11 : memref<16x16xf32, #tpu.memory_space<vmem>>)
        %scan3A_95 = arith.constant 0 : i32
        %scan3A_96 = arith.constant 0 : i32
        %scan3A_97 = arith.constant 16 : i32
        %scan3A_98 = arith.addi %scan3A_96, %scan3A_97 : i32
        %scan3A_99 = arith.constant 1 : i32
        scf.for %scan3A_101 = %scan3A_96 to %scan3A_98 step %scan3A_99  : i32 {
          %get3A_102 = arith.index_cast %scan3A_101 : i32 to index
          %get3A_103 = arith.constant 0 : index
          %get3A_104 = tpu.vector_load %arg10[%get3A_102, %get3A_103] {strides = array<i32>} : memref<16x128xf32, #tpu.memory_space<vmem>>, vector<16xf32>,
          %get3A_105 = arith.index_cast %scan3A_101 : i32 to index
          %get3A_106 = arith.constant 16 : index
          %get3A_107 = tpu.vector_load %arg10[%get3A_105, %get3A_106] {strides = array<i32>} : memref<16x128xf32, #tpu.memory_space<vmem>>, vector<16xf32>,
          %get3A_108 = arith.index_cast %scan3A_101 : i32 to index
          %get3A_109 = arith.constant 32 : index
          %get3A_110 = tpu.vector_load %arg10[%get3A_108, %get3A_109] {strides = array<i32>} : memref<16x128xf32, #tpu.memory_space<vmem>>, vector<16xf32>,
          %get3A_111 = arith.index_cast %scan3A_101 : i32 to index
          %get3A_112 = arith.constant 48 : index
          %get3A_113 = tpu.vector_load %arg10[%get3A_111, %get3A_112] {strides = array<i32>} : memref<16x128xf32, #tpu.memory_space<vmem>>, vector<16xf32>,
          %get3A_114 = arith.index_cast %scan3A_101 : i32 to index
          %get3A_115 = arith.constant 64 : index
          %get3A_116 = tpu.vector_load %arg10[%get3A_114, %get3A_115] {strides = array<i32>} : memref<16x128xf32, #tpu.memory_space<vmem>>, vector<16xf32>,
          %get3A_117 = arith.index_cast %scan3A_101 : i32 to index
          %get3A_118 = arith.constant 80 : index
          %get3A_119 = tpu.vector_load %arg10[%get3A_117, %get3A_118] {strides = array<i32>} : memref<16x128xf32, #tpu.memory_space<vmem>>, vector<16xf32>,
          %get3A_120 = arith.index_cast %scan3A_101 : i32 to index
          %get3A_121 = arith.constant 96 : index
          %get3A_122 = tpu.vector_load %arg10[%get3A_120, %get3A_121] {strides = array<i32>} : memref<16x128xf32, #tpu.memory_space<vmem>>, vector<16xf32>,
          %get3A_123 = arith.index_cast %scan3A_101 : i32 to index
          %get3A_124 = arith.constant 112 : index
          %get3A_125 = tpu.vector_load %arg10[%get3A_123, %get3A_124] {strides = array<i32>} : memref<16x128xf32, #tpu.memory_space<vmem>>, vector<16xf32>,
          %broadcast_in_dim3A_126 = vector.broadcast %scan3A_101 : i32 to vector<16xi32>
          %broadcast_in_dim3A_127 = arith.constant 0 : i32
          %broadcast_in_dim3A_128 = vector.broadcast %broadcast_in_dim3A_127 : i32 to vector<16xi32>
          %gather3A_129 = tpu.vector_load_idx %arg11[%broadcast_in_dim3A_126, %broadcast_in_dim3A_128] : memref<16x16xf32, #tpu.memory_space<vmem>>[vector<16xi32>, vector<16xi32>], vector<16xf32>,
          %mul3A_130 = arith.mulf %gather3A_129, %get3A_104 : vector<16xf32>
          %swap3A_131 = arith.index_cast %scan3A_101 : i32 to index
          %swap3A_132 = arith.constant 0 : index
          %swap3A_133 = tpu.vector_load %arg12[%swap3A_131, %swap3A_132] {strides = array<i32>} : memref<16x2048xf32, #tpu.memory_space<vmem>>, vector<16xf32>,
          tpu.vector_store %arg12[%swap3A_131, %swap3A_132], %mul3A_130 {strides = array<i32>} : memref<16x2048xf32, #tpu.memory_space<vmem>>, vector<16xf32>,
          %mul3A_134 = arith.mulf %gather3A_129, %get3A_107 : vector<16xf32>
          %swap3A_135 = arith.index_cast %scan3A_101 : i32 to index
          %swap3A_136 = arith.constant 16 : index
          %swap3A_137 = tpu.vector_load %arg12[%swap3A_135, %swap3A_136] {strides = array<i32>} : memref<16x2048xf32, #tpu.memory_space<vmem>>, vector<16xf32>,
          tpu.vector_store %arg12[%swap3A_135, %swap3A_136], %mul3A_134 {strides = array<i32>} : memref<16x2048xf32, #tpu.memory_space<vmem>>, vector<16xf32>,
          %mul3A_138 = arith.mulf %gather3A_129, %get3A_110 : vector<16xf32>
          %swap3A_139 = arith.index_cast %scan3A_101 : i32 to index
          %swap3A_140 = arith.constant 32 : index
          %swap3A_141 = tpu.vector_load %arg12[%swap3A_139, %swap3A_140] {strides = array<i32>} : memref<16x2048xf32, #tpu.memory_space<vmem>>, vector<16xf32>,
          tpu.vector_store %arg12[%swap3A_139, %swap3A_140], %mul3A_138 {strides = array<i32>} : memref<16x2048xf32, #tpu.memory_space<vmem>>, vector<16xf32>,
          %mul3A_142 = arith.mulf %gather3A_129, %get3A_113 : vector<16xf32>
          %swap3A_143 = arith.index_cast %scan3A_101 : i32 to index
          %swap3A_144 = arith.constant 48 : index
          %swap3A_145 = tpu.vector_load %arg12[%swap3A_143, %swap3A_144] {strides = array<i32>} : memref<16x2048xf32, #tpu.memory_space<vmem>>, vector<16xf32>,
          tpu.vector_store %arg12[%swap3A_143, %swap3A_144], %mul3A_142 {strides = array<i32>} : memref<16x2048xf32, #tpu.memory_space<vmem>>, vector<16xf32>,
          %mul3A_146 = arith.mulf %gather3A_129, %get3A_116 : vector<16xf32>
          %swap3A_147 = arith.index_cast %scan3A_101 : i32 to index
          %swap3A_148 = arith.constant 64 : index
          %swap3A_149 = tpu.vector_load %arg12[%swap3A_147, %swap3A_148] {strides = array<i32>} : memref<16x2048xf32, #tpu.memory_space<vmem>>, vector<16xf32>,
          tpu.vector_store %arg12[%swap3A_147, %swap3A_148], %mul3A_146 {strides = array<i32>} : memref<16x2048xf32, #tpu.memory_space<vmem>>, vector<16xf32>,
          %mul3A_150 = arith.mulf %gather3A_129, %get3A_119 : vector<16xf32>
          %swap3A_151 = arith.index_cast %scan3A_101 : i32 to index
          %swap3A_152 = arith.constant 80 : index
          %swap3A_153 = tpu.vector_load %arg12[%swap3A_151, %swap3A_152] {strides = array<i32>} : memref<16x2048xf32, #tpu.memory_space<vmem>>, vector<16xf32>,
          tpu.vector_store %arg12[%swap3A_151, %swap3A_152], %mul3A_150 {strides = array<i32>} : memref<16x2048xf32, #tpu.memory_space<vmem>>, vector<16xf32>,
          %mul3A_154 = arith.mulf %gather3A_129, %get3A_122 : vector<16xf32>
          %swap3A_155 = arith.index_cast %scan3A_101 : i32 to index
          %swap3A_156 = arith.constant 96 : index
          %swap3A_157 = tpu.vector_load %arg12[%swap3A_155, %swap3A_156] {strides = array<i32>} : memref<16x2048xf32, #tpu.memory_space<vmem>>, vector<16xf32>,
          tpu.vector_store %arg12[%swap3A_155, %swap3A_156], %mul3A_154 {strides = array<i32>} : memref<16x2048xf32, #tpu.memory_space<vmem>>, vector<16xf32>,
          %mul3A_158 = arith.mulf %gather3A_129, %get3A_125 : vector<16xf32>
          %swap3A_159 = arith.index_cast %scan3A_101 : i32 to index
          %swap3A_160 = arith.constant 112 : index
          %swap3A_161 = tpu.vector_load %arg12[%swap3A_159, %swap3A_160] {strides = array<i32>} : memref<16x2048xf32, #tpu.memory_space<vmem>>, vector<16xf32>,
          tpu.vector_store %arg12[%swap3A_159, %swap3A_160], %mul3A_158 {strides = array<i32>} : memref<16x2048xf32, #tpu.memory_space<vmem>>, vector<16xf32>,
          %broadcast_in_dim3A_162 = vector.broadcast %scan3A_101 : i32 to vector<16xi32>
          %broadcast_in_dim3A_163 = arith.constant 1 : i32
          %broadcast_in_dim3A_164 = vector.broadcast %broadcast_in_dim3A_163 : i32 to vector<16xi32>
          %gather3A_165 = tpu.vector_load_idx %arg11[%broadcast_in_dim3A_162, %broadcast_in_dim3A_164] : memref<16x16xf32, #tpu.memory_space<vmem>>[vector<16xi32>, vector<16xi32>], vector<16xf32>,
          %mul3A_166 = arith.mulf %gather3A_165, %get3A_104 : vector<16xf32>
          %swap3A_167 = arith.index_cast %scan3A_101 : i32 to index
          %swap3A_168 = arith.constant 128 : index
          %swap3A_169 = tpu.vector_load %arg12[%swap3A_167, %swap3A_168] {strides = array<i32>} : memref<16x2048xf32, #tpu.memory_space<vmem>>, vector<16xf32>,
          tpu.vector_store %arg12[%swap3A_167, %swap3A_168], %mul3A_166 {strides = array<i32>} : memref<16x2048xf32, #tpu.memory_space<vmem>>, vector<16xf32>,
          %mul3A_170 = arith.mulf %gather3A_165, %get3A_107 : vector<16xf32>
          %swap3A_171 = arith.index_cast %scan3A_101 : i32 to index
          %swap3A_172 = arith.constant 144 : index
          %swap3A_173 = tpu.vector_load %arg12[%swap3A_171, %swap3A_172] {strides = array<i32>} : memref<16x2048xf32, #tpu.memory_space<vmem>>, vector<16xf32>,
          tpu.vector_store %arg12[%swap3A_171, %swap3A_172], %mul3A_170 {strides = array<i32>} : memref<16x2048xf32, #tpu.memory_space<vmem>>, vector<16xf32>,
          %mul3A_174 = arith.mulf %gather3A_165, %get3A_110 : vector<16xf32>
          %swap3A_175 = arith.index_cast %scan3A_101 : i32 to index
          %swap3A_176 = arith.constant 160 : index
          %swap3A_177 = tpu.vector_load %arg12[%swap3A_175, %swap3A_176] {strides = array<i32>} : memref<16x2048xf32, #tpu.memory_space<vmem>>, vector<16xf32>,
          tpu.vector_store %arg12[%swap3A_175, %swap3A_176], %mul3A_174 {strides = array<i32>} : memref<16x2048xf32, #tpu.memory_space<vmem>>, vector<16xf32>,
          %mul3A_178 = arith.mulf %gather3A_165, %get3A_113 : vector<16xf32>
          %swap3A_179 = arith.index_cast %scan3A_101 : i32 to index
          %swap3A_180 = arith.constant 176 : index
          %swap3A_181 = tpu.vector_load %arg12[%swap3A_179, %swap3A_180] {strides = array<i32>} : memref<16x2048xf32, #tpu.memory_space<vmem>>, vector<16xf32>,
          tpu.vector_store %arg12[%swap3A_179, %swap3A_180], %mul3A_178 {strides = array<i32>} : memref<16x2048xf32, #tpu.memory_space<vmem>>, vector<16xf32>,
          %mul3A_182 = arith.mulf %gather3A_165, %get3A_116 : vector<16xf32>
          %swap3A_183 = arith.index_cast %scan3A_101 : i32 to index
          %swap3A_184 = arith.constant 192 : index
          %swap3A_185 = tpu.vector_load %arg12[%swap3A_183, %swap3A_184] {strides = array<i32>} : memref<16x2048xf32, #tpu.memory_space<vmem>>, vector<16xf32>,
          tpu.vector_store %arg12[%swap3A_183, %swap3A_184], %mul3A_182 {strides = array<i32>} : memref<16x2048xf32, #tpu.memory_space<vmem>>, vector<16xf32>,
          %mul3A_186 = arith.mulf %gather3A_165, %get3A_119 : vector<16xf32>
          %swap3A_187 = arith.index_cast %scan3A_101 : i32 to index
          %swap3A_188 = arith.constant 208 : index
          %swap3A_189 = tpu.vector_load %arg12[%swap3A_187, %swap3A_188] {strides = array<i32>} : memref<16x2048xf32, #tpu.memory_space<vmem>>, vector<16xf32>,
          tpu.vector_store %arg12[%swap3A_187, %swap3A_188], %mul3A_186 {strides = array<i32>} : memref<16x2048xf32, #tpu.memory_space<vmem>>, vector<16xf32>,
          %mul3A_190 = arith.mulf %gather3A_165, %get3A_122 : vector<16xf32>
          %swap3A_191 = arith.index_cast %scan3A_101 : i32 to index
          %swap3A_192 = arith.constant 224 : index
          %swap3A_193 = tpu.vector_load %arg12[%swap3A_191, %swap3A_192] {strides = array<i32>} : memref<16x2048xf32, #tpu.memory_space<vmem>>, vector<16xf32>,
          tpu.vector_store %arg12[%swap3A_191, %swap3A_192], %mul3A_190 {strides = array<i32>} : memref<16x2048xf32, #tpu.memory_space<vmem>>, vector<16xf32>,
          %mul3A_194 = arith.mulf %gather3A_165, %get3A_125 : vector<16xf32>
          %swap3A_195 = arith.index_cast %scan3A_101 : i32 to index
          %swap3A_196 = arith.constant 240 : index
          %swap3A_197 = tpu.vector_load %arg12[%swap3A_195, %swap3A_196] {strides = array<i32>} : memref<16x2048xf32, #tpu.memory_space<vmem>>, vector<16xf32>,
          tpu.vector_store %arg12[%swap3A_195, %swap3A_196], %mul3A_194 {strides = array<i32>} : memref<16x2048xf32, #tpu.memory_space<vmem>>, vector<16xf32>,
          %broadcast_in_dim3A_198 = vector.broadcast %scan3A_101 : i32 to vector<16xi32>
          %broadcast_in_dim3A_199 = arith.constant 2 : i32
          %broadcast_in_dim3A_200 = vector.broadcast %broadcast_in_dim3A_199 : i32 to vector<16xi32>
          %gather3A_201 = tpu.vector_load_idx %arg11[%broadcast_in_dim3A_198, %broadcast_in_dim3A_200] : memref<16x16xf32, #tpu.memory_space<vmem>>[vector<16xi32>, vector<16xi32>], vector<16xf32>,
          %mul3A_202 = arith.mulf %gather3A_201, %get3A_104 : vector<16xf32>
          %swap3A_203 = arith.index_cast %scan3A_101 : i32 to index
          %swap3A_204 = arith.constant 256 : index
          %swap3A_205 = tpu.vector_load %arg12[%swap3A_203, %swap3A_204] {strides = array<i32>} : memref<16x2048xf32, #tpu.memory_space<vmem>>, vector<16xf32>,
          tpu.vector_store %arg12[%swap3A_203, %swap3A_204], %mul3A_202 {strides = array<i32>} : memref<16x2048xf32, #tpu.memory_space<vmem>>, vector<16xf32>,
          %mul3A_206 = arith.mulf %gather3A_201, %get3A_107 : vector<16xf32>
          %swap3A_207 = arith.index_cast %scan3A_101 : i32 to index
          %swap3A_208 = arith.constant 272 : index
          %swap3A_209 = tpu.vector_load %arg12[%swap3A_207, %swap3A_208] {strides = array<i32>} : memref<16x2048xf32, #tpu.memory_space<vmem>>, vector<16xf32>,
          tpu.vector_store %arg12[%swap3A_207, %swap3A_208], %mul3A_206 {strides = array<i32>} : memref<16x2048xf32, #tpu.memory_space<vmem>>, vector<16xf32>,
          %mul3A_210 = arith.mulf %gather3A_201, %get3A_110 : vector<16xf32>
          %swap3A_211 = arith.index_cast %scan3A_101 : i32 to index
          %swap3A_212 = arith.constant 288 : index
          %swap3A_213 = tpu.vector_load %arg12[%swap3A_211, %swap3A_212] {strides = array<i32>} : memref<16x2048xf32, #tpu.memory_space<vmem>>, vector<16xf32>,
          tpu.vector_store %arg12[%swap3A_211, %swap3A_212], %mul3A_210 {strides = array<i32>} : memref<16x2048xf32, #tpu.memory_space<vmem>>, vector<16xf32>,
          %mul3A_214 = arith.mulf %gather3A_201, %get3A_113 : vector<16xf32>
          %swap3A_215 = arith.index_cast %scan3A_101 : i32 to index
          %swap3A_216 = arith.constant 304 : index
          %swap3A_217 = tpu.vector_load %arg12[%swap3A_215, %swap3A_216] {strides = array<i32>} : memref<16x2048xf32, #tpu.memory_space<vmem>>, vector<16xf32>,
          tpu.vector_store %arg12[%swap3A_215, %swap3A_216], %mul3A_214 {strides = array<i32>} : memref<16x2048xf32, #tpu.memory_space<vmem>>, vector<16xf32>,
          %mul3A_218 = arith.mulf %gather3A_201, %get3A_116 : vector<16xf32>
          %swap3A_219 = arith.index_cast %scan3A_101 : i32 to index
          %swap3A_220 = arith.constant 320 : index
          %swap3A_221 = tpu.vector_load %arg12[%swap3A_219, %swap3A_220] {strides = array<i32>} : memref<16x2048xf32, #tpu.memory_space<vmem>>, vector<16xf32>,
          tpu.vector_store %arg12[%swap3A_219, %swap3A_220], %mul3A_218 {strides = array<i32>} : memref<16x2048xf32, #tpu.memory_space<vmem>>, vector<16xf32>,
          %mul3A_222 = arith.mulf %gather3A_201, %get3A_119 : vector<16xf32>
          %swap3A_223 = arith.index_cast %scan3A_101 : i32 to index
          %swap3A_224 = arith.constant 336 : index
          %swap3A_225 = tpu.vector_load %arg12[%swap3A_223, %swap3A_224] {strides = array<i32>} : memref<16x2048xf32, #tpu.memory_space<vmem>>, vector<16xf32>,
          tpu.vector_store %arg12[%swap3A_223, %swap3A_224], %mul3A_222 {strides = array<i32>} : memref<16x2048xf32, #tpu.memory_space<vmem>>, vector<16xf32>,
          %mul3A_226 = arith.mulf %gather3A_201, %get3A_122 : vector<16xf32>
          %swap3A_227 = arith.index_cast %scan3A_101 : i32 to index
          %swap3A_228 = arith.constant 352 : index
          %swap3A_229 = tpu.vector_load %arg12[%swap3A_227, %swap3A_228] {strides = array<i32>} : memref<16x2048xf32, #tpu.memory_space<vmem>>, vector<16xf32>,
          tpu.vector_store %arg12[%swap3A_227, %swap3A_228], %mul3A_226 {strides = array<i32>} : memref<16x2048xf32, #tpu.memory_space<vmem>>, vector<16xf32>,
          %mul3A_230 = arith.mulf %gather3A_201, %get3A_125 : vector<16xf32>
          %swap3A_231 = arith.index_cast %scan3A_101 : i32 to index
          %swap3A_232 = arith.constant 368 : index
          %swap3A_233 = tpu.vector_load %arg12[%swap3A_231, %swap3A_232] {strides = array<i32>} : memref<16x2048xf32, #tpu.memory_space<vmem>>, vector<16xf32>,
          tpu.vector_store %arg12[%swap3A_231, %swap3A_232], %mul3A_230 {strides = array<i32>} : memref<16x2048xf32, #tpu.memory_space<vmem>>, vector<16xf32>,
          %broadcast_in_dim3A_234 = vector.broadcast %scan3A_101 : i32 to vector<16xi32>
          %broadcast_in_dim3A_235 = arith.constant 3 : i32
          %broadcast_in_dim3A_236 = vector.broadcast %broadcast_in_dim3A_235 : i32 to vector<16xi32>
          %gather3A_237 = tpu.vector_load_idx %arg11[%broadcast_in_dim3A_234, %broadcast_in_dim3A_236] : memref<16x16xf32, #tpu.memory_space<vmem>>[vector<16xi32>, vector<16xi32>], vector<16xf32>,
          %mul3A_238 = arith.mulf %gather3A_237, %get3A_104 : vector<16xf32>
          %swap3A_239 = arith.index_cast %scan3A_101 : i32 to index
          %swap3A_240 = arith.constant 384 : index
          %swap3A_241 = tpu.vector_load %arg12[%swap3A_239, %swap3A_240] {strides = array<i32>} : memref<16x2048xf32, #tpu.memory_space<vmem>>, vector<16xf32>,
          tpu.vector_store %arg12[%swap3A_239, %swap3A_240], %mul3A_238 {strides = array<i32>} : memref<16x2048xf32, #tpu.memory_space<vmem>>, vector<16xf32>,
          %mul3A_242 = arith.mulf %gather3A_237, %get3A_107 : vector<16xf32>
          %swap3A_243 = arith.index_cast %scan3A_101 : i32 to index
          %swap3A_244 = arith.constant 400 : index
          %swap3A_245 = tpu.vector_load %arg12[%swap3A_243, %swap3A_244] {strides = array<i32>} : memref<16x2048xf32, #tpu.memory_space<vmem>>, vector<16xf32>,
          tpu.vector_store %arg12[%swap3A_243, %swap3A_244], %mul3A_242 {strides = array<i32>} : memref<16x2048xf32, #tpu.memory_space<vmem>>, vector<16xf32>,
          %mul3A_246 = arith.mulf %gather3A_237, %get3A_110 : vector<16xf32>
          %swap3A_247 = arith.index_cast %scan3A_101 : i32 to index
          %swap3A_248 = arith.constant 416 : index
          %swap3A_249 = tpu.vector_load %arg12[%swap3A_247, %swap3A_248] {strides = array<i32>} : memref<16x2048xf32, #tpu.memory_space<vmem>>, vector<16xf32>,
          tpu.vector_store %arg12[%swap3A_247, %swap3A_248], %mul3A_246 {strides = array<i32>} : memref<16x2048xf32, #tpu.memory_space<vmem>>, vector<16xf32>,
          %mul3A_250 = arith.mulf %gather3A_237, %get3A_113 : vector<16xf32>
          %swap3A_251 = arith.index_cast %scan3A_101 : i32 to index
          %swap3A_252 = arith.constant 432 : index
          %swap3A_253 = tpu.vector_load %arg12[%swap3A_251, %swap3A_252] {strides = array<i32>} : memref<16x2048xf32, #tpu.memory_space<vmem>>, vector<16xf32>,
          tpu.vector_store %arg12[%swap3A_251, %swap3A_252], %mul3A_250 {strides = array<i32>} : memref<16x2048xf32, #tpu.memory_space<vmem>>, vector<16xf32>,
          %mul3A_254 = arith.mulf %gather3A_237, %get3A_116 : vector<16xf32>
          %swap3A_255 = arith.index_cast %scan3A_101 : i32 to index
          %swap3A_256 = arith.constant 448 : index
          %swap3A_257 = tpu.vector_load %arg12[%swap3A_255, %swap3A_256] {strides = array<i32>} : memref<16x2048xf32, #tpu.memory_space<vmem>>, vector<16xf32>,
          tpu.vector_store %arg12[%swap3A_255, %swap3A_256], %mul3A_254 {strides = array<i32>} : memref<16x2048xf32, #tpu.memory_space<vmem>>, vector<16xf32>,
          %mul3A_258 = arith.mulf %gather3A_237, %get3A_119 : vector<16xf32>
          %swap3A_259 = arith.index_cast %scan3A_101 : i32 to index
          %swap3A_260 = arith.constant 464 : index
          %swap3A_261 = tpu.vector_load %arg12[%swap3A_259, %swap3A_260] {strides = array<i32>} : memref<16x2048xf32, #tpu.memory_space<vmem>>, vector<16xf32>,
          tpu.vector_store %arg12[%swap3A_259, %swap3A_260], %mul3A_258 {strides = array<i32>} : memref<16x2048xf32, #tpu.memory_space<vmem>>, vector<16xf32>,
          %mul3A_262 = arith.mulf %gather3A_237, %get3A_122 : vector<16xf32>
          %swap3A_263 = arith.index_cast %scan3A_101 : i32 to index
          %swap3A_264 = arith.constant 480 : index
          %swap3A_265 = tpu.vector_load %arg12[%swap3A_263, %swap3A_264] {strides = array<i32>} : memref<16x2048xf32, #tpu.memory_space<vmem>>, vector<16xf32>,
          tpu.vector_store %arg12[%swap3A_263, %swap3A_264], %mul3A_262 {strides = array<i32>} : memref<16x2048xf32, #tpu.memory_space<vmem>>, vector<16xf32>,
          %mul3A_266 = arith.mulf %gather3A_237, %get3A_125 : vector<16xf32>
          %swap3A_267 = arith.index_cast %scan3A_101 : i32 to index
          %swap3A_268 = arith.constant 496 : index
          %swap3A_269 = tpu.vector_load %arg12[%swap3A_267, %swap3A_268] {strides = array<i32>} : memref<16x2048xf32, #tpu.memory_space<vmem>>, vector<16xf32>,
          tpu.vector_store %arg12[%swap3A_267, %swap3A_268], %mul3A_266 {strides = array<i32>} : memref<16x2048xf32, #tpu.memory_space<vmem>>, vector<16xf32>,
          %broadcast_in_dim3A_270 = vector.broadcast %scan3A_101 : i32 to vector<16xi32>
          %broadcast_in_dim3A_271 = arith.constant 4 : i32
          %broadcast_in_dim3A_272 = vector.broadcast %broadcast_in_dim3A_271 : i32 to vector<16xi32>
          %gather3A_273 = tpu.vector_load_idx %arg11[%broadcast_in_dim3A_270, %broadcast_in_dim3A_272] : memref<16x16xf32, #tpu.memory_space<vmem>>[vector<16xi32>, vector<16xi32>], vector<16xf32>,
          %mul3A_274 = arith.mulf %gather3A_273, %get3A_104 : vector<16xf32>
          %swap3A_275 = arith.index_cast %scan3A_101 : i32 to index
          %swap3A_276 = arith.constant 512 : index
          %swap3A_277 = tpu.vector_load %arg12[%swap3A_275, %swap3A_276] {strides = array<i32>} : memref<16x2048xf32, #tpu.memory_space<vmem>>, vector<16xf32>,
          tpu.vector_store %arg12[%swap3A_275, %swap3A_276], %mul3A_274 {strides = array<i32>} : memref<16x2048xf32, #tpu.memory_space<vmem>>, vector<16xf32>,
          %mul3A_278 = arith.mulf %gather3A_273, %get3A_107 : vector<16xf32>
          %swap3A_279 = arith.index_cast %scan3A_101 : i32 to index
          %swap3A_280 = arith.constant 528 : index
          %swap3A_281 = tpu.vector_load %arg12[%swap3A_279, %swap3A_280] {strides = array<i32>} : memref<16x2048xf32, #tpu.memory_space<vmem>>, vector<16xf32>,
          tpu.vector_store %arg12[%swap3A_279, %swap3A_280], %mul3A_278 {strides = array<i32>} : memref<16x2048xf32, #tpu.memory_space<vmem>>, vector<16xf32>,
          %mul3A_282 = arith.mulf %gather3A_273, %get3A_110 : vector<16xf32>
          %swap3A_283 = arith.index_cast %scan3A_101 : i32 to index
          %swap3A_284 = arith.constant 544 : index
          %swap3A_285 = tpu.vector_load %arg12[%swap3A_283, %swap3A_284] {strides = array<i32>} : memref<16x2048xf32, #tpu.memory_space<vmem>>, vector<16xf32>,
          tpu.vector_store %arg12[%swap3A_283, %swap3A_284], %mul3A_282 {strides = array<i32>} : memref<16x2048xf32, #tpu.memory_space<vmem>>, vector<16xf32>,
          %mul3A_286 = arith.mulf %gather3A_273, %get3A_113 : vector<16xf32>
          %swap3A_287 = arith.index_cast %scan3A_101 : i32 to index
          %swap3A_288 = arith.constant 560 : index
          %swap3A_289 = tpu.vector_load %arg12[%swap3A_287, %swap3A_288] {strides = array<i32>} : memref<16x2048xf32, #tpu.memory_space<vmem>>, vector<16xf32>,
          tpu.vector_store %arg12[%swap3A_287, %swap3A_288], %mul3A_286 {strides = array<i32>} : memref<16x2048xf32, #tpu.memory_space<vmem>>, vector<16xf32>,
          %mul3A_290 = arith.mulf %gather3A_273, %get3A_116 : vector<16xf32>
          %swap3A_291 = arith.index_cast %scan3A_101 : i32 to index
          %swap3A_292 = arith.constant 576 : index
          %swap3A_293 = tpu.vector_load %arg12[%swap3A_291, %swap3A_292] {strides = array<i32>} : memref<16x2048xf32, #tpu.memory_space<vmem>>, vector<16xf32>,
          tpu.vector_store %arg12[%swap3A_291, %swap3A_292], %mul3A_290 {strides = array<i32>} : memref<16x2048xf32, #tpu.memory_space<vmem>>, vector<16xf32>,
          %mul3A_294 = arith.mulf %gather3A_273, %get3A_119 : vector<16xf32>
          %swap3A_295 = arith.index_cast %scan3A_101 : i32 to index
          %swap3A_296 = arith.constant 592 : index
          %swap3A_297 = tpu.vector_load %arg12[%swap3A_295, %swap3A_296] {strides = array<i32>} : memref<16x2048xf32, #tpu.memory_space<vmem>>, vector<16xf32>,
          tpu.vector_store %arg12[%swap3A_295, %swap3A_296], %mul3A_294 {strides = array<i32>} : memref<16x2048xf32, #tpu.memory_space<vmem>>, vector<16xf32>,
          %mul3A_298 = arith.mulf %gather3A_273, %get3A_122 : vector<16xf32>
          %swap3A_299 = arith.index_cast %scan3A_101 : i32 to index
          %swap3A_300 = arith.constant 608 : index
          %swap3A_301 = tpu.vector_load %arg12[%swap3A_299, %swap3A_300] {strides = array<i32>} : memref<16x2048xf32, #tpu.memory_space<vmem>>, vector<16xf32>,
          tpu.vector_store %arg12[%swap3A_299, %swap3A_300], %mul3A_298 {strides = array<i32>} : memref<16x2048xf32, #tpu.memory_space<vmem>>, vector<16xf32>,
          %mul3A_302 = arith.mulf %gather3A_273, %get3A_125 : vector<16xf32>
          %swap3A_303 = arith.index_cast %scan3A_101 : i32 to index
          %swap3A_304 = arith.constant 624 : index
          %swap3A_305 = tpu.vector_load %arg12[%swap3A_303, %swap3A_304] {strides = array<i32>} : memref<16x2048xf32, #tpu.memory_space<vmem>>, vector<16xf32>,
          tpu.vector_store %arg12[%swap3A_303, %swap3A_304], %mul3A_302 {strides = array<i32>} : memref<16x2048xf32, #tpu.memory_space<vmem>>, vector<16xf32>,
          %broadcast_in_dim3A_306 = vector.broadcast %scan3A_101 : i32 to vector<16xi32>
          %broadcast_in_dim3A_307 = arith.constant 5 : i32
          %broadcast_in_dim3A_308 = vector.broadcast %broadcast_in_dim3A_307 : i32 to vector<16xi32>
          %gather3A_309 = tpu.vector_load_idx %arg11[%broadcast_in_dim3A_306, %broadcast_in_dim3A_308] : memref<16x16xf32, #tpu.memory_space<vmem>>[vector<16xi32>, vector<16xi32>], vector<16xf32>,
          %mul3A_310 = arith.mulf %gather3A_309, %get3A_104 : vector<16xf32>
          %swap3A_311 = arith.index_cast %scan3A_101 : i32 to index
          %swap3A_312 = arith.constant 640 : index
          %swap3A_313 = tpu.vector_load %arg12[%swap3A_311, %swap3A_312] {strides = array<i32>} : memref<16x2048xf32, #tpu.memory_space<vmem>>, vector<16xf32>,
          tpu.vector_store %arg12[%swap3A_311, %swap3A_312], %mul3A_310 {strides = array<i32>} : memref<16x2048xf32, #tpu.memory_space<vmem>>, vector<16xf32>,
          %mul3A_314 = arith.mulf %gather3A_309, %get3A_107 : vector<16xf32>
          %swap3A_315 = arith.index_cast %scan3A_101 : i32 to index
          %swap3A_316 = arith.constant 656 : index
          %swap3A_317 = tpu.vector_load %arg12[%swap3A_315, %swap3A_316] {strides = array<i32>} : memref<16x2048xf32, #tpu.memory_space<vmem>>, vector<16xf32>,
          tpu.vector_store %arg12[%swap3A_315, %swap3A_316], %mul3A_314 {strides = array<i32>} : memref<16x2048xf32, #tpu.memory_space<vmem>>, vector<16xf32>,
          %mul3A_318 = arith.mulf %gather3A_309, %get3A_110 : vector<16xf32>
          %swap3A_319 = arith.index_cast %scan3A_101 : i32 to index
          %swap3A_320 = arith.constant 672 : index
          %swap3A_321 = tpu.vector_load %arg12[%swap3A_319, %swap3A_320] {strides = array<i32>} : memref<16x2048xf32, #tpu.memory_space<vmem>>, vector<16xf32>,
          tpu.vector_store %arg12[%swap3A_319, %swap3A_320], %mul3A_318 {strides = array<i32>} : memref<16x2048xf32, #tpu.memory_space<vmem>>, vector<16xf32>,
          %mul3A_322 = arith.mulf %gather3A_309, %get3A_113 : vector<16xf32>
          %swap3A_323 = arith.index_cast %scan3A_101 : i32 to index
          %swap3A_324 = arith.constant 688 : index
          %swap3A_325 = tpu.vector_load %arg12[%swap3A_323, %swap3A_324] {strides = array<i32>} : memref<16x2048xf32, #tpu.memory_space<vmem>>, vector<16xf32>,
          tpu.vector_store %arg12[%swap3A_323, %swap3A_324], %mul3A_322 {strides = array<i32>} : memref<16x2048xf32, #tpu.memory_space<vmem>>, vector<16xf32>,
          %mul3A_326 = arith.mulf %gather3A_309, %get3A_116 : vector<16xf32>
          %swap3A_327 = arith.index_cast %scan3A_101 : i32 to index
          %swap3A_328 = arith.constant 704 : index
          %swap3A_329 = tpu.vector_load %arg12[%swap3A_327, %swap3A_328] {strides = array<i32>} : memref<16x2048xf32, #tpu.memory_space<vmem>>, vector<16xf32>,
          tpu.vector_store %arg12[%swap3A_327, %swap3A_328], %mul3A_326 {strides = array<i32>} : memref<16x2048xf32, #tpu.memory_space<vmem>>, vector<16xf32>,
          %mul3A_330 = arith.mulf %gather3A_309, %get3A_119 : vector<16xf32>
          %swap3A_331 = arith.index_cast %scan3A_101 : i32 to index
          %swap3A_332 = arith.constant 720 : index
          %swap3A_333 = tpu.vector_load %arg12[%swap3A_331, %swap3A_332] {strides = array<i32>} : memref<16x2048xf32, #tpu.memory_space<vmem>>, vector<16xf32>,
          tpu.vector_store %arg12[%swap3A_331, %swap3A_332], %mul3A_330 {strides = array<i32>} : memref<16x2048xf32, #tpu.memory_space<vmem>>, vector<16xf32>,
          %mul3A_334 = arith.mulf %gather3A_309, %get3A_122 : vector<16xf32>
          %swap3A_335 = arith.index_cast %scan3A_101 : i32 to index
          %swap3A_336 = arith.constant 736 : index
          %swap3A_337 = tpu.vector_load %arg12[%swap3A_335, %swap3A_336] {strides = array<i32>} : memref<16x2048xf32, #tpu.memory_space<vmem>>, vector<16xf32>,
          tpu.vector_store %arg12[%swap3A_335, %swap3A_336], %mul3A_334 {strides = array<i32>} : memref<16x2048xf32, #tpu.memory_space<vmem>>, vector<16xf32>,
          %mul3A_338 = arith.mulf %gather3A_309, %get3A_125 : vector<16xf32>
          %swap3A_339 = arith.index_cast %scan3A_101 : i32 to index
          %swap3A_340 = arith.constant 752 : index
          %swap3A_341 = tpu.vector_load %arg12[%swap3A_339, %swap3A_340] {strides = array<i32>} : memref<16x2048xf32, #tpu.memory_space<vmem>>, vector<16xf32>,
          tpu.vector_store %arg12[%swap3A_339, %swap3A_340], %mul3A_338 {strides = array<i32>} : memref<16x2048xf32, #tpu.memory_space<vmem>>, vector<16xf32>,
          %broadcast_in_dim3A_342 = vector.broadcast %scan3A_101 : i32 to vector<16xi32>
          %broadcast_in_dim3A_343 = arith.constant 6 : i32
          %broadcast_in_dim3A_344 = vector.broadcast %broadcast_in_dim3A_343 : i32 to vector<16xi32>
          %gather3A_345 = tpu.vector_load_idx %arg11[%broadcast_in_dim3A_342, %broadcast_in_dim3A_344] : memref<16x16xf32, #tpu.memory_space<vmem>>[vector<16xi32>, vector<16xi32>], vector<16xf32>,
          %mul3A_346 = arith.mulf %gather3A_345, %get3A_104 : vector<16xf32>
          %swap3A_347 = arith.index_cast %scan3A_101 : i32 to index
          %swap3A_348 = arith.constant 768 : index
          %swap3A_349 = tpu.vector_load %arg12[%swap3A_347, %swap3A_348] {strides = array<i32>} : memref<16x2048xf32, #tpu.memory_space<vmem>>, vector<16xf32>,
          tpu.vector_store %arg12[%swap3A_347, %swap3A_348], %mul3A_346 {strides = array<i32>} : memref<16x2048xf32, #tpu.memory_space<vmem>>, vector<16xf32>,
          %mul3A_350 = arith.mulf %gather3A_345, %get3A_107 : vector<16xf32>
          %swap3A_351 = arith.index_cast %scan3A_101 : i32 to index
          %swap3A_352 = arith.constant 784 : index
          %swap3A_353 = tpu.vector_load %arg12[%swap3A_351, %swap3A_352] {strides = array<i32>} : memref<16x2048xf32, #tpu.memory_space<vmem>>, vector<16xf32>,
          tpu.vector_store %arg12[%swap3A_351, %swap3A_352], %mul3A_350 {strides = array<i32>} : memref<16x2048xf32, #tpu.memory_space<vmem>>, vector<16xf32>,
          %mul3A_354 = arith.mulf %gather3A_345, %get3A_110 : vector<16xf32>
          %swap3A_355 = arith.index_cast %scan3A_101 : i32 to index
          %swap3A_356 = arith.constant 800 : index
          %swap3A_357 = tpu.vector_load %arg12[%swap3A_355, %swap3A_356] {strides = array<i32>} : memref<16x2048xf32, #tpu.memory_space<vmem>>, vector<16xf32>,
          tpu.vector_store %arg12[%swap3A_355, %swap3A_356], %mul3A_354 {strides = array<i32>} : memref<16x2048xf32, #tpu.memory_space<vmem>>, vector<16xf32>,
          %mul3A_358 = arith.mulf %gather3A_345, %get3A_113 : vector<16xf32>
          %swap3A_359 = arith.index_cast %scan3A_101 : i32 to index
          %swap3A_360 = arith.constant 816 : index
          %swap3A_361 = tpu.vector_load %arg12[%swap3A_359, %swap3A_360] {strides = array<i32>} : memref<16x2048xf32, #tpu.memory_space<vmem>>, vector<16xf32>,
          tpu.vector_store %arg12[%swap3A_359, %swap3A_360], %mul3A_358 {strides = array<i32>} : memref<16x2048xf32, #tpu.memory_space<vmem>>, vector<16xf32>,
          %mul3A_362 = arith.mulf %gather3A_345, %get3A_116 : vector<16xf32>
          %swap3A_363 = arith.index_cast %scan3A_101 : i32 to index
          %swap3A_364 = arith.constant 832 : index
          %swap3A_365 = tpu.vector_load %arg12[%swap3A_363, %swap3A_364] {strides = array<i32>} : memref<16x2048xf32, #tpu.memory_space<vmem>>, vector<16xf32>,
          tpu.vector_store %arg12[%swap3A_363, %swap3A_364], %mul3A_362 {strides = array<i32>} : memref<16x2048xf32, #tpu.memory_space<vmem>>, vector<16xf32>,
          %mul3A_366 = arith.mulf %gather3A_345, %get3A_119 : vector<16xf32>
          %swap3A_367 = arith.index_cast %scan3A_101 : i32 to index
          %swap3A_368 = arith.constant 848 : index
          %swap3A_369 = tpu.vector_load %arg12[%swap3A_367, %swap3A_368] {strides = array<i32>} : memref<16x2048xf32, #tpu.memory_space<vmem>>, vector<16xf32>,
          tpu.vector_store %arg12[%swap3A_367, %swap3A_368], %mul3A_366 {strides = array<i32>} : memref<16x2048xf32, #tpu.memory_space<vmem>>, vector<16xf32>,
          %mul3A_370 = arith.mulf %gather3A_345, %get3A_122 : vector<16xf32>
          %swap3A_371 = arith.index_cast %scan3A_101 : i32 to index
          %swap3A_372 = arith.constant 864 : index
          %swap3A_373 = tpu.vector_load %arg12[%swap3A_371, %swap3A_372] {strides = array<i32>} : memref<16x2048xf32, #tpu.memory_space<vmem>>, vector<16xf32>,
          tpu.vector_store %arg12[%swap3A_371, %swap3A_372], %mul3A_370 {strides = array<i32>} : memref<16x2048xf32, #tpu.memory_space<vmem>>, vector<16xf32>,
          %mul3A_374 = arith.mulf %gather3A_345, %get3A_125 : vector<16xf32>
          %swap3A_375 = arith.index_cast %scan3A_101 : i32 to index
          %swap3A_376 = arith.constant 880 : index
          %swap3A_377 = tpu.vector_load %arg12[%swap3A_375, %swap3A_376] {strides = array<i32>} : memref<16x2048xf32, #tpu.memory_space<vmem>>, vector<16xf32>,
          tpu.vector_store %arg12[%swap3A_375, %swap3A_376], %mul3A_374 {strides = array<i32>} : memref<16x2048xf32, #tpu.memory_space<vmem>>, vector<16xf32>,
          %broadcast_in_dim3A_378 = vector.broadcast %scan3A_101 : i32 to vector<16xi32>
          %broadcast_in_dim3A_379 = arith.constant 7 : i32
          %broadcast_in_dim3A_380 = vector.broadcast %broadcast_in_dim3A_379 : i32 to vector<16xi32>
          %gather3A_381 = tpu.vector_load_idx %arg11[%broadcast_in_dim3A_378, %broadcast_in_dim3A_380] : memref<16x16xf32, #tpu.memory_space<vmem>>[vector<16xi32>, vector<16xi32>], vector<16xf32>,
          %mul3A_382 = arith.mulf %gather3A_381, %get3A_104 : vector<16xf32>
          %swap3A_383 = arith.index_cast %scan3A_101 : i32 to index
          %swap3A_384 = arith.constant 896 : index
          %swap3A_385 = tpu.vector_load %arg12[%swap3A_383, %swap3A_384] {strides = array<i32>} : memref<16x2048xf32, #tpu.memory_space<vmem>>, vector<16xf32>,
          tpu.vector_store %arg12[%swap3A_383, %swap3A_384], %mul3A_382 {strides = array<i32>} : memref<16x2048xf32, #tpu.memory_space<vmem>>, vector<16xf32>,
          %mul3A_386 = arith.mulf %gather3A_381, %get3A_107 : vector<16xf32>
          %swap3A_387 = arith.index_cast %scan3A_101 : i32 to index
          %swap3A_388 = arith.constant 912 : index
          %swap3A_389 = tpu.vector_load %arg12[%swap3A_387, %swap3A_388] {strides = array<i32>} : memref<16x2048xf32, #tpu.memory_space<vmem>>, vector<16xf32>,
          tpu.vector_store %arg12[%swap3A_387, %swap3A_388], %mul3A_386 {strides = array<i32>} : memref<16x2048xf32, #tpu.memory_space<vmem>>, vector<16xf32>,
          %mul3A_390 = arith.mulf %gather3A_381, %get3A_110 : vector<16xf32>
          %swap3A_391 = arith.index_cast %scan3A_101 : i32 to index
          %swap3A_392 = arith.constant 928 : index
          %swap3A_393 = tpu.vector_load %arg12[%swap3A_391, %swap3A_392] {strides = array<i32>} : memref<16x2048xf32, #tpu.memory_space<vmem>>, vector<16xf32>,
          tpu.vector_store %arg12[%swap3A_391, %swap3A_392], %mul3A_390 {strides = array<i32>} : memref<16x2048xf32, #tpu.memory_space<vmem>>, vector<16xf32>,
          %mul3A_394 = arith.mulf %gather3A_381, %get3A_113 : vector<16xf32>
          %swap3A_395 = arith.index_cast %scan3A_101 : i32 to index
          %swap3A_396 = arith.constant 944 : index
          %swap3A_397 = tpu.vector_load %arg12[%swap3A_395, %swap3A_396] {strides = array<i32>} : memref<16x2048xf32, #tpu.memory_space<vmem>>, vector<16xf32>,
          tpu.vector_store %arg12[%swap3A_395, %swap3A_396], %mul3A_394 {strides = array<i32>} : memref<16x2048xf32, #tpu.memory_space<vmem>>, vector<16xf32>,
          %mul3A_398 = arith.mulf %gather3A_381, %get3A_116 : vector<16xf32>
          %swap3A_399 = arith.index_cast %scan3A_101 : i32 to index
          %swap3A_400 = arith.constant 960 : index
          %swap3A_401 = tpu.vector_load %arg12[%swap3A_399, %swap3A_400] {strides = array<i32>} : memref<16x2048xf32, #tpu.memory_space<vmem>>, vector<16xf32>,
          tpu.vector_store %arg12[%swap3A_399, %swap3A_400], %mul3A_398 {strides = array<i32>} : memref<16x2048xf32, #tpu.memory_space<vmem>>, vector<16xf32>,
          %mul3A_402 = arith.mulf %gather3A_381, %get3A_119 : vector<16xf32>
          %swap3A_403 = arith.index_cast %scan3A_101 : i32 to index
          %swap3A_404 = arith.constant 976 : index
          %swap3A_405 = tpu.vector_load %arg12[%swap3A_403, %swap3A_404] {strides = array<i32>} : memref<16x2048xf32, #tpu.memory_space<vmem>>, vector<16xf32>,
          tpu.vector_store %arg12[%swap3A_403, %swap3A_404], %mul3A_402 {strides = array<i32>} : memref<16x2048xf32, #tpu.memory_space<vmem>>, vector<16xf32>,
          %mul3A_406 = arith.mulf %gather3A_381, %get3A_122 : vector<16xf32>
          %swap3A_407 = arith.index_cast %scan3A_101 : i32 to index
          %swap3A_408 = arith.constant 992 : index
          %swap3A_409 = tpu.vector_load %arg12[%swap3A_407, %swap3A_408] {strides = array<i32>} : memref<16x2048xf32, #tpu.memory_space<vmem>>, vector<16xf32>,
          tpu.vector_store %arg12[%swap3A_407, %swap3A_408], %mul3A_406 {strides = array<i32>} : memref<16x2048xf32, #tpu.memory_space<vmem>>, vector<16xf32>,
          %mul3A_410 = arith.mulf %gather3A_381, %get3A_125 : vector<16xf32>
          %swap3A_411 = arith.index_cast %scan3A_101 : i32 to index
          %swap3A_412 = arith.constant 1008 : index
          %swap3A_413 = tpu.vector_load %arg12[%swap3A_411, %swap3A_412] {strides = array<i32>} : memref<16x2048xf32, #tpu.memory_space<vmem>>, vector<16xf32>,
          tpu.vector_store %arg12[%swap3A_411, %swap3A_412], %mul3A_410 {strides = array<i32>} : memref<16x2048xf32, #tpu.memory_space<vmem>>, vector<16xf32>,
          %broadcast_in_dim3A_414 = vector.broadcast %scan3A_101 : i32 to vector<16xi32>
          %broadcast_in_dim3A_415 = arith.constant 8 : i32
          %broadcast_in_dim3A_416 = vector.broadcast %broadcast_in_dim3A_415 : i32 to vector<16xi32>
          %gather3A_417 = tpu.vector_load_idx %arg11[%broadcast_in_dim3A_414, %broadcast_in_dim3A_416] : memref<16x16xf32, #tpu.memory_space<vmem>>[vector<16xi32>, vector<16xi32>], vector<16xf32>,
          %mul3A_418 = arith.mulf %gather3A_417, %get3A_104 : vector<16xf32>
          %swap3A_419 = arith.index_cast %scan3A_101 : i32 to index
          %swap3A_420 = arith.constant 1024 : index
          %swap3A_421 = tpu.vector_load %arg12[%swap3A_419, %swap3A_420] {strides = array<i32>} : memref<16x2048xf32, #tpu.memory_space<vmem>>, vector<16xf32>,
          tpu.vector_store %arg12[%swap3A_419, %swap3A_420], %mul3A_418 {strides = array<i32>} : memref<16x2048xf32, #tpu.memory_space<vmem>>, vector<16xf32>,
          %mul3A_422 = arith.mulf %gather3A_417, %get3A_107 : vector<16xf32>
          %swap3A_423 = arith.index_cast %scan3A_101 : i32 to index
          %swap3A_424 = arith.constant 1040 : index
          %swap3A_425 = tpu.vector_load %arg12[%swap3A_423, %swap3A_424] {strides = array<i32>} : memref<16x2048xf32, #tpu.memory_space<vmem>>, vector<16xf32>,
          tpu.vector_store %arg12[%swap3A_423, %swap3A_424], %mul3A_422 {strides = array<i32>} : memref<16x2048xf32, #tpu.memory_space<vmem>>, vector<16xf32>,
          %mul3A_426 = arith.mulf %gather3A_417, %get3A_110 : vector<16xf32>
          %swap3A_427 = arith.index_cast %scan3A_101 : i32 to index
          %swap3A_428 = arith.constant 1056 : index
          %swap3A_429 = tpu.vector_load %arg12[%swap3A_427, %swap3A_428] {strides = array<i32>} : memref<16x2048xf32, #tpu.memory_space<vmem>>, vector<16xf32>,
          tpu.vector_store %arg12[%swap3A_427, %swap3A_428], %mul3A_426 {strides = array<i32>} : memref<16x2048xf32, #tpu.memory_space<vmem>>, vector<16xf32>,
          %mul3A_430 = arith.mulf %gather3A_417, %get3A_113 : vector<16xf32>
          %swap3A_431 = arith.index_cast %scan3A_101 : i32 to index
          %swap3A_432 = arith.constant 1072 : index
          %swap3A_433 = tpu.vector_load %arg12[%swap3A_431, %swap3A_432] {strides = array<i32>} : memref<16x2048xf32, #tpu.memory_space<vmem>>, vector<16xf32>,
          tpu.vector_store %arg12[%swap3A_431, %swap3A_432], %mul3A_430 {strides = array<i32>} : memref<16x2048xf32, #tpu.memory_space<vmem>>, vector<16xf32>,
          %mul3A_434 = arith.mulf %gather3A_417, %get3A_116 : vector<16xf32>
          %swap3A_435 = arith.index_cast %scan3A_101 : i32 to index
          %swap3A_436 = arith.constant 1088 : index
          %swap3A_437 = tpu.vector_load %arg12[%swap3A_435, %swap3A_436] {strides = array<i32>} : memref<16x2048xf32, #tpu.memory_space<vmem>>, vector<16xf32>,
          tpu.vector_store %arg12[%swap3A_435, %swap3A_436], %mul3A_434 {strides = array<i32>} : memref<16x2048xf32, #tpu.memory_space<vmem>>, vector<16xf32>,
          %mul3A_438 = arith.mulf %gather3A_417, %get3A_119 : vector<16xf32>
          %swap3A_439 = arith.index_cast %scan3A_101 : i32 to index
          %swap3A_440 = arith.constant 1104 : index
          %swap3A_441 = tpu.vector_load %arg12[%swap3A_439, %swap3A_440] {strides = array<i32>} : memref<16x2048xf32, #tpu.memory_space<vmem>>, vector<16xf32>,
          tpu.vector_store %arg12[%swap3A_439, %swap3A_440], %mul3A_438 {strides = array<i32>} : memref<16x2048xf32, #tpu.memory_space<vmem>>, vector<16xf32>,
          %mul3A_442 = arith.mulf %gather3A_417, %get3A_122 : vector<16xf32>
          %swap3A_443 = arith.index_cast %scan3A_101 : i32 to index
          %swap3A_444 = arith.constant 1120 : index
          %swap3A_445 = tpu.vector_load %arg12[%swap3A_443, %swap3A_444] {strides = array<i32>} : memref<16x2048xf32, #tpu.memory_space<vmem>>, vector<16xf32>,
          tpu.vector_store %arg12[%swap3A_443, %swap3A_444], %mul3A_442 {strides = array<i32>} : memref<16x2048xf32, #tpu.memory_space<vmem>>, vector<16xf32>,
          %mul3A_446 = arith.mulf %gather3A_417, %get3A_125 : vector<16xf32>
          %swap3A_447 = arith.index_cast %scan3A_101 : i32 to index
          %swap3A_448 = arith.constant 1136 : index
          %swap3A_449 = tpu.vector_load %arg12[%swap3A_447, %swap3A_448] {strides = array<i32>} : memref<16x2048xf32, #tpu.memory_space<vmem>>, vector<16xf32>,
          tpu.vector_store %arg12[%swap3A_447, %swap3A_448], %mul3A_446 {strides = array<i32>} : memref<16x2048xf32, #tpu.memory_space<vmem>>, vector<16xf32>,
          %broadcast_in_dim3A_450 = vector.broadcast %scan3A_101 : i32 to vector<16xi32>
          %broadcast_in_dim3A_451 = arith.constant 9 : i32
          %broadcast_in_dim3A_452 = vector.broadcast %broadcast_in_dim3A_451 : i32 to vector<16xi32>
          %gather3A_453 = tpu.vector_load_idx %arg11[%broadcast_in_dim3A_450, %broadcast_in_dim3A_452] : memref<16x16xf32, #tpu.memory_space<vmem>>[vector<16xi32>, vector<16xi32>], vector<16xf32>,
          %mul3A_454 = arith.mulf %gather3A_453, %get3A_104 : vector<16xf32>
          %swap3A_455 = arith.index_cast %scan3A_101 : i32 to index
          %swap3A_456 = arith.constant 1152 : index
          %swap3A_457 = tpu.vector_load %arg12[%swap3A_455, %swap3A_456] {strides = array<i32>} : memref<16x2048xf32, #tpu.memory_space<vmem>>, vector<16xf32>,
          tpu.vector_store %arg12[%swap3A_455, %swap3A_456], %mul3A_454 {strides = array<i32>} : memref<16x2048xf32, #tpu.memory_space<vmem>>, vector<16xf32>,
          %mul3A_458 = arith.mulf %gather3A_453, %get3A_107 : vector<16xf32>
          %swap3A_459 = arith.index_cast %scan3A_101 : i32 to index
          %swap3A_460 = arith.constant 1168 : index
          %swap3A_461 = tpu.vector_load %arg12[%swap3A_459, %swap3A_460] {strides = array<i32>} : memref<16x2048xf32, #tpu.memory_space<vmem>>, vector<16xf32>,
          tpu.vector_store %arg12[%swap3A_459, %swap3A_460], %mul3A_458 {strides = array<i32>} : memref<16x2048xf32, #tpu.memory_space<vmem>>, vector<16xf32>,
          %mul3A_462 = arith.mulf %gather3A_453, %get3A_110 : vector<16xf32>
          %swap3A_463 = arith.index_cast %scan3A_101 : i32 to index
          %swap3A_464 = arith.constant 1184 : index
          %swap3A_465 = tpu.vector_load %arg12[%swap3A_463, %swap3A_464] {strides = array<i32>} : memref<16x2048xf32, #tpu.memory_space<vmem>>, vector<16xf32>,
          tpu.vector_store %arg12[%swap3A_463, %swap3A_464], %mul3A_462 {strides = array<i32>} : memref<16x2048xf32, #tpu.memory_space<vmem>>, vector<16xf32>,
          %mul3A_466 = arith.mulf %gather3A_453, %get3A_113 : vector<16xf32>
          %swap3A_467 = arith.index_cast %scan3A_101 : i32 to index
          %swap3A_468 = arith.constant 1200 : index
          %swap3A_469 = tpu.vector_load %arg12[%swap3A_467, %swap3A_468] {strides = array<i32>} : memref<16x2048xf32, #tpu.memory_space<vmem>>, vector<16xf32>,
          tpu.vector_store %arg12[%swap3A_467, %swap3A_468], %mul3A_466 {strides = array<i32>} : memref<16x2048xf32, #tpu.memory_space<vmem>>, vector<16xf32>,
          %mul3A_470 = arith.mulf %gather3A_453, %get3A_116 : vector<16xf32>
          %swap3A_471 = arith.index_cast %scan3A_101 : i32 to index
          %swap3A_472 = arith.constant 1216 : index
          %swap3A_473 = tpu.vector_load %arg12[%swap3A_471, %swap3A_472] {strides = array<i32>} : memref<16x2048xf32, #tpu.memory_space<vmem>>, vector<16xf32>,
          tpu.vector_store %arg12[%swap3A_471, %swap3A_472], %mul3A_470 {strides = array<i32>} : memref<16x2048xf32, #tpu.memory_space<vmem>>, vector<16xf32>,
          %mul3A_474 = arith.mulf %gather3A_453, %get3A_119 : vector<16xf32>
          %swap3A_475 = arith.index_cast %scan3A_101 : i32 to index
          %swap3A_476 = arith.constant 1232 : index
          %swap3A_477 = tpu.vector_load %arg12[%swap3A_475, %swap3A_476] {strides = array<i32>} : memref<16x2048xf32, #tpu.memory_space<vmem>>, vector<16xf32>,
          tpu.vector_store %arg12[%swap3A_475, %swap3A_476], %mul3A_474 {strides = array<i32>} : memref<16x2048xf32, #tpu.memory_space<vmem>>, vector<16xf32>,
          %mul3A_478 = arith.mulf %gather3A_453, %get3A_122 : vector<16xf32>
          %swap3A_479 = arith.index_cast %scan3A_101 : i32 to index
          %swap3A_480 = arith.constant 1248 : index
          %swap3A_481 = tpu.vector_load %arg12[%swap3A_479, %swap3A_480] {strides = array<i32>} : memref<16x2048xf32, #tpu.memory_space<vmem>>, vector<16xf32>,
          tpu.vector_store %arg12[%swap3A_479, %swap3A_480], %mul3A_478 {strides = array<i32>} : memref<16x2048xf32, #tpu.memory_space<vmem>>, vector<16xf32>,
          %mul3A_482 = arith.mulf %gather3A_453, %get3A_125 : vector<16xf32>
          %swap3A_483 = arith.index_cast %scan3A_101 : i32 to index
          %swap3A_484 = arith.constant 1264 : index
          %swap3A_485 = tpu.vector_load %arg12[%swap3A_483, %swap3A_484] {strides = array<i32>} : memref<16x2048xf32, #tpu.memory_space<vmem>>, vector<16xf32>,
          tpu.vector_store %arg12[%swap3A_483, %swap3A_484], %mul3A_482 {strides = array<i32>} : memref<16x2048xf32, #tpu.memory_space<vmem>>, vector<16xf32>,
          %broadcast_in_dim3A_486 = vector.broadcast %scan3A_101 : i32 to vector<16xi32>
          %broadcast_in_dim3A_487 = arith.constant 10 : i32
          %broadcast_in_dim3A_488 = vector.broadcast %broadcast_in_dim3A_487 : i32 to vector<16xi32>
          %gather3A_489 = tpu.vector_load_idx %arg11[%broadcast_in_dim3A_486, %broadcast_in_dim3A_488] : memref<16x16xf32, #tpu.memory_space<vmem>>[vector<16xi32>, vector<16xi32>], vector<16xf32>,
          %mul3A_490 = arith.mulf %gather3A_489, %get3A_104 : vector<16xf32>
          %swap3A_491 = arith.index_cast %scan3A_101 : i32 to index
          %swap3A_492 = arith.constant 1280 : index
          %swap3A_493 = tpu.vector_load %arg12[%swap3A_491, %swap3A_492] {strides = array<i32>} : memref<16x2048xf32, #tpu.memory_space<vmem>>, vector<16xf32>,
          tpu.vector_store %arg12[%swap3A_491, %swap3A_492], %mul3A_490 {strides = array<i32>} : memref<16x2048xf32, #tpu.memory_space<vmem>>, vector<16xf32>,
          %mul3A_494 = arith.mulf %gather3A_489, %get3A_107 : vector<16xf32>
          %swap3A_495 = arith.index_cast %scan3A_101 : i32 to index
          %swap3A_496 = arith.constant 1296 : index
          %swap3A_497 = tpu.vector_load %arg12[%swap3A_495, %swap3A_496] {strides = array<i32>} : memref<16x2048xf32, #tpu.memory_space<vmem>>, vector<16xf32>,
          tpu.vector_store %arg12[%swap3A_495, %swap3A_496], %mul3A_494 {strides = array<i32>} : memref<16x2048xf32, #tpu.memory_space<vmem>>, vector<16xf32>,
          %mul3A_498 = arith.mulf %gather3A_489, %get3A_110 : vector<16xf32>
          %swap3A_499 = arith.index_cast %scan3A_101 : i32 to index
          %swap3A_500 = arith.constant 1312 : index
          %swap3A_501 = tpu.vector_load %arg12[%swap3A_499, %swap3A_500] {strides = array<i32>} : memref<16x2048xf32, #tpu.memory_space<vmem>>, vector<16xf32>,
          tpu.vector_store %arg12[%swap3A_499, %swap3A_500], %mul3A_498 {strides = array<i32>} : memref<16x2048xf32, #tpu.memory_space<vmem>>, vector<16xf32>,
          %mul3A_502 = arith.mulf %gather3A_489, %get3A_113 : vector<16xf32>
          %swap3A_503 = arith.index_cast %scan3A_101 : i32 to index
          %swap3A_504 = arith.constant 1328 : index
          %swap3A_505 = tpu.vector_load %arg12[%swap3A_503, %swap3A_504] {strides = array<i32>} : memref<16x2048xf32, #tpu.memory_space<vmem>>, vector<16xf32>,
          tpu.vector_store %arg12[%swap3A_503, %swap3A_504], %mul3A_502 {strides = array<i32>} : memref<16x2048xf32, #tpu.memory_space<vmem>>, vector<16xf32>,
          %mul3A_506 = arith.mulf %gather3A_489, %get3A_116 : vector<16xf32>
          %swap3A_507 = arith.index_cast %scan3A_101 : i32 to index
          %swap3A_508 = arith.constant 1344 : index
          %swap3A_509 = tpu.vector_load %arg12[%swap3A_507, %swap3A_508] {strides = array<i32>} : memref<16x2048xf32, #tpu.memory_space<vmem>>, vector<16xf32>,
          tpu.vector_store %arg12[%swap3A_507, %swap3A_508], %mul3A_506 {strides = array<i32>} : memref<16x2048xf32, #tpu.memory_space<vmem>>, vector<16xf32>,
          %mul3A_510 = arith.mulf %gather3A_489, %get3A_119 : vector<16xf32>
          %swap3A_511 = arith.index_cast %scan3A_101 : i32 to index
          %swap3A_512 = arith.constant 1360 : index
          %swap3A_513 = tpu.vector_load %arg12[%swap3A_511, %swap3A_512] {strides = array<i32>} : memref<16x2048xf32, #tpu.memory_space<vmem>>, vector<16xf32>,
          tpu.vector_store %arg12[%swap3A_511, %swap3A_512], %mul3A_510 {strides = array<i32>} : memref<16x2048xf32, #tpu.memory_space<vmem>>, vector<16xf32>,
          %mul3A_514 = arith.mulf %gather3A_489, %get3A_122 : vector<16xf32>
          %swap3A_515 = arith.index_cast %scan3A_101 : i32 to index
          %swap3A_516 = arith.constant 1376 : index
          %swap3A_517 = tpu.vector_load %arg12[%swap3A_515, %swap3A_516] {strides = array<i32>} : memref<16x2048xf32, #tpu.memory_space<vmem>>, vector<16xf32>,
          tpu.vector_store %arg12[%swap3A_515, %swap3A_516], %mul3A_514 {strides = array<i32>} : memref<16x2048xf32, #tpu.memory_space<vmem>>, vector<16xf32>,
          %mul3A_518 = arith.mulf %gather3A_489, %get3A_125 : vector<16xf32>
          %swap3A_519 = arith.index_cast %scan3A_101 : i32 to index
          %swap3A_520 = arith.constant 1392 : index
          %swap3A_521 = tpu.vector_load %arg12[%swap3A_519, %swap3A_520] {strides = array<i32>} : memref<16x2048xf32, #tpu.memory_space<vmem>>, vector<16xf32>,
          tpu.vector_store %arg12[%swap3A_519, %swap3A_520], %mul3A_518 {strides = array<i32>} : memref<16x2048xf32, #tpu.memory_space<vmem>>, vector<16xf32>,
          %broadcast_in_dim3A_522 = vector.broadcast %scan3A_101 : i32 to vector<16xi32>
          %broadcast_in_dim3A_523 = arith.constant 11 : i32
          %broadcast_in_dim3A_524 = vector.broadcast %broadcast_in_dim3A_523 : i32 to vector<16xi32>
          %gather3A_525 = tpu.vector_load_idx %arg11[%broadcast_in_dim3A_522, %broadcast_in_dim3A_524] : memref<16x16xf32, #tpu.memory_space<vmem>>[vector<16xi32>, vector<16xi32>], vector<16xf32>,
          %mul3A_526 = arith.mulf %gather3A_525, %get3A_104 : vector<16xf32>
          %swap3A_527 = arith.index_cast %scan3A_101 : i32 to index
          %swap3A_528 = arith.constant 1408 : index
          %swap3A_529 = tpu.vector_load %arg12[%swap3A_527, %swap3A_528] {strides = array<i32>} : memref<16x2048xf32, #tpu.memory_space<vmem>>, vector<16xf32>,
          tpu.vector_store %arg12[%swap3A_527, %swap3A_528], %mul3A_526 {strides = array<i32>} : memref<16x2048xf32, #tpu.memory_space<vmem>>, vector<16xf32>,
          %mul3A_530 = arith.mulf %gather3A_525, %get3A_107 : vector<16xf32>
          %swap3A_531 = arith.index_cast %scan3A_101 : i32 to index
          %swap3A_532 = arith.constant 1424 : index
          %swap3A_533 = tpu.vector_load %arg12[%swap3A_531, %swap3A_532] {strides = array<i32>} : memref<16x2048xf32, #tpu.memory_space<vmem>>, vector<16xf32>,
          tpu.vector_store %arg12[%swap3A_531, %swap3A_532], %mul3A_530 {strides = array<i32>} : memref<16x2048xf32, #tpu.memory_space<vmem>>, vector<16xf32>,
          %mul3A_534 = arith.mulf %gather3A_525, %get3A_110 : vector<16xf32>
          %swap3A_535 = arith.index_cast %scan3A_101 : i32 to index
          %swap3A_536 = arith.constant 1440 : index
          %swap3A_537 = tpu.vector_load %arg12[%swap3A_535, %swap3A_536] {strides = array<i32>} : memref<16x2048xf32, #tpu.memory_space<vmem>>, vector<16xf32>,
          tpu.vector_store %arg12[%swap3A_535, %swap3A_536], %mul3A_534 {strides = array<i32>} : memref<16x2048xf32, #tpu.memory_space<vmem>>, vector<16xf32>,
          %mul3A_538 = arith.mulf %gather3A_525, %get3A_113 : vector<16xf32>
          %swap3A_539 = arith.index_cast %scan3A_101 : i32 to index
          %swap3A_540 = arith.constant 1456 : index
          %swap3A_541 = tpu.vector_load %arg12[%swap3A_539, %swap3A_540] {strides = array<i32>} : memref<16x2048xf32, #tpu.memory_space<vmem>>, vector<16xf32>,
          tpu.vector_store %arg12[%swap3A_539, %swap3A_540], %mul3A_538 {strides = array<i32>} : memref<16x2048xf32, #tpu.memory_space<vmem>>, vector<16xf32>,
          %mul3A_542 = arith.mulf %gather3A_525, %get3A_116 : vector<16xf32>
          %swap3A_543 = arith.index_cast %scan3A_101 : i32 to index
          %swap3A_544 = arith.constant 1472 : index
          %swap3A_545 = tpu.vector_load %arg12[%swap3A_543, %swap3A_544] {strides = array<i32>} : memref<16x2048xf32, #tpu.memory_space<vmem>>, vector<16xf32>,
          tpu.vector_store %arg12[%swap3A_543, %swap3A_544], %mul3A_542 {strides = array<i32>} : memref<16x2048xf32, #tpu.memory_space<vmem>>, vector<16xf32>,
          %mul3A_546 = arith.mulf %gather3A_525, %get3A_119 : vector<16xf32>
          %swap3A_547 = arith.index_cast %scan3A_101 : i32 to index
          %swap3A_548 = arith.constant 1488 : index
          %swap3A_549 = tpu.vector_load %arg12[%swap3A_547, %swap3A_548] {strides = array<i32>} : memref<16x2048xf32, #tpu.memory_space<vmem>>, vector<16xf32>,
          tpu.vector_store %arg12[%swap3A_547, %swap3A_548], %mul3A_546 {strides = array<i32>} : memref<16x2048xf32, #tpu.memory_space<vmem>>, vector<16xf32>,
          %mul3A_550 = arith.mulf %gather3A_525, %get3A_122 : vector<16xf32>
          %swap3A_551 = arith.index_cast %scan3A_101 : i32 to index
          %swap3A_552 = arith.constant 1504 : index
          %swap3A_553 = tpu.vector_load %arg12[%swap3A_551, %swap3A_552] {strides = array<i32>} : memref<16x2048xf32, #tpu.memory_space<vmem>>, vector<16xf32>,
          tpu.vector_store %arg12[%swap3A_551, %swap3A_552], %mul3A_550 {strides = array<i32>} : memref<16x2048xf32, #tpu.memory_space<vmem>>, vector<16xf32>,
          %mul3A_554 = arith.mulf %gather3A_525, %get3A_125 : vector<16xf32>
          %swap3A_555 = arith.index_cast %scan3A_101 : i32 to index
          %swap3A_556 = arith.constant 1520 : index
          %swap3A_557 = tpu.vector_load %arg12[%swap3A_555, %swap3A_556] {strides = array<i32>} : memref<16x2048xf32, #tpu.memory_space<vmem>>, vector<16xf32>,
          tpu.vector_store %arg12[%swap3A_555, %swap3A_556], %mul3A_554 {strides = array<i32>} : memref<16x2048xf32, #tpu.memory_space<vmem>>, vector<16xf32>,
          %broadcast_in_dim3A_558 = vector.broadcast %scan3A_101 : i32 to vector<16xi32>
          %broadcast_in_dim3A_559 = arith.constant 12 : i32
          %broadcast_in_dim3A_560 = vector.broadcast %broadcast_in_dim3A_559 : i32 to vector<16xi32>
          %gather3A_561 = tpu.vector_load_idx %arg11[%broadcast_in_dim3A_558, %broadcast_in_dim3A_560] : memref<16x16xf32, #tpu.memory_space<vmem>>[vector<16xi32>, vector<16xi32>], vector<16xf32>,
          %mul3A_562 = arith.mulf %gather3A_561, %get3A_104 : vector<16xf32>
          %swap3A_563 = arith.index_cast %scan3A_101 : i32 to index
          %swap3A_564 = arith.constant 1536 : index
          %swap3A_565 = tpu.vector_load %arg12[%swap3A_563, %swap3A_564] {strides = array<i32>} : memref<16x2048xf32, #tpu.memory_space<vmem>>, vector<16xf32>,
          tpu.vector_store %arg12[%swap3A_563, %swap3A_564], %mul3A_562 {strides = array<i32>} : memref<16x2048xf32, #tpu.memory_space<vmem>>, vector<16xf32>,
          %mul3A_566 = arith.mulf %gather3A_561, %get3A_107 : vector<16xf32>
          %swap3A_567 = arith.index_cast %scan3A_101 : i32 to index
          %swap3A_568 = arith.constant 1552 : index
          %swap3A_569 = tpu.vector_load %arg12[%swap3A_567, %swap3A_568] {strides = array<i32>} : memref<16x2048xf32, #tpu.memory_space<vmem>>, vector<16xf32>,
          tpu.vector_store %arg12[%swap3A_567, %swap3A_568], %mul3A_566 {strides = array<i32>} : memref<16x2048xf32, #tpu.memory_space<vmem>>, vector<16xf32>,
          %mul3A_570 = arith.mulf %gather3A_561, %get3A_110 : vector<16xf32>
          %swap3A_571 = arith.index_cast %scan3A_101 : i32 to index
          %swap3A_572 = arith.constant 1568 : index
          %swap3A_573 = tpu.vector_load %arg12[%swap3A_571, %swap3A_572] {strides = array<i32>} : memref<16x2048xf32, #tpu.memory_space<vmem>>, vector<16xf32>,
          tpu.vector_store %arg12[%swap3A_571, %swap3A_572], %mul3A_570 {strides = array<i32>} : memref<16x2048xf32, #tpu.memory_space<vmem>>, vector<16xf32>,
          %mul3A_574 = arith.mulf %gather3A_561, %get3A_113 : vector<16xf32>
          %swap3A_575 = arith.index_cast %scan3A_101 : i32 to index
          %swap3A_576 = arith.constant 1584 : index
          %swap3A_577 = tpu.vector_load %arg12[%swap3A_575, %swap3A_576] {strides = array<i32>} : memref<16x2048xf32, #tpu.memory_space<vmem>>, vector<16xf32>,
          tpu.vector_store %arg12[%swap3A_575, %swap3A_576], %mul3A_574 {strides = array<i32>} : memref<16x2048xf32, #tpu.memory_space<vmem>>, vector<16xf32>,
          %mul3A_578 = arith.mulf %gather3A_561, %get3A_116 : vector<16xf32>
          %swap3A_579 = arith.index_cast %scan3A_101 : i32 to index
          %swap3A_580 = arith.constant 1600 : index
          %swap3A_581 = tpu.vector_load %arg12[%swap3A_579, %swap3A_580] {strides = array<i32>} : memref<16x2048xf32, #tpu.memory_space<vmem>>, vector<16xf32>,
          tpu.vector_store %arg12[%swap3A_579, %swap3A_580], %mul3A_578 {strides = array<i32>} : memref<16x2048xf32, #tpu.memory_space<vmem>>, vector<16xf32>,
          %mul3A_582 = arith.mulf %gather3A_561, %get3A_119 : vector<16xf32>
          %swap3A_583 = arith.index_cast %scan3A_101 : i32 to index
          %swap3A_584 = arith.constant 1616 : index
          %swap3A_585 = tpu.vector_load %arg12[%swap3A_583, %swap3A_584] {strides = array<i32>} : memref<16x2048xf32, #tpu.memory_space<vmem>>, vector<16xf32>,
          tpu.vector_store %arg12[%swap3A_583, %swap3A_584], %mul3A_582 {strides = array<i32>} : memref<16x2048xf32, #tpu.memory_space<vmem>>, vector<16xf32>,
          %mul3A_586 = arith.mulf %gather3A_561, %get3A_122 : vector<16xf32>
          %swap3A_587 = arith.index_cast %scan3A_101 : i32 to index
          %swap3A_588 = arith.constant 1632 : index
          %swap3A_589 = tpu.vector_load %arg12[%swap3A_587, %swap3A_588] {strides = array<i32>} : memref<16x2048xf32, #tpu.memory_space<vmem>>, vector<16xf32>,
          tpu.vector_store %arg12[%swap3A_587, %swap3A_588], %mul3A_586 {strides = array<i32>} : memref<16x2048xf32, #tpu.memory_space<vmem>>, vector<16xf32>,
          %mul3A_590 = arith.mulf %gather3A_561, %get3A_125 : vector<16xf32>
          %swap3A_591 = arith.index_cast %scan3A_101 : i32 to index
          %swap3A_592 = arith.constant 1648 : index
          %swap3A_593 = tpu.vector_load %arg12[%swap3A_591, %swap3A_592] {strides = array<i32>} : memref<16x2048xf32, #tpu.memory_space<vmem>>, vector<16xf32>,
          tpu.vector_store %arg12[%swap3A_591, %swap3A_592], %mul3A_590 {strides = array<i32>} : memref<16x2048xf32, #tpu.memory_space<vmem>>, vector<16xf32>,
          %broadcast_in_dim3A_594 = vector.broadcast %scan3A_101 : i32 to vector<16xi32>
          %broadcast_in_dim3A_595 = arith.constant 13 : i32
          %broadcast_in_dim3A_596 = vector.broadcast %broadcast_in_dim3A_595 : i32 to vector<16xi32>
          %gather3A_597 = tpu.vector_load_idx %arg11[%broadcast_in_dim3A_594, %broadcast_in_dim3A_596] : memref<16x16xf32, #tpu.memory_space<vmem>>[vector<16xi32>, vector<16xi32>], vector<16xf32>,
          %mul3A_598 = arith.mulf %gather3A_597, %get3A_104 : vector<16xf32>
          %swap3A_599 = arith.index_cast %scan3A_101 : i32 to index
          %swap3A_600 = arith.constant 1664 : index
          %swap3A_601 = tpu.vector_load %arg12[%swap3A_599, %swap3A_600] {strides = array<i32>} : memref<16x2048xf32, #tpu.memory_space<vmem>>, vector<16xf32>,
          tpu.vector_store %arg12[%swap3A_599, %swap3A_600], %mul3A_598 {strides = array<i32>} : memref<16x2048xf32, #tpu.memory_space<vmem>>, vector<16xf32>,
          %mul3A_602 = arith.mulf %gather3A_597, %get3A_107 : vector<16xf32>
          %swap3A_603 = arith.index_cast %scan3A_101 : i32 to index
          %swap3A_604 = arith.constant 1680 : index
          %swap3A_605 = tpu.vector_load %arg12[%swap3A_603, %swap3A_604] {strides = array<i32>} : memref<16x2048xf32, #tpu.memory_space<vmem>>, vector<16xf32>,
          tpu.vector_store %arg12[%swap3A_603, %swap3A_604], %mul3A_602 {strides = array<i32>} : memref<16x2048xf32, #tpu.memory_space<vmem>>, vector<16xf32>,
          %mul3A_606 = arith.mulf %gather3A_597, %get3A_110 : vector<16xf32>
          %swap3A_607 = arith.index_cast %scan3A_101 : i32 to index
          %swap3A_608 = arith.constant 1696 : index
          %swap3A_609 = tpu.vector_load %arg12[%swap3A_607, %swap3A_608] {strides = array<i32>} : memref<16x2048xf32, #tpu.memory_space<vmem>>, vector<16xf32>,
          tpu.vector_store %arg12[%swap3A_607, %swap3A_608], %mul3A_606 {strides = array<i32>} : memref<16x2048xf32, #tpu.memory_space<vmem>>, vector<16xf32>,
          %mul3A_610 = arith.mulf %gather3A_597, %get3A_113 : vector<16xf32>
          %swap3A_611 = arith.index_cast %scan3A_101 : i32 to index
          %swap3A_612 = arith.constant 1712 : index
          %swap3A_613 = tpu.vector_load %arg12[%swap3A_611, %swap3A_612] {strides = array<i32>} : memref<16x2048xf32, #tpu.memory_space<vmem>>, vector<16xf32>,
          tpu.vector_store %arg12[%swap3A_611, %swap3A_612], %mul3A_610 {strides = array<i32>} : memref<16x2048xf32, #tpu.memory_space<vmem>>, vector<16xf32>,
          %mul3A_614 = arith.mulf %gather3A_597, %get3A_116 : vector<16xf32>
          %swap3A_615 = arith.index_cast %scan3A_101 : i32 to index
          %swap3A_616 = arith.constant 1728 : index
          %swap3A_617 = tpu.vector_load %arg12[%swap3A_615, %swap3A_616] {strides = array<i32>} : memref<16x2048xf32, #tpu.memory_space<vmem>>, vector<16xf32>,
          tpu.vector_store %arg12[%swap3A_615, %swap3A_616], %mul3A_614 {strides = array<i32>} : memref<16x2048xf32, #tpu.memory_space<vmem>>, vector<16xf32>,
          %mul3A_618 = arith.mulf %gather3A_597, %get3A_119 : vector<16xf32>
          %swap3A_619 = arith.index_cast %scan3A_101 : i32 to index
          %swap3A_620 = arith.constant 1744 : index
          %swap3A_621 = tpu.vector_load %arg12[%swap3A_619, %swap3A_620] {strides = array<i32>} : memref<16x2048xf32, #tpu.memory_space<vmem>>, vector<16xf32>,
          tpu.vector_store %arg12[%swap3A_619, %swap3A_620], %mul3A_618 {strides = array<i32>} : memref<16x2048xf32, #tpu.memory_space<vmem>>, vector<16xf32>,
          %mul3A_622 = arith.mulf %gather3A_597, %get3A_122 : vector<16xf32>
          %swap3A_623 = arith.index_cast %scan3A_101 : i32 to index
          %swap3A_624 = arith.constant 1760 : index
          %swap3A_625 = tpu.vector_load %arg12[%swap3A_623, %swap3A_624] {strides = array<i32>} : memref<16x2048xf32, #tpu.memory_space<vmem>>, vector<16xf32>,
          tpu.vector_store %arg12[%swap3A_623, %swap3A_624], %mul3A_622 {strides = array<i32>} : memref<16x2048xf32, #tpu.memory_space<vmem>>, vector<16xf32>,
          %mul3A_626 = arith.mulf %gather3A_597, %get3A_125 : vector<16xf32>
          %swap3A_627 = arith.index_cast %scan3A_101 : i32 to index
          %swap3A_628 = arith.constant 1776 : index
          %swap3A_629 = tpu.vector_load %arg12[%swap3A_627, %swap3A_628] {strides = array<i32>} : memref<16x2048xf32, #tpu.memory_space<vmem>>, vector<16xf32>,
          tpu.vector_store %arg12[%swap3A_627, %swap3A_628], %mul3A_626 {strides = array<i32>} : memref<16x2048xf32, #tpu.memory_space<vmem>>, vector<16xf32>,
          %broadcast_in_dim3A_630 = vector.broadcast %scan3A_101 : i32 to vector<16xi32>
          %broadcast_in_dim3A_631 = arith.constant 14 : i32
          %broadcast_in_dim3A_632 = vector.broadcast %broadcast_in_dim3A_631 : i32 to vector<16xi32>
          %gather3A_633 = tpu.vector_load_idx %arg11[%broadcast_in_dim3A_630, %broadcast_in_dim3A_632] : memref<16x16xf32, #tpu.memory_space<vmem>>[vector<16xi32>, vector<16xi32>], vector<16xf32>,
          %mul3A_634 = arith.mulf %gather3A_633, %get3A_104 : vector<16xf32>
          %swap3A_635 = arith.index_cast %scan3A_101 : i32 to index
          %swap3A_636 = arith.constant 1792 : index
          %swap3A_637 = tpu.vector_load %arg12[%swap3A_635, %swap3A_636] {strides = array<i32>} : memref<16x2048xf32, #tpu.memory_space<vmem>>, vector<16xf32>,
          tpu.vector_store %arg12[%swap3A_635, %swap3A_636], %mul3A_634 {strides = array<i32>} : memref<16x2048xf32, #tpu.memory_space<vmem>>, vector<16xf32>,
          %mul3A_638 = arith.mulf %gather3A_633, %get3A_107 : vector<16xf32>
          %swap3A_639 = arith.index_cast %scan3A_101 : i32 to index
          %swap3A_640 = arith.constant 1808 : index
          %swap3A_641 = tpu.vector_load %arg12[%swap3A_639, %swap3A_640] {strides = array<i32>} : memref<16x2048xf32, #tpu.memory_space<vmem>>, vector<16xf32>,
          tpu.vector_store %arg12[%swap3A_639, %swap3A_640], %mul3A_638 {strides = array<i32>} : memref<16x2048xf32, #tpu.memory_space<vmem>>, vector<16xf32>,
          %mul3A_642 = arith.mulf %gather3A_633, %get3A_110 : vector<16xf32>
          %swap3A_643 = arith.index_cast %scan3A_101 : i32 to index
          %swap3A_644 = arith.constant 1824 : index
          %swap3A_645 = tpu.vector_load %arg12[%swap3A_643, %swap3A_644] {strides = array<i32>} : memref<16x2048xf32, #tpu.memory_space<vmem>>, vector<16xf32>,
          tpu.vector_store %arg12[%swap3A_643, %swap3A_644], %mul3A_642 {strides = array<i32>} : memref<16x2048xf32, #tpu.memory_space<vmem>>, vector<16xf32>,
          %mul3A_646 = arith.mulf %gather3A_633, %get3A_113 : vector<16xf32>
          %swap3A_647 = arith.index_cast %scan3A_101 : i32 to index
          %swap3A_648 = arith.constant 1840 : index
          %swap3A_649 = tpu.vector_load %arg12[%swap3A_647, %swap3A_648] {strides = array<i32>} : memref<16x2048xf32, #tpu.memory_space<vmem>>, vector<16xf32>,
          tpu.vector_store %arg12[%swap3A_647, %swap3A_648], %mul3A_646 {strides = array<i32>} : memref<16x2048xf32, #tpu.memory_space<vmem>>, vector<16xf32>,
          %mul3A_650 = arith.mulf %gather3A_633, %get3A_116 : vector<16xf32>
          %swap3A_651 = arith.index_cast %scan3A_101 : i32 to index
          %swap3A_652 = arith.constant 1856 : index
          %swap3A_653 = tpu.vector_load %arg12[%swap3A_651, %swap3A_652] {strides = array<i32>} : memref<16x2048xf32, #tpu.memory_space<vmem>>, vector<16xf32>,
          tpu.vector_store %arg12[%swap3A_651, %swap3A_652], %mul3A_650 {strides = array<i32>} : memref<16x2048xf32, #tpu.memory_space<vmem>>, vector<16xf32>,
          %mul3A_654 = arith.mulf %gather3A_633, %get3A_119 : vector<16xf32>
          %swap3A_655 = arith.index_cast %scan3A_101 : i32 to index
          %swap3A_656 = arith.constant 1872 : index
          %swap3A_657 = tpu.vector_load %arg12[%swap3A_655, %swap3A_656] {strides = array<i32>} : memref<16x2048xf32, #tpu.memory_space<vmem>>, vector<16xf32>,
          tpu.vector_store %arg12[%swap3A_655, %swap3A_656], %mul3A_654 {strides = array<i32>} : memref<16x2048xf32, #tpu.memory_space<vmem>>, vector<16xf32>,
          %mul3A_658 = arith.mulf %gather3A_633, %get3A_122 : vector<16xf32>
          %swap3A_659 = arith.index_cast %scan3A_101 : i32 to index
          %swap3A_660 = arith.constant 1888 : index
          %swap3A_661 = tpu.vector_load %arg12[%swap3A_659, %swap3A_660] {strides = array<i32>} : memref<16x2048xf32, #tpu.memory_space<vmem>>, vector<16xf32>,
          tpu.vector_store %arg12[%swap3A_659, %swap3A_660], %mul3A_658 {strides = array<i32>} : memref<16x2048xf32, #tpu.memory_space<vmem>>, vector<16xf32>,
          %mul3A_662 = arith.mulf %gather3A_633, %get3A_125 : vector<16xf32>
          %swap3A_663 = arith.index_cast %scan3A_101 : i32 to index
          %swap3A_664 = arith.constant 1904 : index
          %swap3A_665 = tpu.vector_load %arg12[%swap3A_663, %swap3A_664] {strides = array<i32>} : memref<16x2048xf32, #tpu.memory_space<vmem>>, vector<16xf32>,
          tpu.vector_store %arg12[%swap3A_663, %swap3A_664], %mul3A_662 {strides = array<i32>} : memref<16x2048xf32, #tpu.memory_space<vmem>>, vector<16xf32>,
          %broadcast_in_dim3A_666 = vector.broadcast %scan3A_101 : i32 to vector<16xi32>
          %broadcast_in_dim3A_667 = arith.constant 15 : i32
          %broadcast_in_dim3A_668 = vector.broadcast %broadcast_in_dim3A_667 : i32 to vector<16xi32>
          %gather3A_669 = tpu.vector_load_idx %arg11[%broadcast_in_dim3A_666, %broadcast_in_dim3A_668] : memref<16x16xf32, #tpu.memory_space<vmem>>[vector<16xi32>, vector<16xi32>], vector<16xf32>,
          %mul3A_670 = arith.mulf %gather3A_669, %get3A_104 : vector<16xf32>
          %swap3A_671 = arith.index_cast %scan3A_101 : i32 to index
          %swap3A_672 = arith.constant 1920 : index
          %swap3A_673 = tpu.vector_load %arg12[%swap3A_671, %swap3A_672] {strides = array<i32>} : memref<16x2048xf32, #tpu.memory_space<vmem>>, vector<16xf32>,
          tpu.vector_store %arg12[%swap3A_671, %swap3A_672], %mul3A_670 {strides = array<i32>} : memref<16x2048xf32, #tpu.memory_space<vmem>>, vector<16xf32>,
          %mul3A_674 = arith.mulf %gather3A_669, %get3A_107 : vector<16xf32>
          %swap3A_675 = arith.index_cast %scan3A_101 : i32 to index
          %swap3A_676 = arith.constant 1936 : index
          %swap3A_677 = tpu.vector_load %arg12[%swap3A_675, %swap3A_676] {strides = array<i32>} : memref<16x2048xf32, #tpu.memory_space<vmem>>, vector<16xf32>,
          tpu.vector_store %arg12[%swap3A_675, %swap3A_676], %mul3A_674 {strides = array<i32>} : memref<16x2048xf32, #tpu.memory_space<vmem>>, vector<16xf32>,
          %mul3A_678 = arith.mulf %gather3A_669, %get3A_110 : vector<16xf32>
          %swap3A_679 = arith.index_cast %scan3A_101 : i32 to index
          %swap3A_680 = arith.constant 1952 : index
          %swap3A_681 = tpu.vector_load %arg12[%swap3A_679, %swap3A_680] {strides = array<i32>} : memref<16x2048xf32, #tpu.memory_space<vmem>>, vector<16xf32>,
          tpu.vector_store %arg12[%swap3A_679, %swap3A_680], %mul3A_678 {strides = array<i32>} : memref<16x2048xf32, #tpu.memory_space<vmem>>, vector<16xf32>,
          %mul3A_682 = arith.mulf %gather3A_669, %get3A_113 : vector<16xf32>
          %swap3A_683 = arith.index_cast %scan3A_101 : i32 to index
          %swap3A_684 = arith.constant 1968 : index
          %swap3A_685 = tpu.vector_load %arg12[%swap3A_683, %swap3A_684] {strides = array<i32>} : memref<16x2048xf32, #tpu.memory_space<vmem>>, vector<16xf32>,
          tpu.vector_store %arg12[%swap3A_683, %swap3A_684], %mul3A_682 {strides = array<i32>} : memref<16x2048xf32, #tpu.memory_space<vmem>>, vector<16xf32>,
          %mul3A_686 = arith.mulf %gather3A_669, %get3A_116 : vector<16xf32>
          %swap3A_687 = arith.index_cast %scan3A_101 : i32 to index
          %swap3A_688 = arith.constant 1984 : index
          %swap3A_689 = tpu.vector_load %arg12[%swap3A_687, %swap3A_688] {strides = array<i32>} : memref<16x2048xf32, #tpu.memory_space<vmem>>, vector<16xf32>,
          tpu.vector_store %arg12[%swap3A_687, %swap3A_688], %mul3A_686 {strides = array<i32>} : memref<16x2048xf32, #tpu.memory_space<vmem>>, vector<16xf32>,
          %mul3A_690 = arith.mulf %gather3A_669, %get3A_119 : vector<16xf32>
          %swap3A_691 = arith.index_cast %scan3A_101 : i32 to index
          %swap3A_692 = arith.constant 2000 : index
          %swap3A_693 = tpu.vector_load %arg12[%swap3A_691, %swap3A_692] {strides = array<i32>} : memref<16x2048xf32, #tpu.memory_space<vmem>>, vector<16xf32>,
          tpu.vector_store %arg12[%swap3A_691, %swap3A_692], %mul3A_690 {strides = array<i32>} : memref<16x2048xf32, #tpu.memory_space<vmem>>, vector<16xf32>,
          %mul3A_694 = arith.mulf %gather3A_669, %get3A_122 : vector<16xf32>
          %swap3A_695 = arith.index_cast %scan3A_101 : i32 to index
          %swap3A_696 = arith.constant 2016 : index
          %swap3A_697 = tpu.vector_load %arg12[%swap3A_695, %swap3A_696] {strides = array<i32>} : memref<16x2048xf32, #tpu.memory_space<vmem>>, vector<16xf32>,
          tpu.vector_store %arg12[%swap3A_695, %swap3A_696], %mul3A_694 {strides = array<i32>} : memref<16x2048xf32, #tpu.memory_space<vmem>>, vector<16xf32>,
          %mul3A_698 = arith.mulf %gather3A_669, %get3A_125 : vector<16xf32>
          %swap3A_699 = arith.index_cast %scan3A_101 : i32 to index
          %swap3A_700 = arith.constant 2032 : index
          %swap3A_701 = tpu.vector_load %arg12[%swap3A_699, %swap3A_700] {strides = array<i32>} : memref<16x2048xf32, #tpu.memory_space<vmem>>, vector<16xf32>,
          tpu.vector_store %arg12[%swap3A_699, %swap3A_700], %mul3A_698 {strides = array<i32>} : memref<16x2048xf32, #tpu.memory_space<vmem>>, vector<16xf32>,
        }
        %scan3A_100 = arith.constant 16 : i32
        "tpu.region"() ({
          %run_scoped3A = tpu.sem_alloc : memref<!tpu.dma_semaphore, #tpu.memory_space<semaphore_mem>>
          %dma_start3A_101 = arith.constant 0 : i32
          %dma_start3A_102 = arith.constant 0 : i32
          %dma_start3A_103 = tpu.memref_slice %arg14[%dma_start3A_101, %dma_start3A_102] : memref<256x2048xf32, #tpu.memory_space<vmem_shared>> -> memref<256x2048xf32, #tpu.memory_space<vmem_shared>>
          tpu.enqueue_indirect_dma source(%arg12 : memref<16x2048xf32, #tpu.memory_space<vmem>>) target(%dma_start3A_103 : memref<256x2048xf32, #tpu.memory_space<vmem_shared>>) offsets(%sub3A_84 : vector<16xi32>) semaphore(%run_scoped3A : memref<!tpu.dma_semaphore, #tpu.memory_space<semaphore_mem>>) {add = true}
          %dma_wait3A_104 = arith.constant 0 : i32
          %dma_wait3A_105 = arith.constant 0 : i32
          %dma_wait3A_106 = tpu.memref_slice %arg14[%dma_wait3A_104, %dma_wait3A_105] : memref<256x2048xf32, #tpu.memory_space<vmem_shared>> -> memref<256x2048xf32, #tpu.memory_space<vmem_shared>>
          tpu.wait_indirect_dma semaphore(%run_scoped3A : memref<!tpu.dma_semaphore, #tpu.memory_space<semaphore_mem>>) src(%arg12 : memref<16x2048xf32, #tpu.memory_space<vmem>>) dst(%dma_wait3A_106 : memref<256x2048xf32, #tpu.memory_space<vmem_shared>>)
          tpu.yield
        }) : () -> ()
      }
      %while3A_67 = arith.constant 1 : i32
      scf.for %while3A_74 = %while3A_65 to %while3A_61 step %while3A_67  : i32 {
        %mul3A_75 = arith.constant 16 : i32
        %mul3A_76 = arith.muli %while3A_74, %mul3A_75 : i32
        %get3A = arith.index_cast %mul3A_76 : i32 to index
        %get3A_77 = tpu.vector_load %arg9[%get3A] {strides = array<i32>} : memref<10256xi32, #tpu.memory_space<vmem>>, vector<16xi32>,
        %sub3A_78 = vector.broadcast %mul3A_0 : i32 to vector<16xi32>
        %sub3A_79 = arith.subi %get3A_77, %sub3A_78 : vector<16xi32>
        %min3A = arith.constant 10240 : i32
        %min3A_80 = vector.broadcast %min3A : i32 to vector<16xi32>
        %min3A_81 = arith.minsi %sub3A_79, %min3A_80 : vector<16xi32>
        %gather3A = tpu.vector_load_idx %arg7[%min3A_81] : memref<10256xi32, #tpu.memory_space<vmem>>[vector<16xi32>], vector<16xi32>,
        %gather3A_82 = tpu.vector_load_idx %arg8[%min3A_81] : memref<10256xi32, #tpu.memory_space<vmem>>[vector<16xi32>], vector<16xi32>,
        %sub3A_83 = vector.broadcast %mul3A_18 : i32 to vector<16xi32>
        %sub3A_84 = arith.subi %gather3A_82, %sub3A_83 : vector<16xi32>
        %dma_start3A = arith.constant 0 : i32
        %dma_start3A_85 = arith.constant 0 : i32
        %dma_start3A_86 = tpu.memref_slice %arg2[%dma_start3A, %dma_start3A_85] : memref<10240x128xf32, #tpu.memory_space<hbm>> -> memref<10240x128xf32, #tpu.memory_space<hbm>>
        tpu.enqueue_indirect_dma source(%dma_start3A_86 : memref<10240x128xf32, #tpu.memory_space<hbm>>) target(%arg10 : memref<16x128xf32, #tpu.memory_space<vmem>>) offsets(%gather3A : vector<16xi32>) semaphore(%arg15 : memref<!tpu.dma_semaphore, #tpu.memory_space<semaphore_mem>>)
        %dma_start3A_87 = arith.constant 0 : i32
        %dma_start3A_88 = arith.constant 0 : i32
        %dma_start3A_89 = tpu.memref_slice %arg5[%dma_start3A_87, %dma_start3A_88] : memref<163856x16xf32, #tpu.memory_space<hbm>> -> memref<163856x16xf32, #tpu.memory_space<hbm>>
        tpu.enqueue_indirect_dma source(%dma_start3A_89 : memref<163856x16xf32, #tpu.memory_space<hbm>>) target(%arg11 : memref<16x16xf32, #tpu.memory_space<vmem>>) offsets(%get3A_77 : vector<16xi32>) semaphore(%arg16 : memref<!tpu.dma_semaphore, #tpu.memory_space<semaphore_mem>>)
        %dma_wait3A = arith.constant 0 : i32
        %dma_wait3A_90 = arith.constant 0 : i32
        %dma_wait3A_91 = tpu.memref_slice %arg2[%dma_wait3A, %dma_wait3A_90] : memref<10240x128xf32, #tpu.memory_space<hbm>> -> memref<10240x128xf32, #tpu.memory_space<hbm>>
        tpu.wait_indirect_dma semaphore(%arg15 : memref<!tpu.dma_semaphore, #tpu.memory_space<semaphore_mem>>) src(%dma_wait3A_91 : memref<10240x128xf32, #tpu.memory_space<hbm>>) dst(%arg10 : memref<16x128xf32, #tpu.memory_space<vmem>>)
        %dma_wait3A_92 = arith.constant 0 : i32
        %dma_wait3A_93 = arith.constant 0 : i32
        %dma_wait3A_94 = tpu.memref_slice %arg5[%dma_wait3A_92, %dma_wait3A_93] : memref<163856x16xf32, #tpu.memory_space<hbm>> -> memref<163856x16xf32, #tpu.memory_space<hbm>>
        tpu.wait_indirect_dma semaphore(%arg16 : memref<!tpu.dma_semaphore, #tpu.memory_space<semaphore_mem>>) src(%dma_wait3A_94 : memref<163856x16xf32, #tpu.memory_space<hbm>>) dst(%arg11 : memref<16x16xf32, #tpu.memory_space<vmem>>)
        %scan3A_95 = arith.constant 0 : i32
        %scan3A_96 = arith.constant 0 : i32
        %scan3A_97 = arith.constant 16 : i32
        %scan3A_98 = arith.addi %scan3A_96, %scan3A_97 : i32
        %scan3A_99 = arith.constant 1 : i32
        scf.for %scan3A_101 = %scan3A_96 to %scan3A_98 step %scan3A_99  : i32 {
          %get3A_102 = arith.index_cast %scan3A_101 : i32 to index
          %get3A_103 = arith.constant 0 : index
          %get3A_104 = tpu.vector_load %arg10[%get3A_102, %get3A_103] {strides = array<i32>} : memref<16x128xf32, #tpu.memory_space<vmem>>, vector<16xf32>,
          %get3A_105 = arith.index_cast %scan3A_101 : i32 to index
          %get3A_106 = arith.constant 16 : index
          %get3A_107 = tpu.vector_load %arg10[%get3A_105, %get3A_106] {strides = array<i32>} : memref<16x128xf32, #tpu.memory_space<vmem>>, vector<16xf32>,
          %get3A_108 = arith.index_cast %scan3A_101 : i32 to index
          %get3A_109 = arith.constant 32 : index
          %get3A_110 = tpu.vector_load %arg10[%get3A_108, %get3A_109] {strides = array<i32>} : memref<16x128xf32, #tpu.memory_space<vmem>>, vector<16xf32>,
          %get3A_111 = arith.index_cast %scan3A_101 : i32 to index
          %get3A_112 = arith.constant 48 : index
          %get3A_113 = tpu.vector_load %arg10[%get3A_111, %get3A_112] {strides = array<i32>} : memref<16x128xf32, #tpu.memory_space<vmem>>, vector<16xf32>,
          %get3A_114 = arith.index_cast %scan3A_101 : i32 to index
          %get3A_115 = arith.constant 64 : index
          %get3A_116 = tpu.vector_load %arg10[%get3A_114, %get3A_115] {strides = array<i32>} : memref<16x128xf32, #tpu.memory_space<vmem>>, vector<16xf32>,
          %get3A_117 = arith.index_cast %scan3A_101 : i32 to index
          %get3A_118 = arith.constant 80 : index
          %get3A_119 = tpu.vector_load %arg10[%get3A_117, %get3A_118] {strides = array<i32>} : memref<16x128xf32, #tpu.memory_space<vmem>>, vector<16xf32>,
          %get3A_120 = arith.index_cast %scan3A_101 : i32 to index
          %get3A_121 = arith.constant 96 : index
          %get3A_122 = tpu.vector_load %arg10[%get3A_120, %get3A_121] {strides = array<i32>} : memref<16x128xf32, #tpu.memory_space<vmem>>, vector<16xf32>,
          %get3A_123 = arith.index_cast %scan3A_101 : i32 to index
          %get3A_124 = arith.constant 112 : index
          %get3A_125 = tpu.vector_load %arg10[%get3A_123, %get3A_124] {strides = array<i32>} : memref<16x128xf32, #tpu.memory_space<vmem>>, vector<16xf32>,
          %broadcast_in_dim3A_126 = vector.broadcast %scan3A_101 : i32 to vector<16xi32>
          %broadcast_in_dim3A_127 = arith.constant 0 : i32
          %broadcast_in_dim3A_128 = vector.broadcast %broadcast_in_dim3A_127 : i32 to vector<16xi32>
          %gather3A_129 = tpu.vector_load_idx %arg11[%broadcast_in_dim3A_126, %broadcast_in_dim3A_128] : memref<16x16xf32, #tpu.memory_space<vmem>>[vector<16xi32>, vector<16xi32>], vector<16xf32>,
          %mul3A_130 = arith.mulf %gather3A_129, %get3A_104 : vector<16xf32>
          %swap3A_131 = arith.index_cast %scan3A_101 : i32 to index
          %swap3A_132 = arith.constant 0 : index
          %swap3A_133 = tpu.vector_load %arg12[%swap3A_131, %swap3A_132] {strides = array<i32>} : memref<16x2048xf32, #tpu.memory_space<vmem>>, vector<16xf32>,
          tpu.vector_store %arg12[%swap3A_131, %swap3A_132], %mul3A_130 {strides = array<i32>} : memref<16x2048xf32, #tpu.memory_space<vmem>>, vector<16xf32>,
          %mul3A_134 = arith.mulf %gather3A_129, %get3A_107 : vector<16xf32>
          %swap3A_135 = arith.index_cast %scan3A_101 : i32 to index
          %swap3A_136 = arith.constant 16 : index
          %swap3A_137 = tpu.vector_load %arg12[%swap3A_135, %swap3A_136] {strides = array<i32>} : memref<16x2048xf32, #tpu.memory_space<vmem>>, vector<16xf32>,
          tpu.vector_store %arg12[%swap3A_135, %swap3A_136], %mul3A_134 {strides = array<i32>} : memref<16x2048xf32, #tpu.memory_space<vmem>>, vector<16xf32>,
          %mul3A_138 = arith.mulf %gather3A_129, %get3A_110 : vector<16xf32>
          %swap3A_139 = arith.index_cast %scan3A_101 : i32 to index
          %swap3A_140 = arith.constant 32 : index
          %swap3A_141 = tpu.vector_load %arg12[%swap3A_139, %swap3A_140] {strides = array<i32>} : memref<16x2048xf32, #tpu.memory_space<vmem>>, vector<16xf32>,
          tpu.vector_store %arg12[%swap3A_139, %swap3A_140], %mul3A_138 {strides = array<i32>} : memref<16x2048xf32, #tpu.memory_space<vmem>>, vector<16xf32>,
          %mul3A_142 = arith.mulf %gather3A_129, %get3A_113 : vector<16xf32>
          %swap3A_143 = arith.index_cast %scan3A_101 : i32 to index
          %swap3A_144 = arith.constant 48 : index
          %swap3A_145 = tpu.vector_load %arg12[%swap3A_143, %swap3A_144] {strides = array<i32>} : memref<16x2048xf32, #tpu.memory_space<vmem>>, vector<16xf32>,
          tpu.vector_store %arg12[%swap3A_143, %swap3A_144], %mul3A_142 {strides = array<i32>} : memref<16x2048xf32, #tpu.memory_space<vmem>>, vector<16xf32>,
          %mul3A_146 = arith.mulf %gather3A_129, %get3A_116 : vector<16xf32>
          %swap3A_147 = arith.index_cast %scan3A_101 : i32 to index
          %swap3A_148 = arith.constant 64 : index
          %swap3A_149 = tpu.vector_load %arg12[%swap3A_147, %swap3A_148] {strides = array<i32>} : memref<16x2048xf32, #tpu.memory_space<vmem>>, vector<16xf32>,
          tpu.vector_store %arg12[%swap3A_147, %swap3A_148], %mul3A_146 {strides = array<i32>} : memref<16x2048xf32, #tpu.memory_space<vmem>>, vector<16xf32>,
          %mul3A_150 = arith.mulf %gather3A_129, %get3A_119 : vector<16xf32>
          %swap3A_151 = arith.index_cast %scan3A_101 : i32 to index
          %swap3A_152 = arith.constant 80 : index
          %swap3A_153 = tpu.vector_load %arg12[%swap3A_151, %swap3A_152] {strides = array<i32>} : memref<16x2048xf32, #tpu.memory_space<vmem>>, vector<16xf32>,
          tpu.vector_store %arg12[%swap3A_151, %swap3A_152], %mul3A_150 {strides = array<i32>} : memref<16x2048xf32, #tpu.memory_space<vmem>>, vector<16xf32>,
          %mul3A_154 = arith.mulf %gather3A_129, %get3A_122 : vector<16xf32>
          %swap3A_155 = arith.index_cast %scan3A_101 : i32 to index
          %swap3A_156 = arith.constant 96 : index
          %swap3A_157 = tpu.vector_load %arg12[%swap3A_155, %swap3A_156] {strides = array<i32>} : memref<16x2048xf32, #tpu.memory_space<vmem>>, vector<16xf32>,
          tpu.vector_store %arg12[%swap3A_155, %swap3A_156], %mul3A_154 {strides = array<i32>} : memref<16x2048xf32, #tpu.memory_space<vmem>>, vector<16xf32>,
          %mul3A_158 = arith.mulf %gather3A_129, %get3A_125 : vector<16xf32>
          %swap3A_159 = arith.index_cast %scan3A_101 : i32 to index
          %swap3A_160 = arith.constant 112 : index
          %swap3A_161 = tpu.vector_load %arg12[%swap3A_159, %swap3A_160] {strides = array<i32>} : memref<16x2048xf32, #tpu.memory_space<vmem>>, vector<16xf32>,
          tpu.vector_store %arg12[%swap3A_159, %swap3A_160], %mul3A_158 {strides = array<i32>} : memref<16x2048xf32, #tpu.memory_space<vmem>>, vector<16xf32>,
          %broadcast_in_dim3A_162 = vector.broadcast %scan3A_101 : i32 to vector<16xi32>
          %broadcast_in_dim3A_163 = arith.constant 1 : i32
          %broadcast_in_dim3A_164 = vector.broadcast %broadcast_in_dim3A_163 : i32 to vector<16xi32>
          %gather3A_165 = tpu.vector_load_idx %arg11[%broadcast_in_dim3A_162, %broadcast_in_dim3A_164] : memref<16x16xf32, #tpu.memory_space<vmem>>[vector<16xi32>, vector<16xi32>], vector<16xf32>,
          %mul3A_166 = arith.mulf %gather3A_165, %get3A_104 : vector<16xf32>
          %swap3A_167 = arith.index_cast %scan3A_101 : i32 to index
          %swap3A_168 = arith.constant 128 : index
          %swap3A_169 = tpu.vector_load %arg12[%swap3A_167, %swap3A_168] {strides = array<i32>} : memref<16x2048xf32, #tpu.memory_space<vmem>>, vector<16xf32>,
          tpu.vector_store %arg12[%swap3A_167, %swap3A_168], %mul3A_166 {strides = array<i32>} : memref<16x2048xf32, #tpu.memory_space<vmem>>, vector<16xf32>,
          %mul3A_170 = arith.mulf %gather3A_165, %get3A_107 : vector<16xf32>
          %swap3A_171 = arith.index_cast %scan3A_101 : i32 to index
          %swap3A_172 = arith.constant 144 : index
          %swap3A_173 = tpu.vector_load %arg12[%swap3A_171, %swap3A_172] {strides = array<i32>} : memref<16x2048xf32, #tpu.memory_space<vmem>>, vector<16xf32>,
          tpu.vector_store %arg12[%swap3A_171, %swap3A_172], %mul3A_170 {strides = array<i32>} : memref<16x2048xf32, #tpu.memory_space<vmem>>, vector<16xf32>,
          %mul3A_174 = arith.mulf %gather3A_165, %get3A_110 : vector<16xf32>
          %swap3A_175 = arith.index_cast %scan3A_101 : i32 to index
          %swap3A_176 = arith.constant 160 : index
          %swap3A_177 = tpu.vector_load %arg12[%swap3A_175, %swap3A_176] {strides = array<i32>} : memref<16x2048xf32, #tpu.memory_space<vmem>>, vector<16xf32>,
          tpu.vector_store %arg12[%swap3A_175, %swap3A_176], %mul3A_174 {strides = array<i32>} : memref<16x2048xf32, #tpu.memory_space<vmem>>, vector<16xf32>,
          %mul3A_178 = arith.mulf %gather3A_165, %get3A_113 : vector<16xf32>
          %swap3A_179 = arith.index_cast %scan3A_101 : i32 to index
          %swap3A_180 = arith.constant 176 : index
          %swap3A_181 = tpu.vector_load %arg12[%swap3A_179, %swap3A_180] {strides = array<i32>} : memref<16x2048xf32, #tpu.memory_space<vmem>>, vector<16xf32>,
          tpu.vector_store %arg12[%swap3A_179, %swap3A_180], %mul3A_178 {strides = array<i32>} : memref<16x2048xf32, #tpu.memory_space<vmem>>, vector<16xf32>,
          %mul3A_182 = arith.mulf %gather3A_165, %get3A_116 : vector<16xf32>
          %swap3A_183 = arith.index_cast %scan3A_101 : i32 to index
          %swap3A_184 = arith.constant 192 : index
          %swap3A_185 = tpu.vector_load %arg12[%swap3A_183, %swap3A_184] {strides = array<i32>} : memref<16x2048xf32, #tpu.memory_space<vmem>>, vector<16xf32>,
          tpu.vector_store %arg12[%swap3A_183, %swap3A_184], %mul3A_182 {strides = array<i32>} : memref<16x2048xf32, #tpu.memory_space<vmem>>, vector<16xf32>,
          %mul3A_186 = arith.mulf %gather3A_165, %get3A_119 : vector<16xf32>
          %swap3A_187 = arith.index_cast %scan3A_101 : i32 to index
          %swap3A_188 = arith.constant 208 : index
          %swap3A_189 = tpu.vector_load %arg12[%swap3A_187, %swap3A_188] {strides = array<i32>} : memref<16x2048xf32, #tpu.memory_space<vmem>>, vector<16xf32>,
          tpu.vector_store %arg12[%swap3A_187, %swap3A_188], %mul3A_186 {strides = array<i32>} : memref<16x2048xf32, #tpu.memory_space<vmem>>, vector<16xf32>,
          %mul3A_190 = arith.mulf %gather3A_165, %get3A_122 : vector<16xf32>
          %swap3A_191 = arith.index_cast %scan3A_101 : i32 to index
          %swap3A_192 = arith.constant 224 : index
          %swap3A_193 = tpu.vector_load %arg12[%swap3A_191, %swap3A_192] {strides = array<i32>} : memref<16x2048xf32, #tpu.memory_space<vmem>>, vector<16xf32>,
          tpu.vector_store %arg12[%swap3A_191, %swap3A_192], %mul3A_190 {strides = array<i32>} : memref<16x2048xf32, #tpu.memory_space<vmem>>, vector<16xf32>,
          %mul3A_194 = arith.mulf %gather3A_165, %get3A_125 : vector<16xf32>
          %swap3A_195 = arith.index_cast %scan3A_101 : i32 to index
          %swap3A_196 = arith.constant 240 : index
          %swap3A_197 = tpu.vector_load %arg12[%swap3A_195, %swap3A_196] {strides = array<i32>} : memref<16x2048xf32, #tpu.memory_space<vmem>>, vector<16xf32>,
          tpu.vector_store %arg12[%swap3A_195, %swap3A_196], %mul3A_194 {strides = array<i32>} : memref<16x2048xf32, #tpu.memory_space<vmem>>, vector<16xf32>,
          %broadcast_in_dim3A_198 = vector.broadcast %scan3A_101 : i32 to vector<16xi32>
          %broadcast_in_dim3A_199 = arith.constant 2 : i32
          %broadcast_in_dim3A_200 = vector.broadcast %broadcast_in_dim3A_199 : i32 to vector<16xi32>
          %gather3A_201 = tpu.vector_load_idx %arg11[%broadcast_in_dim3A_198, %broadcast_in_dim3A_200] : memref<16x16xf32, #tpu.memory_space<vmem>>[vector<16xi32>, vector<16xi32>], vector<16xf32>,
          %mul3A_202 = arith.mulf %gather3A_201, %get3A_104 : vector<16xf32>
          %swap3A_203 = arith.index_cast %scan3A_101 : i32 to index
          %swap3A_204 = arith.constant 256 : index
          %swap3A_205 = tpu.vector_load %arg12[%swap3A_203, %swap3A_204] {strides = array<i32>} : memref<16x2048xf32, #tpu.memory_space<vmem>>, vector<16xf32>,
          tpu.vector_store %arg12[%swap3A_203, %swap3A_204], %mul3A_202 {strides = array<i32>} : memref<16x2048xf32, #tpu.memory_space<vmem>>, vector<16xf32>,
          %mul3A_206 = arith.mulf %gather3A_201, %get3A_107 : vector<16xf32>
          %swap3A_207 = arith.index_cast %scan3A_101 : i32 to index
          %swap3A_208 = arith.constant 272 : index
          %swap3A_209 = tpu.vector_load %arg12[%swap3A_207, %swap3A_208] {strides = array<i32>} : memref<16x2048xf32, #tpu.memory_space<vmem>>, vector<16xf32>,
          tpu.vector_store %arg12[%swap3A_207, %swap3A_208], %mul3A_206 {strides = array<i32>} : memref<16x2048xf32, #tpu.memory_space<vmem>>, vector<16xf32>,
          %mul3A_210 = arith.mulf %gather3A_201, %get3A_110 : vector<16xf32>
          %swap3A_211 = arith.index_cast %scan3A_101 : i32 to index
          %swap3A_212 = arith.constant 288 : index
          %swap3A_213 = tpu.vector_load %arg12[%swap3A_211, %swap3A_212] {strides = array<i32>} : memref<16x2048xf32, #tpu.memory_space<vmem>>, vector<16xf32>,
          tpu.vector_store %arg12[%swap3A_211, %swap3A_212], %mul3A_210 {strides = array<i32>} : memref<16x2048xf32, #tpu.memory_space<vmem>>, vector<16xf32>,
          %mul3A_214 = arith.mulf %gather3A_201, %get3A_113 : vector<16xf32>
          %swap3A_215 = arith.index_cast %scan3A_101 : i32 to index
          %swap3A_216 = arith.constant 304 : index
          %swap3A_217 = tpu.vector_load %arg12[%swap3A_215, %swap3A_216] {strides = array<i32>} : memref<16x2048xf32, #tpu.memory_space<vmem>>, vector<16xf32>,
          tpu.vector_store %arg12[%swap3A_215, %swap3A_216], %mul3A_214 {strides = array<i32>} : memref<16x2048xf32, #tpu.memory_space<vmem>>, vector<16xf32>,
          %mul3A_218 = arith.mulf %gather3A_201, %get3A_116 : vector<16xf32>
          %swap3A_219 = arith.index_cast %scan3A_101 : i32 to index
          %swap3A_220 = arith.constant 320 : index
          %swap3A_221 = tpu.vector_load %arg12[%swap3A_219, %swap3A_220] {strides = array<i32>} : memref<16x2048xf32, #tpu.memory_space<vmem>>, vector<16xf32>,
          tpu.vector_store %arg12[%swap3A_219, %swap3A_220], %mul3A_218 {strides = array<i32>} : memref<16x2048xf32, #tpu.memory_space<vmem>>, vector<16xf32>,
          %mul3A_222 = arith.mulf %gather3A_201, %get3A_119 : vector<16xf32>
          %swap3A_223 = arith.index_cast %scan3A_101 : i32 to index
          %swap3A_224 = arith.constant 336 : index
          %swap3A_225 = tpu.vector_load %arg12[%swap3A_223, %swap3A_224] {strides = array<i32>} : memref<16x2048xf32, #tpu.memory_space<vmem>>, vector<16xf32>,
          tpu.vector_store %arg12[%swap3A_223, %swap3A_224], %mul3A_222 {strides = array<i32>} : memref<16x2048xf32, #tpu.memory_space<vmem>>, vector<16xf32>,
          %mul3A_226 = arith.mulf %gather3A_201, %get3A_122 : vector<16xf32>
          %swap3A_227 = arith.index_cast %scan3A_101 : i32 to index
          %swap3A_228 = arith.constant 352 : index
          %swap3A_229 = tpu.vector_load %arg12[%swap3A_227, %swap3A_228] {strides = array<i32>} : memref<16x2048xf32, #tpu.memory_space<vmem>>, vector<16xf32>,
          tpu.vector_store %arg12[%swap3A_227, %swap3A_228], %mul3A_226 {strides = array<i32>} : memref<16x2048xf32, #tpu.memory_space<vmem>>, vector<16xf32>,
          %mul3A_230 = arith.mulf %gather3A_201, %get3A_125 : vector<16xf32>
          %swap3A_231 = arith.index_cast %scan3A_101 : i32 to index
          %swap3A_232 = arith.constant 368 : index
          %swap3A_233 = tpu.vector_load %arg12[%swap3A_231, %swap3A_232] {strides = array<i32>} : memref<16x2048xf32, #tpu.memory_space<vmem>>, vector<16xf32>,
          tpu.vector_store %arg12[%swap3A_231, %swap3A_232], %mul3A_230 {strides = array<i32>} : memref<16x2048xf32, #tpu.memory_space<vmem>>, vector<16xf32>,
          %broadcast_in_dim3A_234 = vector.broadcast %scan3A_101 : i32 to vector<16xi32>
          %broadcast_in_dim3A_235 = arith.constant 3 : i32
          %broadcast_in_dim3A_236 = vector.broadcast %broadcast_in_dim3A_235 : i32 to vector<16xi32>
          %gather3A_237 = tpu.vector_load_idx %arg11[%broadcast_in_dim3A_234, %broadcast_in_dim3A_236] : memref<16x16xf32, #tpu.memory_space<vmem>>[vector<16xi32>, vector<16xi32>], vector<16xf32>,
          %mul3A_238 = arith.mulf %gather3A_237, %get3A_104 : vector<16xf32>
          %swap3A_239 = arith.index_cast %scan3A_101 : i32 to index
          %swap3A_240 = arith.constant 384 : index
          %swap3A_241 = tpu.vector_load %arg12[%swap3A_239, %swap3A_240] {strides = array<i32>} : memref<16x2048xf32, #tpu.memory_space<vmem>>, vector<16xf32>,
          tpu.vector_store %arg12[%swap3A_239, %swap3A_240], %mul3A_238 {strides = array<i32>} : memref<16x2048xf32, #tpu.memory_space<vmem>>, vector<16xf32>,
          %mul3A_242 = arith.mulf %gather3A_237, %get3A_107 : vector<16xf32>
          %swap3A_243 = arith.index_cast %scan3A_101 : i32 to index
          %swap3A_244 = arith.constant 400 : index
          %swap3A_245 = tpu.vector_load %arg12[%swap3A_243, %swap3A_244] {strides = array<i32>} : memref<16x2048xf32, #tpu.memory_space<vmem>>, vector<16xf32>,
          tpu.vector_store %arg12[%swap3A_243, %swap3A_244], %mul3A_242 {strides = array<i32>} : memref<16x2048xf32, #tpu.memory_space<vmem>>, vector<16xf32>,
          %mul3A_246 = arith.mulf %gather3A_237, %get3A_110 : vector<16xf32>
          %swap3A_247 = arith.index_cast %scan3A_101 : i32 to index
          %swap3A_248 = arith.constant 416 : index
          %swap3A_249 = tpu.vector_load %arg12[%swap3A_247, %swap3A_248] {strides = array<i32>} : memref<16x2048xf32, #tpu.memory_space<vmem>>, vector<16xf32>,
          tpu.vector_store %arg12[%swap3A_247, %swap3A_248], %mul3A_246 {strides = array<i32>} : memref<16x2048xf32, #tpu.memory_space<vmem>>, vector<16xf32>,
          %mul3A_250 = arith.mulf %gather3A_237, %get3A_113 : vector<16xf32>
          %swap3A_251 = arith.index_cast %scan3A_101 : i32 to index
          %swap3A_252 = arith.constant 432 : index
          %swap3A_253 = tpu.vector_load %arg12[%swap3A_251, %swap3A_252] {strides = array<i32>} : memref<16x2048xf32, #tpu.memory_space<vmem>>, vector<16xf32>,
          tpu.vector_store %arg12[%swap3A_251, %swap3A_252], %mul3A_250 {strides = array<i32>} : memref<16x2048xf32, #tpu.memory_space<vmem>>, vector<16xf32>,
          %mul3A_254 = arith.mulf %gather3A_237, %get3A_116 : vector<16xf32>
          %swap3A_255 = arith.index_cast %scan3A_101 : i32 to index
          %swap3A_256 = arith.constant 448 : index
          %swap3A_257 = tpu.vector_load %arg12[%swap3A_255, %swap3A_256] {strides = array<i32>} : memref<16x2048xf32, #tpu.memory_space<vmem>>, vector<16xf32>,
          tpu.vector_store %arg12[%swap3A_255, %swap3A_256], %mul3A_254 {strides = array<i32>} : memref<16x2048xf32, #tpu.memory_space<vmem>>, vector<16xf32>,
          %mul3A_258 = arith.mulf %gather3A_237, %get3A_119 : vector<16xf32>
          %swap3A_259 = arith.index_cast %scan3A_101 : i32 to index
          %swap3A_260 = arith.constant 464 : index
          %swap3A_261 = tpu.vector_load %arg12[%swap3A_259, %swap3A_260] {strides = array<i32>} : memref<16x2048xf32, #tpu.memory_space<vmem>>, vector<16xf32>,
          tpu.vector_store %arg12[%swap3A_259, %swap3A_260], %mul3A_258 {strides = array<i32>} : memref<16x2048xf32, #tpu.memory_space<vmem>>, vector<16xf32>,
          %mul3A_262 = arith.mulf %gather3A_237, %get3A_122 : vector<16xf32>
          %swap3A_263 = arith.index_cast %scan3A_101 : i32 to index
          %swap3A_264 = arith.constant 480 : index
          %swap3A_265 = tpu.vector_load %arg12[%swap3A_263, %swap3A_264] {strides = array<i32>} : memref<16x2048xf32, #tpu.memory_space<vmem>>, vector<16xf32>,
          tpu.vector_store %arg12[%swap3A_263, %swap3A_264], %mul3A_262 {strides = array<i32>} : memref<16x2048xf32, #tpu.memory_space<vmem>>, vector<16xf32>,
          %mul3A_266 = arith.mulf %gather3A_237, %get3A_125 : vector<16xf32>
          %swap3A_267 = arith.index_cast %scan3A_101 : i32 to index
          %swap3A_268 = arith.constant 496 : index
          %swap3A_269 = tpu.vector_load %arg12[%swap3A_267, %swap3A_268] {strides = array<i32>} : memref<16x2048xf32, #tpu.memory_space<vmem>>, vector<16xf32>,
          tpu.vector_store %arg12[%swap3A_267, %swap3A_268], %mul3A_266 {strides = array<i32>} : memref<16x2048xf32, #tpu.memory_space<vmem>>, vector<16xf32>,
          %broadcast_in_dim3A_270 = vector.broadcast %scan3A_101 : i32 to vector<16xi32>
          %broadcast_in_dim3A_271 = arith.constant 4 : i32
          %broadcast_in_dim3A_272 = vector.broadcast %broadcast_in_dim3A_271 : i32 to vector<16xi32>
          %gather3A_273 = tpu.vector_load_idx %arg11[%broadcast_in_dim3A_270, %broadcast_in_dim3A_272] : memref<16x16xf32, #tpu.memory_space<vmem>>[vector<16xi32>, vector<16xi32>], vector<16xf32>,
          %mul3A_274 = arith.mulf %gather3A_273, %get3A_104 : vector<16xf32>
          %swap3A_275 = arith.index_cast %scan3A_101 : i32 to index
          %swap3A_276 = arith.constant 512 : index
          %swap3A_277 = tpu.vector_load %arg12[%swap3A_275, %swap3A_276] {strides = array<i32>} : memref<16x2048xf32, #tpu.memory_space<vmem>>, vector<16xf32>,
          tpu.vector_store %arg12[%swap3A_275, %swap3A_276], %mul3A_274 {strides = array<i32>} : memref<16x2048xf32, #tpu.memory_space<vmem>>, vector<16xf32>,
          %mul3A_278 = arith.mulf %gather3A_273, %get3A_107 : vector<16xf32>
          %swap3A_279 = arith.index_cast %scan3A_101 : i32 to index
          %swap3A_280 = arith.constant 528 : index
          %swap3A_281 = tpu.vector_load %arg12[%swap3A_279, %swap3A_280] {strides = array<i32>} : memref<16x2048xf32, #tpu.memory_space<vmem>>, vector<16xf32>,
          tpu.vector_store %arg12[%swap3A_279, %swap3A_280], %mul3A_278 {strides = array<i32>} : memref<16x2048xf32, #tpu.memory_space<vmem>>, vector<16xf32>,
          %mul3A_282 = arith.mulf %gather3A_273, %get3A_110 : vector<16xf32>
          %swap3A_283 = arith.index_cast %scan3A_101 : i32 to index
          %swap3A_284 = arith.constant 544 : index
          %swap3A_285 = tpu.vector_load %arg12[%swap3A_283, %swap3A_284] {strides = array<i32>} : memref<16x2048xf32, #tpu.memory_space<vmem>>, vector<16xf32>,
          tpu.vector_store %arg12[%swap3A_283, %swap3A_284], %mul3A_282 {strides = array<i32>} : memref<16x2048xf32, #tpu.memory_space<vmem>>, vector<16xf32>,
          %mul3A_286 = arith.mulf %gather3A_273, %get3A_113 : vector<16xf32>
          %swap3A_287 = arith.index_cast %scan3A_101 : i32 to index
          %swap3A_288 = arith.constant 560 : index
          %swap3A_289 = tpu.vector_load %arg12[%swap3A_287, %swap3A_288] {strides = array<i32>} : memref<16x2048xf32, #tpu.memory_space<vmem>>, vector<16xf32>,
          tpu.vector_store %arg12[%swap3A_287, %swap3A_288], %mul3A_286 {strides = array<i32>} : memref<16x2048xf32, #tpu.memory_space<vmem>>, vector<16xf32>,
          %mul3A_290 = arith.mulf %gather3A_273, %get3A_116 : vector<16xf32>
          %swap3A_291 = arith.index_cast %scan3A_101 : i32 to index
          %swap3A_292 = arith.constant 576 : index
          %swap3A_293 = tpu.vector_load %arg12[%swap3A_291, %swap3A_292] {strides = array<i32>} : memref<16x2048xf32, #tpu.memory_space<vmem>>, vector<16xf32>,
          tpu.vector_store %arg12[%swap3A_291, %swap3A_292], %mul3A_290 {strides = array<i32>} : memref<16x2048xf32, #tpu.memory_space<vmem>>, vector<16xf32>,
          %mul3A_294 = arith.mulf %gather3A_273, %get3A_119 : vector<16xf32>
          %swap3A_295 = arith.index_cast %scan3A_101 : i32 to index
          %swap3A_296 = arith.constant 592 : index
          %swap3A_297 = tpu.vector_load %arg12[%swap3A_295, %swap3A_296] {strides = array<i32>} : memref<16x2048xf32, #tpu.memory_space<vmem>>, vector<16xf32>,
          tpu.vector_store %arg12[%swap3A_295, %swap3A_296], %mul3A_294 {strides = array<i32>} : memref<16x2048xf32, #tpu.memory_space<vmem>>, vector<16xf32>,
          %mul3A_298 = arith.mulf %gather3A_273, %get3A_122 : vector<16xf32>
          %swap3A_299 = arith.index_cast %scan3A_101 : i32 to index
          %swap3A_300 = arith.constant 608 : index
          %swap3A_301 = tpu.vector_load %arg12[%swap3A_299, %swap3A_300] {strides = array<i32>} : memref<16x2048xf32, #tpu.memory_space<vmem>>, vector<16xf32>,
          tpu.vector_store %arg12[%swap3A_299, %swap3A_300], %mul3A_298 {strides = array<i32>} : memref<16x2048xf32, #tpu.memory_space<vmem>>, vector<16xf32>,
          %mul3A_302 = arith.mulf %gather3A_273, %get3A_125 : vector<16xf32>
          %swap3A_303 = arith.index_cast %scan3A_101 : i32 to index
          %swap3A_304 = arith.constant 624 : index
          %swap3A_305 = tpu.vector_load %arg12[%swap3A_303, %swap3A_304] {strides = array<i32>} : memref<16x2048xf32, #tpu.memory_space<vmem>>, vector<16xf32>,
          tpu.vector_store %arg12[%swap3A_303, %swap3A_304], %mul3A_302 {strides = array<i32>} : memref<16x2048xf32, #tpu.memory_space<vmem>>, vector<16xf32>,
          %broadcast_in_dim3A_306 = vector.broadcast %scan3A_101 : i32 to vector<16xi32>
          %broadcast_in_dim3A_307 = arith.constant 5 : i32
          %broadcast_in_dim3A_308 = vector.broadcast %broadcast_in_dim3A_307 : i32 to vector<16xi32>
          %gather3A_309 = tpu.vector_load_idx %arg11[%broadcast_in_dim3A_306, %broadcast_in_dim3A_308] : memref<16x16xf32, #tpu.memory_space<vmem>>[vector<16xi32>, vector<16xi32>], vector<16xf32>,
          %mul3A_310 = arith.mulf %gather3A_309, %get3A_104 : vector<16xf32>
          %swap3A_311 = arith.index_cast %scan3A_101 : i32 to index
          %swap3A_312 = arith.constant 640 : index
          %swap3A_313 = tpu.vector_load %arg12[%swap3A_311, %swap3A_312] {strides = array<i32>} : memref<16x2048xf32, #tpu.memory_space<vmem>>, vector<16xf32>,
          tpu.vector_store %arg12[%swap3A_311, %swap3A_312], %mul3A_310 {strides = array<i32>} : memref<16x2048xf32, #tpu.memory_space<vmem>>, vector<16xf32>,
          %mul3A_314 = arith.mulf %gather3A_309, %get3A_107 : vector<16xf32>
          %swap3A_315 = arith.index_cast %scan3A_101 : i32 to index
          %swap3A_316 = arith.constant 656 : index
          %swap3A_317 = tpu.vector_load %arg12[%swap3A_315, %swap3A_316] {strides = array<i32>} : memref<16x2048xf32, #tpu.memory_space<vmem>>, vector<16xf32>,
          tpu.vector_store %arg12[%swap3A_315, %swap3A_316], %mul3A_314 {strides = array<i32>} : memref<16x2048xf32, #tpu.memory_space<vmem>>, vector<16xf32>,
          %mul3A_318 = arith.mulf %gather3A_309, %get3A_110 : vector<16xf32>
          %swap3A_319 = arith.index_cast %scan3A_101 : i32 to index
          %swap3A_320 = arith.constant 672 : index
          %swap3A_321 = tpu.vector_load %arg12[%swap3A_319, %swap3A_320] {strides = array<i32>} : memref<16x2048xf32, #tpu.memory_space<vmem>>, vector<16xf32>,
          tpu.vector_store %arg12[%swap3A_319, %swap3A_320], %mul3A_318 {strides = array<i32>} : memref<16x2048xf32, #tpu.memory_space<vmem>>, vector<16xf32>,
          %mul3A_322 = arith.mulf %gather3A_309, %get3A_113 : vector<16xf32>
          %swap3A_323 = arith.index_cast %scan3A_101 : i32 to index
          %swap3A_324 = arith.constant 688 : index
          %swap3A_325 = tpu.vector_load %arg12[%swap3A_323, %swap3A_324] {strides = array<i32>} : memref<16x2048xf32, #tpu.memory_space<vmem>>, vector<16xf32>,
          tpu.vector_store %arg12[%swap3A_323, %swap3A_324], %mul3A_322 {strides = array<i32>} : memref<16x2048xf32, #tpu.memory_space<vmem>>, vector<16xf32>,
          %mul3A_326 = arith.mulf %gather3A_309, %get3A_116 : vector<16xf32>
          %swap3A_327 = arith.index_cast %scan3A_101 : i32 to index
          %swap3A_328 = arith.constant 704 : index
          %swap3A_329 = tpu.vector_load %arg12[%swap3A_327, %swap3A_328] {strides = array<i32>} : memref<16x2048xf32, #tpu.memory_space<vmem>>, vector<16xf32>,
          tpu.vector_store %arg12[%swap3A_327, %swap3A_328], %mul3A_326 {strides = array<i32>} : memref<16x2048xf32, #tpu.memory_space<vmem>>, vector<16xf32>,
          %mul3A_330 = arith.mulf %gather3A_309, %get3A_119 : vector<16xf32>
          %swap3A_331 = arith.index_cast %scan3A_101 : i32 to index
          %swap3A_332 = arith.constant 720 : index
          %swap3A_333 = tpu.vector_load %arg12[%swap3A_331, %swap3A_332] {strides = array<i32>} : memref<16x2048xf32, #tpu.memory_space<vmem>>, vector<16xf32>,
          tpu.vector_store %arg12[%swap3A_331, %swap3A_332], %mul3A_330 {strides = array<i32>} : memref<16x2048xf32, #tpu.memory_space<vmem>>, vector<16xf32>,
          %mul3A_334 = arith.mulf %gather3A_309, %get3A_122 : vector<16xf32>
          %swap3A_335 = arith.index_cast %scan3A_101 : i32 to index
          %swap3A_336 = arith.constant 736 : index
          %swap3A_337 = tpu.vector_load %arg12[%swap3A_335, %swap3A_336] {strides = array<i32>} : memref<16x2048xf32, #tpu.memory_space<vmem>>, vector<16xf32>,
          tpu.vector_store %arg12[%swap3A_335, %swap3A_336], %mul3A_334 {strides = array<i32>} : memref<16x2048xf32, #tpu.memory_space<vmem>>, vector<16xf32>,
          %mul3A_338 = arith.mulf %gather3A_309, %get3A_125 : vector<16xf32>
          %swap3A_339 = arith.index_cast %scan3A_101 : i32 to index
          %swap3A_340 = arith.constant 752 : index
          %swap3A_341 = tpu.vector_load %arg12[%swap3A_339, %swap3A_340] {strides = array<i32>} : memref<16x2048xf32, #tpu.memory_space<vmem>>, vector<16xf32>,
          tpu.vector_store %arg12[%swap3A_339, %swap3A_340], %mul3A_338 {strides = array<i32>} : memref<16x2048xf32, #tpu.memory_space<vmem>>, vector<16xf32>,
          %broadcast_in_dim3A_342 = vector.broadcast %scan3A_101 : i32 to vector<16xi32>
          %broadcast_in_dim3A_343 = arith.constant 6 : i32
          %broadcast_in_dim3A_344 = vector.broadcast %broadcast_in_dim3A_343 : i32 to vector<16xi32>
          %gather3A_345 = tpu.vector_load_idx %arg11[%broadcast_in_dim3A_342, %broadcast_in_dim3A_344] : memref<16x16xf32, #tpu.memory_space<vmem>>[vector<16xi32>, vector<16xi32>], vector<16xf32>,
          %mul3A_346 = arith.mulf %gather3A_345, %get3A_104 : vector<16xf32>
          %swap3A_347 = arith.index_cast %scan3A_101 : i32 to index
          %swap3A_348 = arith.constant 768 : index
          %swap3A_349 = tpu.vector_load %arg12[%swap3A_347, %swap3A_348] {strides = array<i32>} : memref<16x2048xf32, #tpu.memory_space<vmem>>, vector<16xf32>,
          tpu.vector_store %arg12[%swap3A_347, %swap3A_348], %mul3A_346 {strides = array<i32>} : memref<16x2048xf32, #tpu.memory_space<vmem>>, vector<16xf32>,
          %mul3A_350 = arith.mulf %gather3A_345, %get3A_107 : vector<16xf32>
          %swap3A_351 = arith.index_cast %scan3A_101 : i32 to index
          %swap3A_352 = arith.constant 784 : index
          %swap3A_353 = tpu.vector_load %arg12[%swap3A_351, %swap3A_352] {strides = array<i32>} : memref<16x2048xf32, #tpu.memory_space<vmem>>, vector<16xf32>,
          tpu.vector_store %arg12[%swap3A_351, %swap3A_352], %mul3A_350 {strides = array<i32>} : memref<16x2048xf32, #tpu.memory_space<vmem>>, vector<16xf32>,
          %mul3A_354 = arith.mulf %gather3A_345, %get3A_110 : vector<16xf32>
          %swap3A_355 = arith.index_cast %scan3A_101 : i32 to index
          %swap3A_356 = arith.constant 800 : index
          %swap3A_357 = tpu.vector_load %arg12[%swap3A_355, %swap3A_356] {strides = array<i32>} : memref<16x2048xf32, #tpu.memory_space<vmem>>, vector<16xf32>,
          tpu.vector_store %arg12[%swap3A_355, %swap3A_356], %mul3A_354 {strides = array<i32>} : memref<16x2048xf32, #tpu.memory_space<vmem>>, vector<16xf32>,
          %mul3A_358 = arith.mulf %gather3A_345, %get3A_113 : vector<16xf32>
          %swap3A_359 = arith.index_cast %scan3A_101 : i32 to index
          %swap3A_360 = arith.constant 816 : index
          %swap3A_361 = tpu.vector_load %arg12[%swap3A_359, %swap3A_360] {strides = array<i32>} : memref<16x2048xf32, #tpu.memory_space<vmem>>, vector<16xf32>,
          tpu.vector_store %arg12[%swap3A_359, %swap3A_360], %mul3A_358 {strides = array<i32>} : memref<16x2048xf32, #tpu.memory_space<vmem>>, vector<16xf32>,
          %mul3A_362 = arith.mulf %gather3A_345, %get3A_116 : vector<16xf32>
          %swap3A_363 = arith.index_cast %scan3A_101 : i32 to index
          %swap3A_364 = arith.constant 832 : index
          %swap3A_365 = tpu.vector_load %arg12[%swap3A_363, %swap3A_364] {strides = array<i32>} : memref<16x2048xf32, #tpu.memory_space<vmem>>, vector<16xf32>,
          tpu.vector_store %arg12[%swap3A_363, %swap3A_364], %mul3A_362 {strides = array<i32>} : memref<16x2048xf32, #tpu.memory_space<vmem>>, vector<16xf32>,
          %mul3A_366 = arith.mulf %gather3A_345, %get3A_119 : vector<16xf32>
          %swap3A_367 = arith.index_cast %scan3A_101 : i32 to index
          %swap3A_368 = arith.constant 848 : index
          %swap3A_369 = tpu.vector_load %arg12[%swap3A_367, %swap3A_368] {strides = array<i32>} : memref<16x2048xf32, #tpu.memory_space<vmem>>, vector<16xf32>,
          tpu.vector_store %arg12[%swap3A_367, %swap3A_368], %mul3A_366 {strides = array<i32>} : memref<16x2048xf32, #tpu.memory_space<vmem>>, vector<16xf32>,
          %mul3A_370 = arith.mulf %gather3A_345, %get3A_122 : vector<16xf32>
          %swap3A_371 = arith.index_cast %scan3A_101 : i32 to index
          %swap3A_372 = arith.constant 864 : index
          %swap3A_373 = tpu.vector_load %arg12[%swap3A_371, %swap3A_372] {strides = array<i32>} : memref<16x2048xf32, #tpu.memory_space<vmem>>, vector<16xf32>,
          tpu.vector_store %arg12[%swap3A_371, %swap3A_372], %mul3A_370 {strides = array<i32>} : memref<16x2048xf32, #tpu.memory_space<vmem>>, vector<16xf32>,
          %mul3A_374 = arith.mulf %gather3A_345, %get3A_125 : vector<16xf32>
          %swap3A_375 = arith.index_cast %scan3A_101 : i32 to index
          %swap3A_376 = arith.constant 880 : index
          %swap3A_377 = tpu.vector_load %arg12[%swap3A_375, %swap3A_376] {strides = array<i32>} : memref<16x2048xf32, #tpu.memory_space<vmem>>, vector<16xf32>,
          tpu.vector_store %arg12[%swap3A_375, %swap3A_376], %mul3A_374 {strides = array<i32>} : memref<16x2048xf32, #tpu.memory_space<vmem>>, vector<16xf32>,
          %broadcast_in_dim3A_378 = vector.broadcast %scan3A_101 : i32 to vector<16xi32>
          %broadcast_in_dim3A_379 = arith.constant 7 : i32
          %broadcast_in_dim3A_380 = vector.broadcast %broadcast_in_dim3A_379 : i32 to vector<16xi32>
          %gather3A_381 = tpu.vector_load_idx %arg11[%broadcast_in_dim3A_378, %broadcast_in_dim3A_380] : memref<16x16xf32, #tpu.memory_space<vmem>>[vector<16xi32>, vector<16xi32>], vector<16xf32>,
          %mul3A_382 = arith.mulf %gather3A_381, %get3A_104 : vector<16xf32>
          %swap3A_383 = arith.index_cast %scan3A_101 : i32 to index
          %swap3A_384 = arith.constant 896 : index
          %swap3A_385 = tpu.vector_load %arg12[%swap3A_383, %swap3A_384] {strides = array<i32>} : memref<16x2048xf32, #tpu.memory_space<vmem>>, vector<16xf32>,
          tpu.vector_store %arg12[%swap3A_383, %swap3A_384], %mul3A_382 {strides = array<i32>} : memref<16x2048xf32, #tpu.memory_space<vmem>>, vector<16xf32>,
          %mul3A_386 = arith.mulf %gather3A_381, %get3A_107 : vector<16xf32>
          %swap3A_387 = arith.index_cast %scan3A_101 : i32 to index
          %swap3A_388 = arith.constant 912 : index
          %swap3A_389 = tpu.vector_load %arg12[%swap3A_387, %swap3A_388] {strides = array<i32>} : memref<16x2048xf32, #tpu.memory_space<vmem>>, vector<16xf32>,
          tpu.vector_store %arg12[%swap3A_387, %swap3A_388], %mul3A_386 {strides = array<i32>} : memref<16x2048xf32, #tpu.memory_space<vmem>>, vector<16xf32>,
          %mul3A_390 = arith.mulf %gather3A_381, %get3A_110 : vector<16xf32>
          %swap3A_391 = arith.index_cast %scan3A_101 : i32 to index
          %swap3A_392 = arith.constant 928 : index
          %swap3A_393 = tpu.vector_load %arg12[%swap3A_391, %swap3A_392] {strides = array<i32>} : memref<16x2048xf32, #tpu.memory_space<vmem>>, vector<16xf32>,
          tpu.vector_store %arg12[%swap3A_391, %swap3A_392], %mul3A_390 {strides = array<i32>} : memref<16x2048xf32, #tpu.memory_space<vmem>>, vector<16xf32>,
          %mul3A_394 = arith.mulf %gather3A_381, %get3A_113 : vector<16xf32>
          %swap3A_395 = arith.index_cast %scan3A_101 : i32 to index
          %swap3A_396 = arith.constant 944 : index
          %swap3A_397 = tpu.vector_load %arg12[%swap3A_395, %swap3A_396] {strides = array<i32>} : memref<16x2048xf32, #tpu.memory_space<vmem>>, vector<16xf32>,
          tpu.vector_store %arg12[%swap3A_395, %swap3A_396], %mul3A_394 {strides = array<i32>} : memref<16x2048xf32, #tpu.memory_space<vmem>>, vector<16xf32>,
          %mul3A_398 = arith.mulf %gather3A_381, %get3A_116 : vector<16xf32>
          %swap3A_399 = arith.index_cast %scan3A_101 : i32 to index
          %swap3A_400 = arith.constant 960 : index
          %swap3A_401 = tpu.vector_load %arg12[%swap3A_399, %swap3A_400] {strides = array<i32>} : memref<16x2048xf32, #tpu.memory_space<vmem>>, vector<16xf32>,
          tpu.vector_store %arg12[%swap3A_399, %swap3A_400], %mul3A_398 {strides = array<i32>} : memref<16x2048xf32, #tpu.memory_space<vmem>>, vector<16xf32>,
          %mul3A_402 = arith.mulf %gather3A_381, %get3A_119 : vector<16xf32>
          %swap3A_403 = arith.index_cast %scan3A_101 : i32 to index
          %swap3A_404 = arith.constant 976 : index
          %swap3A_405 = tpu.vector_load %arg12[%swap3A_403, %swap3A_404] {strides = array<i32>} : memref<16x2048xf32, #tpu.memory_space<vmem>>, vector<16xf32>,
          tpu.vector_store %arg12[%swap3A_403, %swap3A_404], %mul3A_402 {strides = array<i32>} : memref<16x2048xf32, #tpu.memory_space<vmem>>, vector<16xf32>,
          %mul3A_406 = arith.mulf %gather3A_381, %get3A_122 : vector<16xf32>
          %swap3A_407 = arith.index_cast %scan3A_101 : i32 to index
          %swap3A_408 = arith.constant 992 : index
          %swap3A_409 = tpu.vector_load %arg12[%swap3A_407, %swap3A_408] {strides = array<i32>} : memref<16x2048xf32, #tpu.memory_space<vmem>>, vector<16xf32>,
          tpu.vector_store %arg12[%swap3A_407, %swap3A_408], %mul3A_406 {strides = array<i32>} : memref<16x2048xf32, #tpu.memory_space<vmem>>, vector<16xf32>,
          %mul3A_410 = arith.mulf %gather3A_381, %get3A_125 : vector<16xf32>
          %swap3A_411 = arith.index_cast %scan3A_101 : i32 to index
          %swap3A_412 = arith.constant 1008 : index
          %swap3A_413 = tpu.vector_load %arg12[%swap3A_411, %swap3A_412] {strides = array<i32>} : memref<16x2048xf32, #tpu.memory_space<vmem>>, vector<16xf32>,
          tpu.vector_store %arg12[%swap3A_411, %swap3A_412], %mul3A_410 {strides = array<i32>} : memref<16x2048xf32, #tpu.memory_space<vmem>>, vector<16xf32>,
          %broadcast_in_dim3A_414 = vector.broadcast %scan3A_101 : i32 to vector<16xi32>
          %broadcast_in_dim3A_415 = arith.constant 8 : i32
          %broadcast_in_dim3A_416 = vector.broadcast %broadcast_in_dim3A_415 : i32 to vector<16xi32>
          %gather3A_417 = tpu.vector_load_idx %arg11[%broadcast_in_dim3A_414, %broadcast_in_dim3A_416] : memref<16x16xf32, #tpu.memory_space<vmem>>[vector<16xi32>, vector<16xi32>], vector<16xf32>,
          %mul3A_418 = arith.mulf %gather3A_417, %get3A_104 : vector<16xf32>
          %swap3A_419 = arith.index_cast %scan3A_101 : i32 to index
          %swap3A_420 = arith.constant 1024 : index
          %swap3A_421 = tpu.vector_load %arg12[%swap3A_419, %swap3A_420] {strides = array<i32>} : memref<16x2048xf32, #tpu.memory_space<vmem>>, vector<16xf32>,
          tpu.vector_store %arg12[%swap3A_419, %swap3A_420], %mul3A_418 {strides = array<i32>} : memref<16x2048xf32, #tpu.memory_space<vmem>>, vector<16xf32>,
          %mul3A_422 = arith.mulf %gather3A_417, %get3A_107 : vector<16xf32>
          %swap3A_423 = arith.index_cast %scan3A_101 : i32 to index
          %swap3A_424 = arith.constant 1040 : index
          %swap3A_425 = tpu.vector_load %arg12[%swap3A_423, %swap3A_424] {strides = array<i32>} : memref<16x2048xf32, #tpu.memory_space<vmem>>, vector<16xf32>,
          tpu.vector_store %arg12[%swap3A_423, %swap3A_424], %mul3A_422 {strides = array<i32>} : memref<16x2048xf32, #tpu.memory_space<vmem>>, vector<16xf32>,
          %mul3A_426 = arith.mulf %gather3A_417, %get3A_110 : vector<16xf32>
          %swap3A_427 = arith.index_cast %scan3A_101 : i32 to index
          %swap3A_428 = arith.constant 1056 : index
          %swap3A_429 = tpu.vector_load %arg12[%swap3A_427, %swap3A_428] {strides = array<i32>} : memref<16x2048xf32, #tpu.memory_space<vmem>>, vector<16xf32>,
          tpu.vector_store %arg12[%swap3A_427, %swap3A_428], %mul3A_426 {strides = array<i32>} : memref<16x2048xf32, #tpu.memory_space<vmem>>, vector<16xf32>,
          %mul3A_430 = arith.mulf %gather3A_417, %get3A_113 : vector<16xf32>
          %swap3A_431 = arith.index_cast %scan3A_101 : i32 to index
          %swap3A_432 = arith.constant 1072 : index
          %swap3A_433 = tpu.vector_load %arg12[%swap3A_431, %swap3A_432] {strides = array<i32>} : memref<16x2048xf32, #tpu.memory_space<vmem>>, vector<16xf32>,
          tpu.vector_store %arg12[%swap3A_431, %swap3A_432], %mul3A_430 {strides = array<i32>} : memref<16x2048xf32, #tpu.memory_space<vmem>>, vector<16xf32>,
          %mul3A_434 = arith.mulf %gather3A_417, %get3A_116 : vector<16xf32>
          %swap3A_435 = arith.index_cast %scan3A_101 : i32 to index
          %swap3A_436 = arith.constant 1088 : index
          %swap3A_437 = tpu.vector_load %arg12[%swap3A_435, %swap3A_436] {strides = array<i32>} : memref<16x2048xf32, #tpu.memory_space<vmem>>, vector<16xf32>,
          tpu.vector_store %arg12[%swap3A_435, %swap3A_436], %mul3A_434 {strides = array<i32>} : memref<16x2048xf32, #tpu.memory_space<vmem>>, vector<16xf32>,
          %mul3A_438 = arith.mulf %gather3A_417, %get3A_119 : vector<16xf32>
          %swap3A_439 = arith.index_cast %scan3A_101 : i32 to index
          %swap3A_440 = arith.constant 1104 : index
          %swap3A_441 = tpu.vector_load %arg12[%swap3A_439, %swap3A_440] {strides = array<i32>} : memref<16x2048xf32, #tpu.memory_space<vmem>>, vector<16xf32>,
          tpu.vector_store %arg12[%swap3A_439, %swap3A_440], %mul3A_438 {strides = array<i32>} : memref<16x2048xf32, #tpu.memory_space<vmem>>, vector<16xf32>,
          %mul3A_442 = arith.mulf %gather3A_417, %get3A_122 : vector<16xf32>
          %swap3A_443 = arith.index_cast %scan3A_101 : i32 to index
          %swap3A_444 = arith.constant 1120 : index
          %swap3A_445 = tpu.vector_load %arg12[%swap3A_443, %swap3A_444] {strides = array<i32>} : memref<16x2048xf32, #tpu.memory_space<vmem>>, vector<16xf32>,
          tpu.vector_store %arg12[%swap3A_443, %swap3A_444], %mul3A_442 {strides = array<i32>} : memref<16x2048xf32, #tpu.memory_space<vmem>>, vector<16xf32>,
          %mul3A_446 = arith.mulf %gather3A_417, %get3A_125 : vector<16xf32>
          %swap3A_447 = arith.index_cast %scan3A_101 : i32 to index
          %swap3A_448 = arith.constant 1136 : index
          %swap3A_449 = tpu.vector_load %arg12[%swap3A_447, %swap3A_448] {strides = array<i32>} : memref<16x2048xf32, #tpu.memory_space<vmem>>, vector<16xf32>,
          tpu.vector_store %arg12[%swap3A_447, %swap3A_448], %mul3A_446 {strides = array<i32>} : memref<16x2048xf32, #tpu.memory_space<vmem>>, vector<16xf32>,
          %broadcast_in_dim3A_450 = vector.broadcast %scan3A_101 : i32 to vector<16xi32>
          %broadcast_in_dim3A_451 = arith.constant 9 : i32
          %broadcast_in_dim3A_452 = vector.broadcast %broadcast_in_dim3A_451 : i32 to vector<16xi32>
          %gather3A_453 = tpu.vector_load_idx %arg11[%broadcast_in_dim3A_450, %broadcast_in_dim3A_452] : memref<16x16xf32, #tpu.memory_space<vmem>>[vector<16xi32>, vector<16xi32>], vector<16xf32>,
          %mul3A_454 = arith.mulf %gather3A_453, %get3A_104 : vector<16xf32>
          %swap3A_455 = arith.index_cast %scan3A_101 : i32 to index
          %swap3A_456 = arith.constant 1152 : index
          %swap3A_457 = tpu.vector_load %arg12[%swap3A_455, %swap3A_456] {strides = array<i32>} : memref<16x2048xf32, #tpu.memory_space<vmem>>, vector<16xf32>,
          tpu.vector_store %arg12[%swap3A_455, %swap3A_456], %mul3A_454 {strides = array<i32>} : memref<16x2048xf32, #tpu.memory_space<vmem>>, vector<16xf32>,
          %mul3A_458 = arith.mulf %gather3A_453, %get3A_107 : vector<16xf32>
          %swap3A_459 = arith.index_cast %scan3A_101 : i32 to index
          %swap3A_460 = arith.constant 1168 : index
          %swap3A_461 = tpu.vector_load %arg12[%swap3A_459, %swap3A_460] {strides = array<i32>} : memref<16x2048xf32, #tpu.memory_space<vmem>>, vector<16xf32>,
          tpu.vector_store %arg12[%swap3A_459, %swap3A_460], %mul3A_458 {strides = array<i32>} : memref<16x2048xf32, #tpu.memory_space<vmem>>, vector<16xf32>,
          %mul3A_462 = arith.mulf %gather3A_453, %get3A_110 : vector<16xf32>
          %swap3A_463 = arith.index_cast %scan3A_101 : i32 to index
          %swap3A_464 = arith.constant 1184 : index
          %swap3A_465 = tpu.vector_load %arg12[%swap3A_463, %swap3A_464] {strides = array<i32>} : memref<16x2048xf32, #tpu.memory_space<vmem>>, vector<16xf32>,
          tpu.vector_store %arg12[%swap3A_463, %swap3A_464], %mul3A_462 {strides = array<i32>} : memref<16x2048xf32, #tpu.memory_space<vmem>>, vector<16xf32>,
          %mul3A_466 = arith.mulf %gather3A_453, %get3A_113 : vector<16xf32>
          %swap3A_467 = arith.index_cast %scan3A_101 : i32 to index
          %swap3A_468 = arith.constant 1200 : index
          %swap3A_469 = tpu.vector_load %arg12[%swap3A_467, %swap3A_468] {strides = array<i32>} : memref<16x2048xf32, #tpu.memory_space<vmem>>, vector<16xf32>,
          tpu.vector_store %arg12[%swap3A_467, %swap3A_468], %mul3A_466 {strides = array<i32>} : memref<16x2048xf32, #tpu.memory_space<vmem>>, vector<16xf32>,
          %mul3A_470 = arith.mulf %gather3A_453, %get3A_116 : vector<16xf32>
          %swap3A_471 = arith.index_cast %scan3A_101 : i32 to index
          %swap3A_472 = arith.constant 1216 : index
          %swap3A_473 = tpu.vector_load %arg12[%swap3A_471, %swap3A_472] {strides = array<i32>} : memref<16x2048xf32, #tpu.memory_space<vmem>>, vector<16xf32>,
          tpu.vector_store %arg12[%swap3A_471, %swap3A_472], %mul3A_470 {strides = array<i32>} : memref<16x2048xf32, #tpu.memory_space<vmem>>, vector<16xf32>,
          %mul3A_474 = arith.mulf %gather3A_453, %get3A_119 : vector<16xf32>
          %swap3A_475 = arith.index_cast %scan3A_101 : i32 to index
          %swap3A_476 = arith.constant 1232 : index
          %swap3A_477 = tpu.vector_load %arg12[%swap3A_475, %swap3A_476] {strides = array<i32>} : memref<16x2048xf32, #tpu.memory_space<vmem>>, vector<16xf32>,
          tpu.vector_store %arg12[%swap3A_475, %swap3A_476], %mul3A_474 {strides = array<i32>} : memref<16x2048xf32, #tpu.memory_space<vmem>>, vector<16xf32>,
          %mul3A_478 = arith.mulf %gather3A_453, %get3A_122 : vector<16xf32>
          %swap3A_479 = arith.index_cast %scan3A_101 : i32 to index
          %swap3A_480 = arith.constant 1248 : index
          %swap3A_481 = tpu.vector_load %arg12[%swap3A_479, %swap3A_480] {strides = array<i32>} : memref<16x2048xf32, #tpu.memory_space<vmem>>, vector<16xf32>,
          tpu.vector_store %arg12[%swap3A_479, %swap3A_480], %mul3A_478 {strides = array<i32>} : memref<16x2048xf32, #tpu.memory_space<vmem>>, vector<16xf32>,
          %mul3A_482 = arith.mulf %gather3A_453, %get3A_125 : vector<16xf32>
          %swap3A_483 = arith.index_cast %scan3A_101 : i32 to index
          %swap3A_484 = arith.constant 1264 : index
          %swap3A_485 = tpu.vector_load %arg12[%swap3A_483, %swap3A_484] {strides = array<i32>} : memref<16x2048xf32, #tpu.memory_space<vmem>>, vector<16xf32>,
          tpu.vector_store %arg12[%swap3A_483, %swap3A_484], %mul3A_482 {strides = array<i32>} : memref<16x2048xf32, #tpu.memory_space<vmem>>, vector<16xf32>,
          %broadcast_in_dim3A_486 = vector.broadcast %scan3A_101 : i32 to vector<16xi32>
          %broadcast_in_dim3A_487 = arith.constant 10 : i32
          %broadcast_in_dim3A_488 = vector.broadcast %broadcast_in_dim3A_487 : i32 to vector<16xi32>
          %gather3A_489 = tpu.vector_load_idx %arg11[%broadcast_in_dim3A_486, %broadcast_in_dim3A_488] : memref<16x16xf32, #tpu.memory_space<vmem>>[vector<16xi32>, vector<16xi32>], vector<16xf32>,
          %mul3A_490 = arith.mulf %gather3A_489, %get3A_104 : vector<16xf32>
          %swap3A_491 = arith.index_cast %scan3A_101 : i32 to index
          %swap3A_492 = arith.constant 1280 : index
          %swap3A_493 = tpu.vector_load %arg12[%swap3A_491, %swap3A_492] {strides = array<i32>} : memref<16x2048xf32, #tpu.memory_space<vmem>>, vector<16xf32>,
          tpu.vector_store %arg12[%swap3A_491, %swap3A_492], %mul3A_490 {strides = array<i32>} : memref<16x2048xf32, #tpu.memory_space<vmem>>, vector<16xf32>,
          %mul3A_494 = arith.mulf %gather3A_489, %get3A_107 : vector<16xf32>
          %swap3A_495 = arith.index_cast %scan3A_101 : i32 to index
          %swap3A_496 = arith.constant 1296 : index
          %swap3A_497 = tpu.vector_load %arg12[%swap3A_495, %swap3A_496] {strides = array<i32>} : memref<16x2048xf32, #tpu.memory_space<vmem>>, vector<16xf32>,
          tpu.vector_store %arg12[%swap3A_495, %swap3A_496], %mul3A_494 {strides = array<i32>} : memref<16x2048xf32, #tpu.memory_space<vmem>>, vector<16xf32>,
          %mul3A_498 = arith.mulf %gather3A_489, %get3A_110 : vector<16xf32>
          %swap3A_499 = arith.index_cast %scan3A_101 : i32 to index
          %swap3A_500 = arith.constant 1312 : index
          %swap3A_501 = tpu.vector_load %arg12[%swap3A_499, %swap3A_500] {strides = array<i32>} : memref<16x2048xf32, #tpu.memory_space<vmem>>, vector<16xf32>,
          tpu.vector_store %arg12[%swap3A_499, %swap3A_500], %mul3A_498 {strides = array<i32>} : memref<16x2048xf32, #tpu.memory_space<vmem>>, vector<16xf32>,
          %mul3A_502 = arith.mulf %gather3A_489, %get3A_113 : vector<16xf32>
          %swap3A_503 = arith.index_cast %scan3A_101 : i32 to index
          %swap3A_504 = arith.constant 1328 : index
          %swap3A_505 = tpu.vector_load %arg12[%swap3A_503, %swap3A_504] {strides = array<i32>} : memref<16x2048xf32, #tpu.memory_space<vmem>>, vector<16xf32>,
          tpu.vector_store %arg12[%swap3A_503, %swap3A_504], %mul3A_502 {strides = array<i32>} : memref<16x2048xf32, #tpu.memory_space<vmem>>, vector<16xf32>,
          %mul3A_506 = arith.mulf %gather3A_489, %get3A_116 : vector<16xf32>
          %swap3A_507 = arith.index_cast %scan3A_101 : i32 to index
          %swap3A_508 = arith.constant 1344 : index
          %swap3A_509 = tpu.vector_load %arg12[%swap3A_507, %swap3A_508] {strides = array<i32>} : memref<16x2048xf32, #tpu.memory_space<vmem>>, vector<16xf32>,
          tpu.vector_store %arg12[%swap3A_507, %swap3A_508], %mul3A_506 {strides = array<i32>} : memref<16x2048xf32, #tpu.memory_space<vmem>>, vector<16xf32>,
          %mul3A_510 = arith.mulf %gather3A_489, %get3A_119 : vector<16xf32>
          %swap3A_511 = arith.index_cast %scan3A_101 : i32 to index
          %swap3A_512 = arith.constant 1360 : index
          %swap3A_513 = tpu.vector_load %arg12[%swap3A_511, %swap3A_512] {strides = array<i32>} : memref<16x2048xf32, #tpu.memory_space<vmem>>, vector<16xf32>,
          tpu.vector_store %arg12[%swap3A_511, %swap3A_512], %mul3A_510 {strides = array<i32>} : memref<16x2048xf32, #tpu.memory_space<vmem>>, vector<16xf32>,
          %mul3A_514 = arith.mulf %gather3A_489, %get3A_122 : vector<16xf32>
          %swap3A_515 = arith.index_cast %scan3A_101 : i32 to index
          %swap3A_516 = arith.constant 1376 : index
          %swap3A_517 = tpu.vector_load %arg12[%swap3A_515, %swap3A_516] {strides = array<i32>} : memref<16x2048xf32, #tpu.memory_space<vmem>>, vector<16xf32>,
          tpu.vector_store %arg12[%swap3A_515, %swap3A_516], %mul3A_514 {strides = array<i32>} : memref<16x2048xf32, #tpu.memory_space<vmem>>, vector<16xf32>,
          %mul3A_518 = arith.mulf %gather3A_489, %get3A_125 : vector<16xf32>
          %swap3A_519 = arith.index_cast %scan3A_101 : i32 to index
          %swap3A_520 = arith.constant 1392 : index
          %swap3A_521 = tpu.vector_load %arg12[%swap3A_519, %swap3A_520] {strides = array<i32>} : memref<16x2048xf32, #tpu.memory_space<vmem>>, vector<16xf32>,
          tpu.vector_store %arg12[%swap3A_519, %swap3A_520], %mul3A_518 {strides = array<i32>} : memref<16x2048xf32, #tpu.memory_space<vmem>>, vector<16xf32>,
          %broadcast_in_dim3A_522 = vector.broadcast %scan3A_101 : i32 to vector<16xi32>
          %broadcast_in_dim3A_523 = arith.constant 11 : i32
          %broadcast_in_dim3A_524 = vector.broadcast %broadcast_in_dim3A_523 : i32 to vector<16xi32>
          %gather3A_525 = tpu.vector_load_idx %arg11[%broadcast_in_dim3A_522, %broadcast_in_dim3A_524] : memref<16x16xf32, #tpu.memory_space<vmem>>[vector<16xi32>, vector<16xi32>], vector<16xf32>,
          %mul3A_526 = arith.mulf %gather3A_525, %get3A_104 : vector<16xf32>
          %swap3A_527 = arith.index_cast %scan3A_101 : i32 to index
          %swap3A_528 = arith.constant 1408 : index
          %swap3A_529 = tpu.vector_load %arg12[%swap3A_527, %swap3A_528] {strides = array<i32>} : memref<16x2048xf32, #tpu.memory_space<vmem>>, vector<16xf32>,
          tpu.vector_store %arg12[%swap3A_527, %swap3A_528], %mul3A_526 {strides = array<i32>} : memref<16x2048xf32, #tpu.memory_space<vmem>>, vector<16xf32>,
          %mul3A_530 = arith.mulf %gather3A_525, %get3A_107 : vector<16xf32>
          %swap3A_531 = arith.index_cast %scan3A_101 : i32 to index
          %swap3A_532 = arith.constant 1424 : index
          %swap3A_533 = tpu.vector_load %arg12[%swap3A_531, %swap3A_532] {strides = array<i32>} : memref<16x2048xf32, #tpu.memory_space<vmem>>, vector<16xf32>,
          tpu.vector_store %arg12[%swap3A_531, %swap3A_532], %mul3A_530 {strides = array<i32>} : memref<16x2048xf32, #tpu.memory_space<vmem>>, vector<16xf32>,
          %mul3A_534 = arith.mulf %gather3A_525, %get3A_110 : vector<16xf32>
          %swap3A_535 = arith.index_cast %scan3A_101 : i32 to index
          %swap3A_536 = arith.constant 1440 : index
          %swap3A_537 = tpu.vector_load %arg12[%swap3A_535, %swap3A_536] {strides = array<i32>} : memref<16x2048xf32, #tpu.memory_space<vmem>>, vector<16xf32>,
          tpu.vector_store %arg12[%swap3A_535, %swap3A_536], %mul3A_534 {strides = array<i32>} : memref<16x2048xf32, #tpu.memory_space<vmem>>, vector<16xf32>,
          %mul3A_538 = arith.mulf %gather3A_525, %get3A_113 : vector<16xf32>
          %swap3A_539 = arith.index_cast %scan3A_101 : i32 to index
          %swap3A_540 = arith.constant 1456 : index
          %swap3A_541 = tpu.vector_load %arg12[%swap3A_539, %swap3A_540] {strides = array<i32>} : memref<16x2048xf32, #tpu.memory_space<vmem>>, vector<16xf32>,
          tpu.vector_store %arg12[%swap3A_539, %swap3A_540], %mul3A_538 {strides = array<i32>} : memref<16x2048xf32, #tpu.memory_space<vmem>>, vector<16xf32>,
          %mul3A_542 = arith.mulf %gather3A_525, %get3A_116 : vector<16xf32>
          %swap3A_543 = arith.index_cast %scan3A_101 : i32 to index
          %swap3A_544 = arith.constant 1472 : index
          %swap3A_545 = tpu.vector_load %arg12[%swap3A_543, %swap3A_544] {strides = array<i32>} : memref<16x2048xf32, #tpu.memory_space<vmem>>, vector<16xf32>,
          tpu.vector_store %arg12[%swap3A_543, %swap3A_544], %mul3A_542 {strides = array<i32>} : memref<16x2048xf32, #tpu.memory_space<vmem>>, vector<16xf32>,
          %mul3A_546 = arith.mulf %gather3A_525, %get3A_119 : vector<16xf32>
          %swap3A_547 = arith.index_cast %scan3A_101 : i32 to index
          %swap3A_548 = arith.constant 1488 : index
          %swap3A_549 = tpu.vector_load %arg12[%swap3A_547, %swap3A_548] {strides = array<i32>} : memref<16x2048xf32, #tpu.memory_space<vmem>>, vector<16xf32>,
          tpu.vector_store %arg12[%swap3A_547, %swap3A_548], %mul3A_546 {strides = array<i32>} : memref<16x2048xf32, #tpu.memory_space<vmem>>, vector<16xf32>,
          %mul3A_550 = arith.mulf %gather3A_525, %get3A_122 : vector<16xf32>
          %swap3A_551 = arith.index_cast %scan3A_101 : i32 to index
          %swap3A_552 = arith.constant 1504 : index
          %swap3A_553 = tpu.vector_load %arg12[%swap3A_551, %swap3A_552] {strides = array<i32>} : memref<16x2048xf32, #tpu.memory_space<vmem>>, vector<16xf32>,
          tpu.vector_store %arg12[%swap3A_551, %swap3A_552], %mul3A_550 {strides = array<i32>} : memref<16x2048xf32, #tpu.memory_space<vmem>>, vector<16xf32>,
          %mul3A_554 = arith.mulf %gather3A_525, %get3A_125 : vector<16xf32>
          %swap3A_555 = arith.index_cast %scan3A_101 : i32 to index
          %swap3A_556 = arith.constant 1520 : index
          %swap3A_557 = tpu.vector_load %arg12[%swap3A_555, %swap3A_556] {strides = array<i32>} : memref<16x2048xf32, #tpu.memory_space<vmem>>, vector<16xf32>,
          tpu.vector_store %arg12[%swap3A_555, %swap3A_556], %mul3A_554 {strides = array<i32>} : memref<16x2048xf32, #tpu.memory_space<vmem>>, vector<16xf32>,
          %broadcast_in_dim3A_558 = vector.broadcast %scan3A_101 : i32 to vector<16xi32>
          %broadcast_in_dim3A_559 = arith.constant 12 : i32
          %broadcast_in_dim3A_560 = vector.broadcast %broadcast_in_dim3A_559 : i32 to vector<16xi32>
          %gather3A_561 = tpu.vector_load_idx %arg11[%broadcast_in_dim3A_558, %broadcast_in_dim3A_560] : memref<16x16xf32, #tpu.memory_space<vmem>>[vector<16xi32>, vector<16xi32>], vector<16xf32>,
          %mul3A_562 = arith.mulf %gather3A_561, %get3A_104 : vector<16xf32>
          %swap3A_563 = arith.index_cast %scan3A_101 : i32 to index
          %swap3A_564 = arith.constant 1536 : index
          %swap3A_565 = tpu.vector_load %arg12[%swap3A_563, %swap3A_564] {strides = array<i32>} : memref<16x2048xf32, #tpu.memory_space<vmem>>, vector<16xf32>,
          tpu.vector_store %arg12[%swap3A_563, %swap3A_564], %mul3A_562 {strides = array<i32>} : memref<16x2048xf32, #tpu.memory_space<vmem>>, vector<16xf32>,
          %mul3A_566 = arith.mulf %gather3A_561, %get3A_107 : vector<16xf32>
          %swap3A_567 = arith.index_cast %scan3A_101 : i32 to index
          %swap3A_568 = arith.constant 1552 : index
          %swap3A_569 = tpu.vector_load %arg12[%swap3A_567, %swap3A_568] {strides = array<i32>} : memref<16x2048xf32, #tpu.memory_space<vmem>>, vector<16xf32>,
          tpu.vector_store %arg12[%swap3A_567, %swap3A_568], %mul3A_566 {strides = array<i32>} : memref<16x2048xf32, #tpu.memory_space<vmem>>, vector<16xf32>,
          %mul3A_570 = arith.mulf %gather3A_561, %get3A_110 : vector<16xf32>
          %swap3A_571 = arith.index_cast %scan3A_101 : i32 to index
          %swap3A_572 = arith.constant 1568 : index
          %swap3A_573 = tpu.vector_load %arg12[%swap3A_571, %swap3A_572] {strides = array<i32>} : memref<16x2048xf32, #tpu.memory_space<vmem>>, vector<16xf32>,
          tpu.vector_store %arg12[%swap3A_571, %swap3A_572], %mul3A_570 {strides = array<i32>} : memref<16x2048xf32, #tpu.memory_space<vmem>>, vector<16xf32>,
          %mul3A_574 = arith.mulf %gather3A_561, %get3A_113 : vector<16xf32>
          %swap3A_575 = arith.index_cast %scan3A_101 : i32 to index
          %swap3A_576 = arith.constant 1584 : index
          %swap3A_577 = tpu.vector_load %arg12[%swap3A_575, %swap3A_576] {strides = array<i32>} : memref<16x2048xf32, #tpu.memory_space<vmem>>, vector<16xf32>,
          tpu.vector_store %arg12[%swap3A_575, %swap3A_576], %mul3A_574 {strides = array<i32>} : memref<16x2048xf32, #tpu.memory_space<vmem>>, vector<16xf32>,
          %mul3A_578 = arith.mulf %gather3A_561, %get3A_116 : vector<16xf32>
          %swap3A_579 = arith.index_cast %scan3A_101 : i32 to index
          %swap3A_580 = arith.constant 1600 : index
          %swap3A_581 = tpu.vector_load %arg12[%swap3A_579, %swap3A_580] {strides = array<i32>} : memref<16x2048xf32, #tpu.memory_space<vmem>>, vector<16xf32>,
          tpu.vector_store %arg12[%swap3A_579, %swap3A_580], %mul3A_578 {strides = array<i32>} : memref<16x2048xf32, #tpu.memory_space<vmem>>, vector<16xf32>,
          %mul3A_582 = arith.mulf %gather3A_561, %get3A_119 : vector<16xf32>
          %swap3A_583 = arith.index_cast %scan3A_101 : i32 to index
          %swap3A_584 = arith.constant 1616 : index
          %swap3A_585 = tpu.vector_load %arg12[%swap3A_583, %swap3A_584] {strides = array<i32>} : memref<16x2048xf32, #tpu.memory_space<vmem>>, vector<16xf32>,
          tpu.vector_store %arg12[%swap3A_583, %swap3A_584], %mul3A_582 {strides = array<i32>} : memref<16x2048xf32, #tpu.memory_space<vmem>>, vector<16xf32>,
          %mul3A_586 = arith.mulf %gather3A_561, %get3A_122 : vector<16xf32>
          %swap3A_587 = arith.index_cast %scan3A_101 : i32 to index
          %swap3A_588 = arith.constant 1632 : index
          %swap3A_589 = tpu.vector_load %arg12[%swap3A_587, %swap3A_588] {strides = array<i32>} : memref<16x2048xf32, #tpu.memory_space<vmem>>, vector<16xf32>,
          tpu.vector_store %arg12[%swap3A_587, %swap3A_588], %mul3A_586 {strides = array<i32>} : memref<16x2048xf32, #tpu.memory_space<vmem>>, vector<16xf32>,
          %mul3A_590 = arith.mulf %gather3A_561, %get3A_125 : vector<16xf32>
          %swap3A_591 = arith.index_cast %scan3A_101 : i32 to index
          %swap3A_592 = arith.constant 1648 : index
          %swap3A_593 = tpu.vector_load %arg12[%swap3A_591, %swap3A_592] {strides = array<i32>} : memref<16x2048xf32, #tpu.memory_space<vmem>>, vector<16xf32>,
          tpu.vector_store %arg12[%swap3A_591, %swap3A_592], %mul3A_590 {strides = array<i32>} : memref<16x2048xf32, #tpu.memory_space<vmem>>, vector<16xf32>,
          %broadcast_in_dim3A_594 = vector.broadcast %scan3A_101 : i32 to vector<16xi32>
          %broadcast_in_dim3A_595 = arith.constant 13 : i32
          %broadcast_in_dim3A_596 = vector.broadcast %broadcast_in_dim3A_595 : i32 to vector<16xi32>
          %gather3A_597 = tpu.vector_load_idx %arg11[%broadcast_in_dim3A_594, %broadcast_in_dim3A_596] : memref<16x16xf32, #tpu.memory_space<vmem>>[vector<16xi32>, vector<16xi32>], vector<16xf32>,
          %mul3A_598 = arith.mulf %gather3A_597, %get3A_104 : vector<16xf32>
          %swap3A_599 = arith.index_cast %scan3A_101 : i32 to index
          %swap3A_600 = arith.constant 1664 : index
          %swap3A_601 = tpu.vector_load %arg12[%swap3A_599, %swap3A_600] {strides = array<i32>} : memref<16x2048xf32, #tpu.memory_space<vmem>>, vector<16xf32>,
          tpu.vector_store %arg12[%swap3A_599, %swap3A_600], %mul3A_598 {strides = array<i32>} : memref<16x2048xf32, #tpu.memory_space<vmem>>, vector<16xf32>,
          %mul3A_602 = arith.mulf %gather3A_597, %get3A_107 : vector<16xf32>
          %swap3A_603 = arith.index_cast %scan3A_101 : i32 to index
          %swap3A_604 = arith.constant 1680 : index
          %swap3A_605 = tpu.vector_load %arg12[%swap3A_603, %swap3A_604] {strides = array<i32>} : memref<16x2048xf32, #tpu.memory_space<vmem>>, vector<16xf32>,
          tpu.vector_store %arg12[%swap3A_603, %swap3A_604], %mul3A_602 {strides = array<i32>} : memref<16x2048xf32, #tpu.memory_space<vmem>>, vector<16xf32>,
          %mul3A_606 = arith.mulf %gather3A_597, %get3A_110 : vector<16xf32>
          %swap3A_607 = arith.index_cast %scan3A_101 : i32 to index
          %swap3A_608 = arith.constant 1696 : index
          %swap3A_609 = tpu.vector_load %arg12[%swap3A_607, %swap3A_608] {strides = array<i32>} : memref<16x2048xf32, #tpu.memory_space<vmem>>, vector<16xf32>,
          tpu.vector_store %arg12[%swap3A_607, %swap3A_608], %mul3A_606 {strides = array<i32>} : memref<16x2048xf32, #tpu.memory_space<vmem>>, vector<16xf32>,
          %mul3A_610 = arith.mulf %gather3A_597, %get3A_113 : vector<16xf32>
          %swap3A_611 = arith.index_cast %scan3A_101 : i32 to index
          %swap3A_612 = arith.constant 1712 : index
          %swap3A_613 = tpu.vector_load %arg12[%swap3A_611, %swap3A_612] {strides = array<i32>} : memref<16x2048xf32, #tpu.memory_space<vmem>>, vector<16xf32>,
          tpu.vector_store %arg12[%swap3A_611, %swap3A_612], %mul3A_610 {strides = array<i32>} : memref<16x2048xf32, #tpu.memory_space<vmem>>, vector<16xf32>,
          %mul3A_614 = arith.mulf %gather3A_597, %get3A_116 : vector<16xf32>
          %swap3A_615 = arith.index_cast %scan3A_101 : i32 to index
          %swap3A_616 = arith.constant 1728 : index
          %swap3A_617 = tpu.vector_load %arg12[%swap3A_615, %swap3A_616] {strides = array<i32>} : memref<16x2048xf32, #tpu.memory_space<vmem>>, vector<16xf32>,
          tpu.vector_store %arg12[%swap3A_615, %swap3A_616], %mul3A_614 {strides = array<i32>} : memref<16x2048xf32, #tpu.memory_space<vmem>>, vector<16xf32>,
          %mul3A_618 = arith.mulf %gather3A_597, %get3A_119 : vector<16xf32>
          %swap3A_619 = arith.index_cast %scan3A_101 : i32 to index
          %swap3A_620 = arith.constant 1744 : index
          %swap3A_621 = tpu.vector_load %arg12[%swap3A_619, %swap3A_620] {strides = array<i32>} : memref<16x2048xf32, #tpu.memory_space<vmem>>, vector<16xf32>,
          tpu.vector_store %arg12[%swap3A_619, %swap3A_620], %mul3A_618 {strides = array<i32>} : memref<16x2048xf32, #tpu.memory_space<vmem>>, vector<16xf32>,
          %mul3A_622 = arith.mulf %gather3A_597, %get3A_122 : vector<16xf32>
          %swap3A_623 = arith.index_cast %scan3A_101 : i32 to index
          %swap3A_624 = arith.constant 1760 : index
          %swap3A_625 = tpu.vector_load %arg12[%swap3A_623, %swap3A_624] {strides = array<i32>} : memref<16x2048xf32, #tpu.memory_space<vmem>>, vector<16xf32>,
          tpu.vector_store %arg12[%swap3A_623, %swap3A_624], %mul3A_622 {strides = array<i32>} : memref<16x2048xf32, #tpu.memory_space<vmem>>, vector<16xf32>,
          %mul3A_626 = arith.mulf %gather3A_597, %get3A_125 : vector<16xf32>
          %swap3A_627 = arith.index_cast %scan3A_101 : i32 to index
          %swap3A_628 = arith.constant 1776 : index
          %swap3A_629 = tpu.vector_load %arg12[%swap3A_627, %swap3A_628] {strides = array<i32>} : memref<16x2048xf32, #tpu.memory_space<vmem>>, vector<16xf32>,
          tpu.vector_store %arg12[%swap3A_627, %swap3A_628], %mul3A_626 {strides = array<i32>} : memref<16x2048xf32, #tpu.memory_space<vmem>>, vector<16xf32>,
          %broadcast_in_dim3A_630 = vector.broadcast %scan3A_101 : i32 to vector<16xi32>
          %broadcast_in_dim3A_631 = arith.constant 14 : i32
          %broadcast_in_dim3A_632 = vector.broadcast %broadcast_in_dim3A_631 : i32 to vector<16xi32>
          %gather3A_633 = tpu.vector_load_idx %arg11[%broadcast_in_dim3A_630, %broadcast_in_dim3A_632] : memref<16x16xf32, #tpu.memory_space<vmem>>[vector<16xi32>, vector<16xi32>], vector<16xf32>,
          %mul3A_634 = arith.mulf %gather3A_633, %get3A_104 : vector<16xf32>
          %swap3A_635 = arith.index_cast %scan3A_101 : i32 to index
          %swap3A_636 = arith.constant 1792 : index
          %swap3A_637 = tpu.vector_load %arg12[%swap3A_635, %swap3A_636] {strides = array<i32>} : memref<16x2048xf32, #tpu.memory_space<vmem>>, vector<16xf32>,
          tpu.vector_store %arg12[%swap3A_635, %swap3A_636], %mul3A_634 {strides = array<i32>} : memref<16x2048xf32, #tpu.memory_space<vmem>>, vector<16xf32>,
          %mul3A_638 = arith.mulf %gather3A_633, %get3A_107 : vector<16xf32>
          %swap3A_639 = arith.index_cast %scan3A_101 : i32 to index
          %swap3A_640 = arith.constant 1808 : index
          %swap3A_641 = tpu.vector_load %arg12[%swap3A_639, %swap3A_640] {strides = array<i32>} : memref<16x2048xf32, #tpu.memory_space<vmem>>, vector<16xf32>,
          tpu.vector_store %arg12[%swap3A_639, %swap3A_640], %mul3A_638 {strides = array<i32>} : memref<16x2048xf32, #tpu.memory_space<vmem>>, vector<16xf32>,
          %mul3A_642 = arith.mulf %gather3A_633, %get3A_110 : vector<16xf32>
          %swap3A_643 = arith.index_cast %scan3A_101 : i32 to index
          %swap3A_644 = arith.constant 1824 : index
          %swap3A_645 = tpu.vector_load %arg12[%swap3A_643, %swap3A_644] {strides = array<i32>} : memref<16x2048xf32, #tpu.memory_space<vmem>>, vector<16xf32>,
          tpu.vector_store %arg12[%swap3A_643, %swap3A_644], %mul3A_642 {strides = array<i32>} : memref<16x2048xf32, #tpu.memory_space<vmem>>, vector<16xf32>,
          %mul3A_646 = arith.mulf %gather3A_633, %get3A_113 : vector<16xf32>
          %swap3A_647 = arith.index_cast %scan3A_101 : i32 to index
          %swap3A_648 = arith.constant 1840 : index
          %swap3A_649 = tpu.vector_load %arg12[%swap3A_647, %swap3A_648] {strides = array<i32>} : memref<16x2048xf32, #tpu.memory_space<vmem>>, vector<16xf32>,
          tpu.vector_store %arg12[%swap3A_647, %swap3A_648], %mul3A_646 {strides = array<i32>} : memref<16x2048xf32, #tpu.memory_space<vmem>>, vector<16xf32>,
          %mul3A_650 = arith.mulf %gather3A_633, %get3A_116 : vector<16xf32>
          %swap3A_651 = arith.index_cast %scan3A_101 : i32 to index
          %swap3A_652 = arith.constant 1856 : index
          %swap3A_653 = tpu.vector_load %arg12[%swap3A_651, %swap3A_652] {strides = array<i32>} : memref<16x2048xf32, #tpu.memory_space<vmem>>, vector<16xf32>,
          tpu.vector_store %arg12[%swap3A_651, %swap3A_652], %mul3A_650 {strides = array<i32>} : memref<16x2048xf32, #tpu.memory_space<vmem>>, vector<16xf32>,
          %mul3A_654 = arith.mulf %gather3A_633, %get3A_119 : vector<16xf32>
          %swap3A_655 = arith.index_cast %scan3A_101 : i32 to index
          %swap3A_656 = arith.constant 1872 : index
          %swap3A_657 = tpu.vector_load %arg12[%swap3A_655, %swap3A_656] {strides = array<i32>} : memref<16x2048xf32, #tpu.memory_space<vmem>>, vector<16xf32>,
          tpu.vector_store %arg12[%swap3A_655, %swap3A_656], %mul3A_654 {strides = array<i32>} : memref<16x2048xf32, #tpu.memory_space<vmem>>, vector<16xf32>,
          %mul3A_658 = arith.mulf %gather3A_633, %get3A_122 : vector<16xf32>
          %swap3A_659 = arith.index_cast %scan3A_101 : i32 to index
          %swap3A_660 = arith.constant 1888 : index
          %swap3A_661 = tpu.vector_load %arg12[%swap3A_659, %swap3A_660] {strides = array<i32>} : memref<16x2048xf32, #tpu.memory_space<vmem>>, vector<16xf32>,
          tpu.vector_store %arg12[%swap3A_659, %swap3A_660], %mul3A_658 {strides = array<i32>} : memref<16x2048xf32, #tpu.memory_space<vmem>>, vector<16xf32>,
          %mul3A_662 = arith.mulf %gather3A_633, %get3A_125 : vector<16xf32>
          %swap3A_663 = arith.index_cast %scan3A_101 : i32 to index
          %swap3A_664 = arith.constant 1904 : index
          %swap3A_665 = tpu.vector_load %arg12[%swap3A_663, %swap3A_664] {strides = array<i32>} : memref<16x2048xf32, #tpu.memory_space<vmem>>, vector<16xf32>,
          tpu.vector_store %arg12[%swap3A_663, %swap3A_664], %mul3A_662 {strides = array<i32>} : memref<16x2048xf32, #tpu.memory_space<vmem>>, vector<16xf32>,
          %broadcast_in_dim3A_666 = vector.broadcast %scan3A_101 : i32 to vector<16xi32>
          %broadcast_in_dim3A_667 = arith.constant 15 : i32
          %broadcast_in_dim3A_668 = vector.broadcast %broadcast_in_dim3A_667 : i32 to vector<16xi32>
          %gather3A_669 = tpu.vector_load_idx %arg11[%broadcast_in_dim3A_666, %broadcast_in_dim3A_668] : memref<16x16xf32, #tpu.memory_space<vmem>>[vector<16xi32>, vector<16xi32>], vector<16xf32>,
          %mul3A_670 = arith.mulf %gather3A_669, %get3A_104 : vector<16xf32>
          %swap3A_671 = arith.index_cast %scan3A_101 : i32 to index
          %swap3A_672 = arith.constant 1920 : index
          %swap3A_673 = tpu.vector_load %arg12[%swap3A_671, %swap3A_672] {strides = array<i32>} : memref<16x2048xf32, #tpu.memory_space<vmem>>, vector<16xf32>,
          tpu.vector_store %arg12[%swap3A_671, %swap3A_672], %mul3A_670 {strides = array<i32>} : memref<16x2048xf32, #tpu.memory_space<vmem>>, vector<16xf32>,
          %mul3A_674 = arith.mulf %gather3A_669, %get3A_107 : vector<16xf32>
          %swap3A_675 = arith.index_cast %scan3A_101 : i32 to index
          %swap3A_676 = arith.constant 1936 : index
          %swap3A_677 = tpu.vector_load %arg12[%swap3A_675, %swap3A_676] {strides = array<i32>} : memref<16x2048xf32, #tpu.memory_space<vmem>>, vector<16xf32>,
          tpu.vector_store %arg12[%swap3A_675, %swap3A_676], %mul3A_674 {strides = array<i32>} : memref<16x2048xf32, #tpu.memory_space<vmem>>, vector<16xf32>,
          %mul3A_678 = arith.mulf %gather3A_669, %get3A_110 : vector<16xf32>
          %swap3A_679 = arith.index_cast %scan3A_101 : i32 to index
          %swap3A_680 = arith.constant 1952 : index
          %swap3A_681 = tpu.vector_load %arg12[%swap3A_679, %swap3A_680] {strides = array<i32>} : memref<16x2048xf32, #tpu.memory_space<vmem>>, vector<16xf32>,
          tpu.vector_store %arg12[%swap3A_679, %swap3A_680], %mul3A_678 {strides = array<i32>} : memref<16x2048xf32, #tpu.memory_space<vmem>>, vector<16xf32>,
          %mul3A_682 = arith.mulf %gather3A_669, %get3A_113 : vector<16xf32>
          %swap3A_683 = arith.index_cast %scan3A_101 : i32 to index
          %swap3A_684 = arith.constant 1968 : index
          %swap3A_685 = tpu.vector_load %arg12[%swap3A_683, %swap3A_684] {strides = array<i32>} : memref<16x2048xf32, #tpu.memory_space<vmem>>, vector<16xf32>,
          tpu.vector_store %arg12[%swap3A_683, %swap3A_684], %mul3A_682 {strides = array<i32>} : memref<16x2048xf32, #tpu.memory_space<vmem>>, vector<16xf32>,
          %mul3A_686 = arith.mulf %gather3A_669, %get3A_116 : vector<16xf32>
          %swap3A_687 = arith.index_cast %scan3A_101 : i32 to index
          %swap3A_688 = arith.constant 1984 : index
          %swap3A_689 = tpu.vector_load %arg12[%swap3A_687, %swap3A_688] {strides = array<i32>} : memref<16x2048xf32, #tpu.memory_space<vmem>>, vector<16xf32>,
          tpu.vector_store %arg12[%swap3A_687, %swap3A_688], %mul3A_686 {strides = array<i32>} : memref<16x2048xf32, #tpu.memory_space<vmem>>, vector<16xf32>,
          %mul3A_690 = arith.mulf %gather3A_669, %get3A_119 : vector<16xf32>
          %swap3A_691 = arith.index_cast %scan3A_101 : i32 to index
          %swap3A_692 = arith.constant 2000 : index
          %swap3A_693 = tpu.vector_load %arg12[%swap3A_691, %swap3A_692] {strides = array<i32>} : memref<16x2048xf32, #tpu.memory_space<vmem>>, vector<16xf32>,
          tpu.vector_store %arg12[%swap3A_691, %swap3A_692], %mul3A_690 {strides = array<i32>} : memref<16x2048xf32, #tpu.memory_space<vmem>>, vector<16xf32>,
          %mul3A_694 = arith.mulf %gather3A_669, %get3A_122 : vector<16xf32>
          %swap3A_695 = arith.index_cast %scan3A_101 : i32 to index
          %swap3A_696 = arith.constant 2016 : index
          %swap3A_697 = tpu.vector_load %arg12[%swap3A_695, %swap3A_696] {strides = array<i32>} : memref<16x2048xf32, #tpu.memory_space<vmem>>, vector<16xf32>,
          tpu.vector_store %arg12[%swap3A_695, %swap3A_696], %mul3A_694 {strides = array<i32>} : memref<16x2048xf32, #tpu.memory_space<vmem>>, vector<16xf32>,
          %mul3A_698 = arith.mulf %gather3A_669, %get3A_125 : vector<16xf32>
          %swap3A_699 = arith.index_cast %scan3A_101 : i32 to index
          %swap3A_700 = arith.constant 2032 : index
          %swap3A_701 = tpu.vector_load %arg12[%swap3A_699, %swap3A_700] {strides = array<i32>} : memref<16x2048xf32, #tpu.memory_space<vmem>>, vector<16xf32>,
          tpu.vector_store %arg12[%swap3A_699, %swap3A_700], %mul3A_698 {strides = array<i32>} : memref<16x2048xf32, #tpu.memory_space<vmem>>, vector<16xf32>,
        }
        %scan3A_100 = arith.constant 16 : i32
        "tpu.region"() ({
          %run_scoped3A = tpu.sem_alloc : memref<!tpu.dma_semaphore, #tpu.memory_space<semaphore_mem>>
          %dma_start3A_101 = arith.constant 0 : i32
          %dma_start3A_102 = arith.constant 0 : i32
          %dma_start3A_103 = tpu.memref_slice %arg14[%dma_start3A_101, %dma_start3A_102] : memref<256x2048xf32, #tpu.memory_space<vmem_shared>> -> memref<256x2048xf32, #tpu.memory_space<vmem_shared>>
          tpu.enqueue_indirect_dma source(%arg12 : memref<16x2048xf32, #tpu.memory_space<vmem>>) target(%dma_start3A_103 : memref<256x2048xf32, #tpu.memory_space<vmem_shared>>) offsets(%sub3A_84 : vector<16xi32>) semaphore(%run_scoped3A : memref<!tpu.dma_semaphore, #tpu.memory_space<semaphore_mem>>) {add = true}
          %dma_wait3A_104 = arith.constant 0 : i32
          %dma_wait3A_105 = arith.constant 0 : i32
          %dma_wait3A_106 = tpu.memref_slice %arg14[%dma_wait3A_104, %dma_wait3A_105] : memref<256x2048xf32, #tpu.memory_space<vmem_shared>> -> memref<256x2048xf32, #tpu.memory_space<vmem_shared>>
          tpu.wait_indirect_dma semaphore(%run_scoped3A : memref<!tpu.dma_semaphore, #tpu.memory_space<semaphore_mem>>) src(%arg12 : memref<16x2048xf32, #tpu.memory_space<vmem>>) dst(%dma_wait3A_106 : memref<256x2048xf32, #tpu.memory_space<vmem_shared>>)
          tpu.yield
        }) : () -> ()
      }
      %barrier3A_68 = arith.constant 0 : index
      tpu.barrier barrier_id(%barrier3A_68)
      %mul3A_69 = arith.constant 16 : i32
      %mul3A_70 = arith.muli %arg1, %mul3A_69 : i32
      %mul3A_71 = arith.constant 16 : i32
      %mul3A_72 = arith.muli %arg1, %mul3A_71 : i32
      %add3A_73 = arith.addi %mul3A_18, %mul3A_72 : i32
      "tpu.region"() ({
        %run_scoped3A = tpu.sem_alloc : memref<!tpu.dma_semaphore, #tpu.memory_space<semaphore_mem>>
        %dma_start3A = arith.constant 0 : i32
        %dma_start3A_74 = tpu.memref_slice %arg6[%add3A_73, %dma_start3A] : memref<10240x2048xf32, #tpu.memory_space<hbm>> -> memref<16x2048xf32, #tpu.memory_space<hbm>>
        %dma_start3A_75 = arith.constant 0 : i32
        %dma_start3A_76 = tpu.memref_slice %arg14[%mul3A_70, %dma_start3A_75] : memref<256x2048xf32, #tpu.memory_space<vmem_shared>> -> memref<16x2048xf32, #tpu.memory_space<vmem_shared>>
        tpu.enqueue_dma source(%dma_start3A_76 : memref<16x2048xf32, #tpu.memory_space<vmem_shared>>) target(%dma_start3A_74 : memref<16x2048xf32, #tpu.memory_space<hbm>>) target_semaphore(%run_scoped3A : memref<!tpu.dma_semaphore, #tpu.memory_space<semaphore_mem>>)
        %dma_wait3A = arith.constant 0 : i32
        %dma_wait3A_77 = tpu.memref_slice %arg6[%add3A_73, %dma_wait3A] : memref<10240x2048xf32, #tpu.memory_space<hbm>> -> memref<16x2048xf32, #tpu.memory_space<hbm>>
        %dma_wait3A_78 = arith.constant 0 : i32
        %dma_wait3A_79 = tpu.memref_slice %arg14[%mul3A_70, %dma_wait3A_78] : memref<256x2048xf32, #tpu.memory_space<vmem_shared>> -> memref<16x2048xf32, #tpu.memory_space<vmem_shared>>
        tpu.wait_dma2 semaphore(%run_scoped3A : memref<!tpu.dma_semaphore, #tpu.memory_space<semaphore_mem>>) src(%dma_wait3A_79 : memref<16x2048xf32, #tpu.memory_space<vmem_shared>>) dst(%dma_wait3A_77 : memref<16x2048xf32, #tpu.memory_space<hbm>>)
        tpu.yield
      }) : () -> ()
    }
    %scan3A_13 = arith.constant 20 : i32
    return
  }
}

#map = affine_map<(d0, d1) -> (0, 0)>
#map1 = affine_map<(d0, d1) -> (0)>
module attributes {stable_mosaic.version = 14 : i64} {
  func.func @run(%arg0: i32, %arg1: i32, %arg2: memref<10240x128xf32, #tpu.memory_space<hbm>>, %arg3: memref<163840xi32, #tpu.memory_space<hbm>>, %arg4: memref<163840xi32, #tpu.memory_space<hbm>>, %arg5: memref<163856x16xf32, #tpu.memory_space<hbm>>, %arg6: memref<10240x2048xf32, #tpu.memory_space<hbm>>, %arg7: memref<10256xi32, #tpu.memory_space<vmem>>, %arg8: memref<10256xi32, #tpu.memory_space<vmem>>, %arg9: memref<10256xi32, #tpu.memory_space<vmem>>, %arg10: memref<16x128xf32, #tpu.memory_space<vmem>>, %arg11: memref<16x16xf32, #tpu.memory_space<vmem>>, %arg12: memref<16x2048xf32, #tpu.memory_space<vmem>>, %arg13: memref<2x2048xf32, #tpu.memory_space<vmem>>, %arg14: memref<256x2048xf32, #tpu.memory_space<vmem_shared>>, %arg15: memref<!tpu.dma_semaphore, #tpu.memory_space<semaphore_mem>>, %arg16: memref<!tpu.dma_semaphore, #tpu.memory_space<semaphore_mem>>) attributes {dimension_semantics = [#tpu.dimension_semantics<core_parallel>, #tpu.dimension_semantics<subcore_parallel>], iteration_bounds = array<i64: 2, 16>, scalar_prefetch = 0 : i64, scratch_operands = 10 : i64, tpu.core_type = #tpu.core_type<sc_vector_subcore>, window_params = [{transform_indices = #map}, {transform_indices = #map1}, {transform_indices = #map1}, {transform_indices = #map}, {transform_indices = #map}]} {
    %mul3A = arith.constant 10240 : i32
    %mul3A_0 = arith.muli %arg1, %mul3A : i32
    %scan3A = arith.constant 0 : i32
    %scan3A_1 = arith.constant 0 : i32
    %scan3A_2 = arith.constant 128 : i32
    %scan3A_3 = arith.addi %scan3A_1, %scan3A_2 : i32
    %scan3A_4 = arith.constant 1 : i32
    scf.for %scan3A_14 = %scan3A_1 to %scan3A_3 step %scan3A_4  : i32 {
      %broadcast_in_dim3A_15 = arith.constant 0.000000e+00 : f32
      %broadcast_in_dim3A_16 = vector.broadcast %broadcast_in_dim3A_15 : f32 to vector<16xf32>
      %mul3A_17 = arith.constant 16 : i32
      %mul3A_18 = arith.muli %scan3A_14, %mul3A_17 : i32
      %swap3A_19 = arith.constant 0 : i32
      %swap3A_20 = arith.index_cast %swap3A_19 : i32 to index
      %swap3A_21 = arith.index_cast %mul3A_18 : i32 to index
      %swap3A_22 = tpu.vector_load %arg13[%swap3A_20, %swap3A_21] {strides = array<i32>} : memref<2x2048xf32, #tpu.memory_space<vmem>>, vector<16xf32>,
      tpu.vector_store %arg13[%swap3A_20, %swap3A_21], %broadcast_in_dim3A_16 {strides = array<i32>} : memref<2x2048xf32, #tpu.memory_space<vmem>>, vector<16xf32>,
      %broadcast_in_dim3A_23 = arith.constant 0.000000e+00 : f32
      %broadcast_in_dim3A_24 = vector.broadcast %broadcast_in_dim3A_23 : f32 to vector<16xf32>
      %mul3A_25 = arith.constant 16 : i32
      %mul3A_26 = arith.muli %scan3A_14, %mul3A_25 : i32
      %swap3A_27 = arith.constant 1 : i32
      %swap3A_28 = arith.index_cast %swap3A_27 : i32 to index
      %swap3A_29 = arith.index_cast %mul3A_26 : i32 to index
      %swap3A_30 = tpu.vector_load %arg13[%swap3A_28, %swap3A_29] {strides = array<i32>} : memref<2x2048xf32, #tpu.memory_space<vmem>>, vector<16xf32>,
      tpu.vector_store %arg13[%swap3A_28, %swap3A_29], %broadcast_in_dim3A_24 {strides = array<i32>} : memref<2x2048xf32, #tpu.memory_space<vmem>>, vector<16xf32>,
    }
    %scan3A_5 = arith.constant 128 : i32
    "tpu.region"() ({
      %run_scoped3A = tpu.sem_alloc : memref<!tpu.dma_semaphore, #tpu.memory_space<semaphore_mem>>
      %dma_start3A = arith.constant 0 : i32
      %dma_start3A_14 = tpu.memref_slice %arg7[%dma_start3A] : memref<10256xi32, #tpu.memory_space<vmem>> -> memref<10240xi32, #tpu.memory_space<vmem>>
      %dma_start3A_15 = tpu.memref_slice %arg3[%mul3A_0] : memref<163840xi32, #tpu.memory_space<hbm>> -> memref<10240xi32, #tpu.memory_space<hbm>>
      %dma_start3A_16 = arith.constant 0 : i32
      %dma_start3A_17 = tpu.memref_slice %arg7[%dma_start3A_16] : memref<10256xi32, #tpu.memory_space<vmem>> -> memref<10240xi32, #tpu.memory_space<vmem>>
      %dma_start3A_18 = tpu.memref_slice %arg3[%mul3A_0] : memref<163840xi32, #tpu.memory_space<hbm>> -> memref<10240xi32, #tpu.memory_space<hbm>>
      tpu.enqueue_dma source(%dma_start3A_18 : memref<10240xi32, #tpu.memory_space<hbm>>) target(%dma_start3A_17 : memref<10240xi32, #tpu.memory_space<vmem>>) target_semaphore(%run_scoped3A : memref<!tpu.dma_semaphore, #tpu.memory_space<semaphore_mem>>)
      %dma_wait3A = arith.constant 0 : i32
      %dma_wait3A_19 = tpu.memref_slice %arg7[%dma_wait3A] : memref<10256xi32, #tpu.memory_space<vmem>> -> memref<10240xi32, #tpu.memory_space<vmem>>
      %dma_wait3A_20 = tpu.memref_slice %arg3[%mul3A_0] : memref<163840xi32, #tpu.memory_space<hbm>> -> memref<10240xi32, #tpu.memory_space<hbm>>
      %dma_wait3A_21 = arith.constant 0 : i32
      %dma_wait3A_22 = tpu.memref_slice %arg7[%dma_wait3A_21] : memref<10256xi32, #tpu.memory_space<vmem>> -> memref<10240xi32, #tpu.memory_space<vmem>>
      %dma_wait3A_23 = tpu.memref_slice %arg3[%mul3A_0] : memref<163840xi32, #tpu.memory_space<hbm>> -> memref<10240xi32, #tpu.memory_space<hbm>>
      tpu.wait_dma2 semaphore(%run_scoped3A : memref<!tpu.dma_semaphore, #tpu.memory_space<semaphore_mem>>) src(%dma_wait3A_23 : memref<10240xi32, #tpu.memory_space<hbm>>) dst(%dma_wait3A_22 : memref<10240xi32, #tpu.memory_space<vmem>>)
      tpu.yield
    }) : () -> ()
    "tpu.region"() ({
      %run_scoped3A = tpu.sem_alloc : memref<!tpu.dma_semaphore, #tpu.memory_space<semaphore_mem>>
      %dma_start3A = arith.constant 0 : i32
      %dma_start3A_14 = tpu.memref_slice %arg8[%dma_start3A] : memref<10256xi32, #tpu.memory_space<vmem>> -> memref<10240xi32, #tpu.memory_space<vmem>>
      %dma_start3A_15 = tpu.memref_slice %arg4[%mul3A_0] : memref<163840xi32, #tpu.memory_space<hbm>> -> memref<10240xi32, #tpu.memory_space<hbm>>
      %dma_start3A_16 = arith.constant 0 : i32
      %dma_start3A_17 = tpu.memref_slice %arg8[%dma_start3A_16] : memref<10256xi32, #tpu.memory_space<vmem>> -> memref<10240xi32, #tpu.memory_space<vmem>>
      %dma_start3A_18 = tpu.memref_slice %arg4[%mul3A_0] : memref<163840xi32, #tpu.memory_space<hbm>> -> memref<10240xi32, #tpu.memory_space<hbm>>
      tpu.enqueue_dma source(%dma_start3A_18 : memref<10240xi32, #tpu.memory_space<hbm>>) target(%dma_start3A_17 : memref<10240xi32, #tpu.memory_space<vmem>>) target_semaphore(%run_scoped3A : memref<!tpu.dma_semaphore, #tpu.memory_space<semaphore_mem>>)
      %dma_wait3A = arith.constant 0 : i32
      %dma_wait3A_19 = tpu.memref_slice %arg8[%dma_wait3A] : memref<10256xi32, #tpu.memory_space<vmem>> -> memref<10240xi32, #tpu.memory_space<vmem>>
      %dma_wait3A_20 = tpu.memref_slice %arg4[%mul3A_0] : memref<163840xi32, #tpu.memory_space<hbm>> -> memref<10240xi32, #tpu.memory_space<hbm>>
      %dma_wait3A_21 = arith.constant 0 : i32
      %dma_wait3A_22 = tpu.memref_slice %arg8[%dma_wait3A_21] : memref<10256xi32, #tpu.memory_space<vmem>> -> memref<10240xi32, #tpu.memory_space<vmem>>
      %dma_wait3A_23 = tpu.memref_slice %arg4[%mul3A_0] : memref<163840xi32, #tpu.memory_space<hbm>> -> memref<10240xi32, #tpu.memory_space<hbm>>
      tpu.wait_dma2 semaphore(%run_scoped3A : memref<!tpu.dma_semaphore, #tpu.memory_space<semaphore_mem>>) src(%dma_wait3A_23 : memref<10240xi32, #tpu.memory_space<hbm>>) dst(%dma_wait3A_22 : memref<10240xi32, #tpu.memory_space<vmem>>)
      tpu.yield
    }) : () -> ()
    %broadcast_in_dim3A = arith.constant 0 : i32
    %broadcast_in_dim3A_6 = vector.broadcast %broadcast_in_dim3A : i32 to vector<16xi32>
    %swap3A = arith.constant 10240 : index
    %swap3A_7 = tpu.vector_load %arg7[%swap3A] {strides = array<i32>} : memref<10256xi32, #tpu.memory_space<vmem>>, vector<16xi32>,
    tpu.vector_store %arg7[%swap3A], %broadcast_in_dim3A_6 {strides = array<i32>} : memref<10256xi32, #tpu.memory_space<vmem>>, vector<16xi32>,
    %scan3A_8 = arith.constant 0 : i32
    %scan3A_9 = arith.constant 0 : i32
    %scan3A_10 = arith.constant 20 : i32
    %scan3A_11 = arith.addi %scan3A_9, %scan3A_10 : i32
    %scan3A_12 = arith.constant 1 : i32
    scf.for %scan3A_14 = %scan3A_9 to %scan3A_11 step %scan3A_12  : i32 {
      %mul3A_15 = arith.constant 2 : i32
      %mul3A_16 = arith.muli %mul3A_15, %scan3A_14 : i32
      %add3A = arith.addi %mul3A_16, %arg0 : i32
      %mul3A_17 = arith.constant 256 : i32
      %mul3A_18 = arith.muli %add3A, %mul3A_17 : i32
      %broadcast_in_dim3A_19 = vector.broadcast %mul3A_18 : i32 to vector<16xi32>
      %swap3A_20 = arith.constant 10240 : index
      %swap3A_21 = tpu.vector_load %arg8[%swap3A_20] {strides = array<i32>} : memref<10256xi32, #tpu.memory_space<vmem>>, vector<16xi32>,
      tpu.vector_store %arg8[%swap3A_20], %broadcast_in_dim3A_19 {strides = array<i32>} : memref<10256xi32, #tpu.memory_space<vmem>>, vector<16xi32>,
      %scan3A_22 = arith.constant 0 : i32
      %scan3A_23 = arith.constant 0 : i32
      %scan3A_24 = arith.constant 8 : i32
      %scan3A_25 = arith.addi %scan3A_23, %scan3A_24 : i32
      %scan3A_26 = arith.constant 1 : i32
      scf.for %scan3A_74 = %scan3A_23 to %scan3A_25 step %scan3A_26  : i32 {
        %mul3A_75 = arith.constant 16 : i32
        %mul3A_76 = arith.muli %arg1, %mul3A_75 : i32
        %mul3A_77 = arith.constant 2 : i32
        %mul3A_78 = arith.muli %scan3A_74, %mul3A_77 : i32
        %add3A_79 = arith.addi %mul3A_76, %mul3A_78 : i32
        "tpu.region"() ({
          %run_scoped3A = tpu.sem_alloc : memref<!tpu.dma_semaphore, #tpu.memory_space<semaphore_mem>>
          %dma_start3A = arith.constant 0 : i32
          %dma_start3A_80 = tpu.memref_slice %arg14[%add3A_79, %dma_start3A] : memref<256x2048xf32, #tpu.memory_space<vmem_shared>> -> memref<2x2048xf32, #tpu.memory_space<vmem_shared>>
          %dma_start3A_81 = arith.constant 0 : i32
          %dma_start3A_82 = tpu.memref_slice %arg14[%add3A_79, %dma_start3A_81] : memref<256x2048xf32, #tpu.memory_space<vmem_shared>> -> memref<2x2048xf32, #tpu.memory_space<vmem_shared>>
          tpu.enqueue_dma source(%arg13 : memref<2x2048xf32, #tpu.memory_space<vmem>>) target(%dma_start3A_82 : memref<2x2048xf32, #tpu.memory_space<vmem_shared>>) target_semaphore(%run_scoped3A : memref<!tpu.dma_semaphore, #tpu.memory_space<semaphore_mem>>)
          %dma_wait3A = arith.constant 0 : i32
          %dma_wait3A_83 = tpu.memref_slice %arg14[%add3A_79, %dma_wait3A] : memref<256x2048xf32, #tpu.memory_space<vmem_shared>> -> memref<2x2048xf32, #tpu.memory_space<vmem_shared>>
          %dma_wait3A_84 = arith.constant 0 : i32
          %dma_wait3A_85 = tpu.memref_slice %arg14[%add3A_79, %dma_wait3A_84] : memref<256x2048xf32, #tpu.memory_space<vmem_shared>> -> memref<2x2048xf32, #tpu.memory_space<vmem_shared>>
          tpu.wait_dma2 semaphore(%run_scoped3A : memref<!tpu.dma_semaphore, #tpu.memory_space<semaphore_mem>>) src(%arg13 : memref<2x2048xf32, #tpu.memory_space<vmem>>) dst(%dma_wait3A_85 : memref<2x2048xf32, #tpu.memory_space<vmem_shared>>)
          tpu.yield
        }) : () -> ()
      }
      %scan3A_27 = arith.constant 8 : i32
      %barrier3A = arith.constant 0 : index
      tpu.barrier barrier_id(%barrier3A)
      %scan3A_28 = arith.constant 0 : i32
      %scan3A_29 = arith.constant 0 : i32
      %scan3A_30 = arith.constant 640 : i32
      %scan3A_31 = arith.addi %scan3A_29, %scan3A_30 : i32
      %scan3A_32 = arith.constant 1 : i32
      %scan3A_33 = scf.for %scan3A_74 = %scan3A_29 to %scan3A_31 step %scan3A_32 iter_args(%scan3A_75 = %scan3A_28) -> (i32)  : i32 {
        %mul3A_76 = arith.constant 16 : i32
        %mul3A_77 = arith.muli %scan3A_74, %mul3A_76 : i32
        %get3A = arith.index_cast %mul3A_77 : i32 to index
        %get3A_78 = tpu.vector_load %arg8[%get3A] {strides = array<i32>} : memref<10256xi32, #tpu.memory_space<vmem>>, vector<16xi32>,
        %ge3A = vector.broadcast %mul3A_18 : i32 to vector<16xi32>
        %ge3A_79 = arith.cmpi sge, %get3A_78, %ge3A : vector<16xi32>
        %add3A_80 = arith.constant 256 : i32
        %add3A_81 = arith.addi %mul3A_18, %add3A_80 : i32
        %lt3A = vector.broadcast %add3A_81 : i32 to vector<16xi32>
        %lt3A_82 = arith.cmpi slt, %get3A_78, %lt3A : vector<16xi32>
        %and3A_83 = arith.andi %ge3A_79, %lt3A_82 : vector<16xi1>
        %convert_element_type3A = arith.extui %and3A_83 : vector<16xi1> to vector<16xi32>
        %broadcast_in_dim3A_84 = arith.constant true
        %broadcast_in_dim3A_85 = vector.broadcast %broadcast_in_dim3A_84 : i1 to vector<16xi1>
        %masked_cumsum3A = tpu.scan <sum>, %convert_element_type3A masked %broadcast_in_dim3A_85 : vector<16xi32>, vector<16xi1> -> vector<16xi32>
        %add3A_86 = vector.broadcast %scan3A_75 : i32 to vector<16xi32>
        %add3A_87 = arith.addi %add3A_86, %masked_cumsum3A : vector<16xi32>
        %sub3A_88 = arith.constant 1 : i32
        %sub3A_89 = vector.broadcast %sub3A_88 : i32 to vector<16xi32>
        %sub3A_90 = arith.subi %add3A_87, %sub3A_89 : vector<16xi32>
        %mul3A_91 = arith.constant 16 : i32
        %mul3A_92 = arith.muli %scan3A_74, %mul3A_91 : i32
        %add3A_93 = arith.addi %mul3A_0, %mul3A_92 : i32
        %iota3A = tpu.iota {dimensions = array<i32: 0>} : vector<16xi32>
        %add3A_94 = vector.broadcast %add3A_93 : i32 to vector<16xi32>
        %add3A_95 = arith.addi %add3A_94, %iota3A : vector<16xi32>
        tpu.vector_store_idx %arg9[%sub3A_90], %add3A_95 masked %and3A_83 : memref<10256xi32, #tpu.memory_space<vmem>>[vector<16xi32>], vector<16xi32>, vector<16xi1>
        %reduce_sum3A = arith.constant true
        %reduce_sum3A_96 = vector.broadcast %reduce_sum3A : i1 to vector<16xi1>
        %reduce_sum3A_97 = tpu.scan <sum>, %convert_element_type3A masked %reduce_sum3A_96 : vector<16xi32>, vector<16xi1> -> vector<16xi32>
        %reduce_sum3A_98 = vector.extract %reduce_sum3A_97[15] : i32 from vector<16xi32>
        %add3A_99 = arith.addi %scan3A_75, %reduce_sum3A_98 : i32
        scf.yield %add3A_99 : i32
      }
      %scan3A_34 = arith.constant 640 : i32
      %broadcast_in_dim3A_35 = arith.constant 163840 : i32
      %broadcast_in_dim3A_36 = vector.broadcast %broadcast_in_dim3A_35 : i32 to vector<16xi32>
      %swap3A_37 = arith.index_cast %scan3A_33 : i32 to index
      %swap3A_38 = tpu.vector_load %arg9[%swap3A_37] {strides = array<i32>} : memref<10256xi32, #tpu.memory_space<vmem>>, vector<16xi32>,
      tpu.vector_store %arg9[%swap3A_37], %broadcast_in_dim3A_36 {strides = array<i32>} : memref<10256xi32, #tpu.memory_space<vmem>>, vector<16xi32>,
      %add3A_39 = arith.constant 16 : i32
      %add3A_40 = arith.addi %scan3A_33, %add3A_39 : i32
      %sub3A = arith.constant 1 : i32
      %sub3A_41 = arith.subi %add3A_40, %sub3A : i32
      %jit3A = arith.constant 16 : i32
      %div3A = arith.divsi %sub3A_41, %jit3A : i32
      %sign3A = arith.constant 0 : i32
      %sign3A_42 = arith.cmpi sgt, %sub3A_41, %sign3A : i32
      %sign3A_43 = arith.extui %sign3A_42 : i1 to i32
      %sign3A_44 = arith.constant 0 : i32
      %sign3A_45 = arith.cmpi slt, %sub3A_41, %sign3A_44 : i32
      %sign3A_46 = arith.extui %sign3A_45 : i1 to i32
      %sign3A_47 = arith.subi %sign3A_43, %sign3A_46 : i32
      %sign3A_48 = arith.constant 0 : i32
      %sign3A_49 = arith.cmpi sgt, %jit3A, %sign3A_48 : i32
      %sign3A_50 = arith.extui %sign3A_49 : i1 to i32
      %sign3A_51 = arith.constant 0 : i32
      %sign3A_52 = arith.cmpi slt, %jit3A, %sign3A_51 : i32
      %sign3A_53 = arith.extui %sign3A_52 : i1 to i32
      %sign3A_54 = arith.subi %sign3A_50, %sign3A_53 : i32
      %ne3A = arith.cmpi ne, %sign3A_47, %sign3A_54 : i32
      %rem3A = arith.remsi %sub3A_41, %jit3A : i32
      %ne3A_55 = arith.constant 0 : i32
      %ne3A_56 = arith.cmpi ne, %rem3A, %ne3A_55 : i32
      %and3A = arith.andi %ne3A, %ne3A_56 : i1
      %sub3A_57 = arith.constant 1 : i32
      %sub3A_58 = arith.subi %div3A, %sub3A_57 : i32
      %select_n3A = arith.select %and3A, %sub3A_58, %div3A : i32
      %while3A = arith.constant 0 : i32
      %while3A_59 = arith.constant 0 : i32
      %while3A_60 = arith.subi %select_n3A, %while3A_59 : i32
      %while3A_61 = arith.addi %while3A_59, %while3A_60 : i32
      %while3A_62 = arith.constant 1 : i32
      %while3A_63 = arith.divsi %while3A_60, %while3A_62 : i32
      %while3A_64 = arith.muli %while3A_63, %while3A_62 : i32
      %while3A_65 = arith.addi %while3A_59, %while3A_64 : i32
      %while3A_66 = arith.constant 1 : i32
      scf.for %while3A_74 = %while3A_59 to %while3A_65 step %while3A_66  : i32 {
        %mul3A_75 = arith.constant 16 : i32
        %mul3A_76 = arith.muli %while3A_74, %mul3A_75 : i32
        %get3A = arith.index_cast %mul3A_76 : i32 to index
        %get3A_77 = tpu.vector_load %arg9[%get3A] {strides = array<i32>} : memref<10256xi32, #tpu.memory_space<vmem>>, vector<16xi32>,
        %sub3A_78 = vector.broadcast %mul3A_0 : i32 to vector<16xi32>
        %sub3A_79 = arith.subi %get3A_77, %sub3A_78 : vector<16xi32>
        %min3A = arith.constant 10240 : i32
        %min3A_80 = vector.broadcast %min3A : i32 to vector<16xi32>
        %min3A_81 = arith.minsi %sub3A_79, %min3A_80 : vector<16xi32>
        %gather3A = tpu.vector_load_idx %arg7[%min3A_81] : memref<10256xi32, #tpu.memory_space<vmem>>[vector<16xi32>], vector<16xi32>,
        %gather3A_82 = tpu.vector_load_idx %arg8[%min3A_81] : memref<10256xi32, #tpu.memory_space<vmem>>[vector<16xi32>], vector<16xi32>,
        %sub3A_83 = vector.broadcast %mul3A_18 : i32 to vector<16xi32>
        %sub3A_84 = arith.subi %gather3A_82, %sub3A_83 : vector<16xi32>
        %dma_start3A = arith.constant 0 : i32
        %dma_start3A_85 = arith.constant 0 : i32
        %dma_start3A_86 = tpu.memref_slice %arg2[%dma_start3A, %dma_start3A_85] : memref<10240x128xf32, #tpu.memory_space<hbm>> -> memref<10240x128xf32, #tpu.memory_space<hbm>>
        tpu.enqueue_indirect_dma source(%dma_start3A_86 : memref<10240x128xf32, #tpu.memory_space<hbm>>) target(%arg10 : memref<16x128xf32, #tpu.memory_space<vmem>>) offsets(%gather3A : vector<16xi32>) semaphore(%arg15 : memref<!tpu.dma_semaphore, #tpu.memory_space<semaphore_mem>>)
        %dma_start3A_87 = arith.constant 0 : i32
        %dma_start3A_88 = arith.constant 0 : i32
        %dma_start3A_89 = tpu.memref_slice %arg5[%dma_start3A_87, %dma_start3A_88] : memref<163856x16xf32, #tpu.memory_space<hbm>> -> memref<163856x16xf32, #tpu.memory_space<hbm>>
        tpu.enqueue_indirect_dma source(%dma_start3A_89 : memref<163856x16xf32, #tpu.memory_space<hbm>>) target(%arg11 : memref<16x16xf32, #tpu.memory_space<vmem>>) offsets(%get3A_77 : vector<16xi32>) semaphore(%arg16 : memref<!tpu.dma_semaphore, #tpu.memory_space<semaphore_mem>>)
        %dma_wait3A = arith.constant 0 : i32
        %dma_wait3A_90 = arith.constant 0 : i32
        %dma_wait3A_91 = tpu.memref_slice %arg2[%dma_wait3A, %dma_wait3A_90] : memref<10240x128xf32, #tpu.memory_space<hbm>> -> memref<10240x128xf32, #tpu.memory_space<hbm>>
        tpu.wait_indirect_dma semaphore(%arg15 : memref<!tpu.dma_semaphore, #tpu.memory_space<semaphore_mem>>) src(%dma_wait3A_91 : memref<10240x128xf32, #tpu.memory_space<hbm>>) dst(%arg10 : memref<16x128xf32, #tpu.memory_space<vmem>>)
        %dma_wait3A_92 = arith.constant 0 : i32
        %dma_wait3A_93 = arith.constant 0 : i32
        %dma_wait3A_94 = tpu.memref_slice %arg5[%dma_wait3A_92, %dma_wait3A_93] : memref<163856x16xf32, #tpu.memory_space<hbm>> -> memref<163856x16xf32, #tpu.memory_space<hbm>>
        tpu.wait_indirect_dma semaphore(%arg16 : memref<!tpu.dma_semaphore, #tpu.memory_space<semaphore_mem>>) src(%dma_wait3A_94 : memref<163856x16xf32, #tpu.memory_space<hbm>>) dst(%arg11 : memref<16x16xf32, #tpu.memory_space<vmem>>)
        %scan3A_95 = arith.constant 0 : i32
        %scan3A_96 = arith.constant 0 : i32
        %scan3A_97 = arith.constant 16 : i32
        %scan3A_98 = arith.addi %scan3A_96, %scan3A_97 : i32
        %scan3A_99 = arith.constant 1 : i32
        scf.for %scan3A_101 = %scan3A_96 to %scan3A_98 step %scan3A_99  : i32 {
          %get3A_102 = arith.index_cast %scan3A_101 : i32 to index
          %get3A_103 = arith.constant 0 : index
          %get3A_104 = tpu.vector_load %arg10[%get3A_102, %get3A_103] {strides = array<i32>} : memref<16x128xf32, #tpu.memory_space<vmem>>, vector<16xf32>,
          %get3A_105 = arith.index_cast %scan3A_101 : i32 to index
          %get3A_106 = arith.constant 16 : index
          %get3A_107 = tpu.vector_load %arg10[%get3A_105, %get3A_106] {strides = array<i32>} : memref<16x128xf32, #tpu.memory_space<vmem>>, vector<16xf32>,
          %get3A_108 = arith.index_cast %scan3A_101 : i32 to index
          %get3A_109 = arith.constant 32 : index
          %get3A_110 = tpu.vector_load %arg10[%get3A_108, %get3A_109] {strides = array<i32>} : memref<16x128xf32, #tpu.memory_space<vmem>>, vector<16xf32>,
          %get3A_111 = arith.index_cast %scan3A_101 : i32 to index
          %get3A_112 = arith.constant 48 : index
          %get3A_113 = tpu.vector_load %arg10[%get3A_111, %get3A_112] {strides = array<i32>} : memref<16x128xf32, #tpu.memory_space<vmem>>, vector<16xf32>,
          %get3A_114 = arith.index_cast %scan3A_101 : i32 to index
          %get3A_115 = arith.constant 64 : index
          %get3A_116 = tpu.vector_load %arg10[%get3A_114, %get3A_115] {strides = array<i32>} : memref<16x128xf32, #tpu.memory_space<vmem>>, vector<16xf32>,
          %get3A_117 = arith.index_cast %scan3A_101 : i32 to index
          %get3A_118 = arith.constant 80 : index
          %get3A_119 = tpu.vector_load %arg10[%get3A_117, %get3A_118] {strides = array<i32>} : memref<16x128xf32, #tpu.memory_space<vmem>>, vector<16xf32>,
          %get3A_120 = arith.index_cast %scan3A_101 : i32 to index
          %get3A_121 = arith.constant 96 : index
          %get3A_122 = tpu.vector_load %arg10[%get3A_120, %get3A_121] {strides = array<i32>} : memref<16x128xf32, #tpu.memory_space<vmem>>, vector<16xf32>,
          %get3A_123 = arith.index_cast %scan3A_101 : i32 to index
          %get3A_124 = arith.constant 112 : index
          %get3A_125 = tpu.vector_load %arg10[%get3A_123, %get3A_124] {strides = array<i32>} : memref<16x128xf32, #tpu.memory_space<vmem>>, vector<16xf32>,
          %broadcast_in_dim3A_126 = vector.broadcast %scan3A_101 : i32 to vector<16xi32>
          %broadcast_in_dim3A_127 = arith.constant 0 : i32
          %broadcast_in_dim3A_128 = vector.broadcast %broadcast_in_dim3A_127 : i32 to vector<16xi32>
          %gather3A_129 = tpu.vector_load_idx %arg11[%broadcast_in_dim3A_126, %broadcast_in_dim3A_128] : memref<16x16xf32, #tpu.memory_space<vmem>>[vector<16xi32>, vector<16xi32>], vector<16xf32>,
          %mul3A_130 = arith.mulf %gather3A_129, %get3A_104 : vector<16xf32>
          %swap3A_131 = arith.index_cast %scan3A_101 : i32 to index
          %swap3A_132 = arith.constant 0 : index
          %swap3A_133 = tpu.vector_load %arg12[%swap3A_131, %swap3A_132] {strides = array<i32>} : memref<16x2048xf32, #tpu.memory_space<vmem>>, vector<16xf32>,
          tpu.vector_store %arg12[%swap3A_131, %swap3A_132], %mul3A_130 {strides = array<i32>} : memref<16x2048xf32, #tpu.memory_space<vmem>>, vector<16xf32>,
          %mul3A_134 = arith.mulf %gather3A_129, %get3A_107 : vector<16xf32>
          %swap3A_135 = arith.index_cast %scan3A_101 : i32 to index
          %swap3A_136 = arith.constant 16 : index
          %swap3A_137 = tpu.vector_load %arg12[%swap3A_135, %swap3A_136] {strides = array<i32>} : memref<16x2048xf32, #tpu.memory_space<vmem>>, vector<16xf32>,
          tpu.vector_store %arg12[%swap3A_135, %swap3A_136], %mul3A_134 {strides = array<i32>} : memref<16x2048xf32, #tpu.memory_space<vmem>>, vector<16xf32>,
          %mul3A_138 = arith.mulf %gather3A_129, %get3A_110 : vector<16xf32>
          %swap3A_139 = arith.index_cast %scan3A_101 : i32 to index
          %swap3A_140 = arith.constant 32 : index
          %swap3A_141 = tpu.vector_load %arg12[%swap3A_139, %swap3A_140] {strides = array<i32>} : memref<16x2048xf32, #tpu.memory_space<vmem>>, vector<16xf32>,
          tpu.vector_store %arg12[%swap3A_139, %swap3A_140], %mul3A_138 {strides = array<i32>} : memref<16x2048xf32, #tpu.memory_space<vmem>>, vector<16xf32>,
          %mul3A_142 = arith.mulf %gather3A_129, %get3A_113 : vector<16xf32>
          %swap3A_143 = arith.index_cast %scan3A_101 : i32 to index
          %swap3A_144 = arith.constant 48 : index
          %swap3A_145 = tpu.vector_load %arg12[%swap3A_143, %swap3A_144] {strides = array<i32>} : memref<16x2048xf32, #tpu.memory_space<vmem>>, vector<16xf32>,
          tpu.vector_store %arg12[%swap3A_143, %swap3A_144], %mul3A_142 {strides = array<i32>} : memref<16x2048xf32, #tpu.memory_space<vmem>>, vector<16xf32>,
          %mul3A_146 = arith.mulf %gather3A_129, %get3A_116 : vector<16xf32>
          %swap3A_147 = arith.index_cast %scan3A_101 : i32 to index
          %swap3A_148 = arith.constant 64 : index
          %swap3A_149 = tpu.vector_load %arg12[%swap3A_147, %swap3A_148] {strides = array<i32>} : memref<16x2048xf32, #tpu.memory_space<vmem>>, vector<16xf32>,
          tpu.vector_store %arg12[%swap3A_147, %swap3A_148], %mul3A_146 {strides = array<i32>} : memref<16x2048xf32, #tpu.memory_space<vmem>>, vector<16xf32>,
          %mul3A_150 = arith.mulf %gather3A_129, %get3A_119 : vector<16xf32>
          %swap3A_151 = arith.index_cast %scan3A_101 : i32 to index
          %swap3A_152 = arith.constant 80 : index
          %swap3A_153 = tpu.vector_load %arg12[%swap3A_151, %swap3A_152] {strides = array<i32>} : memref<16x2048xf32, #tpu.memory_space<vmem>>, vector<16xf32>,
          tpu.vector_store %arg12[%swap3A_151, %swap3A_152], %mul3A_150 {strides = array<i32>} : memref<16x2048xf32, #tpu.memory_space<vmem>>, vector<16xf32>,
          %mul3A_154 = arith.mulf %gather3A_129, %get3A_122 : vector<16xf32>
          %swap3A_155 = arith.index_cast %scan3A_101 : i32 to index
          %swap3A_156 = arith.constant 96 : index
          %swap3A_157 = tpu.vector_load %arg12[%swap3A_155, %swap3A_156] {strides = array<i32>} : memref<16x2048xf32, #tpu.memory_space<vmem>>, vector<16xf32>,
          tpu.vector_store %arg12[%swap3A_155, %swap3A_156], %mul3A_154 {strides = array<i32>} : memref<16x2048xf32, #tpu.memory_space<vmem>>, vector<16xf32>,
          %mul3A_158 = arith.mulf %gather3A_129, %get3A_125 : vector<16xf32>
          %swap3A_159 = arith.index_cast %scan3A_101 : i32 to index
          %swap3A_160 = arith.constant 112 : index
          %swap3A_161 = tpu.vector_load %arg12[%swap3A_159, %swap3A_160] {strides = array<i32>} : memref<16x2048xf32, #tpu.memory_space<vmem>>, vector<16xf32>,
          tpu.vector_store %arg12[%swap3A_159, %swap3A_160], %mul3A_158 {strides = array<i32>} : memref<16x2048xf32, #tpu.memory_space<vmem>>, vector<16xf32>,
          %broadcast_in_dim3A_162 = vector.broadcast %scan3A_101 : i32 to vector<16xi32>
          %broadcast_in_dim3A_163 = arith.constant 1 : i32
          %broadcast_in_dim3A_164 = vector.broadcast %broadcast_in_dim3A_163 : i32 to vector<16xi32>
          %gather3A_165 = tpu.vector_load_idx %arg11[%broadcast_in_dim3A_162, %broadcast_in_dim3A_164] : memref<16x16xf32, #tpu.memory_space<vmem>>[vector<16xi32>, vector<16xi32>], vector<16xf32>,
          %mul3A_166 = arith.mulf %gather3A_165, %get3A_104 : vector<16xf32>
          %swap3A_167 = arith.index_cast %scan3A_101 : i32 to index
          %swap3A_168 = arith.constant 128 : index
          %swap3A_169 = tpu.vector_load %arg12[%swap3A_167, %swap3A_168] {strides = array<i32>} : memref<16x2048xf32, #tpu.memory_space<vmem>>, vector<16xf32>,
          tpu.vector_store %arg12[%swap3A_167, %swap3A_168], %mul3A_166 {strides = array<i32>} : memref<16x2048xf32, #tpu.memory_space<vmem>>, vector<16xf32>,
          %mul3A_170 = arith.mulf %gather3A_165, %get3A_107 : vector<16xf32>
          %swap3A_171 = arith.index_cast %scan3A_101 : i32 to index
          %swap3A_172 = arith.constant 144 : index
          %swap3A_173 = tpu.vector_load %arg12[%swap3A_171, %swap3A_172] {strides = array<i32>} : memref<16x2048xf32, #tpu.memory_space<vmem>>, vector<16xf32>,
          tpu.vector_store %arg12[%swap3A_171, %swap3A_172], %mul3A_170 {strides = array<i32>} : memref<16x2048xf32, #tpu.memory_space<vmem>>, vector<16xf32>,
          %mul3A_174 = arith.mulf %gather3A_165, %get3A_110 : vector<16xf32>
          %swap3A_175 = arith.index_cast %scan3A_101 : i32 to index
          %swap3A_176 = arith.constant 160 : index
          %swap3A_177 = tpu.vector_load %arg12[%swap3A_175, %swap3A_176] {strides = array<i32>} : memref<16x2048xf32, #tpu.memory_space<vmem>>, vector<16xf32>,
          tpu.vector_store %arg12[%swap3A_175, %swap3A_176], %mul3A_174 {strides = array<i32>} : memref<16x2048xf32, #tpu.memory_space<vmem>>, vector<16xf32>,
          %mul3A_178 = arith.mulf %gather3A_165, %get3A_113 : vector<16xf32>
          %swap3A_179 = arith.index_cast %scan3A_101 : i32 to index
          %swap3A_180 = arith.constant 176 : index
          %swap3A_181 = tpu.vector_load %arg12[%swap3A_179, %swap3A_180] {strides = array<i32>} : memref<16x2048xf32, #tpu.memory_space<vmem>>, vector<16xf32>,
          tpu.vector_store %arg12[%swap3A_179, %swap3A_180], %mul3A_178 {strides = array<i32>} : memref<16x2048xf32, #tpu.memory_space<vmem>>, vector<16xf32>,
          %mul3A_182 = arith.mulf %gather3A_165, %get3A_116 : vector<16xf32>
          %swap3A_183 = arith.index_cast %scan3A_101 : i32 to index
          %swap3A_184 = arith.constant 192 : index
          %swap3A_185 = tpu.vector_load %arg12[%swap3A_183, %swap3A_184] {strides = array<i32>} : memref<16x2048xf32, #tpu.memory_space<vmem>>, vector<16xf32>,
          tpu.vector_store %arg12[%swap3A_183, %swap3A_184], %mul3A_182 {strides = array<i32>} : memref<16x2048xf32, #tpu.memory_space<vmem>>, vector<16xf32>,
          %mul3A_186 = arith.mulf %gather3A_165, %get3A_119 : vector<16xf32>
          %swap3A_187 = arith.index_cast %scan3A_101 : i32 to index
          %swap3A_188 = arith.constant 208 : index
          %swap3A_189 = tpu.vector_load %arg12[%swap3A_187, %swap3A_188] {strides = array<i32>} : memref<16x2048xf32, #tpu.memory_space<vmem>>, vector<16xf32>,
          tpu.vector_store %arg12[%swap3A_187, %swap3A_188], %mul3A_186 {strides = array<i32>} : memref<16x2048xf32, #tpu.memory_space<vmem>>, vector<16xf32>,
          %mul3A_190 = arith.mulf %gather3A_165, %get3A_122 : vector<16xf32>
          %swap3A_191 = arith.index_cast %scan3A_101 : i32 to index
          %swap3A_192 = arith.constant 224 : index
          %swap3A_193 = tpu.vector_load %arg12[%swap3A_191, %swap3A_192] {strides = array<i32>} : memref<16x2048xf32, #tpu.memory_space<vmem>>, vector<16xf32>,
          tpu.vector_store %arg12[%swap3A_191, %swap3A_192], %mul3A_190 {strides = array<i32>} : memref<16x2048xf32, #tpu.memory_space<vmem>>, vector<16xf32>,
          %mul3A_194 = arith.mulf %gather3A_165, %get3A_125 : vector<16xf32>
          %swap3A_195 = arith.index_cast %scan3A_101 : i32 to index
          %swap3A_196 = arith.constant 240 : index
          %swap3A_197 = tpu.vector_load %arg12[%swap3A_195, %swap3A_196] {strides = array<i32>} : memref<16x2048xf32, #tpu.memory_space<vmem>>, vector<16xf32>,
          tpu.vector_store %arg12[%swap3A_195, %swap3A_196], %mul3A_194 {strides = array<i32>} : memref<16x2048xf32, #tpu.memory_space<vmem>>, vector<16xf32>,
          %broadcast_in_dim3A_198 = vector.broadcast %scan3A_101 : i32 to vector<16xi32>
          %broadcast_in_dim3A_199 = arith.constant 2 : i32
          %broadcast_in_dim3A_200 = vector.broadcast %broadcast_in_dim3A_199 : i32 to vector<16xi32>
          %gather3A_201 = tpu.vector_load_idx %arg11[%broadcast_in_dim3A_198, %broadcast_in_dim3A_200] : memref<16x16xf32, #tpu.memory_space<vmem>>[vector<16xi32>, vector<16xi32>], vector<16xf32>,
          %mul3A_202 = arith.mulf %gather3A_201, %get3A_104 : vector<16xf32>
          %swap3A_203 = arith.index_cast %scan3A_101 : i32 to index
          %swap3A_204 = arith.constant 256 : index
          %swap3A_205 = tpu.vector_load %arg12[%swap3A_203, %swap3A_204] {strides = array<i32>} : memref<16x2048xf32, #tpu.memory_space<vmem>>, vector<16xf32>,
          tpu.vector_store %arg12[%swap3A_203, %swap3A_204], %mul3A_202 {strides = array<i32>} : memref<16x2048xf32, #tpu.memory_space<vmem>>, vector<16xf32>,
          %mul3A_206 = arith.mulf %gather3A_201, %get3A_107 : vector<16xf32>
          %swap3A_207 = arith.index_cast %scan3A_101 : i32 to index
          %swap3A_208 = arith.constant 272 : index
          %swap3A_209 = tpu.vector_load %arg12[%swap3A_207, %swap3A_208] {strides = array<i32>} : memref<16x2048xf32, #tpu.memory_space<vmem>>, vector<16xf32>,
          tpu.vector_store %arg12[%swap3A_207, %swap3A_208], %mul3A_206 {strides = array<i32>} : memref<16x2048xf32, #tpu.memory_space<vmem>>, vector<16xf32>,
          %mul3A_210 = arith.mulf %gather3A_201, %get3A_110 : vector<16xf32>
          %swap3A_211 = arith.index_cast %scan3A_101 : i32 to index
          %swap3A_212 = arith.constant 288 : index
          %swap3A_213 = tpu.vector_load %arg12[%swap3A_211, %swap3A_212] {strides = array<i32>} : memref<16x2048xf32, #tpu.memory_space<vmem>>, vector<16xf32>,
          tpu.vector_store %arg12[%swap3A_211, %swap3A_212], %mul3A_210 {strides = array<i32>} : memref<16x2048xf32, #tpu.memory_space<vmem>>, vector<16xf32>,
          %mul3A_214 = arith.mulf %gather3A_201, %get3A_113 : vector<16xf32>
          %swap3A_215 = arith.index_cast %scan3A_101 : i32 to index
          %swap3A_216 = arith.constant 304 : index
          %swap3A_217 = tpu.vector_load %arg12[%swap3A_215, %swap3A_216] {strides = array<i32>} : memref<16x2048xf32, #tpu.memory_space<vmem>>, vector<16xf32>,
          tpu.vector_store %arg12[%swap3A_215, %swap3A_216], %mul3A_214 {strides = array<i32>} : memref<16x2048xf32, #tpu.memory_space<vmem>>, vector<16xf32>,
          %mul3A_218 = arith.mulf %gather3A_201, %get3A_116 : vector<16xf32>
          %swap3A_219 = arith.index_cast %scan3A_101 : i32 to index
          %swap3A_220 = arith.constant 320 : index
          %swap3A_221 = tpu.vector_load %arg12[%swap3A_219, %swap3A_220] {strides = array<i32>} : memref<16x2048xf32, #tpu.memory_space<vmem>>, vector<16xf32>,
          tpu.vector_store %arg12[%swap3A_219, %swap3A_220], %mul3A_218 {strides = array<i32>} : memref<16x2048xf32, #tpu.memory_space<vmem>>, vector<16xf32>,
          %mul3A_222 = arith.mulf %gather3A_201, %get3A_119 : vector<16xf32>
          %swap3A_223 = arith.index_cast %scan3A_101 : i32 to index
          %swap3A_224 = arith.constant 336 : index
          %swap3A_225 = tpu.vector_load %arg12[%swap3A_223, %swap3A_224] {strides = array<i32>} : memref<16x2048xf32, #tpu.memory_space<vmem>>, vector<16xf32>,
          tpu.vector_store %arg12[%swap3A_223, %swap3A_224], %mul3A_222 {strides = array<i32>} : memref<16x2048xf32, #tpu.memory_space<vmem>>, vector<16xf32>,
          %mul3A_226 = arith.mulf %gather3A_201, %get3A_122 : vector<16xf32>
          %swap3A_227 = arith.index_cast %scan3A_101 : i32 to index
          %swap3A_228 = arith.constant 352 : index
          %swap3A_229 = tpu.vector_load %arg12[%swap3A_227, %swap3A_228] {strides = array<i32>} : memref<16x2048xf32, #tpu.memory_space<vmem>>, vector<16xf32>,
          tpu.vector_store %arg12[%swap3A_227, %swap3A_228], %mul3A_226 {strides = array<i32>} : memref<16x2048xf32, #tpu.memory_space<vmem>>, vector<16xf32>,
          %mul3A_230 = arith.mulf %gather3A_201, %get3A_125 : vector<16xf32>
          %swap3A_231 = arith.index_cast %scan3A_101 : i32 to index
          %swap3A_232 = arith.constant 368 : index
          %swap3A_233 = tpu.vector_load %arg12[%swap3A_231, %swap3A_232] {strides = array<i32>} : memref<16x2048xf32, #tpu.memory_space<vmem>>, vector<16xf32>,
          tpu.vector_store %arg12[%swap3A_231, %swap3A_232], %mul3A_230 {strides = array<i32>} : memref<16x2048xf32, #tpu.memory_space<vmem>>, vector<16xf32>,
          %broadcast_in_dim3A_234 = vector.broadcast %scan3A_101 : i32 to vector<16xi32>
          %broadcast_in_dim3A_235 = arith.constant 3 : i32
          %broadcast_in_dim3A_236 = vector.broadcast %broadcast_in_dim3A_235 : i32 to vector<16xi32>
          %gather3A_237 = tpu.vector_load_idx %arg11[%broadcast_in_dim3A_234, %broadcast_in_dim3A_236] : memref<16x16xf32, #tpu.memory_space<vmem>>[vector<16xi32>, vector<16xi32>], vector<16xf32>,
          %mul3A_238 = arith.mulf %gather3A_237, %get3A_104 : vector<16xf32>
          %swap3A_239 = arith.index_cast %scan3A_101 : i32 to index
          %swap3A_240 = arith.constant 384 : index
          %swap3A_241 = tpu.vector_load %arg12[%swap3A_239, %swap3A_240] {strides = array<i32>} : memref<16x2048xf32, #tpu.memory_space<vmem>>, vector<16xf32>,
          tpu.vector_store %arg12[%swap3A_239, %swap3A_240], %mul3A_238 {strides = array<i32>} : memref<16x2048xf32, #tpu.memory_space<vmem>>, vector<16xf32>,
          %mul3A_242 = arith.mulf %gather3A_237, %get3A_107 : vector<16xf32>
          %swap3A_243 = arith.index_cast %scan3A_101 : i32 to index
          %swap3A_244 = arith.constant 400 : index
          %swap3A_245 = tpu.vector_load %arg12[%swap3A_243, %swap3A_244] {strides = array<i32>} : memref<16x2048xf32, #tpu.memory_space<vmem>>, vector<16xf32>,
          tpu.vector_store %arg12[%swap3A_243, %swap3A_244], %mul3A_242 {strides = array<i32>} : memref<16x2048xf32, #tpu.memory_space<vmem>>, vector<16xf32>,
          %mul3A_246 = arith.mulf %gather3A_237, %get3A_110 : vector<16xf32>
          %swap3A_247 = arith.index_cast %scan3A_101 : i32 to index
          %swap3A_248 = arith.constant 416 : index
          %swap3A_249 = tpu.vector_load %arg12[%swap3A_247, %swap3A_248] {strides = array<i32>} : memref<16x2048xf32, #tpu.memory_space<vmem>>, vector<16xf32>,
          tpu.vector_store %arg12[%swap3A_247, %swap3A_248], %mul3A_246 {strides = array<i32>} : memref<16x2048xf32, #tpu.memory_space<vmem>>, vector<16xf32>,
          %mul3A_250 = arith.mulf %gather3A_237, %get3A_113 : vector<16xf32>
          %swap3A_251 = arith.index_cast %scan3A_101 : i32 to index
          %swap3A_252 = arith.constant 432 : index
          %swap3A_253 = tpu.vector_load %arg12[%swap3A_251, %swap3A_252] {strides = array<i32>} : memref<16x2048xf32, #tpu.memory_space<vmem>>, vector<16xf32>,
          tpu.vector_store %arg12[%swap3A_251, %swap3A_252], %mul3A_250 {strides = array<i32>} : memref<16x2048xf32, #tpu.memory_space<vmem>>, vector<16xf32>,
          %mul3A_254 = arith.mulf %gather3A_237, %get3A_116 : vector<16xf32>
          %swap3A_255 = arith.index_cast %scan3A_101 : i32 to index
          %swap3A_256 = arith.constant 448 : index
          %swap3A_257 = tpu.vector_load %arg12[%swap3A_255, %swap3A_256] {strides = array<i32>} : memref<16x2048xf32, #tpu.memory_space<vmem>>, vector<16xf32>,
          tpu.vector_store %arg12[%swap3A_255, %swap3A_256], %mul3A_254 {strides = array<i32>} : memref<16x2048xf32, #tpu.memory_space<vmem>>, vector<16xf32>,
          %mul3A_258 = arith.mulf %gather3A_237, %get3A_119 : vector<16xf32>
          %swap3A_259 = arith.index_cast %scan3A_101 : i32 to index
          %swap3A_260 = arith.constant 464 : index
          %swap3A_261 = tpu.vector_load %arg12[%swap3A_259, %swap3A_260] {strides = array<i32>} : memref<16x2048xf32, #tpu.memory_space<vmem>>, vector<16xf32>,
          tpu.vector_store %arg12[%swap3A_259, %swap3A_260], %mul3A_258 {strides = array<i32>} : memref<16x2048xf32, #tpu.memory_space<vmem>>, vector<16xf32>,
          %mul3A_262 = arith.mulf %gather3A_237, %get3A_122 : vector<16xf32>
          %swap3A_263 = arith.index_cast %scan3A_101 : i32 to index
          %swap3A_264 = arith.constant 480 : index
          %swap3A_265 = tpu.vector_load %arg12[%swap3A_263, %swap3A_264] {strides = array<i32>} : memref<16x2048xf32, #tpu.memory_space<vmem>>, vector<16xf32>,
          tpu.vector_store %arg12[%swap3A_263, %swap3A_264], %mul3A_262 {strides = array<i32>} : memref<16x2048xf32, #tpu.memory_space<vmem>>, vector<16xf32>,
          %mul3A_266 = arith.mulf %gather3A_237, %get3A_125 : vector<16xf32>
          %swap3A_267 = arith.index_cast %scan3A_101 : i32 to index
          %swap3A_268 = arith.constant 496 : index
          %swap3A_269 = tpu.vector_load %arg12[%swap3A_267, %swap3A_268] {strides = array<i32>} : memref<16x2048xf32, #tpu.memory_space<vmem>>, vector<16xf32>,
          tpu.vector_store %arg12[%swap3A_267, %swap3A_268], %mul3A_266 {strides = array<i32>} : memref<16x2048xf32, #tpu.memory_space<vmem>>, vector<16xf32>,
          %broadcast_in_dim3A_270 = vector.broadcast %scan3A_101 : i32 to vector<16xi32>
          %broadcast_in_dim3A_271 = arith.constant 4 : i32
          %broadcast_in_dim3A_272 = vector.broadcast %broadcast_in_dim3A_271 : i32 to vector<16xi32>
          %gather3A_273 = tpu.vector_load_idx %arg11[%broadcast_in_dim3A_270, %broadcast_in_dim3A_272] : memref<16x16xf32, #tpu.memory_space<vmem>>[vector<16xi32>, vector<16xi32>], vector<16xf32>,
          %mul3A_274 = arith.mulf %gather3A_273, %get3A_104 : vector<16xf32>
          %swap3A_275 = arith.index_cast %scan3A_101 : i32 to index
          %swap3A_276 = arith.constant 512 : index
          %swap3A_277 = tpu.vector_load %arg12[%swap3A_275, %swap3A_276] {strides = array<i32>} : memref<16x2048xf32, #tpu.memory_space<vmem>>, vector<16xf32>,
          tpu.vector_store %arg12[%swap3A_275, %swap3A_276], %mul3A_274 {strides = array<i32>} : memref<16x2048xf32, #tpu.memory_space<vmem>>, vector<16xf32>,
          %mul3A_278 = arith.mulf %gather3A_273, %get3A_107 : vector<16xf32>
          %swap3A_279 = arith.index_cast %scan3A_101 : i32 to index
          %swap3A_280 = arith.constant 528 : index
          %swap3A_281 = tpu.vector_load %arg12[%swap3A_279, %swap3A_280] {strides = array<i32>} : memref<16x2048xf32, #tpu.memory_space<vmem>>, vector<16xf32>,
          tpu.vector_store %arg12[%swap3A_279, %swap3A_280], %mul3A_278 {strides = array<i32>} : memref<16x2048xf32, #tpu.memory_space<vmem>>, vector<16xf32>,
          %mul3A_282 = arith.mulf %gather3A_273, %get3A_110 : vector<16xf32>
          %swap3A_283 = arith.index_cast %scan3A_101 : i32 to index
          %swap3A_284 = arith.constant 544 : index
          %swap3A_285 = tpu.vector_load %arg12[%swap3A_283, %swap3A_284] {strides = array<i32>} : memref<16x2048xf32, #tpu.memory_space<vmem>>, vector<16xf32>,
          tpu.vector_store %arg12[%swap3A_283, %swap3A_284], %mul3A_282 {strides = array<i32>} : memref<16x2048xf32, #tpu.memory_space<vmem>>, vector<16xf32>,
          %mul3A_286 = arith.mulf %gather3A_273, %get3A_113 : vector<16xf32>
          %swap3A_287 = arith.index_cast %scan3A_101 : i32 to index
          %swap3A_288 = arith.constant 560 : index
          %swap3A_289 = tpu.vector_load %arg12[%swap3A_287, %swap3A_288] {strides = array<i32>} : memref<16x2048xf32, #tpu.memory_space<vmem>>, vector<16xf32>,
          tpu.vector_store %arg12[%swap3A_287, %swap3A_288], %mul3A_286 {strides = array<i32>} : memref<16x2048xf32, #tpu.memory_space<vmem>>, vector<16xf32>,
          %mul3A_290 = arith.mulf %gather3A_273, %get3A_116 : vector<16xf32>
          %swap3A_291 = arith.index_cast %scan3A_101 : i32 to index
          %swap3A_292 = arith.constant 576 : index
          %swap3A_293 = tpu.vector_load %arg12[%swap3A_291, %swap3A_292] {strides = array<i32>} : memref<16x2048xf32, #tpu.memory_space<vmem>>, vector<16xf32>,
          tpu.vector_store %arg12[%swap3A_291, %swap3A_292], %mul3A_290 {strides = array<i32>} : memref<16x2048xf32, #tpu.memory_space<vmem>>, vector<16xf32>,
          %mul3A_294 = arith.mulf %gather3A_273, %get3A_119 : vector<16xf32>
          %swap3A_295 = arith.index_cast %scan3A_101 : i32 to index
          %swap3A_296 = arith.constant 592 : index
          %swap3A_297 = tpu.vector_load %arg12[%swap3A_295, %swap3A_296] {strides = array<i32>} : memref<16x2048xf32, #tpu.memory_space<vmem>>, vector<16xf32>,
          tpu.vector_store %arg12[%swap3A_295, %swap3A_296], %mul3A_294 {strides = array<i32>} : memref<16x2048xf32, #tpu.memory_space<vmem>>, vector<16xf32>,
          %mul3A_298 = arith.mulf %gather3A_273, %get3A_122 : vector<16xf32>
          %swap3A_299 = arith.index_cast %scan3A_101 : i32 to index
          %swap3A_300 = arith.constant 608 : index
          %swap3A_301 = tpu.vector_load %arg12[%swap3A_299, %swap3A_300] {strides = array<i32>} : memref<16x2048xf32, #tpu.memory_space<vmem>>, vector<16xf32>,
          tpu.vector_store %arg12[%swap3A_299, %swap3A_300], %mul3A_298 {strides = array<i32>} : memref<16x2048xf32, #tpu.memory_space<vmem>>, vector<16xf32>,
          %mul3A_302 = arith.mulf %gather3A_273, %get3A_125 : vector<16xf32>
          %swap3A_303 = arith.index_cast %scan3A_101 : i32 to index
          %swap3A_304 = arith.constant 624 : index
          %swap3A_305 = tpu.vector_load %arg12[%swap3A_303, %swap3A_304] {strides = array<i32>} : memref<16x2048xf32, #tpu.memory_space<vmem>>, vector<16xf32>,
          tpu.vector_store %arg12[%swap3A_303, %swap3A_304], %mul3A_302 {strides = array<i32>} : memref<16x2048xf32, #tpu.memory_space<vmem>>, vector<16xf32>,
          %broadcast_in_dim3A_306 = vector.broadcast %scan3A_101 : i32 to vector<16xi32>
          %broadcast_in_dim3A_307 = arith.constant 5 : i32
          %broadcast_in_dim3A_308 = vector.broadcast %broadcast_in_dim3A_307 : i32 to vector<16xi32>
          %gather3A_309 = tpu.vector_load_idx %arg11[%broadcast_in_dim3A_306, %broadcast_in_dim3A_308] : memref<16x16xf32, #tpu.memory_space<vmem>>[vector<16xi32>, vector<16xi32>], vector<16xf32>,
          %mul3A_310 = arith.mulf %gather3A_309, %get3A_104 : vector<16xf32>
          %swap3A_311 = arith.index_cast %scan3A_101 : i32 to index
          %swap3A_312 = arith.constant 640 : index
          %swap3A_313 = tpu.vector_load %arg12[%swap3A_311, %swap3A_312] {strides = array<i32>} : memref<16x2048xf32, #tpu.memory_space<vmem>>, vector<16xf32>,
          tpu.vector_store %arg12[%swap3A_311, %swap3A_312], %mul3A_310 {strides = array<i32>} : memref<16x2048xf32, #tpu.memory_space<vmem>>, vector<16xf32>,
          %mul3A_314 = arith.mulf %gather3A_309, %get3A_107 : vector<16xf32>
          %swap3A_315 = arith.index_cast %scan3A_101 : i32 to index
          %swap3A_316 = arith.constant 656 : index
          %swap3A_317 = tpu.vector_load %arg12[%swap3A_315, %swap3A_316] {strides = array<i32>} : memref<16x2048xf32, #tpu.memory_space<vmem>>, vector<16xf32>,
          tpu.vector_store %arg12[%swap3A_315, %swap3A_316], %mul3A_314 {strides = array<i32>} : memref<16x2048xf32, #tpu.memory_space<vmem>>, vector<16xf32>,
          %mul3A_318 = arith.mulf %gather3A_309, %get3A_110 : vector<16xf32>
          %swap3A_319 = arith.index_cast %scan3A_101 : i32 to index
          %swap3A_320 = arith.constant 672 : index
          %swap3A_321 = tpu.vector_load %arg12[%swap3A_319, %swap3A_320] {strides = array<i32>} : memref<16x2048xf32, #tpu.memory_space<vmem>>, vector<16xf32>,
          tpu.vector_store %arg12[%swap3A_319, %swap3A_320], %mul3A_318 {strides = array<i32>} : memref<16x2048xf32, #tpu.memory_space<vmem>>, vector<16xf32>,
          %mul3A_322 = arith.mulf %gather3A_309, %get3A_113 : vector<16xf32>
          %swap3A_323 = arith.index_cast %scan3A_101 : i32 to index
          %swap3A_324 = arith.constant 688 : index
          %swap3A_325 = tpu.vector_load %arg12[%swap3A_323, %swap3A_324] {strides = array<i32>} : memref<16x2048xf32, #tpu.memory_space<vmem>>, vector<16xf32>,
          tpu.vector_store %arg12[%swap3A_323, %swap3A_324], %mul3A_322 {strides = array<i32>} : memref<16x2048xf32, #tpu.memory_space<vmem>>, vector<16xf32>,
          %mul3A_326 = arith.mulf %gather3A_309, %get3A_116 : vector<16xf32>
          %swap3A_327 = arith.index_cast %scan3A_101 : i32 to index
          %swap3A_328 = arith.constant 704 : index
          %swap3A_329 = tpu.vector_load %arg12[%swap3A_327, %swap3A_328] {strides = array<i32>} : memref<16x2048xf32, #tpu.memory_space<vmem>>, vector<16xf32>,
          tpu.vector_store %arg12[%swap3A_327, %swap3A_328], %mul3A_326 {strides = array<i32>} : memref<16x2048xf32, #tpu.memory_space<vmem>>, vector<16xf32>,
          %mul3A_330 = arith.mulf %gather3A_309, %get3A_119 : vector<16xf32>
          %swap3A_331 = arith.index_cast %scan3A_101 : i32 to index
          %swap3A_332 = arith.constant 720 : index
          %swap3A_333 = tpu.vector_load %arg12[%swap3A_331, %swap3A_332] {strides = array<i32>} : memref<16x2048xf32, #tpu.memory_space<vmem>>, vector<16xf32>,
          tpu.vector_store %arg12[%swap3A_331, %swap3A_332], %mul3A_330 {strides = array<i32>} : memref<16x2048xf32, #tpu.memory_space<vmem>>, vector<16xf32>,
          %mul3A_334 = arith.mulf %gather3A_309, %get3A_122 : vector<16xf32>
          %swap3A_335 = arith.index_cast %scan3A_101 : i32 to index
          %swap3A_336 = arith.constant 736 : index
          %swap3A_337 = tpu.vector_load %arg12[%swap3A_335, %swap3A_336] {strides = array<i32>} : memref<16x2048xf32, #tpu.memory_space<vmem>>, vector<16xf32>,
          tpu.vector_store %arg12[%swap3A_335, %swap3A_336], %mul3A_334 {strides = array<i32>} : memref<16x2048xf32, #tpu.memory_space<vmem>>, vector<16xf32>,
          %mul3A_338 = arith.mulf %gather3A_309, %get3A_125 : vector<16xf32>
          %swap3A_339 = arith.index_cast %scan3A_101 : i32 to index
          %swap3A_340 = arith.constant 752 : index
          %swap3A_341 = tpu.vector_load %arg12[%swap3A_339, %swap3A_340] {strides = array<i32>} : memref<16x2048xf32, #tpu.memory_space<vmem>>, vector<16xf32>,
          tpu.vector_store %arg12[%swap3A_339, %swap3A_340], %mul3A_338 {strides = array<i32>} : memref<16x2048xf32, #tpu.memory_space<vmem>>, vector<16xf32>,
          %broadcast_in_dim3A_342 = vector.broadcast %scan3A_101 : i32 to vector<16xi32>
          %broadcast_in_dim3A_343 = arith.constant 6 : i32
          %broadcast_in_dim3A_344 = vector.broadcast %broadcast_in_dim3A_343 : i32 to vector<16xi32>
          %gather3A_345 = tpu.vector_load_idx %arg11[%broadcast_in_dim3A_342, %broadcast_in_dim3A_344] : memref<16x16xf32, #tpu.memory_space<vmem>>[vector<16xi32>, vector<16xi32>], vector<16xf32>,
          %mul3A_346 = arith.mulf %gather3A_345, %get3A_104 : vector<16xf32>
          %swap3A_347 = arith.index_cast %scan3A_101 : i32 to index
          %swap3A_348 = arith.constant 768 : index
          %swap3A_349 = tpu.vector_load %arg12[%swap3A_347, %swap3A_348] {strides = array<i32>} : memref<16x2048xf32, #tpu.memory_space<vmem>>, vector<16xf32>,
          tpu.vector_store %arg12[%swap3A_347, %swap3A_348], %mul3A_346 {strides = array<i32>} : memref<16x2048xf32, #tpu.memory_space<vmem>>, vector<16xf32>,
          %mul3A_350 = arith.mulf %gather3A_345, %get3A_107 : vector<16xf32>
          %swap3A_351 = arith.index_cast %scan3A_101 : i32 to index
          %swap3A_352 = arith.constant 784 : index
          %swap3A_353 = tpu.vector_load %arg12[%swap3A_351, %swap3A_352] {strides = array<i32>} : memref<16x2048xf32, #tpu.memory_space<vmem>>, vector<16xf32>,
          tpu.vector_store %arg12[%swap3A_351, %swap3A_352], %mul3A_350 {strides = array<i32>} : memref<16x2048xf32, #tpu.memory_space<vmem>>, vector<16xf32>,
          %mul3A_354 = arith.mulf %gather3A_345, %get3A_110 : vector<16xf32>
          %swap3A_355 = arith.index_cast %scan3A_101 : i32 to index
          %swap3A_356 = arith.constant 800 : index
          %swap3A_357 = tpu.vector_load %arg12[%swap3A_355, %swap3A_356] {strides = array<i32>} : memref<16x2048xf32, #tpu.memory_space<vmem>>, vector<16xf32>,
          tpu.vector_store %arg12[%swap3A_355, %swap3A_356], %mul3A_354 {strides = array<i32>} : memref<16x2048xf32, #tpu.memory_space<vmem>>, vector<16xf32>,
          %mul3A_358 = arith.mulf %gather3A_345, %get3A_113 : vector<16xf32>
          %swap3A_359 = arith.index_cast %scan3A_101 : i32 to index
          %swap3A_360 = arith.constant 816 : index
          %swap3A_361 = tpu.vector_load %arg12[%swap3A_359, %swap3A_360] {strides = array<i32>} : memref<16x2048xf32, #tpu.memory_space<vmem>>, vector<16xf32>,
          tpu.vector_store %arg12[%swap3A_359, %swap3A_360], %mul3A_358 {strides = array<i32>} : memref<16x2048xf32, #tpu.memory_space<vmem>>, vector<16xf32>,
          %mul3A_362 = arith.mulf %gather3A_345, %get3A_116 : vector<16xf32>
          %swap3A_363 = arith.index_cast %scan3A_101 : i32 to index
          %swap3A_364 = arith.constant 832 : index
          %swap3A_365 = tpu.vector_load %arg12[%swap3A_363, %swap3A_364] {strides = array<i32>} : memref<16x2048xf32, #tpu.memory_space<vmem>>, vector<16xf32>,
          tpu.vector_store %arg12[%swap3A_363, %swap3A_364], %mul3A_362 {strides = array<i32>} : memref<16x2048xf32, #tpu.memory_space<vmem>>, vector<16xf32>,
          %mul3A_366 = arith.mulf %gather3A_345, %get3A_119 : vector<16xf32>
          %swap3A_367 = arith.index_cast %scan3A_101 : i32 to index
          %swap3A_368 = arith.constant 848 : index
          %swap3A_369 = tpu.vector_load %arg12[%swap3A_367, %swap3A_368] {strides = array<i32>} : memref<16x2048xf32, #tpu.memory_space<vmem>>, vector<16xf32>,
          tpu.vector_store %arg12[%swap3A_367, %swap3A_368], %mul3A_366 {strides = array<i32>} : memref<16x2048xf32, #tpu.memory_space<vmem>>, vector<16xf32>,
          %mul3A_370 = arith.mulf %gather3A_345, %get3A_122 : vector<16xf32>
          %swap3A_371 = arith.index_cast %scan3A_101 : i32 to index
          %swap3A_372 = arith.constant 864 : index
          %swap3A_373 = tpu.vector_load %arg12[%swap3A_371, %swap3A_372] {strides = array<i32>} : memref<16x2048xf32, #tpu.memory_space<vmem>>, vector<16xf32>,
          tpu.vector_store %arg12[%swap3A_371, %swap3A_372], %mul3A_370 {strides = array<i32>} : memref<16x2048xf32, #tpu.memory_space<vmem>>, vector<16xf32>,
          %mul3A_374 = arith.mulf %gather3A_345, %get3A_125 : vector<16xf32>
          %swap3A_375 = arith.index_cast %scan3A_101 : i32 to index
          %swap3A_376 = arith.constant 880 : index
          %swap3A_377 = tpu.vector_load %arg12[%swap3A_375, %swap3A_376] {strides = array<i32>} : memref<16x2048xf32, #tpu.memory_space<vmem>>, vector<16xf32>,
          tpu.vector_store %arg12[%swap3A_375, %swap3A_376], %mul3A_374 {strides = array<i32>} : memref<16x2048xf32, #tpu.memory_space<vmem>>, vector<16xf32>,
          %broadcast_in_dim3A_378 = vector.broadcast %scan3A_101 : i32 to vector<16xi32>
          %broadcast_in_dim3A_379 = arith.constant 7 : i32
          %broadcast_in_dim3A_380 = vector.broadcast %broadcast_in_dim3A_379 : i32 to vector<16xi32>
          %gather3A_381 = tpu.vector_load_idx %arg11[%broadcast_in_dim3A_378, %broadcast_in_dim3A_380] : memref<16x16xf32, #tpu.memory_space<vmem>>[vector<16xi32>, vector<16xi32>], vector<16xf32>,
          %mul3A_382 = arith.mulf %gather3A_381, %get3A_104 : vector<16xf32>
          %swap3A_383 = arith.index_cast %scan3A_101 : i32 to index
          %swap3A_384 = arith.constant 896 : index
          %swap3A_385 = tpu.vector_load %arg12[%swap3A_383, %swap3A_384] {strides = array<i32>} : memref<16x2048xf32, #tpu.memory_space<vmem>>, vector<16xf32>,
          tpu.vector_store %arg12[%swap3A_383, %swap3A_384], %mul3A_382 {strides = array<i32>} : memref<16x2048xf32, #tpu.memory_space<vmem>>, vector<16xf32>,
          %mul3A_386 = arith.mulf %gather3A_381, %get3A_107 : vector<16xf32>
          %swap3A_387 = arith.index_cast %scan3A_101 : i32 to index
          %swap3A_388 = arith.constant 912 : index
          %swap3A_389 = tpu.vector_load %arg12[%swap3A_387, %swap3A_388] {strides = array<i32>} : memref<16x2048xf32, #tpu.memory_space<vmem>>, vector<16xf32>,
          tpu.vector_store %arg12[%swap3A_387, %swap3A_388], %mul3A_386 {strides = array<i32>} : memref<16x2048xf32, #tpu.memory_space<vmem>>, vector<16xf32>,
          %mul3A_390 = arith.mulf %gather3A_381, %get3A_110 : vector<16xf32>
          %swap3A_391 = arith.index_cast %scan3A_101 : i32 to index
          %swap3A_392 = arith.constant 928 : index
          %swap3A_393 = tpu.vector_load %arg12[%swap3A_391, %swap3A_392] {strides = array<i32>} : memref<16x2048xf32, #tpu.memory_space<vmem>>, vector<16xf32>,
          tpu.vector_store %arg12[%swap3A_391, %swap3A_392], %mul3A_390 {strides = array<i32>} : memref<16x2048xf32, #tpu.memory_space<vmem>>, vector<16xf32>,
          %mul3A_394 = arith.mulf %gather3A_381, %get3A_113 : vector<16xf32>
          %swap3A_395 = arith.index_cast %scan3A_101 : i32 to index
          %swap3A_396 = arith.constant 944 : index
          %swap3A_397 = tpu.vector_load %arg12[%swap3A_395, %swap3A_396] {strides = array<i32>} : memref<16x2048xf32, #tpu.memory_space<vmem>>, vector<16xf32>,
          tpu.vector_store %arg12[%swap3A_395, %swap3A_396], %mul3A_394 {strides = array<i32>} : memref<16x2048xf32, #tpu.memory_space<vmem>>, vector<16xf32>,
          %mul3A_398 = arith.mulf %gather3A_381, %get3A_116 : vector<16xf32>
          %swap3A_399 = arith.index_cast %scan3A_101 : i32 to index
          %swap3A_400 = arith.constant 960 : index
          %swap3A_401 = tpu.vector_load %arg12[%swap3A_399, %swap3A_400] {strides = array<i32>} : memref<16x2048xf32, #tpu.memory_space<vmem>>, vector<16xf32>,
          tpu.vector_store %arg12[%swap3A_399, %swap3A_400], %mul3A_398 {strides = array<i32>} : memref<16x2048xf32, #tpu.memory_space<vmem>>, vector<16xf32>,
          %mul3A_402 = arith.mulf %gather3A_381, %get3A_119 : vector<16xf32>
          %swap3A_403 = arith.index_cast %scan3A_101 : i32 to index
          %swap3A_404 = arith.constant 976 : index
          %swap3A_405 = tpu.vector_load %arg12[%swap3A_403, %swap3A_404] {strides = array<i32>} : memref<16x2048xf32, #tpu.memory_space<vmem>>, vector<16xf32>,
          tpu.vector_store %arg12[%swap3A_403, %swap3A_404], %mul3A_402 {strides = array<i32>} : memref<16x2048xf32, #tpu.memory_space<vmem>>, vector<16xf32>,
          %mul3A_406 = arith.mulf %gather3A_381, %get3A_122 : vector<16xf32>
          %swap3A_407 = arith.index_cast %scan3A_101 : i32 to index
          %swap3A_408 = arith.constant 992 : index
          %swap3A_409 = tpu.vector_load %arg12[%swap3A_407, %swap3A_408] {strides = array<i32>} : memref<16x2048xf32, #tpu.memory_space<vmem>>, vector<16xf32>,
          tpu.vector_store %arg12[%swap3A_407, %swap3A_408], %mul3A_406 {strides = array<i32>} : memref<16x2048xf32, #tpu.memory_space<vmem>>, vector<16xf32>,
          %mul3A_410 = arith.mulf %gather3A_381, %get3A_125 : vector<16xf32>
          %swap3A_411 = arith.index_cast %scan3A_101 : i32 to index
          %swap3A_412 = arith.constant 1008 : index
          %swap3A_413 = tpu.vector_load %arg12[%swap3A_411, %swap3A_412] {strides = array<i32>} : memref<16x2048xf32, #tpu.memory_space<vmem>>, vector<16xf32>,
          tpu.vector_store %arg12[%swap3A_411, %swap3A_412], %mul3A_410 {strides = array<i32>} : memref<16x2048xf32, #tpu.memory_space<vmem>>, vector<16xf32>,
          %broadcast_in_dim3A_414 = vector.broadcast %scan3A_101 : i32 to vector<16xi32>
          %broadcast_in_dim3A_415 = arith.constant 8 : i32
          %broadcast_in_dim3A_416 = vector.broadcast %broadcast_in_dim3A_415 : i32 to vector<16xi32>
          %gather3A_417 = tpu.vector_load_idx %arg11[%broadcast_in_dim3A_414, %broadcast_in_dim3A_416] : memref<16x16xf32, #tpu.memory_space<vmem>>[vector<16xi32>, vector<16xi32>], vector<16xf32>,
          %mul3A_418 = arith.mulf %gather3A_417, %get3A_104 : vector<16xf32>
          %swap3A_419 = arith.index_cast %scan3A_101 : i32 to index
          %swap3A_420 = arith.constant 1024 : index
          %swap3A_421 = tpu.vector_load %arg12[%swap3A_419, %swap3A_420] {strides = array<i32>} : memref<16x2048xf32, #tpu.memory_space<vmem>>, vector<16xf32>,
          tpu.vector_store %arg12[%swap3A_419, %swap3A_420], %mul3A_418 {strides = array<i32>} : memref<16x2048xf32, #tpu.memory_space<vmem>>, vector<16xf32>,
          %mul3A_422 = arith.mulf %gather3A_417, %get3A_107 : vector<16xf32>
          %swap3A_423 = arith.index_cast %scan3A_101 : i32 to index
          %swap3A_424 = arith.constant 1040 : index
          %swap3A_425 = tpu.vector_load %arg12[%swap3A_423, %swap3A_424] {strides = array<i32>} : memref<16x2048xf32, #tpu.memory_space<vmem>>, vector<16xf32>,
          tpu.vector_store %arg12[%swap3A_423, %swap3A_424], %mul3A_422 {strides = array<i32>} : memref<16x2048xf32, #tpu.memory_space<vmem>>, vector<16xf32>,
          %mul3A_426 = arith.mulf %gather3A_417, %get3A_110 : vector<16xf32>
          %swap3A_427 = arith.index_cast %scan3A_101 : i32 to index
          %swap3A_428 = arith.constant 1056 : index
          %swap3A_429 = tpu.vector_load %arg12[%swap3A_427, %swap3A_428] {strides = array<i32>} : memref<16x2048xf32, #tpu.memory_space<vmem>>, vector<16xf32>,
          tpu.vector_store %arg12[%swap3A_427, %swap3A_428], %mul3A_426 {strides = array<i32>} : memref<16x2048xf32, #tpu.memory_space<vmem>>, vector<16xf32>,
          %mul3A_430 = arith.mulf %gather3A_417, %get3A_113 : vector<16xf32>
          %swap3A_431 = arith.index_cast %scan3A_101 : i32 to index
          %swap3A_432 = arith.constant 1072 : index
          %swap3A_433 = tpu.vector_load %arg12[%swap3A_431, %swap3A_432] {strides = array<i32>} : memref<16x2048xf32, #tpu.memory_space<vmem>>, vector<16xf32>,
          tpu.vector_store %arg12[%swap3A_431, %swap3A_432], %mul3A_430 {strides = array<i32>} : memref<16x2048xf32, #tpu.memory_space<vmem>>, vector<16xf32>,
          %mul3A_434 = arith.mulf %gather3A_417, %get3A_116 : vector<16xf32>
          %swap3A_435 = arith.index_cast %scan3A_101 : i32 to index
          %swap3A_436 = arith.constant 1088 : index
          %swap3A_437 = tpu.vector_load %arg12[%swap3A_435, %swap3A_436] {strides = array<i32>} : memref<16x2048xf32, #tpu.memory_space<vmem>>, vector<16xf32>,
          tpu.vector_store %arg12[%swap3A_435, %swap3A_436], %mul3A_434 {strides = array<i32>} : memref<16x2048xf32, #tpu.memory_space<vmem>>, vector<16xf32>,
          %mul3A_438 = arith.mulf %gather3A_417, %get3A_119 : vector<16xf32>
          %swap3A_439 = arith.index_cast %scan3A_101 : i32 to index
          %swap3A_440 = arith.constant 1104 : index
          %swap3A_441 = tpu.vector_load %arg12[%swap3A_439, %swap3A_440] {strides = array<i32>} : memref<16x2048xf32, #tpu.memory_space<vmem>>, vector<16xf32>,
          tpu.vector_store %arg12[%swap3A_439, %swap3A_440], %mul3A_438 {strides = array<i32>} : memref<16x2048xf32, #tpu.memory_space<vmem>>, vector<16xf32>,
          %mul3A_442 = arith.mulf %gather3A_417, %get3A_122 : vector<16xf32>
          %swap3A_443 = arith.index_cast %scan3A_101 : i32 to index
          %swap3A_444 = arith.constant 1120 : index
          %swap3A_445 = tpu.vector_load %arg12[%swap3A_443, %swap3A_444] {strides = array<i32>} : memref<16x2048xf32, #tpu.memory_space<vmem>>, vector<16xf32>,
          tpu.vector_store %arg12[%swap3A_443, %swap3A_444], %mul3A_442 {strides = array<i32>} : memref<16x2048xf32, #tpu.memory_space<vmem>>, vector<16xf32>,
          %mul3A_446 = arith.mulf %gather3A_417, %get3A_125 : vector<16xf32>
          %swap3A_447 = arith.index_cast %scan3A_101 : i32 to index
          %swap3A_448 = arith.constant 1136 : index
          %swap3A_449 = tpu.vector_load %arg12[%swap3A_447, %swap3A_448] {strides = array<i32>} : memref<16x2048xf32, #tpu.memory_space<vmem>>, vector<16xf32>,
          tpu.vector_store %arg12[%swap3A_447, %swap3A_448], %mul3A_446 {strides = array<i32>} : memref<16x2048xf32, #tpu.memory_space<vmem>>, vector<16xf32>,
          %broadcast_in_dim3A_450 = vector.broadcast %scan3A_101 : i32 to vector<16xi32>
          %broadcast_in_dim3A_451 = arith.constant 9 : i32
          %broadcast_in_dim3A_452 = vector.broadcast %broadcast_in_dim3A_451 : i32 to vector<16xi32>
          %gather3A_453 = tpu.vector_load_idx %arg11[%broadcast_in_dim3A_450, %broadcast_in_dim3A_452] : memref<16x16xf32, #tpu.memory_space<vmem>>[vector<16xi32>, vector<16xi32>], vector<16xf32>,
          %mul3A_454 = arith.mulf %gather3A_453, %get3A_104 : vector<16xf32>
          %swap3A_455 = arith.index_cast %scan3A_101 : i32 to index
          %swap3A_456 = arith.constant 1152 : index
          %swap3A_457 = tpu.vector_load %arg12[%swap3A_455, %swap3A_456] {strides = array<i32>} : memref<16x2048xf32, #tpu.memory_space<vmem>>, vector<16xf32>,
          tpu.vector_store %arg12[%swap3A_455, %swap3A_456], %mul3A_454 {strides = array<i32>} : memref<16x2048xf32, #tpu.memory_space<vmem>>, vector<16xf32>,
          %mul3A_458 = arith.mulf %gather3A_453, %get3A_107 : vector<16xf32>
          %swap3A_459 = arith.index_cast %scan3A_101 : i32 to index
          %swap3A_460 = arith.constant 1168 : index
          %swap3A_461 = tpu.vector_load %arg12[%swap3A_459, %swap3A_460] {strides = array<i32>} : memref<16x2048xf32, #tpu.memory_space<vmem>>, vector<16xf32>,
          tpu.vector_store %arg12[%swap3A_459, %swap3A_460], %mul3A_458 {strides = array<i32>} : memref<16x2048xf32, #tpu.memory_space<vmem>>, vector<16xf32>,
          %mul3A_462 = arith.mulf %gather3A_453, %get3A_110 : vector<16xf32>
          %swap3A_463 = arith.index_cast %scan3A_101 : i32 to index
          %swap3A_464 = arith.constant 1184 : index
          %swap3A_465 = tpu.vector_load %arg12[%swap3A_463, %swap3A_464] {strides = array<i32>} : memref<16x2048xf32, #tpu.memory_space<vmem>>, vector<16xf32>,
          tpu.vector_store %arg12[%swap3A_463, %swap3A_464], %mul3A_462 {strides = array<i32>} : memref<16x2048xf32, #tpu.memory_space<vmem>>, vector<16xf32>,
          %mul3A_466 = arith.mulf %gather3A_453, %get3A_113 : vector<16xf32>
          %swap3A_467 = arith.index_cast %scan3A_101 : i32 to index
          %swap3A_468 = arith.constant 1200 : index
          %swap3A_469 = tpu.vector_load %arg12[%swap3A_467, %swap3A_468] {strides = array<i32>} : memref<16x2048xf32, #tpu.memory_space<vmem>>, vector<16xf32>,
          tpu.vector_store %arg12[%swap3A_467, %swap3A_468], %mul3A_466 {strides = array<i32>} : memref<16x2048xf32, #tpu.memory_space<vmem>>, vector<16xf32>,
          %mul3A_470 = arith.mulf %gather3A_453, %get3A_116 : vector<16xf32>
          %swap3A_471 = arith.index_cast %scan3A_101 : i32 to index
          %swap3A_472 = arith.constant 1216 : index
          %swap3A_473 = tpu.vector_load %arg12[%swap3A_471, %swap3A_472] {strides = array<i32>} : memref<16x2048xf32, #tpu.memory_space<vmem>>, vector<16xf32>,
          tpu.vector_store %arg12[%swap3A_471, %swap3A_472], %mul3A_470 {strides = array<i32>} : memref<16x2048xf32, #tpu.memory_space<vmem>>, vector<16xf32>,
          %mul3A_474 = arith.mulf %gather3A_453, %get3A_119 : vector<16xf32>
          %swap3A_475 = arith.index_cast %scan3A_101 : i32 to index
          %swap3A_476 = arith.constant 1232 : index
          %swap3A_477 = tpu.vector_load %arg12[%swap3A_475, %swap3A_476] {strides = array<i32>} : memref<16x2048xf32, #tpu.memory_space<vmem>>, vector<16xf32>,
          tpu.vector_store %arg12[%swap3A_475, %swap3A_476], %mul3A_474 {strides = array<i32>} : memref<16x2048xf32, #tpu.memory_space<vmem>>, vector<16xf32>,
          %mul3A_478 = arith.mulf %gather3A_453, %get3A_122 : vector<16xf32>
          %swap3A_479 = arith.index_cast %scan3A_101 : i32 to index
          %swap3A_480 = arith.constant 1248 : index
          %swap3A_481 = tpu.vector_load %arg12[%swap3A_479, %swap3A_480] {strides = array<i32>} : memref<16x2048xf32, #tpu.memory_space<vmem>>, vector<16xf32>,
          tpu.vector_store %arg12[%swap3A_479, %swap3A_480], %mul3A_478 {strides = array<i32>} : memref<16x2048xf32, #tpu.memory_space<vmem>>, vector<16xf32>,
          %mul3A_482 = arith.mulf %gather3A_453, %get3A_125 : vector<16xf32>
          %swap3A_483 = arith.index_cast %scan3A_101 : i32 to index
          %swap3A_484 = arith.constant 1264 : index
          %swap3A_485 = tpu.vector_load %arg12[%swap3A_483, %swap3A_484] {strides = array<i32>} : memref<16x2048xf32, #tpu.memory_space<vmem>>, vector<16xf32>,
          tpu.vector_store %arg12[%swap3A_483, %swap3A_484], %mul3A_482 {strides = array<i32>} : memref<16x2048xf32, #tpu.memory_space<vmem>>, vector<16xf32>,
          %broadcast_in_dim3A_486 = vector.broadcast %scan3A_101 : i32 to vector<16xi32>
          %broadcast_in_dim3A_487 = arith.constant 10 : i32
          %broadcast_in_dim3A_488 = vector.broadcast %broadcast_in_dim3A_487 : i32 to vector<16xi32>
          %gather3A_489 = tpu.vector_load_idx %arg11[%broadcast_in_dim3A_486, %broadcast_in_dim3A_488] : memref<16x16xf32, #tpu.memory_space<vmem>>[vector<16xi32>, vector<16xi32>], vector<16xf32>,
          %mul3A_490 = arith.mulf %gather3A_489, %get3A_104 : vector<16xf32>
          %swap3A_491 = arith.index_cast %scan3A_101 : i32 to index
          %swap3A_492 = arith.constant 1280 : index
          %swap3A_493 = tpu.vector_load %arg12[%swap3A_491, %swap3A_492] {strides = array<i32>} : memref<16x2048xf32, #tpu.memory_space<vmem>>, vector<16xf32>,
          tpu.vector_store %arg12[%swap3A_491, %swap3A_492], %mul3A_490 {strides = array<i32>} : memref<16x2048xf32, #tpu.memory_space<vmem>>, vector<16xf32>,
          %mul3A_494 = arith.mulf %gather3A_489, %get3A_107 : vector<16xf32>
          %swap3A_495 = arith.index_cast %scan3A_101 : i32 to index
          %swap3A_496 = arith.constant 1296 : index
          %swap3A_497 = tpu.vector_load %arg12[%swap3A_495, %swap3A_496] {strides = array<i32>} : memref<16x2048xf32, #tpu.memory_space<vmem>>, vector<16xf32>,
          tpu.vector_store %arg12[%swap3A_495, %swap3A_496], %mul3A_494 {strides = array<i32>} : memref<16x2048xf32, #tpu.memory_space<vmem>>, vector<16xf32>,
          %mul3A_498 = arith.mulf %gather3A_489, %get3A_110 : vector<16xf32>
          %swap3A_499 = arith.index_cast %scan3A_101 : i32 to index
          %swap3A_500 = arith.constant 1312 : index
          %swap3A_501 = tpu.vector_load %arg12[%swap3A_499, %swap3A_500] {strides = array<i32>} : memref<16x2048xf32, #tpu.memory_space<vmem>>, vector<16xf32>,
          tpu.vector_store %arg12[%swap3A_499, %swap3A_500], %mul3A_498 {strides = array<i32>} : memref<16x2048xf32, #tpu.memory_space<vmem>>, vector<16xf32>,
          %mul3A_502 = arith.mulf %gather3A_489, %get3A_113 : vector<16xf32>
          %swap3A_503 = arith.index_cast %scan3A_101 : i32 to index
          %swap3A_504 = arith.constant 1328 : index
          %swap3A_505 = tpu.vector_load %arg12[%swap3A_503, %swap3A_504] {strides = array<i32>} : memref<16x2048xf32, #tpu.memory_space<vmem>>, vector<16xf32>,
          tpu.vector_store %arg12[%swap3A_503, %swap3A_504], %mul3A_502 {strides = array<i32>} : memref<16x2048xf32, #tpu.memory_space<vmem>>, vector<16xf32>,
          %mul3A_506 = arith.mulf %gather3A_489, %get3A_116 : vector<16xf32>
          %swap3A_507 = arith.index_cast %scan3A_101 : i32 to index
          %swap3A_508 = arith.constant 1344 : index
          %swap3A_509 = tpu.vector_load %arg12[%swap3A_507, %swap3A_508] {strides = array<i32>} : memref<16x2048xf32, #tpu.memory_space<vmem>>, vector<16xf32>,
          tpu.vector_store %arg12[%swap3A_507, %swap3A_508], %mul3A_506 {strides = array<i32>} : memref<16x2048xf32, #tpu.memory_space<vmem>>, vector<16xf32>,
          %mul3A_510 = arith.mulf %gather3A_489, %get3A_119 : vector<16xf32>
          %swap3A_511 = arith.index_cast %scan3A_101 : i32 to index
          %swap3A_512 = arith.constant 1360 : index
          %swap3A_513 = tpu.vector_load %arg12[%swap3A_511, %swap3A_512] {strides = array<i32>} : memref<16x2048xf32, #tpu.memory_space<vmem>>, vector<16xf32>,
          tpu.vector_store %arg12[%swap3A_511, %swap3A_512], %mul3A_510 {strides = array<i32>} : memref<16x2048xf32, #tpu.memory_space<vmem>>, vector<16xf32>,
          %mul3A_514 = arith.mulf %gather3A_489, %get3A_122 : vector<16xf32>
          %swap3A_515 = arith.index_cast %scan3A_101 : i32 to index
          %swap3A_516 = arith.constant 1376 : index
          %swap3A_517 = tpu.vector_load %arg12[%swap3A_515, %swap3A_516] {strides = array<i32>} : memref<16x2048xf32, #tpu.memory_space<vmem>>, vector<16xf32>,
          tpu.vector_store %arg12[%swap3A_515, %swap3A_516], %mul3A_514 {strides = array<i32>} : memref<16x2048xf32, #tpu.memory_space<vmem>>, vector<16xf32>,
          %mul3A_518 = arith.mulf %gather3A_489, %get3A_125 : vector<16xf32>
          %swap3A_519 = arith.index_cast %scan3A_101 : i32 to index
          %swap3A_520 = arith.constant 1392 : index
          %swap3A_521 = tpu.vector_load %arg12[%swap3A_519, %swap3A_520] {strides = array<i32>} : memref<16x2048xf32, #tpu.memory_space<vmem>>, vector<16xf32>,
          tpu.vector_store %arg12[%swap3A_519, %swap3A_520], %mul3A_518 {strides = array<i32>} : memref<16x2048xf32, #tpu.memory_space<vmem>>, vector<16xf32>,
          %broadcast_in_dim3A_522 = vector.broadcast %scan3A_101 : i32 to vector<16xi32>
          %broadcast_in_dim3A_523 = arith.constant 11 : i32
          %broadcast_in_dim3A_524 = vector.broadcast %broadcast_in_dim3A_523 : i32 to vector<16xi32>
          %gather3A_525 = tpu.vector_load_idx %arg11[%broadcast_in_dim3A_522, %broadcast_in_dim3A_524] : memref<16x16xf32, #tpu.memory_space<vmem>>[vector<16xi32>, vector<16xi32>], vector<16xf32>,
          %mul3A_526 = arith.mulf %gather3A_525, %get3A_104 : vector<16xf32>
          %swap3A_527 = arith.index_cast %scan3A_101 : i32 to index
          %swap3A_528 = arith.constant 1408 : index
          %swap3A_529 = tpu.vector_load %arg12[%swap3A_527, %swap3A_528] {strides = array<i32>} : memref<16x2048xf32, #tpu.memory_space<vmem>>, vector<16xf32>,
          tpu.vector_store %arg12[%swap3A_527, %swap3A_528], %mul3A_526 {strides = array<i32>} : memref<16x2048xf32, #tpu.memory_space<vmem>>, vector<16xf32>,
          %mul3A_530 = arith.mulf %gather3A_525, %get3A_107 : vector<16xf32>
          %swap3A_531 = arith.index_cast %scan3A_101 : i32 to index
          %swap3A_532 = arith.constant 1424 : index
          %swap3A_533 = tpu.vector_load %arg12[%swap3A_531, %swap3A_532] {strides = array<i32>} : memref<16x2048xf32, #tpu.memory_space<vmem>>, vector<16xf32>,
          tpu.vector_store %arg12[%swap3A_531, %swap3A_532], %mul3A_530 {strides = array<i32>} : memref<16x2048xf32, #tpu.memory_space<vmem>>, vector<16xf32>,
          %mul3A_534 = arith.mulf %gather3A_525, %get3A_110 : vector<16xf32>
          %swap3A_535 = arith.index_cast %scan3A_101 : i32 to index
          %swap3A_536 = arith.constant 1440 : index
          %swap3A_537 = tpu.vector_load %arg12[%swap3A_535, %swap3A_536] {strides = array<i32>} : memref<16x2048xf32, #tpu.memory_space<vmem>>, vector<16xf32>,
          tpu.vector_store %arg12[%swap3A_535, %swap3A_536], %mul3A_534 {strides = array<i32>} : memref<16x2048xf32, #tpu.memory_space<vmem>>, vector<16xf32>,
          %mul3A_538 = arith.mulf %gather3A_525, %get3A_113 : vector<16xf32>
          %swap3A_539 = arith.index_cast %scan3A_101 : i32 to index
          %swap3A_540 = arith.constant 1456 : index
          %swap3A_541 = tpu.vector_load %arg12[%swap3A_539, %swap3A_540] {strides = array<i32>} : memref<16x2048xf32, #tpu.memory_space<vmem>>, vector<16xf32>,
          tpu.vector_store %arg12[%swap3A_539, %swap3A_540], %mul3A_538 {strides = array<i32>} : memref<16x2048xf32, #tpu.memory_space<vmem>>, vector<16xf32>,
          %mul3A_542 = arith.mulf %gather3A_525, %get3A_116 : vector<16xf32>
          %swap3A_543 = arith.index_cast %scan3A_101 : i32 to index
          %swap3A_544 = arith.constant 1472 : index
          %swap3A_545 = tpu.vector_load %arg12[%swap3A_543, %swap3A_544] {strides = array<i32>} : memref<16x2048xf32, #tpu.memory_space<vmem>>, vector<16xf32>,
          tpu.vector_store %arg12[%swap3A_543, %swap3A_544], %mul3A_542 {strides = array<i32>} : memref<16x2048xf32, #tpu.memory_space<vmem>>, vector<16xf32>,
          %mul3A_546 = arith.mulf %gather3A_525, %get3A_119 : vector<16xf32>
          %swap3A_547 = arith.index_cast %scan3A_101 : i32 to index
          %swap3A_548 = arith.constant 1488 : index
          %swap3A_549 = tpu.vector_load %arg12[%swap3A_547, %swap3A_548] {strides = array<i32>} : memref<16x2048xf32, #tpu.memory_space<vmem>>, vector<16xf32>,
          tpu.vector_store %arg12[%swap3A_547, %swap3A_548], %mul3A_546 {strides = array<i32>} : memref<16x2048xf32, #tpu.memory_space<vmem>>, vector<16xf32>,
          %mul3A_550 = arith.mulf %gather3A_525, %get3A_122 : vector<16xf32>
          %swap3A_551 = arith.index_cast %scan3A_101 : i32 to index
          %swap3A_552 = arith.constant 1504 : index
          %swap3A_553 = tpu.vector_load %arg12[%swap3A_551, %swap3A_552] {strides = array<i32>} : memref<16x2048xf32, #tpu.memory_space<vmem>>, vector<16xf32>,
          tpu.vector_store %arg12[%swap3A_551, %swap3A_552], %mul3A_550 {strides = array<i32>} : memref<16x2048xf32, #tpu.memory_space<vmem>>, vector<16xf32>,
          %mul3A_554 = arith.mulf %gather3A_525, %get3A_125 : vector<16xf32>
          %swap3A_555 = arith.index_cast %scan3A_101 : i32 to index
          %swap3A_556 = arith.constant 1520 : index
          %swap3A_557 = tpu.vector_load %arg12[%swap3A_555, %swap3A_556] {strides = array<i32>} : memref<16x2048xf32, #tpu.memory_space<vmem>>, vector<16xf32>,
          tpu.vector_store %arg12[%swap3A_555, %swap3A_556], %mul3A_554 {strides = array<i32>} : memref<16x2048xf32, #tpu.memory_space<vmem>>, vector<16xf32>,
          %broadcast_in_dim3A_558 = vector.broadcast %scan3A_101 : i32 to vector<16xi32>
          %broadcast_in_dim3A_559 = arith.constant 12 : i32
          %broadcast_in_dim3A_560 = vector.broadcast %broadcast_in_dim3A_559 : i32 to vector<16xi32>
          %gather3A_561 = tpu.vector_load_idx %arg11[%broadcast_in_dim3A_558, %broadcast_in_dim3A_560] : memref<16x16xf32, #tpu.memory_space<vmem>>[vector<16xi32>, vector<16xi32>], vector<16xf32>,
          %mul3A_562 = arith.mulf %gather3A_561, %get3A_104 : vector<16xf32>
          %swap3A_563 = arith.index_cast %scan3A_101 : i32 to index
          %swap3A_564 = arith.constant 1536 : index
          %swap3A_565 = tpu.vector_load %arg12[%swap3A_563, %swap3A_564] {strides = array<i32>} : memref<16x2048xf32, #tpu.memory_space<vmem>>, vector<16xf32>,
          tpu.vector_store %arg12[%swap3A_563, %swap3A_564], %mul3A_562 {strides = array<i32>} : memref<16x2048xf32, #tpu.memory_space<vmem>>, vector<16xf32>,
          %mul3A_566 = arith.mulf %gather3A_561, %get3A_107 : vector<16xf32>
          %swap3A_567 = arith.index_cast %scan3A_101 : i32 to index
          %swap3A_568 = arith.constant 1552 : index
          %swap3A_569 = tpu.vector_load %arg12[%swap3A_567, %swap3A_568] {strides = array<i32>} : memref<16x2048xf32, #tpu.memory_space<vmem>>, vector<16xf32>,
          tpu.vector_store %arg12[%swap3A_567, %swap3A_568], %mul3A_566 {strides = array<i32>} : memref<16x2048xf32, #tpu.memory_space<vmem>>, vector<16xf32>,
          %mul3A_570 = arith.mulf %gather3A_561, %get3A_110 : vector<16xf32>
          %swap3A_571 = arith.index_cast %scan3A_101 : i32 to index
          %swap3A_572 = arith.constant 1568 : index
          %swap3A_573 = tpu.vector_load %arg12[%swap3A_571, %swap3A_572] {strides = array<i32>} : memref<16x2048xf32, #tpu.memory_space<vmem>>, vector<16xf32>,
          tpu.vector_store %arg12[%swap3A_571, %swap3A_572], %mul3A_570 {strides = array<i32>} : memref<16x2048xf32, #tpu.memory_space<vmem>>, vector<16xf32>,
          %mul3A_574 = arith.mulf %gather3A_561, %get3A_113 : vector<16xf32>
          %swap3A_575 = arith.index_cast %scan3A_101 : i32 to index
          %swap3A_576 = arith.constant 1584 : index
          %swap3A_577 = tpu.vector_load %arg12[%swap3A_575, %swap3A_576] {strides = array<i32>} : memref<16x2048xf32, #tpu.memory_space<vmem>>, vector<16xf32>,
          tpu.vector_store %arg12[%swap3A_575, %swap3A_576], %mul3A_574 {strides = array<i32>} : memref<16x2048xf32, #tpu.memory_space<vmem>>, vector<16xf32>,
          %mul3A_578 = arith.mulf %gather3A_561, %get3A_116 : vector<16xf32>
          %swap3A_579 = arith.index_cast %scan3A_101 : i32 to index
          %swap3A_580 = arith.constant 1600 : index
          %swap3A_581 = tpu.vector_load %arg12[%swap3A_579, %swap3A_580] {strides = array<i32>} : memref<16x2048xf32, #tpu.memory_space<vmem>>, vector<16xf32>,
          tpu.vector_store %arg12[%swap3A_579, %swap3A_580], %mul3A_578 {strides = array<i32>} : memref<16x2048xf32, #tpu.memory_space<vmem>>, vector<16xf32>,
          %mul3A_582 = arith.mulf %gather3A_561, %get3A_119 : vector<16xf32>
          %swap3A_583 = arith.index_cast %scan3A_101 : i32 to index
          %swap3A_584 = arith.constant 1616 : index
          %swap3A_585 = tpu.vector_load %arg12[%swap3A_583, %swap3A_584] {strides = array<i32>} : memref<16x2048xf32, #tpu.memory_space<vmem>>, vector<16xf32>,
          tpu.vector_store %arg12[%swap3A_583, %swap3A_584], %mul3A_582 {strides = array<i32>} : memref<16x2048xf32, #tpu.memory_space<vmem>>, vector<16xf32>,
          %mul3A_586 = arith.mulf %gather3A_561, %get3A_122 : vector<16xf32>
          %swap3A_587 = arith.index_cast %scan3A_101 : i32 to index
          %swap3A_588 = arith.constant 1632 : index
          %swap3A_589 = tpu.vector_load %arg12[%swap3A_587, %swap3A_588] {strides = array<i32>} : memref<16x2048xf32, #tpu.memory_space<vmem>>, vector<16xf32>,
          tpu.vector_store %arg12[%swap3A_587, %swap3A_588], %mul3A_586 {strides = array<i32>} : memref<16x2048xf32, #tpu.memory_space<vmem>>, vector<16xf32>,
          %mul3A_590 = arith.mulf %gather3A_561, %get3A_125 : vector<16xf32>
          %swap3A_591 = arith.index_cast %scan3A_101 : i32 to index
          %swap3A_592 = arith.constant 1648 : index
          %swap3A_593 = tpu.vector_load %arg12[%swap3A_591, %swap3A_592] {strides = array<i32>} : memref<16x2048xf32, #tpu.memory_space<vmem>>, vector<16xf32>,
          tpu.vector_store %arg12[%swap3A_591, %swap3A_592], %mul3A_590 {strides = array<i32>} : memref<16x2048xf32, #tpu.memory_space<vmem>>, vector<16xf32>,
          %broadcast_in_dim3A_594 = vector.broadcast %scan3A_101 : i32 to vector<16xi32>
          %broadcast_in_dim3A_595 = arith.constant 13 : i32
          %broadcast_in_dim3A_596 = vector.broadcast %broadcast_in_dim3A_595 : i32 to vector<16xi32>
          %gather3A_597 = tpu.vector_load_idx %arg11[%broadcast_in_dim3A_594, %broadcast_in_dim3A_596] : memref<16x16xf32, #tpu.memory_space<vmem>>[vector<16xi32>, vector<16xi32>], vector<16xf32>,
          %mul3A_598 = arith.mulf %gather3A_597, %get3A_104 : vector<16xf32>
          %swap3A_599 = arith.index_cast %scan3A_101 : i32 to index
          %swap3A_600 = arith.constant 1664 : index
          %swap3A_601 = tpu.vector_load %arg12[%swap3A_599, %swap3A_600] {strides = array<i32>} : memref<16x2048xf32, #tpu.memory_space<vmem>>, vector<16xf32>,
          tpu.vector_store %arg12[%swap3A_599, %swap3A_600], %mul3A_598 {strides = array<i32>} : memref<16x2048xf32, #tpu.memory_space<vmem>>, vector<16xf32>,
          %mul3A_602 = arith.mulf %gather3A_597, %get3A_107 : vector<16xf32>
          %swap3A_603 = arith.index_cast %scan3A_101 : i32 to index
          %swap3A_604 = arith.constant 1680 : index
          %swap3A_605 = tpu.vector_load %arg12[%swap3A_603, %swap3A_604] {strides = array<i32>} : memref<16x2048xf32, #tpu.memory_space<vmem>>, vector<16xf32>,
          tpu.vector_store %arg12[%swap3A_603, %swap3A_604], %mul3A_602 {strides = array<i32>} : memref<16x2048xf32, #tpu.memory_space<vmem>>, vector<16xf32>,
          %mul3A_606 = arith.mulf %gather3A_597, %get3A_110 : vector<16xf32>
          %swap3A_607 = arith.index_cast %scan3A_101 : i32 to index
          %swap3A_608 = arith.constant 1696 : index
          %swap3A_609 = tpu.vector_load %arg12[%swap3A_607, %swap3A_608] {strides = array<i32>} : memref<16x2048xf32, #tpu.memory_space<vmem>>, vector<16xf32>,
          tpu.vector_store %arg12[%swap3A_607, %swap3A_608], %mul3A_606 {strides = array<i32>} : memref<16x2048xf32, #tpu.memory_space<vmem>>, vector<16xf32>,
          %mul3A_610 = arith.mulf %gather3A_597, %get3A_113 : vector<16xf32>
          %swap3A_611 = arith.index_cast %scan3A_101 : i32 to index
          %swap3A_612 = arith.constant 1712 : index
          %swap3A_613 = tpu.vector_load %arg12[%swap3A_611, %swap3A_612] {strides = array<i32>} : memref<16x2048xf32, #tpu.memory_space<vmem>>, vector<16xf32>,
          tpu.vector_store %arg12[%swap3A_611, %swap3A_612], %mul3A_610 {strides = array<i32>} : memref<16x2048xf32, #tpu.memory_space<vmem>>, vector<16xf32>,
          %mul3A_614 = arith.mulf %gather3A_597, %get3A_116 : vector<16xf32>
          %swap3A_615 = arith.index_cast %scan3A_101 : i32 to index
          %swap3A_616 = arith.constant 1728 : index
          %swap3A_617 = tpu.vector_load %arg12[%swap3A_615, %swap3A_616] {strides = array<i32>} : memref<16x2048xf32, #tpu.memory_space<vmem>>, vector<16xf32>,
          tpu.vector_store %arg12[%swap3A_615, %swap3A_616], %mul3A_614 {strides = array<i32>} : memref<16x2048xf32, #tpu.memory_space<vmem>>, vector<16xf32>,
          %mul3A_618 = arith.mulf %gather3A_597, %get3A_119 : vector<16xf32>
          %swap3A_619 = arith.index_cast %scan3A_101 : i32 to index
          %swap3A_620 = arith.constant 1744 : index
          %swap3A_621 = tpu.vector_load %arg12[%swap3A_619, %swap3A_620] {strides = array<i32>} : memref<16x2048xf32, #tpu.memory_space<vmem>>, vector<16xf32>,
          tpu.vector_store %arg12[%swap3A_619, %swap3A_620], %mul3A_618 {strides = array<i32>} : memref<16x2048xf32, #tpu.memory_space<vmem>>, vector<16xf32>,
          %mul3A_622 = arith.mulf %gather3A_597, %get3A_122 : vector<16xf32>
          %swap3A_623 = arith.index_cast %scan3A_101 : i32 to index
          %swap3A_624 = arith.constant 1760 : index
          %swap3A_625 = tpu.vector_load %arg12[%swap3A_623, %swap3A_624] {strides = array<i32>} : memref<16x2048xf32, #tpu.memory_space<vmem>>, vector<16xf32>,
          tpu.vector_store %arg12[%swap3A_623, %swap3A_624], %mul3A_622 {strides = array<i32>} : memref<16x2048xf32, #tpu.memory_space<vmem>>, vector<16xf32>,
          %mul3A_626 = arith.mulf %gather3A_597, %get3A_125 : vector<16xf32>
          %swap3A_627 = arith.index_cast %scan3A_101 : i32 to index
          %swap3A_628 = arith.constant 1776 : index
          %swap3A_629 = tpu.vector_load %arg12[%swap3A_627, %swap3A_628] {strides = array<i32>} : memref<16x2048xf32, #tpu.memory_space<vmem>>, vector<16xf32>,
          tpu.vector_store %arg12[%swap3A_627, %swap3A_628], %mul3A_626 {strides = array<i32>} : memref<16x2048xf32, #tpu.memory_space<vmem>>, vector<16xf32>,
          %broadcast_in_dim3A_630 = vector.broadcast %scan3A_101 : i32 to vector<16xi32>
          %broadcast_in_dim3A_631 = arith.constant 14 : i32
          %broadcast_in_dim3A_632 = vector.broadcast %broadcast_in_dim3A_631 : i32 to vector<16xi32>
          %gather3A_633 = tpu.vector_load_idx %arg11[%broadcast_in_dim3A_630, %broadcast_in_dim3A_632] : memref<16x16xf32, #tpu.memory_space<vmem>>[vector<16xi32>, vector<16xi32>], vector<16xf32>,
          %mul3A_634 = arith.mulf %gather3A_633, %get3A_104 : vector<16xf32>
          %swap3A_635 = arith.index_cast %scan3A_101 : i32 to index
          %swap3A_636 = arith.constant 1792 : index
          %swap3A_637 = tpu.vector_load %arg12[%swap3A_635, %swap3A_636] {strides = array<i32>} : memref<16x2048xf32, #tpu.memory_space<vmem>>, vector<16xf32>,
          tpu.vector_store %arg12[%swap3A_635, %swap3A_636], %mul3A_634 {strides = array<i32>} : memref<16x2048xf32, #tpu.memory_space<vmem>>, vector<16xf32>,
          %mul3A_638 = arith.mulf %gather3A_633, %get3A_107 : vector<16xf32>
          %swap3A_639 = arith.index_cast %scan3A_101 : i32 to index
          %swap3A_640 = arith.constant 1808 : index
          %swap3A_641 = tpu.vector_load %arg12[%swap3A_639, %swap3A_640] {strides = array<i32>} : memref<16x2048xf32, #tpu.memory_space<vmem>>, vector<16xf32>,
          tpu.vector_store %arg12[%swap3A_639, %swap3A_640], %mul3A_638 {strides = array<i32>} : memref<16x2048xf32, #tpu.memory_space<vmem>>, vector<16xf32>,
          %mul3A_642 = arith.mulf %gather3A_633, %get3A_110 : vector<16xf32>
          %swap3A_643 = arith.index_cast %scan3A_101 : i32 to index
          %swap3A_644 = arith.constant 1824 : index
          %swap3A_645 = tpu.vector_load %arg12[%swap3A_643, %swap3A_644] {strides = array<i32>} : memref<16x2048xf32, #tpu.memory_space<vmem>>, vector<16xf32>,
          tpu.vector_store %arg12[%swap3A_643, %swap3A_644], %mul3A_642 {strides = array<i32>} : memref<16x2048xf32, #tpu.memory_space<vmem>>, vector<16xf32>,
          %mul3A_646 = arith.mulf %gather3A_633, %get3A_113 : vector<16xf32>
          %swap3A_647 = arith.index_cast %scan3A_101 : i32 to index
          %swap3A_648 = arith.constant 1840 : index
          %swap3A_649 = tpu.vector_load %arg12[%swap3A_647, %swap3A_648] {strides = array<i32>} : memref<16x2048xf32, #tpu.memory_space<vmem>>, vector<16xf32>,
          tpu.vector_store %arg12[%swap3A_647, %swap3A_648], %mul3A_646 {strides = array<i32>} : memref<16x2048xf32, #tpu.memory_space<vmem>>, vector<16xf32>,
          %mul3A_650 = arith.mulf %gather3A_633, %get3A_116 : vector<16xf32>
          %swap3A_651 = arith.index_cast %scan3A_101 : i32 to index
          %swap3A_652 = arith.constant 1856 : index
          %swap3A_653 = tpu.vector_load %arg12[%swap3A_651, %swap3A_652] {strides = array<i32>} : memref<16x2048xf32, #tpu.memory_space<vmem>>, vector<16xf32>,
          tpu.vector_store %arg12[%swap3A_651, %swap3A_652], %mul3A_650 {strides = array<i32>} : memref<16x2048xf32, #tpu.memory_space<vmem>>, vector<16xf32>,
          %mul3A_654 = arith.mulf %gather3A_633, %get3A_119 : vector<16xf32>
          %swap3A_655 = arith.index_cast %scan3A_101 : i32 to index
          %swap3A_656 = arith.constant 1872 : index
          %swap3A_657 = tpu.vector_load %arg12[%swap3A_655, %swap3A_656] {strides = array<i32>} : memref<16x2048xf32, #tpu.memory_space<vmem>>, vector<16xf32>,
          tpu.vector_store %arg12[%swap3A_655, %swap3A_656], %mul3A_654 {strides = array<i32>} : memref<16x2048xf32, #tpu.memory_space<vmem>>, vector<16xf32>,
          %mul3A_658 = arith.mulf %gather3A_633, %get3A_122 : vector<16xf32>
          %swap3A_659 = arith.index_cast %scan3A_101 : i32 to index
          %swap3A_660 = arith.constant 1888 : index
          %swap3A_661 = tpu.vector_load %arg12[%swap3A_659, %swap3A_660] {strides = array<i32>} : memref<16x2048xf32, #tpu.memory_space<vmem>>, vector<16xf32>,
          tpu.vector_store %arg12[%swap3A_659, %swap3A_660], %mul3A_658 {strides = array<i32>} : memref<16x2048xf32, #tpu.memory_space<vmem>>, vector<16xf32>,
          %mul3A_662 = arith.mulf %gather3A_633, %get3A_125 : vector<16xf32>
          %swap3A_663 = arith.index_cast %scan3A_101 : i32 to index
          %swap3A_664 = arith.constant 1904 : index
          %swap3A_665 = tpu.vector_load %arg12[%swap3A_663, %swap3A_664] {strides = array<i32>} : memref<16x2048xf32, #tpu.memory_space<vmem>>, vector<16xf32>,
          tpu.vector_store %arg12[%swap3A_663, %swap3A_664], %mul3A_662 {strides = array<i32>} : memref<16x2048xf32, #tpu.memory_space<vmem>>, vector<16xf32>,
          %broadcast_in_dim3A_666 = vector.broadcast %scan3A_101 : i32 to vector<16xi32>
          %broadcast_in_dim3A_667 = arith.constant 15 : i32
          %broadcast_in_dim3A_668 = vector.broadcast %broadcast_in_dim3A_667 : i32 to vector<16xi32>
          %gather3A_669 = tpu.vector_load_idx %arg11[%broadcast_in_dim3A_666, %broadcast_in_dim3A_668] : memref<16x16xf32, #tpu.memory_space<vmem>>[vector<16xi32>, vector<16xi32>], vector<16xf32>,
          %mul3A_670 = arith.mulf %gather3A_669, %get3A_104 : vector<16xf32>
          %swap3A_671 = arith.index_cast %scan3A_101 : i32 to index
          %swap3A_672 = arith.constant 1920 : index
          %swap3A_673 = tpu.vector_load %arg12[%swap3A_671, %swap3A_672] {strides = array<i32>} : memref<16x2048xf32, #tpu.memory_space<vmem>>, vector<16xf32>,
          tpu.vector_store %arg12[%swap3A_671, %swap3A_672], %mul3A_670 {strides = array<i32>} : memref<16x2048xf32, #tpu.memory_space<vmem>>, vector<16xf32>,
          %mul3A_674 = arith.mulf %gather3A_669, %get3A_107 : vector<16xf32>
          %swap3A_675 = arith.index_cast %scan3A_101 : i32 to index
          %swap3A_676 = arith.constant 1936 : index
          %swap3A_677 = tpu.vector_load %arg12[%swap3A_675, %swap3A_676] {strides = array<i32>} : memref<16x2048xf32, #tpu.memory_space<vmem>>, vector<16xf32>,
          tpu.vector_store %arg12[%swap3A_675, %swap3A_676], %mul3A_674 {strides = array<i32>} : memref<16x2048xf32, #tpu.memory_space<vmem>>, vector<16xf32>,
          %mul3A_678 = arith.mulf %gather3A_669, %get3A_110 : vector<16xf32>
          %swap3A_679 = arith.index_cast %scan3A_101 : i32 to index
          %swap3A_680 = arith.constant 1952 : index
          %swap3A_681 = tpu.vector_load %arg12[%swap3A_679, %swap3A_680] {strides = array<i32>} : memref<16x2048xf32, #tpu.memory_space<vmem>>, vector<16xf32>,
          tpu.vector_store %arg12[%swap3A_679, %swap3A_680], %mul3A_678 {strides = array<i32>} : memref<16x2048xf32, #tpu.memory_space<vmem>>, vector<16xf32>,
          %mul3A_682 = arith.mulf %gather3A_669, %get3A_113 : vector<16xf32>
          %swap3A_683 = arith.index_cast %scan3A_101 : i32 to index
          %swap3A_684 = arith.constant 1968 : index
          %swap3A_685 = tpu.vector_load %arg12[%swap3A_683, %swap3A_684] {strides = array<i32>} : memref<16x2048xf32, #tpu.memory_space<vmem>>, vector<16xf32>,
          tpu.vector_store %arg12[%swap3A_683, %swap3A_684], %mul3A_682 {strides = array<i32>} : memref<16x2048xf32, #tpu.memory_space<vmem>>, vector<16xf32>,
          %mul3A_686 = arith.mulf %gather3A_669, %get3A_116 : vector<16xf32>
          %swap3A_687 = arith.index_cast %scan3A_101 : i32 to index
          %swap3A_688 = arith.constant 1984 : index
          %swap3A_689 = tpu.vector_load %arg12[%swap3A_687, %swap3A_688] {strides = array<i32>} : memref<16x2048xf32, #tpu.memory_space<vmem>>, vector<16xf32>,
          tpu.vector_store %arg12[%swap3A_687, %swap3A_688], %mul3A_686 {strides = array<i32>} : memref<16x2048xf32, #tpu.memory_space<vmem>>, vector<16xf32>,
          %mul3A_690 = arith.mulf %gather3A_669, %get3A_119 : vector<16xf32>
          %swap3A_691 = arith.index_cast %scan3A_101 : i32 to index
          %swap3A_692 = arith.constant 2000 : index
          %swap3A_693 = tpu.vector_load %arg12[%swap3A_691, %swap3A_692] {strides = array<i32>} : memref<16x2048xf32, #tpu.memory_space<vmem>>, vector<16xf32>,
          tpu.vector_store %arg12[%swap3A_691, %swap3A_692], %mul3A_690 {strides = array<i32>} : memref<16x2048xf32, #tpu.memory_space<vmem>>, vector<16xf32>,
          %mul3A_694 = arith.mulf %gather3A_669, %get3A_122 : vector<16xf32>
          %swap3A_695 = arith.index_cast %scan3A_101 : i32 to index
          %swap3A_696 = arith.constant 2016 : index
          %swap3A_697 = tpu.vector_load %arg12[%swap3A_695, %swap3A_696] {strides = array<i32>} : memref<16x2048xf32, #tpu.memory_space<vmem>>, vector<16xf32>,
          tpu.vector_store %arg12[%swap3A_695, %swap3A_696], %mul3A_694 {strides = array<i32>} : memref<16x2048xf32, #tpu.memory_space<vmem>>, vector<16xf32>,
          %mul3A_698 = arith.mulf %gather3A_669, %get3A_125 : vector<16xf32>
          %swap3A_699 = arith.index_cast %scan3A_101 : i32 to index
          %swap3A_700 = arith.constant 2032 : index
          %swap3A_701 = tpu.vector_load %arg12[%swap3A_699, %swap3A_700] {strides = array<i32>} : memref<16x2048xf32, #tpu.memory_space<vmem>>, vector<16xf32>,
          tpu.vector_store %arg12[%swap3A_699, %swap3A_700], %mul3A_698 {strides = array<i32>} : memref<16x2048xf32, #tpu.memory_space<vmem>>, vector<16xf32>,
        }
        %scan3A_100 = arith.constant 16 : i32
        "tpu.region"() ({
          %run_scoped3A = tpu.sem_alloc : memref<!tpu.dma_semaphore, #tpu.memory_space<semaphore_mem>>
          %dma_start3A_101 = arith.constant 0 : i32
          %dma_start3A_102 = arith.constant 0 : i32
          %dma_start3A_103 = tpu.memref_slice %arg14[%dma_start3A_101, %dma_start3A_102] : memref<256x2048xf32, #tpu.memory_space<vmem_shared>> -> memref<256x2048xf32, #tpu.memory_space<vmem_shared>>
          tpu.enqueue_indirect_dma source(%arg12 : memref<16x2048xf32, #tpu.memory_space<vmem>>) target(%dma_start3A_103 : memref<256x2048xf32, #tpu.memory_space<vmem_shared>>) offsets(%sub3A_84 : vector<16xi32>) semaphore(%run_scoped3A : memref<!tpu.dma_semaphore, #tpu.memory_space<semaphore_mem>>) {add = true}
          %dma_wait3A_104 = arith.constant 0 : i32
          %dma_wait3A_105 = arith.constant 0 : i32
          %dma_wait3A_106 = tpu.memref_slice %arg14[%dma_wait3A_104, %dma_wait3A_105] : memref<256x2048xf32, #tpu.memory_space<vmem_shared>> -> memref<256x2048xf32, #tpu.memory_space<vmem_shared>>
          tpu.wait_indirect_dma semaphore(%run_scoped3A : memref<!tpu.dma_semaphore, #tpu.memory_space<semaphore_mem>>) src(%arg12 : memref<16x2048xf32, #tpu.memory_space<vmem>>) dst(%dma_wait3A_106 : memref<256x2048xf32, #tpu.memory_space<vmem_shared>>)
          tpu.yield
        }) : () -> ()
      }
      %while3A_67 = arith.constant 1 : i32
      scf.for %while3A_74 = %while3A_65 to %while3A_61 step %while3A_67  : i32 {
        %mul3A_75 = arith.constant 16 : i32
        %mul3A_76 = arith.muli %while3A_74, %mul3A_75 : i32
        %get3A = arith.index_cast %mul3A_76 : i32 to index
        %get3A_77 = tpu.vector_load %arg9[%get3A] {strides = array<i32>} : memref<10256xi32, #tpu.memory_space<vmem>>, vector<16xi32>,
        %sub3A_78 = vector.broadcast %mul3A_0 : i32 to vector<16xi32>
        %sub3A_79 = arith.subi %get3A_77, %sub3A_78 : vector<16xi32>
        %min3A = arith.constant 10240 : i32
        %min3A_80 = vector.broadcast %min3A : i32 to vector<16xi32>
        %min3A_81 = arith.minsi %sub3A_79, %min3A_80 : vector<16xi32>
        %gather3A = tpu.vector_load_idx %arg7[%min3A_81] : memref<10256xi32, #tpu.memory_space<vmem>>[vector<16xi32>], vector<16xi32>,
        %gather3A_82 = tpu.vector_load_idx %arg8[%min3A_81] : memref<10256xi32, #tpu.memory_space<vmem>>[vector<16xi32>], vector<16xi32>,
        %sub3A_83 = vector.broadcast %mul3A_18 : i32 to vector<16xi32>
        %sub3A_84 = arith.subi %gather3A_82, %sub3A_83 : vector<16xi32>
        %dma_start3A = arith.constant 0 : i32
        %dma_start3A_85 = arith.constant 0 : i32
        %dma_start3A_86 = tpu.memref_slice %arg2[%dma_start3A, %dma_start3A_85] : memref<10240x128xf32, #tpu.memory_space<hbm>> -> memref<10240x128xf32, #tpu.memory_space<hbm>>
        tpu.enqueue_indirect_dma source(%dma_start3A_86 : memref<10240x128xf32, #tpu.memory_space<hbm>>) target(%arg10 : memref<16x128xf32, #tpu.memory_space<vmem>>) offsets(%gather3A : vector<16xi32>) semaphore(%arg15 : memref<!tpu.dma_semaphore, #tpu.memory_space<semaphore_mem>>)
        %dma_start3A_87 = arith.constant 0 : i32
        %dma_start3A_88 = arith.constant 0 : i32
        %dma_start3A_89 = tpu.memref_slice %arg5[%dma_start3A_87, %dma_start3A_88] : memref<163856x16xf32, #tpu.memory_space<hbm>> -> memref<163856x16xf32, #tpu.memory_space<hbm>>
        tpu.enqueue_indirect_dma source(%dma_start3A_89 : memref<163856x16xf32, #tpu.memory_space<hbm>>) target(%arg11 : memref<16x16xf32, #tpu.memory_space<vmem>>) offsets(%get3A_77 : vector<16xi32>) semaphore(%arg16 : memref<!tpu.dma_semaphore, #tpu.memory_space<semaphore_mem>>)
        %dma_wait3A = arith.constant 0 : i32
        %dma_wait3A_90 = arith.constant 0 : i32
        %dma_wait3A_91 = tpu.memref_slice %arg2[%dma_wait3A, %dma_wait3A_90] : memref<10240x128xf32, #tpu.memory_space<hbm>> -> memref<10240x128xf32, #tpu.memory_space<hbm>>
        tpu.wait_indirect_dma semaphore(%arg15 : memref<!tpu.dma_semaphore, #tpu.memory_space<semaphore_mem>>) src(%dma_wait3A_91 : memref<10240x128xf32, #tpu.memory_space<hbm>>) dst(%arg10 : memref<16x128xf32, #tpu.memory_space<vmem>>)
        %dma_wait3A_92 = arith.constant 0 : i32
        %dma_wait3A_93 = arith.constant 0 : i32
        %dma_wait3A_94 = tpu.memref_slice %arg5[%dma_wait3A_92, %dma_wait3A_93] : memref<163856x16xf32, #tpu.memory_space<hbm>> -> memref<163856x16xf32, #tpu.memory_space<hbm>>
        tpu.wait_indirect_dma semaphore(%arg16 : memref<!tpu.dma_semaphore, #tpu.memory_space<semaphore_mem>>) src(%dma_wait3A_94 : memref<163856x16xf32, #tpu.memory_space<hbm>>) dst(%arg11 : memref<16x16xf32, #tpu.memory_space<vmem>>)
        %scan3A_95 = arith.constant 0 : i32
        %scan3A_96 = arith.constant 0 : i32
        %scan3A_97 = arith.constant 16 : i32
        %scan3A_98 = arith.addi %scan3A_96, %scan3A_97 : i32
        %scan3A_99 = arith.constant 1 : i32
        scf.for %scan3A_101 = %scan3A_96 to %scan3A_98 step %scan3A_99  : i32 {
          %get3A_102 = arith.index_cast %scan3A_101 : i32 to index
          %get3A_103 = arith.constant 0 : index
          %get3A_104 = tpu.vector_load %arg10[%get3A_102, %get3A_103] {strides = array<i32>} : memref<16x128xf32, #tpu.memory_space<vmem>>, vector<16xf32>,
          %get3A_105 = arith.index_cast %scan3A_101 : i32 to index
          %get3A_106 = arith.constant 16 : index
          %get3A_107 = tpu.vector_load %arg10[%get3A_105, %get3A_106] {strides = array<i32>} : memref<16x128xf32, #tpu.memory_space<vmem>>, vector<16xf32>,
          %get3A_108 = arith.index_cast %scan3A_101 : i32 to index
          %get3A_109 = arith.constant 32 : index
          %get3A_110 = tpu.vector_load %arg10[%get3A_108, %get3A_109] {strides = array<i32>} : memref<16x128xf32, #tpu.memory_space<vmem>>, vector<16xf32>,
          %get3A_111 = arith.index_cast %scan3A_101 : i32 to index
          %get3A_112 = arith.constant 48 : index
          %get3A_113 = tpu.vector_load %arg10[%get3A_111, %get3A_112] {strides = array<i32>} : memref<16x128xf32, #tpu.memory_space<vmem>>, vector<16xf32>,
          %get3A_114 = arith.index_cast %scan3A_101 : i32 to index
          %get3A_115 = arith.constant 64 : index
          %get3A_116 = tpu.vector_load %arg10[%get3A_114, %get3A_115] {strides = array<i32>} : memref<16x128xf32, #tpu.memory_space<vmem>>, vector<16xf32>,
          %get3A_117 = arith.index_cast %scan3A_101 : i32 to index
          %get3A_118 = arith.constant 80 : index
          %get3A_119 = tpu.vector_load %arg10[%get3A_117, %get3A_118] {strides = array<i32>} : memref<16x128xf32, #tpu.memory_space<vmem>>, vector<16xf32>,
          %get3A_120 = arith.index_cast %scan3A_101 : i32 to index
          %get3A_121 = arith.constant 96 : index
          %get3A_122 = tpu.vector_load %arg10[%get3A_120, %get3A_121] {strides = array<i32>} : memref<16x128xf32, #tpu.memory_space<vmem>>, vector<16xf32>,
          %get3A_123 = arith.index_cast %scan3A_101 : i32 to index
          %get3A_124 = arith.constant 112 : index
          %get3A_125 = tpu.vector_load %arg10[%get3A_123, %get3A_124] {strides = array<i32>} : memref<16x128xf32, #tpu.memory_space<vmem>>, vector<16xf32>,
          %broadcast_in_dim3A_126 = vector.broadcast %scan3A_101 : i32 to vector<16xi32>
          %broadcast_in_dim3A_127 = arith.constant 0 : i32
          %broadcast_in_dim3A_128 = vector.broadcast %broadcast_in_dim3A_127 : i32 to vector<16xi32>
          %gather3A_129 = tpu.vector_load_idx %arg11[%broadcast_in_dim3A_126, %broadcast_in_dim3A_128] : memref<16x16xf32, #tpu.memory_space<vmem>>[vector<16xi32>, vector<16xi32>], vector<16xf32>,
          %mul3A_130 = arith.mulf %gather3A_129, %get3A_104 : vector<16xf32>
          %swap3A_131 = arith.index_cast %scan3A_101 : i32 to index
          %swap3A_132 = arith.constant 0 : index
          %swap3A_133 = tpu.vector_load %arg12[%swap3A_131, %swap3A_132] {strides = array<i32>} : memref<16x2048xf32, #tpu.memory_space<vmem>>, vector<16xf32>,
          tpu.vector_store %arg12[%swap3A_131, %swap3A_132], %mul3A_130 {strides = array<i32>} : memref<16x2048xf32, #tpu.memory_space<vmem>>, vector<16xf32>,
          %mul3A_134 = arith.mulf %gather3A_129, %get3A_107 : vector<16xf32>
          %swap3A_135 = arith.index_cast %scan3A_101 : i32 to index
          %swap3A_136 = arith.constant 16 : index
          %swap3A_137 = tpu.vector_load %arg12[%swap3A_135, %swap3A_136] {strides = array<i32>} : memref<16x2048xf32, #tpu.memory_space<vmem>>, vector<16xf32>,
          tpu.vector_store %arg12[%swap3A_135, %swap3A_136], %mul3A_134 {strides = array<i32>} : memref<16x2048xf32, #tpu.memory_space<vmem>>, vector<16xf32>,
          %mul3A_138 = arith.mulf %gather3A_129, %get3A_110 : vector<16xf32>
          %swap3A_139 = arith.index_cast %scan3A_101 : i32 to index
          %swap3A_140 = arith.constant 32 : index
          %swap3A_141 = tpu.vector_load %arg12[%swap3A_139, %swap3A_140] {strides = array<i32>} : memref<16x2048xf32, #tpu.memory_space<vmem>>, vector<16xf32>,
          tpu.vector_store %arg12[%swap3A_139, %swap3A_140], %mul3A_138 {strides = array<i32>} : memref<16x2048xf32, #tpu.memory_space<vmem>>, vector<16xf32>,
          %mul3A_142 = arith.mulf %gather3A_129, %get3A_113 : vector<16xf32>
          %swap3A_143 = arith.index_cast %scan3A_101 : i32 to index
          %swap3A_144 = arith.constant 48 : index
          %swap3A_145 = tpu.vector_load %arg12[%swap3A_143, %swap3A_144] {strides = array<i32>} : memref<16x2048xf32, #tpu.memory_space<vmem>>, vector<16xf32>,
          tpu.vector_store %arg12[%swap3A_143, %swap3A_144], %mul3A_142 {strides = array<i32>} : memref<16x2048xf32, #tpu.memory_space<vmem>>, vector<16xf32>,
          %mul3A_146 = arith.mulf %gather3A_129, %get3A_116 : vector<16xf32>
          %swap3A_147 = arith.index_cast %scan3A_101 : i32 to index
          %swap3A_148 = arith.constant 64 : index
          %swap3A_149 = tpu.vector_load %arg12[%swap3A_147, %swap3A_148] {strides = array<i32>} : memref<16x2048xf32, #tpu.memory_space<vmem>>, vector<16xf32>,
          tpu.vector_store %arg12[%swap3A_147, %swap3A_148], %mul3A_146 {strides = array<i32>} : memref<16x2048xf32, #tpu.memory_space<vmem>>, vector<16xf32>,
          %mul3A_150 = arith.mulf %gather3A_129, %get3A_119 : vector<16xf32>
          %swap3A_151 = arith.index_cast %scan3A_101 : i32 to index
          %swap3A_152 = arith.constant 80 : index
          %swap3A_153 = tpu.vector_load %arg12[%swap3A_151, %swap3A_152] {strides = array<i32>} : memref<16x2048xf32, #tpu.memory_space<vmem>>, vector<16xf32>,
          tpu.vector_store %arg12[%swap3A_151, %swap3A_152], %mul3A_150 {strides = array<i32>} : memref<16x2048xf32, #tpu.memory_space<vmem>>, vector<16xf32>,
          %mul3A_154 = arith.mulf %gather3A_129, %get3A_122 : vector<16xf32>
          %swap3A_155 = arith.index_cast %scan3A_101 : i32 to index
          %swap3A_156 = arith.constant 96 : index
          %swap3A_157 = tpu.vector_load %arg12[%swap3A_155, %swap3A_156] {strides = array<i32>} : memref<16x2048xf32, #tpu.memory_space<vmem>>, vector<16xf32>,
          tpu.vector_store %arg12[%swap3A_155, %swap3A_156], %mul3A_154 {strides = array<i32>} : memref<16x2048xf32, #tpu.memory_space<vmem>>, vector<16xf32>,
          %mul3A_158 = arith.mulf %gather3A_129, %get3A_125 : vector<16xf32>
          %swap3A_159 = arith.index_cast %scan3A_101 : i32 to index
          %swap3A_160 = arith.constant 112 : index
          %swap3A_161 = tpu.vector_load %arg12[%swap3A_159, %swap3A_160] {strides = array<i32>} : memref<16x2048xf32, #tpu.memory_space<vmem>>, vector<16xf32>,
          tpu.vector_store %arg12[%swap3A_159, %swap3A_160], %mul3A_158 {strides = array<i32>} : memref<16x2048xf32, #tpu.memory_space<vmem>>, vector<16xf32>,
          %broadcast_in_dim3A_162 = vector.broadcast %scan3A_101 : i32 to vector<16xi32>
          %broadcast_in_dim3A_163 = arith.constant 1 : i32
          %broadcast_in_dim3A_164 = vector.broadcast %broadcast_in_dim3A_163 : i32 to vector<16xi32>
          %gather3A_165 = tpu.vector_load_idx %arg11[%broadcast_in_dim3A_162, %broadcast_in_dim3A_164] : memref<16x16xf32, #tpu.memory_space<vmem>>[vector<16xi32>, vector<16xi32>], vector<16xf32>,
          %mul3A_166 = arith.mulf %gather3A_165, %get3A_104 : vector<16xf32>
          %swap3A_167 = arith.index_cast %scan3A_101 : i32 to index
          %swap3A_168 = arith.constant 128 : index
          %swap3A_169 = tpu.vector_load %arg12[%swap3A_167, %swap3A_168] {strides = array<i32>} : memref<16x2048xf32, #tpu.memory_space<vmem>>, vector<16xf32>,
          tpu.vector_store %arg12[%swap3A_167, %swap3A_168], %mul3A_166 {strides = array<i32>} : memref<16x2048xf32, #tpu.memory_space<vmem>>, vector<16xf32>,
          %mul3A_170 = arith.mulf %gather3A_165, %get3A_107 : vector<16xf32>
          %swap3A_171 = arith.index_cast %scan3A_101 : i32 to index
          %swap3A_172 = arith.constant 144 : index
          %swap3A_173 = tpu.vector_load %arg12[%swap3A_171, %swap3A_172] {strides = array<i32>} : memref<16x2048xf32, #tpu.memory_space<vmem>>, vector<16xf32>,
          tpu.vector_store %arg12[%swap3A_171, %swap3A_172], %mul3A_170 {strides = array<i32>} : memref<16x2048xf32, #tpu.memory_space<vmem>>, vector<16xf32>,
          %mul3A_174 = arith.mulf %gather3A_165, %get3A_110 : vector<16xf32>
          %swap3A_175 = arith.index_cast %scan3A_101 : i32 to index
          %swap3A_176 = arith.constant 160 : index
          %swap3A_177 = tpu.vector_load %arg12[%swap3A_175, %swap3A_176] {strides = array<i32>} : memref<16x2048xf32, #tpu.memory_space<vmem>>, vector<16xf32>,
          tpu.vector_store %arg12[%swap3A_175, %swap3A_176], %mul3A_174 {strides = array<i32>} : memref<16x2048xf32, #tpu.memory_space<vmem>>, vector<16xf32>,
          %mul3A_178 = arith.mulf %gather3A_165, %get3A_113 : vector<16xf32>
          %swap3A_179 = arith.index_cast %scan3A_101 : i32 to index
          %swap3A_180 = arith.constant 176 : index
          %swap3A_181 = tpu.vector_load %arg12[%swap3A_179, %swap3A_180] {strides = array<i32>} : memref<16x2048xf32, #tpu.memory_space<vmem>>, vector<16xf32>,
          tpu.vector_store %arg12[%swap3A_179, %swap3A_180], %mul3A_178 {strides = array<i32>} : memref<16x2048xf32, #tpu.memory_space<vmem>>, vector<16xf32>,
          %mul3A_182 = arith.mulf %gather3A_165, %get3A_116 : vector<16xf32>
          %swap3A_183 = arith.index_cast %scan3A_101 : i32 to index
          %swap3A_184 = arith.constant 192 : index
          %swap3A_185 = tpu.vector_load %arg12[%swap3A_183, %swap3A_184] {strides = array<i32>} : memref<16x2048xf32, #tpu.memory_space<vmem>>, vector<16xf32>,
          tpu.vector_store %arg12[%swap3A_183, %swap3A_184], %mul3A_182 {strides = array<i32>} : memref<16x2048xf32, #tpu.memory_space<vmem>>, vector<16xf32>,
          %mul3A_186 = arith.mulf %gather3A_165, %get3A_119 : vector<16xf32>
          %swap3A_187 = arith.index_cast %scan3A_101 : i32 to index
          %swap3A_188 = arith.constant 208 : index
          %swap3A_189 = tpu.vector_load %arg12[%swap3A_187, %swap3A_188] {strides = array<i32>} : memref<16x2048xf32, #tpu.memory_space<vmem>>, vector<16xf32>,
          tpu.vector_store %arg12[%swap3A_187, %swap3A_188], %mul3A_186 {strides = array<i32>} : memref<16x2048xf32, #tpu.memory_space<vmem>>, vector<16xf32>,
          %mul3A_190 = arith.mulf %gather3A_165, %get3A_122 : vector<16xf32>
          %swap3A_191 = arith.index_cast %scan3A_101 : i32 to index
          %swap3A_192 = arith.constant 224 : index
          %swap3A_193 = tpu.vector_load %arg12[%swap3A_191, %swap3A_192] {strides = array<i32>} : memref<16x2048xf32, #tpu.memory_space<vmem>>, vector<16xf32>,
          tpu.vector_store %arg12[%swap3A_191, %swap3A_192], %mul3A_190 {strides = array<i32>} : memref<16x2048xf32, #tpu.memory_space<vmem>>, vector<16xf32>,
          %mul3A_194 = arith.mulf %gather3A_165, %get3A_125 : vector<16xf32>
          %swap3A_195 = arith.index_cast %scan3A_101 : i32 to index
          %swap3A_196 = arith.constant 240 : index
          %swap3A_197 = tpu.vector_load %arg12[%swap3A_195, %swap3A_196] {strides = array<i32>} : memref<16x2048xf32, #tpu.memory_space<vmem>>, vector<16xf32>,
          tpu.vector_store %arg12[%swap3A_195, %swap3A_196], %mul3A_194 {strides = array<i32>} : memref<16x2048xf32, #tpu.memory_space<vmem>>, vector<16xf32>,
          %broadcast_in_dim3A_198 = vector.broadcast %scan3A_101 : i32 to vector<16xi32>
          %broadcast_in_dim3A_199 = arith.constant 2 : i32
          %broadcast_in_dim3A_200 = vector.broadcast %broadcast_in_dim3A_199 : i32 to vector<16xi32>
          %gather3A_201 = tpu.vector_load_idx %arg11[%broadcast_in_dim3A_198, %broadcast_in_dim3A_200] : memref<16x16xf32, #tpu.memory_space<vmem>>[vector<16xi32>, vector<16xi32>], vector<16xf32>,
          %mul3A_202 = arith.mulf %gather3A_201, %get3A_104 : vector<16xf32>
          %swap3A_203 = arith.index_cast %scan3A_101 : i32 to index
          %swap3A_204 = arith.constant 256 : index
          %swap3A_205 = tpu.vector_load %arg12[%swap3A_203, %swap3A_204] {strides = array<i32>} : memref<16x2048xf32, #tpu.memory_space<vmem>>, vector<16xf32>,
          tpu.vector_store %arg12[%swap3A_203, %swap3A_204], %mul3A_202 {strides = array<i32>} : memref<16x2048xf32, #tpu.memory_space<vmem>>, vector<16xf32>,
          %mul3A_206 = arith.mulf %gather3A_201, %get3A_107 : vector<16xf32>
          %swap3A_207 = arith.index_cast %scan3A_101 : i32 to index
          %swap3A_208 = arith.constant 272 : index
          %swap3A_209 = tpu.vector_load %arg12[%swap3A_207, %swap3A_208] {strides = array<i32>} : memref<16x2048xf32, #tpu.memory_space<vmem>>, vector<16xf32>,
          tpu.vector_store %arg12[%swap3A_207, %swap3A_208], %mul3A_206 {strides = array<i32>} : memref<16x2048xf32, #tpu.memory_space<vmem>>, vector<16xf32>,
          %mul3A_210 = arith.mulf %gather3A_201, %get3A_110 : vector<16xf32>
          %swap3A_211 = arith.index_cast %scan3A_101 : i32 to index
          %swap3A_212 = arith.constant 288 : index
          %swap3A_213 = tpu.vector_load %arg12[%swap3A_211, %swap3A_212] {strides = array<i32>} : memref<16x2048xf32, #tpu.memory_space<vmem>>, vector<16xf32>,
          tpu.vector_store %arg12[%swap3A_211, %swap3A_212], %mul3A_210 {strides = array<i32>} : memref<16x2048xf32, #tpu.memory_space<vmem>>, vector<16xf32>,
          %mul3A_214 = arith.mulf %gather3A_201, %get3A_113 : vector<16xf32>
          %swap3A_215 = arith.index_cast %scan3A_101 : i32 to index
          %swap3A_216 = arith.constant 304 : index
          %swap3A_217 = tpu.vector_load %arg12[%swap3A_215, %swap3A_216] {strides = array<i32>} : memref<16x2048xf32, #tpu.memory_space<vmem>>, vector<16xf32>,
          tpu.vector_store %arg12[%swap3A_215, %swap3A_216], %mul3A_214 {strides = array<i32>} : memref<16x2048xf32, #tpu.memory_space<vmem>>, vector<16xf32>,
          %mul3A_218 = arith.mulf %gather3A_201, %get3A_116 : vector<16xf32>
          %swap3A_219 = arith.index_cast %scan3A_101 : i32 to index
          %swap3A_220 = arith.constant 320 : index
          %swap3A_221 = tpu.vector_load %arg12[%swap3A_219, %swap3A_220] {strides = array<i32>} : memref<16x2048xf32, #tpu.memory_space<vmem>>, vector<16xf32>,
          tpu.vector_store %arg12[%swap3A_219, %swap3A_220], %mul3A_218 {strides = array<i32>} : memref<16x2048xf32, #tpu.memory_space<vmem>>, vector<16xf32>,
          %mul3A_222 = arith.mulf %gather3A_201, %get3A_119 : vector<16xf32>
          %swap3A_223 = arith.index_cast %scan3A_101 : i32 to index
          %swap3A_224 = arith.constant 336 : index
          %swap3A_225 = tpu.vector_load %arg12[%swap3A_223, %swap3A_224] {strides = array<i32>} : memref<16x2048xf32, #tpu.memory_space<vmem>>, vector<16xf32>,
          tpu.vector_store %arg12[%swap3A_223, %swap3A_224], %mul3A_222 {strides = array<i32>} : memref<16x2048xf32, #tpu.memory_space<vmem>>, vector<16xf32>,
          %mul3A_226 = arith.mulf %gather3A_201, %get3A_122 : vector<16xf32>
          %swap3A_227 = arith.index_cast %scan3A_101 : i32 to index
          %swap3A_228 = arith.constant 352 : index
          %swap3A_229 = tpu.vector_load %arg12[%swap3A_227, %swap3A_228] {strides = array<i32>} : memref<16x2048xf32, #tpu.memory_space<vmem>>, vector<16xf32>,
          tpu.vector_store %arg12[%swap3A_227, %swap3A_228], %mul3A_226 {strides = array<i32>} : memref<16x2048xf32, #tpu.memory_space<vmem>>, vector<16xf32>,
          %mul3A_230 = arith.mulf %gather3A_201, %get3A_125 : vector<16xf32>
          %swap3A_231 = arith.index_cast %scan3A_101 : i32 to index
          %swap3A_232 = arith.constant 368 : index
          %swap3A_233 = tpu.vector_load %arg12[%swap3A_231, %swap3A_232] {strides = array<i32>} : memref<16x2048xf32, #tpu.memory_space<vmem>>, vector<16xf32>,
          tpu.vector_store %arg12[%swap3A_231, %swap3A_232], %mul3A_230 {strides = array<i32>} : memref<16x2048xf32, #tpu.memory_space<vmem>>, vector<16xf32>,
          %broadcast_in_dim3A_234 = vector.broadcast %scan3A_101 : i32 to vector<16xi32>
          %broadcast_in_dim3A_235 = arith.constant 3 : i32
          %broadcast_in_dim3A_236 = vector.broadcast %broadcast_in_dim3A_235 : i32 to vector<16xi32>
          %gather3A_237 = tpu.vector_load_idx %arg11[%broadcast_in_dim3A_234, %broadcast_in_dim3A_236] : memref<16x16xf32, #tpu.memory_space<vmem>>[vector<16xi32>, vector<16xi32>], vector<16xf32>,
          %mul3A_238 = arith.mulf %gather3A_237, %get3A_104 : vector<16xf32>
          %swap3A_239 = arith.index_cast %scan3A_101 : i32 to index
          %swap3A_240 = arith.constant 384 : index
          %swap3A_241 = tpu.vector_load %arg12[%swap3A_239, %swap3A_240] {strides = array<i32>} : memref<16x2048xf32, #tpu.memory_space<vmem>>, vector<16xf32>,
          tpu.vector_store %arg12[%swap3A_239, %swap3A_240], %mul3A_238 {strides = array<i32>} : memref<16x2048xf32, #tpu.memory_space<vmem>>, vector<16xf32>,
          %mul3A_242 = arith.mulf %gather3A_237, %get3A_107 : vector<16xf32>
          %swap3A_243 = arith.index_cast %scan3A_101 : i32 to index
          %swap3A_244 = arith.constant 400 : index
          %swap3A_245 = tpu.vector_load %arg12[%swap3A_243, %swap3A_244] {strides = array<i32>} : memref<16x2048xf32, #tpu.memory_space<vmem>>, vector<16xf32>,
          tpu.vector_store %arg12[%swap3A_243, %swap3A_244], %mul3A_242 {strides = array<i32>} : memref<16x2048xf32, #tpu.memory_space<vmem>>, vector<16xf32>,
          %mul3A_246 = arith.mulf %gather3A_237, %get3A_110 : vector<16xf32>
          %swap3A_247 = arith.index_cast %scan3A_101 : i32 to index
          %swap3A_248 = arith.constant 416 : index
          %swap3A_249 = tpu.vector_load %arg12[%swap3A_247, %swap3A_248] {strides = array<i32>} : memref<16x2048xf32, #tpu.memory_space<vmem>>, vector<16xf32>,
          tpu.vector_store %arg12[%swap3A_247, %swap3A_248], %mul3A_246 {strides = array<i32>} : memref<16x2048xf32, #tpu.memory_space<vmem>>, vector<16xf32>,
          %mul3A_250 = arith.mulf %gather3A_237, %get3A_113 : vector<16xf32>
          %swap3A_251 = arith.index_cast %scan3A_101 : i32 to index
          %swap3A_252 = arith.constant 432 : index
          %swap3A_253 = tpu.vector_load %arg12[%swap3A_251, %swap3A_252] {strides = array<i32>} : memref<16x2048xf32, #tpu.memory_space<vmem>>, vector<16xf32>,
          tpu.vector_store %arg12[%swap3A_251, %swap3A_252], %mul3A_250 {strides = array<i32>} : memref<16x2048xf32, #tpu.memory_space<vmem>>, vector<16xf32>,
          %mul3A_254 = arith.mulf %gather3A_237, %get3A_116 : vector<16xf32>
          %swap3A_255 = arith.index_cast %scan3A_101 : i32 to index
          %swap3A_256 = arith.constant 448 : index
          %swap3A_257 = tpu.vector_load %arg12[%swap3A_255, %swap3A_256] {strides = array<i32>} : memref<16x2048xf32, #tpu.memory_space<vmem>>, vector<16xf32>,
          tpu.vector_store %arg12[%swap3A_255, %swap3A_256], %mul3A_254 {strides = array<i32>} : memref<16x2048xf32, #tpu.memory_space<vmem>>, vector<16xf32>,
          %mul3A_258 = arith.mulf %gather3A_237, %get3A_119 : vector<16xf32>
          %swap3A_259 = arith.index_cast %scan3A_101 : i32 to index
          %swap3A_260 = arith.constant 464 : index
          %swap3A_261 = tpu.vector_load %arg12[%swap3A_259, %swap3A_260] {strides = array<i32>} : memref<16x2048xf32, #tpu.memory_space<vmem>>, vector<16xf32>,
          tpu.vector_store %arg12[%swap3A_259, %swap3A_260], %mul3A_258 {strides = array<i32>} : memref<16x2048xf32, #tpu.memory_space<vmem>>, vector<16xf32>,
          %mul3A_262 = arith.mulf %gather3A_237, %get3A_122 : vector<16xf32>
          %swap3A_263 = arith.index_cast %scan3A_101 : i32 to index
          %swap3A_264 = arith.constant 480 : index
          %swap3A_265 = tpu.vector_load %arg12[%swap3A_263, %swap3A_264] {strides = array<i32>} : memref<16x2048xf32, #tpu.memory_space<vmem>>, vector<16xf32>,
          tpu.vector_store %arg12[%swap3A_263, %swap3A_264], %mul3A_262 {strides = array<i32>} : memref<16x2048xf32, #tpu.memory_space<vmem>>, vector<16xf32>,
          %mul3A_266 = arith.mulf %gather3A_237, %get3A_125 : vector<16xf32>
          %swap3A_267 = arith.index_cast %scan3A_101 : i32 to index
          %swap3A_268 = arith.constant 496 : index
          %swap3A_269 = tpu.vector_load %arg12[%swap3A_267, %swap3A_268] {strides = array<i32>} : memref<16x2048xf32, #tpu.memory_space<vmem>>, vector<16xf32>,
          tpu.vector_store %arg12[%swap3A_267, %swap3A_268], %mul3A_266 {strides = array<i32>} : memref<16x2048xf32, #tpu.memory_space<vmem>>, vector<16xf32>,
          %broadcast_in_dim3A_270 = vector.broadcast %scan3A_101 : i32 to vector<16xi32>
          %broadcast_in_dim3A_271 = arith.constant 4 : i32
          %broadcast_in_dim3A_272 = vector.broadcast %broadcast_in_dim3A_271 : i32 to vector<16xi32>
          %gather3A_273 = tpu.vector_load_idx %arg11[%broadcast_in_dim3A_270, %broadcast_in_dim3A_272] : memref<16x16xf32, #tpu.memory_space<vmem>>[vector<16xi32>, vector<16xi32>], vector<16xf32>,
          %mul3A_274 = arith.mulf %gather3A_273, %get3A_104 : vector<16xf32>
          %swap3A_275 = arith.index_cast %scan3A_101 : i32 to index
          %swap3A_276 = arith.constant 512 : index
          %swap3A_277 = tpu.vector_load %arg12[%swap3A_275, %swap3A_276] {strides = array<i32>} : memref<16x2048xf32, #tpu.memory_space<vmem>>, vector<16xf32>,
          tpu.vector_store %arg12[%swap3A_275, %swap3A_276], %mul3A_274 {strides = array<i32>} : memref<16x2048xf32, #tpu.memory_space<vmem>>, vector<16xf32>,
          %mul3A_278 = arith.mulf %gather3A_273, %get3A_107 : vector<16xf32>
          %swap3A_279 = arith.index_cast %scan3A_101 : i32 to index
          %swap3A_280 = arith.constant 528 : index
          %swap3A_281 = tpu.vector_load %arg12[%swap3A_279, %swap3A_280] {strides = array<i32>} : memref<16x2048xf32, #tpu.memory_space<vmem>>, vector<16xf32>,
          tpu.vector_store %arg12[%swap3A_279, %swap3A_280], %mul3A_278 {strides = array<i32>} : memref<16x2048xf32, #tpu.memory_space<vmem>>, vector<16xf32>,
          %mul3A_282 = arith.mulf %gather3A_273, %get3A_110 : vector<16xf32>
          %swap3A_283 = arith.index_cast %scan3A_101 : i32 to index
          %swap3A_284 = arith.constant 544 : index
          %swap3A_285 = tpu.vector_load %arg12[%swap3A_283, %swap3A_284] {strides = array<i32>} : memref<16x2048xf32, #tpu.memory_space<vmem>>, vector<16xf32>,
          tpu.vector_store %arg12[%swap3A_283, %swap3A_284], %mul3A_282 {strides = array<i32>} : memref<16x2048xf32, #tpu.memory_space<vmem>>, vector<16xf32>,
          %mul3A_286 = arith.mulf %gather3A_273, %get3A_113 : vector<16xf32>
          %swap3A_287 = arith.index_cast %scan3A_101 : i32 to index
          %swap3A_288 = arith.constant 560 : index
          %swap3A_289 = tpu.vector_load %arg12[%swap3A_287, %swap3A_288] {strides = array<i32>} : memref<16x2048xf32, #tpu.memory_space<vmem>>, vector<16xf32>,
          tpu.vector_store %arg12[%swap3A_287, %swap3A_288], %mul3A_286 {strides = array<i32>} : memref<16x2048xf32, #tpu.memory_space<vmem>>, vector<16xf32>,
          %mul3A_290 = arith.mulf %gather3A_273, %get3A_116 : vector<16xf32>
          %swap3A_291 = arith.index_cast %scan3A_101 : i32 to index
          %swap3A_292 = arith.constant 576 : index
          %swap3A_293 = tpu.vector_load %arg12[%swap3A_291, %swap3A_292] {strides = array<i32>} : memref<16x2048xf32, #tpu.memory_space<vmem>>, vector<16xf32>,
          tpu.vector_store %arg12[%swap3A_291, %swap3A_292], %mul3A_290 {strides = array<i32>} : memref<16x2048xf32, #tpu.memory_space<vmem>>, vector<16xf32>,
          %mul3A_294 = arith.mulf %gather3A_273, %get3A_119 : vector<16xf32>
          %swap3A_295 = arith.index_cast %scan3A_101 : i32 to index
          %swap3A_296 = arith.constant 592 : index
          %swap3A_297 = tpu.vector_load %arg12[%swap3A_295, %swap3A_296] {strides = array<i32>} : memref<16x2048xf32, #tpu.memory_space<vmem>>, vector<16xf32>,
          tpu.vector_store %arg12[%swap3A_295, %swap3A_296], %mul3A_294 {strides = array<i32>} : memref<16x2048xf32, #tpu.memory_space<vmem>>, vector<16xf32>,
          %mul3A_298 = arith.mulf %gather3A_273, %get3A_122 : vector<16xf32>
          %swap3A_299 = arith.index_cast %scan3A_101 : i32 to index
          %swap3A_300 = arith.constant 608 : index
          %swap3A_301 = tpu.vector_load %arg12[%swap3A_299, %swap3A_300] {strides = array<i32>} : memref<16x2048xf32, #tpu.memory_space<vmem>>, vector<16xf32>,
          tpu.vector_store %arg12[%swap3A_299, %swap3A_300], %mul3A_298 {strides = array<i32>} : memref<16x2048xf32, #tpu.memory_space<vmem>>, vector<16xf32>,
          %mul3A_302 = arith.mulf %gather3A_273, %get3A_125 : vector<16xf32>
          %swap3A_303 = arith.index_cast %scan3A_101 : i32 to index
          %swap3A_304 = arith.constant 624 : index
          %swap3A_305 = tpu.vector_load %arg12[%swap3A_303, %swap3A_304] {strides = array<i32>} : memref<16x2048xf32, #tpu.memory_space<vmem>>, vector<16xf32>,
          tpu.vector_store %arg12[%swap3A_303, %swap3A_304], %mul3A_302 {strides = array<i32>} : memref<16x2048xf32, #tpu.memory_space<vmem>>, vector<16xf32>,
          %broadcast_in_dim3A_306 = vector.broadcast %scan3A_101 : i32 to vector<16xi32>
          %broadcast_in_dim3A_307 = arith.constant 5 : i32
          %broadcast_in_dim3A_308 = vector.broadcast %broadcast_in_dim3A_307 : i32 to vector<16xi32>
          %gather3A_309 = tpu.vector_load_idx %arg11[%broadcast_in_dim3A_306, %broadcast_in_dim3A_308] : memref<16x16xf32, #tpu.memory_space<vmem>>[vector<16xi32>, vector<16xi32>], vector<16xf32>,
          %mul3A_310 = arith.mulf %gather3A_309, %get3A_104 : vector<16xf32>
          %swap3A_311 = arith.index_cast %scan3A_101 : i32 to index
          %swap3A_312 = arith.constant 640 : index
          %swap3A_313 = tpu.vector_load %arg12[%swap3A_311, %swap3A_312] {strides = array<i32>} : memref<16x2048xf32, #tpu.memory_space<vmem>>, vector<16xf32>,
          tpu.vector_store %arg12[%swap3A_311, %swap3A_312], %mul3A_310 {strides = array<i32>} : memref<16x2048xf32, #tpu.memory_space<vmem>>, vector<16xf32>,
          %mul3A_314 = arith.mulf %gather3A_309, %get3A_107 : vector<16xf32>
          %swap3A_315 = arith.index_cast %scan3A_101 : i32 to index
          %swap3A_316 = arith.constant 656 : index
          %swap3A_317 = tpu.vector_load %arg12[%swap3A_315, %swap3A_316] {strides = array<i32>} : memref<16x2048xf32, #tpu.memory_space<vmem>>, vector<16xf32>,
          tpu.vector_store %arg12[%swap3A_315, %swap3A_316], %mul3A_314 {strides = array<i32>} : memref<16x2048xf32, #tpu.memory_space<vmem>>, vector<16xf32>,
          %mul3A_318 = arith.mulf %gather3A_309, %get3A_110 : vector<16xf32>
          %swap3A_319 = arith.index_cast %scan3A_101 : i32 to index
          %swap3A_320 = arith.constant 672 : index
          %swap3A_321 = tpu.vector_load %arg12[%swap3A_319, %swap3A_320] {strides = array<i32>} : memref<16x2048xf32, #tpu.memory_space<vmem>>, vector<16xf32>,
          tpu.vector_store %arg12[%swap3A_319, %swap3A_320], %mul3A_318 {strides = array<i32>} : memref<16x2048xf32, #tpu.memory_space<vmem>>, vector<16xf32>,
          %mul3A_322 = arith.mulf %gather3A_309, %get3A_113 : vector<16xf32>
          %swap3A_323 = arith.index_cast %scan3A_101 : i32 to index
          %swap3A_324 = arith.constant 688 : index
          %swap3A_325 = tpu.vector_load %arg12[%swap3A_323, %swap3A_324] {strides = array<i32>} : memref<16x2048xf32, #tpu.memory_space<vmem>>, vector<16xf32>,
          tpu.vector_store %arg12[%swap3A_323, %swap3A_324], %mul3A_322 {strides = array<i32>} : memref<16x2048xf32, #tpu.memory_space<vmem>>, vector<16xf32>,
          %mul3A_326 = arith.mulf %gather3A_309, %get3A_116 : vector<16xf32>
          %swap3A_327 = arith.index_cast %scan3A_101 : i32 to index
          %swap3A_328 = arith.constant 704 : index
          %swap3A_329 = tpu.vector_load %arg12[%swap3A_327, %swap3A_328] {strides = array<i32>} : memref<16x2048xf32, #tpu.memory_space<vmem>>, vector<16xf32>,
          tpu.vector_store %arg12[%swap3A_327, %swap3A_328], %mul3A_326 {strides = array<i32>} : memref<16x2048xf32, #tpu.memory_space<vmem>>, vector<16xf32>,
          %mul3A_330 = arith.mulf %gather3A_309, %get3A_119 : vector<16xf32>
          %swap3A_331 = arith.index_cast %scan3A_101 : i32 to index
          %swap3A_332 = arith.constant 720 : index
          %swap3A_333 = tpu.vector_load %arg12[%swap3A_331, %swap3A_332] {strides = array<i32>} : memref<16x2048xf32, #tpu.memory_space<vmem>>, vector<16xf32>,
          tpu.vector_store %arg12[%swap3A_331, %swap3A_332], %mul3A_330 {strides = array<i32>} : memref<16x2048xf32, #tpu.memory_space<vmem>>, vector<16xf32>,
          %mul3A_334 = arith.mulf %gather3A_309, %get3A_122 : vector<16xf32>
          %swap3A_335 = arith.index_cast %scan3A_101 : i32 to index
          %swap3A_336 = arith.constant 736 : index
          %swap3A_337 = tpu.vector_load %arg12[%swap3A_335, %swap3A_336] {strides = array<i32>} : memref<16x2048xf32, #tpu.memory_space<vmem>>, vector<16xf32>,
          tpu.vector_store %arg12[%swap3A_335, %swap3A_336], %mul3A_334 {strides = array<i32>} : memref<16x2048xf32, #tpu.memory_space<vmem>>, vector<16xf32>,
          %mul3A_338 = arith.mulf %gather3A_309, %get3A_125 : vector<16xf32>
          %swap3A_339 = arith.index_cast %scan3A_101 : i32 to index
          %swap3A_340 = arith.constant 752 : index
          %swap3A_341 = tpu.vector_load %arg12[%swap3A_339, %swap3A_340] {strides = array<i32>} : memref<16x2048xf32, #tpu.memory_space<vmem>>, vector<16xf32>,
          tpu.vector_store %arg12[%swap3A_339, %swap3A_340], %mul3A_338 {strides = array<i32>} : memref<16x2048xf32, #tpu.memory_space<vmem>>, vector<16xf32>,
          %broadcast_in_dim3A_342 = vector.broadcast %scan3A_101 : i32 to vector<16xi32>
          %broadcast_in_dim3A_343 = arith.constant 6 : i32
          %broadcast_in_dim3A_344 = vector.broadcast %broadcast_in_dim3A_343 : i32 to vector<16xi32>
          %gather3A_345 = tpu.vector_load_idx %arg11[%broadcast_in_dim3A_342, %broadcast_in_dim3A_344] : memref<16x16xf32, #tpu.memory_space<vmem>>[vector<16xi32>, vector<16xi32>], vector<16xf32>,
          %mul3A_346 = arith.mulf %gather3A_345, %get3A_104 : vector<16xf32>
          %swap3A_347 = arith.index_cast %scan3A_101 : i32 to index
          %swap3A_348 = arith.constant 768 : index
          %swap3A_349 = tpu.vector_load %arg12[%swap3A_347, %swap3A_348] {strides = array<i32>} : memref<16x2048xf32, #tpu.memory_space<vmem>>, vector<16xf32>,
          tpu.vector_store %arg12[%swap3A_347, %swap3A_348], %mul3A_346 {strides = array<i32>} : memref<16x2048xf32, #tpu.memory_space<vmem>>, vector<16xf32>,
          %mul3A_350 = arith.mulf %gather3A_345, %get3A_107 : vector<16xf32>
          %swap3A_351 = arith.index_cast %scan3A_101 : i32 to index
          %swap3A_352 = arith.constant 784 : index
          %swap3A_353 = tpu.vector_load %arg12[%swap3A_351, %swap3A_352] {strides = array<i32>} : memref<16x2048xf32, #tpu.memory_space<vmem>>, vector<16xf32>,
          tpu.vector_store %arg12[%swap3A_351, %swap3A_352], %mul3A_350 {strides = array<i32>} : memref<16x2048xf32, #tpu.memory_space<vmem>>, vector<16xf32>,
          %mul3A_354 = arith.mulf %gather3A_345, %get3A_110 : vector<16xf32>
          %swap3A_355 = arith.index_cast %scan3A_101 : i32 to index
          %swap3A_356 = arith.constant 800 : index
          %swap3A_357 = tpu.vector_load %arg12[%swap3A_355, %swap3A_356] {strides = array<i32>} : memref<16x2048xf32, #tpu.memory_space<vmem>>, vector<16xf32>,
          tpu.vector_store %arg12[%swap3A_355, %swap3A_356], %mul3A_354 {strides = array<i32>} : memref<16x2048xf32, #tpu.memory_space<vmem>>, vector<16xf32>,
          %mul3A_358 = arith.mulf %gather3A_345, %get3A_113 : vector<16xf32>
          %swap3A_359 = arith.index_cast %scan3A_101 : i32 to index
          %swap3A_360 = arith.constant 816 : index
          %swap3A_361 = tpu.vector_load %arg12[%swap3A_359, %swap3A_360] {strides = array<i32>} : memref<16x2048xf32, #tpu.memory_space<vmem>>, vector<16xf32>,
          tpu.vector_store %arg12[%swap3A_359, %swap3A_360], %mul3A_358 {strides = array<i32>} : memref<16x2048xf32, #tpu.memory_space<vmem>>, vector<16xf32>,
          %mul3A_362 = arith.mulf %gather3A_345, %get3A_116 : vector<16xf32>
          %swap3A_363 = arith.index_cast %scan3A_101 : i32 to index
          %swap3A_364 = arith.constant 832 : index
          %swap3A_365 = tpu.vector_load %arg12[%swap3A_363, %swap3A_364] {strides = array<i32>} : memref<16x2048xf32, #tpu.memory_space<vmem>>, vector<16xf32>,
          tpu.vector_store %arg12[%swap3A_363, %swap3A_364], %mul3A_362 {strides = array<i32>} : memref<16x2048xf32, #tpu.memory_space<vmem>>, vector<16xf32>,
          %mul3A_366 = arith.mulf %gather3A_345, %get3A_119 : vector<16xf32>
          %swap3A_367 = arith.index_cast %scan3A_101 : i32 to index
          %swap3A_368 = arith.constant 848 : index
          %swap3A_369 = tpu.vector_load %arg12[%swap3A_367, %swap3A_368] {strides = array<i32>} : memref<16x2048xf32, #tpu.memory_space<vmem>>, vector<16xf32>,
          tpu.vector_store %arg12[%swap3A_367, %swap3A_368], %mul3A_366 {strides = array<i32>} : memref<16x2048xf32, #tpu.memory_space<vmem>>, vector<16xf32>,
          %mul3A_370 = arith.mulf %gather3A_345, %get3A_122 : vector<16xf32>
          %swap3A_371 = arith.index_cast %scan3A_101 : i32 to index
          %swap3A_372 = arith.constant 864 : index
          %swap3A_373 = tpu.vector_load %arg12[%swap3A_371, %swap3A_372] {strides = array<i32>} : memref<16x2048xf32, #tpu.memory_space<vmem>>, vector<16xf32>,
          tpu.vector_store %arg12[%swap3A_371, %swap3A_372], %mul3A_370 {strides = array<i32>} : memref<16x2048xf32, #tpu.memory_space<vmem>>, vector<16xf32>,
          %mul3A_374 = arith.mulf %gather3A_345, %get3A_125 : vector<16xf32>
          %swap3A_375 = arith.index_cast %scan3A_101 : i32 to index
          %swap3A_376 = arith.constant 880 : index
          %swap3A_377 = tpu.vector_load %arg12[%swap3A_375, %swap3A_376] {strides = array<i32>} : memref<16x2048xf32, #tpu.memory_space<vmem>>, vector<16xf32>,
          tpu.vector_store %arg12[%swap3A_375, %swap3A_376], %mul3A_374 {strides = array<i32>} : memref<16x2048xf32, #tpu.memory_space<vmem>>, vector<16xf32>,
          %broadcast_in_dim3A_378 = vector.broadcast %scan3A_101 : i32 to vector<16xi32>
          %broadcast_in_dim3A_379 = arith.constant 7 : i32
          %broadcast_in_dim3A_380 = vector.broadcast %broadcast_in_dim3A_379 : i32 to vector<16xi32>
          %gather3A_381 = tpu.vector_load_idx %arg11[%broadcast_in_dim3A_378, %broadcast_in_dim3A_380] : memref<16x16xf32, #tpu.memory_space<vmem>>[vector<16xi32>, vector<16xi32>], vector<16xf32>,
          %mul3A_382 = arith.mulf %gather3A_381, %get3A_104 : vector<16xf32>
          %swap3A_383 = arith.index_cast %scan3A_101 : i32 to index
          %swap3A_384 = arith.constant 896 : index
          %swap3A_385 = tpu.vector_load %arg12[%swap3A_383, %swap3A_384] {strides = array<i32>} : memref<16x2048xf32, #tpu.memory_space<vmem>>, vector<16xf32>,
          tpu.vector_store %arg12[%swap3A_383, %swap3A_384], %mul3A_382 {strides = array<i32>} : memref<16x2048xf32, #tpu.memory_space<vmem>>, vector<16xf32>,
          %mul3A_386 = arith.mulf %gather3A_381, %get3A_107 : vector<16xf32>
          %swap3A_387 = arith.index_cast %scan3A_101 : i32 to index
          %swap3A_388 = arith.constant 912 : index
          %swap3A_389 = tpu.vector_load %arg12[%swap3A_387, %swap3A_388] {strides = array<i32>} : memref<16x2048xf32, #tpu.memory_space<vmem>>, vector<16xf32>,
          tpu.vector_store %arg12[%swap3A_387, %swap3A_388], %mul3A_386 {strides = array<i32>} : memref<16x2048xf32, #tpu.memory_space<vmem>>, vector<16xf32>,
          %mul3A_390 = arith.mulf %gather3A_381, %get3A_110 : vector<16xf32>
          %swap3A_391 = arith.index_cast %scan3A_101 : i32 to index
          %swap3A_392 = arith.constant 928 : index
          %swap3A_393 = tpu.vector_load %arg12[%swap3A_391, %swap3A_392] {strides = array<i32>} : memref<16x2048xf32, #tpu.memory_space<vmem>>, vector<16xf32>,
          tpu.vector_store %arg12[%swap3A_391, %swap3A_392], %mul3A_390 {strides = array<i32>} : memref<16x2048xf32, #tpu.memory_space<vmem>>, vector<16xf32>,
          %mul3A_394 = arith.mulf %gather3A_381, %get3A_113 : vector<16xf32>
          %swap3A_395 = arith.index_cast %scan3A_101 : i32 to index
          %swap3A_396 = arith.constant 944 : index
          %swap3A_397 = tpu.vector_load %arg12[%swap3A_395, %swap3A_396] {strides = array<i32>} : memref<16x2048xf32, #tpu.memory_space<vmem>>, vector<16xf32>,
          tpu.vector_store %arg12[%swap3A_395, %swap3A_396], %mul3A_394 {strides = array<i32>} : memref<16x2048xf32, #tpu.memory_space<vmem>>, vector<16xf32>,
          %mul3A_398 = arith.mulf %gather3A_381, %get3A_116 : vector<16xf32>
          %swap3A_399 = arith.index_cast %scan3A_101 : i32 to index
          %swap3A_400 = arith.constant 960 : index
          %swap3A_401 = tpu.vector_load %arg12[%swap3A_399, %swap3A_400] {strides = array<i32>} : memref<16x2048xf32, #tpu.memory_space<vmem>>, vector<16xf32>,
          tpu.vector_store %arg12[%swap3A_399, %swap3A_400], %mul3A_398 {strides = array<i32>} : memref<16x2048xf32, #tpu.memory_space<vmem>>, vector<16xf32>,
          %mul3A_402 = arith.mulf %gather3A_381, %get3A_119 : vector<16xf32>
          %swap3A_403 = arith.index_cast %scan3A_101 : i32 to index
          %swap3A_404 = arith.constant 976 : index
          %swap3A_405 = tpu.vector_load %arg12[%swap3A_403, %swap3A_404] {strides = array<i32>} : memref<16x2048xf32, #tpu.memory_space<vmem>>, vector<16xf32>,
          tpu.vector_store %arg12[%swap3A_403, %swap3A_404], %mul3A_402 {strides = array<i32>} : memref<16x2048xf32, #tpu.memory_space<vmem>>, vector<16xf32>,
          %mul3A_406 = arith.mulf %gather3A_381, %get3A_122 : vector<16xf32>
          %swap3A_407 = arith.index_cast %scan3A_101 : i32 to index
          %swap3A_408 = arith.constant 992 : index
          %swap3A_409 = tpu.vector_load %arg12[%swap3A_407, %swap3A_408] {strides = array<i32>} : memref<16x2048xf32, #tpu.memory_space<vmem>>, vector<16xf32>,
          tpu.vector_store %arg12[%swap3A_407, %swap3A_408], %mul3A_406 {strides = array<i32>} : memref<16x2048xf32, #tpu.memory_space<vmem>>, vector<16xf32>,
          %mul3A_410 = arith.mulf %gather3A_381, %get3A_125 : vector<16xf32>
          %swap3A_411 = arith.index_cast %scan3A_101 : i32 to index
          %swap3A_412 = arith.constant 1008 : index
          %swap3A_413 = tpu.vector_load %arg12[%swap3A_411, %swap3A_412] {strides = array<i32>} : memref<16x2048xf32, #tpu.memory_space<vmem>>, vector<16xf32>,
          tpu.vector_store %arg12[%swap3A_411, %swap3A_412], %mul3A_410 {strides = array<i32>} : memref<16x2048xf32, #tpu.memory_space<vmem>>, vector<16xf32>,
          %broadcast_in_dim3A_414 = vector.broadcast %scan3A_101 : i32 to vector<16xi32>
          %broadcast_in_dim3A_415 = arith.constant 8 : i32
          %broadcast_in_dim3A_416 = vector.broadcast %broadcast_in_dim3A_415 : i32 to vector<16xi32>
          %gather3A_417 = tpu.vector_load_idx %arg11[%broadcast_in_dim3A_414, %broadcast_in_dim3A_416] : memref<16x16xf32, #tpu.memory_space<vmem>>[vector<16xi32>, vector<16xi32>], vector<16xf32>,
          %mul3A_418 = arith.mulf %gather3A_417, %get3A_104 : vector<16xf32>
          %swap3A_419 = arith.index_cast %scan3A_101 : i32 to index
          %swap3A_420 = arith.constant 1024 : index
          %swap3A_421 = tpu.vector_load %arg12[%swap3A_419, %swap3A_420] {strides = array<i32>} : memref<16x2048xf32, #tpu.memory_space<vmem>>, vector<16xf32>,
          tpu.vector_store %arg12[%swap3A_419, %swap3A_420], %mul3A_418 {strides = array<i32>} : memref<16x2048xf32, #tpu.memory_space<vmem>>, vector<16xf32>,
          %mul3A_422 = arith.mulf %gather3A_417, %get3A_107 : vector<16xf32>
          %swap3A_423 = arith.index_cast %scan3A_101 : i32 to index
          %swap3A_424 = arith.constant 1040 : index
          %swap3A_425 = tpu.vector_load %arg12[%swap3A_423, %swap3A_424] {strides = array<i32>} : memref<16x2048xf32, #tpu.memory_space<vmem>>, vector<16xf32>,
          tpu.vector_store %arg12[%swap3A_423, %swap3A_424], %mul3A_422 {strides = array<i32>} : memref<16x2048xf32, #tpu.memory_space<vmem>>, vector<16xf32>,
          %mul3A_426 = arith.mulf %gather3A_417, %get3A_110 : vector<16xf32>
          %swap3A_427 = arith.index_cast %scan3A_101 : i32 to index
          %swap3A_428 = arith.constant 1056 : index
          %swap3A_429 = tpu.vector_load %arg12[%swap3A_427, %swap3A_428] {strides = array<i32>} : memref<16x2048xf32, #tpu.memory_space<vmem>>, vector<16xf32>,
          tpu.vector_store %arg12[%swap3A_427, %swap3A_428], %mul3A_426 {strides = array<i32>} : memref<16x2048xf32, #tpu.memory_space<vmem>>, vector<16xf32>,
          %mul3A_430 = arith.mulf %gather3A_417, %get3A_113 : vector<16xf32>
          %swap3A_431 = arith.index_cast %scan3A_101 : i32 to index
          %swap3A_432 = arith.constant 1072 : index
          %swap3A_433 = tpu.vector_load %arg12[%swap3A_431, %swap3A_432] {strides = array<i32>} : memref<16x2048xf32, #tpu.memory_space<vmem>>, vector<16xf32>,
          tpu.vector_store %arg12[%swap3A_431, %swap3A_432], %mul3A_430 {strides = array<i32>} : memref<16x2048xf32, #tpu.memory_space<vmem>>, vector<16xf32>,
          %mul3A_434 = arith.mulf %gather3A_417, %get3A_116 : vector<16xf32>
          %swap3A_435 = arith.index_cast %scan3A_101 : i32 to index
          %swap3A_436 = arith.constant 1088 : index
          %swap3A_437 = tpu.vector_load %arg12[%swap3A_435, %swap3A_436] {strides = array<i32>} : memref<16x2048xf32, #tpu.memory_space<vmem>>, vector<16xf32>,
          tpu.vector_store %arg12[%swap3A_435, %swap3A_436], %mul3A_434 {strides = array<i32>} : memref<16x2048xf32, #tpu.memory_space<vmem>>, vector<16xf32>,
          %mul3A_438 = arith.mulf %gather3A_417, %get3A_119 : vector<16xf32>
          %swap3A_439 = arith.index_cast %scan3A_101 : i32 to index
          %swap3A_440 = arith.constant 1104 : index
          %swap3A_441 = tpu.vector_load %arg12[%swap3A_439, %swap3A_440] {strides = array<i32>} : memref<16x2048xf32, #tpu.memory_space<vmem>>, vector<16xf32>,
          tpu.vector_store %arg12[%swap3A_439, %swap3A_440], %mul3A_438 {strides = array<i32>} : memref<16x2048xf32, #tpu.memory_space<vmem>>, vector<16xf32>,
          %mul3A_442 = arith.mulf %gather3A_417, %get3A_122 : vector<16xf32>
          %swap3A_443 = arith.index_cast %scan3A_101 : i32 to index
          %swap3A_444 = arith.constant 1120 : index
          %swap3A_445 = tpu.vector_load %arg12[%swap3A_443, %swap3A_444] {strides = array<i32>} : memref<16x2048xf32, #tpu.memory_space<vmem>>, vector<16xf32>,
          tpu.vector_store %arg12[%swap3A_443, %swap3A_444], %mul3A_442 {strides = array<i32>} : memref<16x2048xf32, #tpu.memory_space<vmem>>, vector<16xf32>,
          %mul3A_446 = arith.mulf %gather3A_417, %get3A_125 : vector<16xf32>
          %swap3A_447 = arith.index_cast %scan3A_101 : i32 to index
          %swap3A_448 = arith.constant 1136 : index
          %swap3A_449 = tpu.vector_load %arg12[%swap3A_447, %swap3A_448] {strides = array<i32>} : memref<16x2048xf32, #tpu.memory_space<vmem>>, vector<16xf32>,
          tpu.vector_store %arg12[%swap3A_447, %swap3A_448], %mul3A_446 {strides = array<i32>} : memref<16x2048xf32, #tpu.memory_space<vmem>>, vector<16xf32>,
          %broadcast_in_dim3A_450 = vector.broadcast %scan3A_101 : i32 to vector<16xi32>
          %broadcast_in_dim3A_451 = arith.constant 9 : i32
          %broadcast_in_dim3A_452 = vector.broadcast %broadcast_in_dim3A_451 : i32 to vector<16xi32>
          %gather3A_453 = tpu.vector_load_idx %arg11[%broadcast_in_dim3A_450, %broadcast_in_dim3A_452] : memref<16x16xf32, #tpu.memory_space<vmem>>[vector<16xi32>, vector<16xi32>], vector<16xf32>,
          %mul3A_454 = arith.mulf %gather3A_453, %get3A_104 : vector<16xf32>
          %swap3A_455 = arith.index_cast %scan3A_101 : i32 to index
          %swap3A_456 = arith.constant 1152 : index
          %swap3A_457 = tpu.vector_load %arg12[%swap3A_455, %swap3A_456] {strides = array<i32>} : memref<16x2048xf32, #tpu.memory_space<vmem>>, vector<16xf32>,
          tpu.vector_store %arg12[%swap3A_455, %swap3A_456], %mul3A_454 {strides = array<i32>} : memref<16x2048xf32, #tpu.memory_space<vmem>>, vector<16xf32>,
          %mul3A_458 = arith.mulf %gather3A_453, %get3A_107 : vector<16xf32>
          %swap3A_459 = arith.index_cast %scan3A_101 : i32 to index
          %swap3A_460 = arith.constant 1168 : index
          %swap3A_461 = tpu.vector_load %arg12[%swap3A_459, %swap3A_460] {strides = array<i32>} : memref<16x2048xf32, #tpu.memory_space<vmem>>, vector<16xf32>,
          tpu.vector_store %arg12[%swap3A_459, %swap3A_460], %mul3A_458 {strides = array<i32>} : memref<16x2048xf32, #tpu.memory_space<vmem>>, vector<16xf32>,
          %mul3A_462 = arith.mulf %gather3A_453, %get3A_110 : vector<16xf32>
          %swap3A_463 = arith.index_cast %scan3A_101 : i32 to index
          %swap3A_464 = arith.constant 1184 : index
          %swap3A_465 = tpu.vector_load %arg12[%swap3A_463, %swap3A_464] {strides = array<i32>} : memref<16x2048xf32, #tpu.memory_space<vmem>>, vector<16xf32>,
          tpu.vector_store %arg12[%swap3A_463, %swap3A_464], %mul3A_462 {strides = array<i32>} : memref<16x2048xf32, #tpu.memory_space<vmem>>, vector<16xf32>,
          %mul3A_466 = arith.mulf %gather3A_453, %get3A_113 : vector<16xf32>
          %swap3A_467 = arith.index_cast %scan3A_101 : i32 to index
          %swap3A_468 = arith.constant 1200 : index
          %swap3A_469 = tpu.vector_load %arg12[%swap3A_467, %swap3A_468] {strides = array<i32>} : memref<16x2048xf32, #tpu.memory_space<vmem>>, vector<16xf32>,
          tpu.vector_store %arg12[%swap3A_467, %swap3A_468], %mul3A_466 {strides = array<i32>} : memref<16x2048xf32, #tpu.memory_space<vmem>>, vector<16xf32>,
          %mul3A_470 = arith.mulf %gather3A_453, %get3A_116 : vector<16xf32>
          %swap3A_471 = arith.index_cast %scan3A_101 : i32 to index
          %swap3A_472 = arith.constant 1216 : index
          %swap3A_473 = tpu.vector_load %arg12[%swap3A_471, %swap3A_472] {strides = array<i32>} : memref<16x2048xf32, #tpu.memory_space<vmem>>, vector<16xf32>,
          tpu.vector_store %arg12[%swap3A_471, %swap3A_472], %mul3A_470 {strides = array<i32>} : memref<16x2048xf32, #tpu.memory_space<vmem>>, vector<16xf32>,
          %mul3A_474 = arith.mulf %gather3A_453, %get3A_119 : vector<16xf32>
          %swap3A_475 = arith.index_cast %scan3A_101 : i32 to index
          %swap3A_476 = arith.constant 1232 : index
          %swap3A_477 = tpu.vector_load %arg12[%swap3A_475, %swap3A_476] {strides = array<i32>} : memref<16x2048xf32, #tpu.memory_space<vmem>>, vector<16xf32>,
          tpu.vector_store %arg12[%swap3A_475, %swap3A_476], %mul3A_474 {strides = array<i32>} : memref<16x2048xf32, #tpu.memory_space<vmem>>, vector<16xf32>,
          %mul3A_478 = arith.mulf %gather3A_453, %get3A_122 : vector<16xf32>
          %swap3A_479 = arith.index_cast %scan3A_101 : i32 to index
          %swap3A_480 = arith.constant 1248 : index
          %swap3A_481 = tpu.vector_load %arg12[%swap3A_479, %swap3A_480] {strides = array<i32>} : memref<16x2048xf32, #tpu.memory_space<vmem>>, vector<16xf32>,
          tpu.vector_store %arg12[%swap3A_479, %swap3A_480], %mul3A_478 {strides = array<i32>} : memref<16x2048xf32, #tpu.memory_space<vmem>>, vector<16xf32>,
          %mul3A_482 = arith.mulf %gather3A_453, %get3A_125 : vector<16xf32>
          %swap3A_483 = arith.index_cast %scan3A_101 : i32 to index
          %swap3A_484 = arith.constant 1264 : index
          %swap3A_485 = tpu.vector_load %arg12[%swap3A_483, %swap3A_484] {strides = array<i32>} : memref<16x2048xf32, #tpu.memory_space<vmem>>, vector<16xf32>,
          tpu.vector_store %arg12[%swap3A_483, %swap3A_484], %mul3A_482 {strides = array<i32>} : memref<16x2048xf32, #tpu.memory_space<vmem>>, vector<16xf32>,
          %broadcast_in_dim3A_486 = vector.broadcast %scan3A_101 : i32 to vector<16xi32>
          %broadcast_in_dim3A_487 = arith.constant 10 : i32
          %broadcast_in_dim3A_488 = vector.broadcast %broadcast_in_dim3A_487 : i32 to vector<16xi32>
          %gather3A_489 = tpu.vector_load_idx %arg11[%broadcast_in_dim3A_486, %broadcast_in_dim3A_488] : memref<16x16xf32, #tpu.memory_space<vmem>>[vector<16xi32>, vector<16xi32>], vector<16xf32>,
          %mul3A_490 = arith.mulf %gather3A_489, %get3A_104 : vector<16xf32>
          %swap3A_491 = arith.index_cast %scan3A_101 : i32 to index
          %swap3A_492 = arith.constant 1280 : index
          %swap3A_493 = tpu.vector_load %arg12[%swap3A_491, %swap3A_492] {strides = array<i32>} : memref<16x2048xf32, #tpu.memory_space<vmem>>, vector<16xf32>,
          tpu.vector_store %arg12[%swap3A_491, %swap3A_492], %mul3A_490 {strides = array<i32>} : memref<16x2048xf32, #tpu.memory_space<vmem>>, vector<16xf32>,
          %mul3A_494 = arith.mulf %gather3A_489, %get3A_107 : vector<16xf32>
          %swap3A_495 = arith.index_cast %scan3A_101 : i32 to index
          %swap3A_496 = arith.constant 1296 : index
          %swap3A_497 = tpu.vector_load %arg12[%swap3A_495, %swap3A_496] {strides = array<i32>} : memref<16x2048xf32, #tpu.memory_space<vmem>>, vector<16xf32>,
          tpu.vector_store %arg12[%swap3A_495, %swap3A_496], %mul3A_494 {strides = array<i32>} : memref<16x2048xf32, #tpu.memory_space<vmem>>, vector<16xf32>,
          %mul3A_498 = arith.mulf %gather3A_489, %get3A_110 : vector<16xf32>
          %swap3A_499 = arith.index_cast %scan3A_101 : i32 to index
          %swap3A_500 = arith.constant 1312 : index
          %swap3A_501 = tpu.vector_load %arg12[%swap3A_499, %swap3A_500] {strides = array<i32>} : memref<16x2048xf32, #tpu.memory_space<vmem>>, vector<16xf32>,
          tpu.vector_store %arg12[%swap3A_499, %swap3A_500], %mul3A_498 {strides = array<i32>} : memref<16x2048xf32, #tpu.memory_space<vmem>>, vector<16xf32>,
          %mul3A_502 = arith.mulf %gather3A_489, %get3A_113 : vector<16xf32>
          %swap3A_503 = arith.index_cast %scan3A_101 : i32 to index
          %swap3A_504 = arith.constant 1328 : index
          %swap3A_505 = tpu.vector_load %arg12[%swap3A_503, %swap3A_504] {strides = array<i32>} : memref<16x2048xf32, #tpu.memory_space<vmem>>, vector<16xf32>,
          tpu.vector_store %arg12[%swap3A_503, %swap3A_504], %mul3A_502 {strides = array<i32>} : memref<16x2048xf32, #tpu.memory_space<vmem>>, vector<16xf32>,
          %mul3A_506 = arith.mulf %gather3A_489, %get3A_116 : vector<16xf32>
          %swap3A_507 = arith.index_cast %scan3A_101 : i32 to index
          %swap3A_508 = arith.constant 1344 : index
          %swap3A_509 = tpu.vector_load %arg12[%swap3A_507, %swap3A_508] {strides = array<i32>} : memref<16x2048xf32, #tpu.memory_space<vmem>>, vector<16xf32>,
          tpu.vector_store %arg12[%swap3A_507, %swap3A_508], %mul3A_506 {strides = array<i32>} : memref<16x2048xf32, #tpu.memory_space<vmem>>, vector<16xf32>,
          %mul3A_510 = arith.mulf %gather3A_489, %get3A_119 : vector<16xf32>
          %swap3A_511 = arith.index_cast %scan3A_101 : i32 to index
          %swap3A_512 = arith.constant 1360 : index
          %swap3A_513 = tpu.vector_load %arg12[%swap3A_511, %swap3A_512] {strides = array<i32>} : memref<16x2048xf32, #tpu.memory_space<vmem>>, vector<16xf32>,
          tpu.vector_store %arg12[%swap3A_511, %swap3A_512], %mul3A_510 {strides = array<i32>} : memref<16x2048xf32, #tpu.memory_space<vmem>>, vector<16xf32>,
          %mul3A_514 = arith.mulf %gather3A_489, %get3A_122 : vector<16xf32>
          %swap3A_515 = arith.index_cast %scan3A_101 : i32 to index
          %swap3A_516 = arith.constant 1376 : index
          %swap3A_517 = tpu.vector_load %arg12[%swap3A_515, %swap3A_516] {strides = array<i32>} : memref<16x2048xf32, #tpu.memory_space<vmem>>, vector<16xf32>,
          tpu.vector_store %arg12[%swap3A_515, %swap3A_516], %mul3A_514 {strides = array<i32>} : memref<16x2048xf32, #tpu.memory_space<vmem>>, vector<16xf32>,
          %mul3A_518 = arith.mulf %gather3A_489, %get3A_125 : vector<16xf32>
          %swap3A_519 = arith.index_cast %scan3A_101 : i32 to index
          %swap3A_520 = arith.constant 1392 : index
          %swap3A_521 = tpu.vector_load %arg12[%swap3A_519, %swap3A_520] {strides = array<i32>} : memref<16x2048xf32, #tpu.memory_space<vmem>>, vector<16xf32>,
          tpu.vector_store %arg12[%swap3A_519, %swap3A_520], %mul3A_518 {strides = array<i32>} : memref<16x2048xf32, #tpu.memory_space<vmem>>, vector<16xf32>,
          %broadcast_in_dim3A_522 = vector.broadcast %scan3A_101 : i32 to vector<16xi32>
          %broadcast_in_dim3A_523 = arith.constant 11 : i32
          %broadcast_in_dim3A_524 = vector.broadcast %broadcast_in_dim3A_523 : i32 to vector<16xi32>
          %gather3A_525 = tpu.vector_load_idx %arg11[%broadcast_in_dim3A_522, %broadcast_in_dim3A_524] : memref<16x16xf32, #tpu.memory_space<vmem>>[vector<16xi32>, vector<16xi32>], vector<16xf32>,
          %mul3A_526 = arith.mulf %gather3A_525, %get3A_104 : vector<16xf32>
          %swap3A_527 = arith.index_cast %scan3A_101 : i32 to index
          %swap3A_528 = arith.constant 1408 : index
          %swap3A_529 = tpu.vector_load %arg12[%swap3A_527, %swap3A_528] {strides = array<i32>} : memref<16x2048xf32, #tpu.memory_space<vmem>>, vector<16xf32>,
          tpu.vector_store %arg12[%swap3A_527, %swap3A_528], %mul3A_526 {strides = array<i32>} : memref<16x2048xf32, #tpu.memory_space<vmem>>, vector<16xf32>,
          %mul3A_530 = arith.mulf %gather3A_525, %get3A_107 : vector<16xf32>
          %swap3A_531 = arith.index_cast %scan3A_101 : i32 to index
          %swap3A_532 = arith.constant 1424 : index
          %swap3A_533 = tpu.vector_load %arg12[%swap3A_531, %swap3A_532] {strides = array<i32>} : memref<16x2048xf32, #tpu.memory_space<vmem>>, vector<16xf32>,
          tpu.vector_store %arg12[%swap3A_531, %swap3A_532], %mul3A_530 {strides = array<i32>} : memref<16x2048xf32, #tpu.memory_space<vmem>>, vector<16xf32>,
          %mul3A_534 = arith.mulf %gather3A_525, %get3A_110 : vector<16xf32>
          %swap3A_535 = arith.index_cast %scan3A_101 : i32 to index
          %swap3A_536 = arith.constant 1440 : index
          %swap3A_537 = tpu.vector_load %arg12[%swap3A_535, %swap3A_536] {strides = array<i32>} : memref<16x2048xf32, #tpu.memory_space<vmem>>, vector<16xf32>,
          tpu.vector_store %arg12[%swap3A_535, %swap3A_536], %mul3A_534 {strides = array<i32>} : memref<16x2048xf32, #tpu.memory_space<vmem>>, vector<16xf32>,
          %mul3A_538 = arith.mulf %gather3A_525, %get3A_113 : vector<16xf32>
          %swap3A_539 = arith.index_cast %scan3A_101 : i32 to index
          %swap3A_540 = arith.constant 1456 : index
          %swap3A_541 = tpu.vector_load %arg12[%swap3A_539, %swap3A_540] {strides = array<i32>} : memref<16x2048xf32, #tpu.memory_space<vmem>>, vector<16xf32>,
          tpu.vector_store %arg12[%swap3A_539, %swap3A_540], %mul3A_538 {strides = array<i32>} : memref<16x2048xf32, #tpu.memory_space<vmem>>, vector<16xf32>,
          %mul3A_542 = arith.mulf %gather3A_525, %get3A_116 : vector<16xf32>
          %swap3A_543 = arith.index_cast %scan3A_101 : i32 to index
          %swap3A_544 = arith.constant 1472 : index
          %swap3A_545 = tpu.vector_load %arg12[%swap3A_543, %swap3A_544] {strides = array<i32>} : memref<16x2048xf32, #tpu.memory_space<vmem>>, vector<16xf32>,
          tpu.vector_store %arg12[%swap3A_543, %swap3A_544], %mul3A_542 {strides = array<i32>} : memref<16x2048xf32, #tpu.memory_space<vmem>>, vector<16xf32>,
          %mul3A_546 = arith.mulf %gather3A_525, %get3A_119 : vector<16xf32>
          %swap3A_547 = arith.index_cast %scan3A_101 : i32 to index
          %swap3A_548 = arith.constant 1488 : index
          %swap3A_549 = tpu.vector_load %arg12[%swap3A_547, %swap3A_548] {strides = array<i32>} : memref<16x2048xf32, #tpu.memory_space<vmem>>, vector<16xf32>,
          tpu.vector_store %arg12[%swap3A_547, %swap3A_548], %mul3A_546 {strides = array<i32>} : memref<16x2048xf32, #tpu.memory_space<vmem>>, vector<16xf32>,
          %mul3A_550 = arith.mulf %gather3A_525, %get3A_122 : vector<16xf32>
          %swap3A_551 = arith.index_cast %scan3A_101 : i32 to index
          %swap3A_552 = arith.constant 1504 : index
          %swap3A_553 = tpu.vector_load %arg12[%swap3A_551, %swap3A_552] {strides = array<i32>} : memref<16x2048xf32, #tpu.memory_space<vmem>>, vector<16xf32>,
          tpu.vector_store %arg12[%swap3A_551, %swap3A_552], %mul3A_550 {strides = array<i32>} : memref<16x2048xf32, #tpu.memory_space<vmem>>, vector<16xf32>,
          %mul3A_554 = arith.mulf %gather3A_525, %get3A_125 : vector<16xf32>
          %swap3A_555 = arith.index_cast %scan3A_101 : i32 to index
          %swap3A_556 = arith.constant 1520 : index
          %swap3A_557 = tpu.vector_load %arg12[%swap3A_555, %swap3A_556] {strides = array<i32>} : memref<16x2048xf32, #tpu.memory_space<vmem>>, vector<16xf32>,
          tpu.vector_store %arg12[%swap3A_555, %swap3A_556], %mul3A_554 {strides = array<i32>} : memref<16x2048xf32, #tpu.memory_space<vmem>>, vector<16xf32>,
          %broadcast_in_dim3A_558 = vector.broadcast %scan3A_101 : i32 to vector<16xi32>
          %broadcast_in_dim3A_559 = arith.constant 12 : i32
          %broadcast_in_dim3A_560 = vector.broadcast %broadcast_in_dim3A_559 : i32 to vector<16xi32>
          %gather3A_561 = tpu.vector_load_idx %arg11[%broadcast_in_dim3A_558, %broadcast_in_dim3A_560] : memref<16x16xf32, #tpu.memory_space<vmem>>[vector<16xi32>, vector<16xi32>], vector<16xf32>,
          %mul3A_562 = arith.mulf %gather3A_561, %get3A_104 : vector<16xf32>
          %swap3A_563 = arith.index_cast %scan3A_101 : i32 to index
          %swap3A_564 = arith.constant 1536 : index
          %swap3A_565 = tpu.vector_load %arg12[%swap3A_563, %swap3A_564] {strides = array<i32>} : memref<16x2048xf32, #tpu.memory_space<vmem>>, vector<16xf32>,
          tpu.vector_store %arg12[%swap3A_563, %swap3A_564], %mul3A_562 {strides = array<i32>} : memref<16x2048xf32, #tpu.memory_space<vmem>>, vector<16xf32>,
          %mul3A_566 = arith.mulf %gather3A_561, %get3A_107 : vector<16xf32>
          %swap3A_567 = arith.index_cast %scan3A_101 : i32 to index
          %swap3A_568 = arith.constant 1552 : index
          %swap3A_569 = tpu.vector_load %arg12[%swap3A_567, %swap3A_568] {strides = array<i32>} : memref<16x2048xf32, #tpu.memory_space<vmem>>, vector<16xf32>,
          tpu.vector_store %arg12[%swap3A_567, %swap3A_568], %mul3A_566 {strides = array<i32>} : memref<16x2048xf32, #tpu.memory_space<vmem>>, vector<16xf32>,
          %mul3A_570 = arith.mulf %gather3A_561, %get3A_110 : vector<16xf32>
          %swap3A_571 = arith.index_cast %scan3A_101 : i32 to index
          %swap3A_572 = arith.constant 1568 : index
          %swap3A_573 = tpu.vector_load %arg12[%swap3A_571, %swap3A_572] {strides = array<i32>} : memref<16x2048xf32, #tpu.memory_space<vmem>>, vector<16xf32>,
          tpu.vector_store %arg12[%swap3A_571, %swap3A_572], %mul3A_570 {strides = array<i32>} : memref<16x2048xf32, #tpu.memory_space<vmem>>, vector<16xf32>,
          %mul3A_574 = arith.mulf %gather3A_561, %get3A_113 : vector<16xf32>
          %swap3A_575 = arith.index_cast %scan3A_101 : i32 to index
          %swap3A_576 = arith.constant 1584 : index
          %swap3A_577 = tpu.vector_load %arg12[%swap3A_575, %swap3A_576] {strides = array<i32>} : memref<16x2048xf32, #tpu.memory_space<vmem>>, vector<16xf32>,
          tpu.vector_store %arg12[%swap3A_575, %swap3A_576], %mul3A_574 {strides = array<i32>} : memref<16x2048xf32, #tpu.memory_space<vmem>>, vector<16xf32>,
          %mul3A_578 = arith.mulf %gather3A_561, %get3A_116 : vector<16xf32>
          %swap3A_579 = arith.index_cast %scan3A_101 : i32 to index
          %swap3A_580 = arith.constant 1600 : index
          %swap3A_581 = tpu.vector_load %arg12[%swap3A_579, %swap3A_580] {strides = array<i32>} : memref<16x2048xf32, #tpu.memory_space<vmem>>, vector<16xf32>,
          tpu.vector_store %arg12[%swap3A_579, %swap3A_580], %mul3A_578 {strides = array<i32>} : memref<16x2048xf32, #tpu.memory_space<vmem>>, vector<16xf32>,
          %mul3A_582 = arith.mulf %gather3A_561, %get3A_119 : vector<16xf32>
          %swap3A_583 = arith.index_cast %scan3A_101 : i32 to index
          %swap3A_584 = arith.constant 1616 : index
          %swap3A_585 = tpu.vector_load %arg12[%swap3A_583, %swap3A_584] {strides = array<i32>} : memref<16x2048xf32, #tpu.memory_space<vmem>>, vector<16xf32>,
          tpu.vector_store %arg12[%swap3A_583, %swap3A_584], %mul3A_582 {strides = array<i32>} : memref<16x2048xf32, #tpu.memory_space<vmem>>, vector<16xf32>,
          %mul3A_586 = arith.mulf %gather3A_561, %get3A_122 : vector<16xf32>
          %swap3A_587 = arith.index_cast %scan3A_101 : i32 to index
          %swap3A_588 = arith.constant 1632 : index
          %swap3A_589 = tpu.vector_load %arg12[%swap3A_587, %swap3A_588] {strides = array<i32>} : memref<16x2048xf32, #tpu.memory_space<vmem>>, vector<16xf32>,
          tpu.vector_store %arg12[%swap3A_587, %swap3A_588], %mul3A_586 {strides = array<i32>} : memref<16x2048xf32, #tpu.memory_space<vmem>>, vector<16xf32>,
          %mul3A_590 = arith.mulf %gather3A_561, %get3A_125 : vector<16xf32>
          %swap3A_591 = arith.index_cast %scan3A_101 : i32 to index
          %swap3A_592 = arith.constant 1648 : index
          %swap3A_593 = tpu.vector_load %arg12[%swap3A_591, %swap3A_592] {strides = array<i32>} : memref<16x2048xf32, #tpu.memory_space<vmem>>, vector<16xf32>,
          tpu.vector_store %arg12[%swap3A_591, %swap3A_592], %mul3A_590 {strides = array<i32>} : memref<16x2048xf32, #tpu.memory_space<vmem>>, vector<16xf32>,
          %broadcast_in_dim3A_594 = vector.broadcast %scan3A_101 : i32 to vector<16xi32>
          %broadcast_in_dim3A_595 = arith.constant 13 : i32
          %broadcast_in_dim3A_596 = vector.broadcast %broadcast_in_dim3A_595 : i32 to vector<16xi32>
          %gather3A_597 = tpu.vector_load_idx %arg11[%broadcast_in_dim3A_594, %broadcast_in_dim3A_596] : memref<16x16xf32, #tpu.memory_space<vmem>>[vector<16xi32>, vector<16xi32>], vector<16xf32>,
          %mul3A_598 = arith.mulf %gather3A_597, %get3A_104 : vector<16xf32>
          %swap3A_599 = arith.index_cast %scan3A_101 : i32 to index
          %swap3A_600 = arith.constant 1664 : index
          %swap3A_601 = tpu.vector_load %arg12[%swap3A_599, %swap3A_600] {strides = array<i32>} : memref<16x2048xf32, #tpu.memory_space<vmem>>, vector<16xf32>,
          tpu.vector_store %arg12[%swap3A_599, %swap3A_600], %mul3A_598 {strides = array<i32>} : memref<16x2048xf32, #tpu.memory_space<vmem>>, vector<16xf32>,
          %mul3A_602 = arith.mulf %gather3A_597, %get3A_107 : vector<16xf32>
          %swap3A_603 = arith.index_cast %scan3A_101 : i32 to index
          %swap3A_604 = arith.constant 1680 : index
          %swap3A_605 = tpu.vector_load %arg12[%swap3A_603, %swap3A_604] {strides = array<i32>} : memref<16x2048xf32, #tpu.memory_space<vmem>>, vector<16xf32>,
          tpu.vector_store %arg12[%swap3A_603, %swap3A_604], %mul3A_602 {strides = array<i32>} : memref<16x2048xf32, #tpu.memory_space<vmem>>, vector<16xf32>,
          %mul3A_606 = arith.mulf %gather3A_597, %get3A_110 : vector<16xf32>
          %swap3A_607 = arith.index_cast %scan3A_101 : i32 to index
          %swap3A_608 = arith.constant 1696 : index
          %swap3A_609 = tpu.vector_load %arg12[%swap3A_607, %swap3A_608] {strides = array<i32>} : memref<16x2048xf32, #tpu.memory_space<vmem>>, vector<16xf32>,
          tpu.vector_store %arg12[%swap3A_607, %swap3A_608], %mul3A_606 {strides = array<i32>} : memref<16x2048xf32, #tpu.memory_space<vmem>>, vector<16xf32>,
          %mul3A_610 = arith.mulf %gather3A_597, %get3A_113 : vector<16xf32>
          %swap3A_611 = arith.index_cast %scan3A_101 : i32 to index
          %swap3A_612 = arith.constant 1712 : index
          %swap3A_613 = tpu.vector_load %arg12[%swap3A_611, %swap3A_612] {strides = array<i32>} : memref<16x2048xf32, #tpu.memory_space<vmem>>, vector<16xf32>,
          tpu.vector_store %arg12[%swap3A_611, %swap3A_612], %mul3A_610 {strides = array<i32>} : memref<16x2048xf32, #tpu.memory_space<vmem>>, vector<16xf32>,
          %mul3A_614 = arith.mulf %gather3A_597, %get3A_116 : vector<16xf32>
          %swap3A_615 = arith.index_cast %scan3A_101 : i32 to index
          %swap3A_616 = arith.constant 1728 : index
          %swap3A_617 = tpu.vector_load %arg12[%swap3A_615, %swap3A_616] {strides = array<i32>} : memref<16x2048xf32, #tpu.memory_space<vmem>>, vector<16xf32>,
          tpu.vector_store %arg12[%swap3A_615, %swap3A_616], %mul3A_614 {strides = array<i32>} : memref<16x2048xf32, #tpu.memory_space<vmem>>, vector<16xf32>,
          %mul3A_618 = arith.mulf %gather3A_597, %get3A_119 : vector<16xf32>
          %swap3A_619 = arith.index_cast %scan3A_101 : i32 to index
          %swap3A_620 = arith.constant 1744 : index
          %swap3A_621 = tpu.vector_load %arg12[%swap3A_619, %swap3A_620] {strides = array<i32>} : memref<16x2048xf32, #tpu.memory_space<vmem>>, vector<16xf32>,
          tpu.vector_store %arg12[%swap3A_619, %swap3A_620], %mul3A_618 {strides = array<i32>} : memref<16x2048xf32, #tpu.memory_space<vmem>>, vector<16xf32>,
          %mul3A_622 = arith.mulf %gather3A_597, %get3A_122 : vector<16xf32>
          %swap3A_623 = arith.index_cast %scan3A_101 : i32 to index
          %swap3A_624 = arith.constant 1760 : index
          %swap3A_625 = tpu.vector_load %arg12[%swap3A_623, %swap3A_624] {strides = array<i32>} : memref<16x2048xf32, #tpu.memory_space<vmem>>, vector<16xf32>,
          tpu.vector_store %arg12[%swap3A_623, %swap3A_624], %mul3A_622 {strides = array<i32>} : memref<16x2048xf32, #tpu.memory_space<vmem>>, vector<16xf32>,
          %mul3A_626 = arith.mulf %gather3A_597, %get3A_125 : vector<16xf32>
          %swap3A_627 = arith.index_cast %scan3A_101 : i32 to index
          %swap3A_628 = arith.constant 1776 : index
          %swap3A_629 = tpu.vector_load %arg12[%swap3A_627, %swap3A_628] {strides = array<i32>} : memref<16x2048xf32, #tpu.memory_space<vmem>>, vector<16xf32>,
          tpu.vector_store %arg12[%swap3A_627, %swap3A_628], %mul3A_626 {strides = array<i32>} : memref<16x2048xf32, #tpu.memory_space<vmem>>, vector<16xf32>,
          %broadcast_in_dim3A_630 = vector.broadcast %scan3A_101 : i32 to vector<16xi32>
          %broadcast_in_dim3A_631 = arith.constant 14 : i32
          %broadcast_in_dim3A_632 = vector.broadcast %broadcast_in_dim3A_631 : i32 to vector<16xi32>
          %gather3A_633 = tpu.vector_load_idx %arg11[%broadcast_in_dim3A_630, %broadcast_in_dim3A_632] : memref<16x16xf32, #tpu.memory_space<vmem>>[vector<16xi32>, vector<16xi32>], vector<16xf32>,
          %mul3A_634 = arith.mulf %gather3A_633, %get3A_104 : vector<16xf32>
          %swap3A_635 = arith.index_cast %scan3A_101 : i32 to index
          %swap3A_636 = arith.constant 1792 : index
          %swap3A_637 = tpu.vector_load %arg12[%swap3A_635, %swap3A_636] {strides = array<i32>} : memref<16x2048xf32, #tpu.memory_space<vmem>>, vector<16xf32>,
          tpu.vector_store %arg12[%swap3A_635, %swap3A_636], %mul3A_634 {strides = array<i32>} : memref<16x2048xf32, #tpu.memory_space<vmem>>, vector<16xf32>,
          %mul3A_638 = arith.mulf %gather3A_633, %get3A_107 : vector<16xf32>
          %swap3A_639 = arith.index_cast %scan3A_101 : i32 to index
          %swap3A_640 = arith.constant 1808 : index
          %swap3A_641 = tpu.vector_load %arg12[%swap3A_639, %swap3A_640] {strides = array<i32>} : memref<16x2048xf32, #tpu.memory_space<vmem>>, vector<16xf32>,
          tpu.vector_store %arg12[%swap3A_639, %swap3A_640], %mul3A_638 {strides = array<i32>} : memref<16x2048xf32, #tpu.memory_space<vmem>>, vector<16xf32>,
          %mul3A_642 = arith.mulf %gather3A_633, %get3A_110 : vector<16xf32>
          %swap3A_643 = arith.index_cast %scan3A_101 : i32 to index
          %swap3A_644 = arith.constant 1824 : index
          %swap3A_645 = tpu.vector_load %arg12[%swap3A_643, %swap3A_644] {strides = array<i32>} : memref<16x2048xf32, #tpu.memory_space<vmem>>, vector<16xf32>,
          tpu.vector_store %arg12[%swap3A_643, %swap3A_644], %mul3A_642 {strides = array<i32>} : memref<16x2048xf32, #tpu.memory_space<vmem>>, vector<16xf32>,
          %mul3A_646 = arith.mulf %gather3A_633, %get3A_113 : vector<16xf32>
          %swap3A_647 = arith.index_cast %scan3A_101 : i32 to index
          %swap3A_648 = arith.constant 1840 : index
          %swap3A_649 = tpu.vector_load %arg12[%swap3A_647, %swap3A_648] {strides = array<i32>} : memref<16x2048xf32, #tpu.memory_space<vmem>>, vector<16xf32>,
          tpu.vector_store %arg12[%swap3A_647, %swap3A_648], %mul3A_646 {strides = array<i32>} : memref<16x2048xf32, #tpu.memory_space<vmem>>, vector<16xf32>,
          %mul3A_650 = arith.mulf %gather3A_633, %get3A_116 : vector<16xf32>
          %swap3A_651 = arith.index_cast %scan3A_101 : i32 to index
          %swap3A_652 = arith.constant 1856 : index
          %swap3A_653 = tpu.vector_load %arg12[%swap3A_651, %swap3A_652] {strides = array<i32>} : memref<16x2048xf32, #tpu.memory_space<vmem>>, vector<16xf32>,
          tpu.vector_store %arg12[%swap3A_651, %swap3A_652], %mul3A_650 {strides = array<i32>} : memref<16x2048xf32, #tpu.memory_space<vmem>>, vector<16xf32>,
          %mul3A_654 = arith.mulf %gather3A_633, %get3A_119 : vector<16xf32>
          %swap3A_655 = arith.index_cast %scan3A_101 : i32 to index
          %swap3A_656 = arith.constant 1872 : index
          %swap3A_657 = tpu.vector_load %arg12[%swap3A_655, %swap3A_656] {strides = array<i32>} : memref<16x2048xf32, #tpu.memory_space<vmem>>, vector<16xf32>,
          tpu.vector_store %arg12[%swap3A_655, %swap3A_656], %mul3A_654 {strides = array<i32>} : memref<16x2048xf32, #tpu.memory_space<vmem>>, vector<16xf32>,
          %mul3A_658 = arith.mulf %gather3A_633, %get3A_122 : vector<16xf32>
          %swap3A_659 = arith.index_cast %scan3A_101 : i32 to index
          %swap3A_660 = arith.constant 1888 : index
          %swap3A_661 = tpu.vector_load %arg12[%swap3A_659, %swap3A_660] {strides = array<i32>} : memref<16x2048xf32, #tpu.memory_space<vmem>>, vector<16xf32>,
          tpu.vector_store %arg12[%swap3A_659, %swap3A_660], %mul3A_658 {strides = array<i32>} : memref<16x2048xf32, #tpu.memory_space<vmem>>, vector<16xf32>,
          %mul3A_662 = arith.mulf %gather3A_633, %get3A_125 : vector<16xf32>
          %swap3A_663 = arith.index_cast %scan3A_101 : i32 to index
          %swap3A_664 = arith.constant 1904 : index
          %swap3A_665 = tpu.vector_load %arg12[%swap3A_663, %swap3A_664] {strides = array<i32>} : memref<16x2048xf32, #tpu.memory_space<vmem>>, vector<16xf32>,
          tpu.vector_store %arg12[%swap3A_663, %swap3A_664], %mul3A_662 {strides = array<i32>} : memref<16x2048xf32, #tpu.memory_space<vmem>>, vector<16xf32>,
          %broadcast_in_dim3A_666 = vector.broadcast %scan3A_101 : i32 to vector<16xi32>
          %broadcast_in_dim3A_667 = arith.constant 15 : i32
          %broadcast_in_dim3A_668 = vector.broadcast %broadcast_in_dim3A_667 : i32 to vector<16xi32>
          %gather3A_669 = tpu.vector_load_idx %arg11[%broadcast_in_dim3A_666, %broadcast_in_dim3A_668] : memref<16x16xf32, #tpu.memory_space<vmem>>[vector<16xi32>, vector<16xi32>], vector<16xf32>,
          %mul3A_670 = arith.mulf %gather3A_669, %get3A_104 : vector<16xf32>
          %swap3A_671 = arith.index_cast %scan3A_101 : i32 to index
          %swap3A_672 = arith.constant 1920 : index
          %swap3A_673 = tpu.vector_load %arg12[%swap3A_671, %swap3A_672] {strides = array<i32>} : memref<16x2048xf32, #tpu.memory_space<vmem>>, vector<16xf32>,
          tpu.vector_store %arg12[%swap3A_671, %swap3A_672], %mul3A_670 {strides = array<i32>} : memref<16x2048xf32, #tpu.memory_space<vmem>>, vector<16xf32>,
          %mul3A_674 = arith.mulf %gather3A_669, %get3A_107 : vector<16xf32>
          %swap3A_675 = arith.index_cast %scan3A_101 : i32 to index
          %swap3A_676 = arith.constant 1936 : index
          %swap3A_677 = tpu.vector_load %arg12[%swap3A_675, %swap3A_676] {strides = array<i32>} : memref<16x2048xf32, #tpu.memory_space<vmem>>, vector<16xf32>,
          tpu.vector_store %arg12[%swap3A_675, %swap3A_676], %mul3A_674 {strides = array<i32>} : memref<16x2048xf32, #tpu.memory_space<vmem>>, vector<16xf32>,
          %mul3A_678 = arith.mulf %gather3A_669, %get3A_110 : vector<16xf32>
          %swap3A_679 = arith.index_cast %scan3A_101 : i32 to index
          %swap3A_680 = arith.constant 1952 : index
          %swap3A_681 = tpu.vector_load %arg12[%swap3A_679, %swap3A_680] {strides = array<i32>} : memref<16x2048xf32, #tpu.memory_space<vmem>>, vector<16xf32>,
          tpu.vector_store %arg12[%swap3A_679, %swap3A_680], %mul3A_678 {strides = array<i32>} : memref<16x2048xf32, #tpu.memory_space<vmem>>, vector<16xf32>,
          %mul3A_682 = arith.mulf %gather3A_669, %get3A_113 : vector<16xf32>
          %swap3A_683 = arith.index_cast %scan3A_101 : i32 to index
          %swap3A_684 = arith.constant 1968 : index
          %swap3A_685 = tpu.vector_load %arg12[%swap3A_683, %swap3A_684] {strides = array<i32>} : memref<16x2048xf32, #tpu.memory_space<vmem>>, vector<16xf32>,
          tpu.vector_store %arg12[%swap3A_683, %swap3A_684], %mul3A_682 {strides = array<i32>} : memref<16x2048xf32, #tpu.memory_space<vmem>>, vector<16xf32>,
          %mul3A_686 = arith.mulf %gather3A_669, %get3A_116 : vector<16xf32>
          %swap3A_687 = arith.index_cast %scan3A_101 : i32 to index
          %swap3A_688 = arith.constant 1984 : index
          %swap3A_689 = tpu.vector_load %arg12[%swap3A_687, %swap3A_688] {strides = array<i32>} : memref<16x2048xf32, #tpu.memory_space<vmem>>, vector<16xf32>,
          tpu.vector_store %arg12[%swap3A_687, %swap3A_688], %mul3A_686 {strides = array<i32>} : memref<16x2048xf32, #tpu.memory_space<vmem>>, vector<16xf32>,
          %mul3A_690 = arith.mulf %gather3A_669, %get3A_119 : vector<16xf32>
          %swap3A_691 = arith.index_cast %scan3A_101 : i32 to index
          %swap3A_692 = arith.constant 2000 : index
          %swap3A_693 = tpu.vector_load %arg12[%swap3A_691, %swap3A_692] {strides = array<i32>} : memref<16x2048xf32, #tpu.memory_space<vmem>>, vector<16xf32>,
          tpu.vector_store %arg12[%swap3A_691, %swap3A_692], %mul3A_690 {strides = array<i32>} : memref<16x2048xf32, #tpu.memory_space<vmem>>, vector<16xf32>,
          %mul3A_694 = arith.mulf %gather3A_669, %get3A_122 : vector<16xf32>
          %swap3A_695 = arith.index_cast %scan3A_101 : i32 to index
          %swap3A_696 = arith.constant 2016 : index
          %swap3A_697 = tpu.vector_load %arg12[%swap3A_695, %swap3A_696] {strides = array<i32>} : memref<16x2048xf32, #tpu.memory_space<vmem>>, vector<16xf32>,
          tpu.vector_store %arg12[%swap3A_695, %swap3A_696], %mul3A_694 {strides = array<i32>} : memref<16x2048xf32, #tpu.memory_space<vmem>>, vector<16xf32>,
          %mul3A_698 = arith.mulf %gather3A_669, %get3A_125 : vector<16xf32>
          %swap3A_699 = arith.index_cast %scan3A_101 : i32 to index
          %swap3A_700 = arith.constant 2032 : index
          %swap3A_701 = tpu.vector_load %arg12[%swap3A_699, %swap3A_700] {strides = array<i32>} : memref<16x2048xf32, #tpu.memory_space<vmem>>, vector<16xf32>,
          tpu.vector_store %arg12[%swap3A_699, %swap3A_700], %mul3A_698 {strides = array<i32>} : memref<16x2048xf32, #tpu.memory_space<vmem>>, vector<16xf32>,
        }
        %scan3A_100 = arith.constant 16 : i32
        "tpu.region"() ({
          %run_scoped3A = tpu.sem_alloc : memref<!tpu.dma_semaphore, #tpu.memory_space<semaphore_mem>>
          %dma_start3A_101 = arith.constant 0 : i32
          %dma_start3A_102 = arith.constant 0 : i32
          %dma_start3A_103 = tpu.memref_slice %arg14[%dma_start3A_101, %dma_start3A_102] : memref<256x2048xf32, #tpu.memory_space<vmem_shared>> -> memref<256x2048xf32, #tpu.memory_space<vmem_shared>>
          tpu.enqueue_indirect_dma source(%arg12 : memref<16x2048xf32, #tpu.memory_space<vmem>>) target(%dma_start3A_103 : memref<256x2048xf32, #tpu.memory_space<vmem_shared>>) offsets(%sub3A_84 : vector<16xi32>) semaphore(%run_scoped3A : memref<!tpu.dma_semaphore, #tpu.memory_space<semaphore_mem>>) {add = true}
          %dma_wait3A_104 = arith.constant 0 : i32
          %dma_wait3A_105 = arith.constant 0 : i32
          %dma_wait3A_106 = tpu.memref_slice %arg14[%dma_wait3A_104, %dma_wait3A_105] : memref<256x2048xf32, #tpu.memory_space<vmem_shared>> -> memref<256x2048xf32, #tpu.memory_space<vmem_shared>>
          tpu.wait_indirect_dma semaphore(%run_scoped3A : memref<!tpu.dma_semaphore, #tpu.memory_space<semaphore_mem>>) src(%arg12 : memref<16x2048xf32, #tpu.memory_space<vmem>>) dst(%dma_wait3A_106 : memref<256x2048xf32, #tpu.memory_space<vmem_shared>>)
          tpu.yield
        }) : () -> ()
      }
      %barrier3A_68 = arith.constant 0 : index
      tpu.barrier barrier_id(%barrier3A_68)
      %mul3A_69 = arith.constant 16 : i32
      %mul3A_70 = arith.muli %arg1, %mul3A_69 : i32
      %mul3A_71 = arith.constant 16 : i32
      %mul3A_72 = arith.muli %arg1, %mul3A_71 : i32
      %add3A_73 = arith.addi %mul3A_18, %mul3A_72 : i32
      "tpu.region"() ({
        %run_scoped3A = tpu.sem_alloc : memref<!tpu.dma_semaphore, #tpu.memory_space<semaphore_mem>>
        %dma_start3A = arith.constant 0 : i32
        %dma_start3A_74 = tpu.memref_slice %arg6[%add3A_73, %dma_start3A] : memref<10240x2048xf32, #tpu.memory_space<hbm>> -> memref<16x2048xf32, #tpu.memory_space<hbm>>
        %dma_start3A_75 = arith.constant 0 : i32
        %dma_start3A_76 = tpu.memref_slice %arg14[%mul3A_70, %dma_start3A_75] : memref<256x2048xf32, #tpu.memory_space<vmem_shared>> -> memref<16x2048xf32, #tpu.memory_space<vmem_shared>>
        tpu.enqueue_dma source(%dma_start3A_76 : memref<16x2048xf32, #tpu.memory_space<vmem_shared>>) target(%dma_start3A_74 : memref<16x2048xf32, #tpu.memory_space<hbm>>) target_semaphore(%run_scoped3A : memref<!tpu.dma_semaphore, #tpu.memory_space<semaphore_mem>>)
        %dma_wait3A = arith.constant 0 : i32
        %dma_wait3A_77 = tpu.memref_slice %arg6[%add3A_73, %dma_wait3A] : memref<10240x2048xf32, #tpu.memory_space<hbm>> -> memref<16x2048xf32, #tpu.memory_space<hbm>>
        %dma_wait3A_78 = arith.constant 0 : i32
        %dma_wait3A_79 = tpu.memref_slice %arg14[%mul3A_70, %dma_wait3A_78] : memref<256x2048xf32, #tpu.memory_space<vmem_shared>> -> memref<16x2048xf32, #tpu.memory_space<vmem_shared>>
        tpu.wait_dma2 semaphore(%run_scoped3A : memref<!tpu.dma_semaphore, #tpu.memory_space<semaphore_mem>>) src(%dma_wait3A_79 : memref<16x2048xf32, #tpu.memory_space<vmem_shared>>) dst(%dma_wait3A_77 : memref<16x2048xf32, #tpu.memory_space<hbm>>)
        tpu.yield
      }) : () -> ()
    }
    %scan3A_13 = arith.constant 20 : i32
    return
  }
}

module attributes {stable_mosaic.version = 14 : i64} {
  func.func @_embed_kernel(%arg0: i32, %arg1: memref<1024x1xf32, #tpu.memory_space<vmem>>, %arg2: memref<16x128xf32, #tpu.memory_space<vmem>>, %arg3: memref<1024x128xf32, #tpu.memory_space<vmem>>) attributes {dimension_semantics = [#tpu.dimension_semantics<arbitrary>], iteration_bounds = array<i64: 10>, scalar_prefetch = 0 : i64, scratch_operands = 0 : i64, tpu.core_type = #tpu.core_type<tc>, window_params = [{transform_indices = @transform_0, window_bounds = array<i64: 1024, 1>}, {pipeline_mode = #tpu.pipeline_mode<synchronous>, transform_indices = @transform_1, window_bounds = array<i64: 16, 128>}, {transform_indices = @transform_2, window_bounds = array<i64: 1024, 128>}]} {
    %get3A = arith.constant 0 : index
    %get3A_0 = arith.constant 0 : index
    %get3A_1 = vector.load %arg1[%get3A, %get3A_0] : memref<1024x1xf32, #tpu.memory_space<vmem>>, vector<1024x1xf32>
    %iota3A = tpu.iota {dimensions = array<i32: 1>} : vector<1024x16xi32>
    %convert_element_type3A = arith.sitofp %iota3A : vector<1024x16xi32> to vector<1024x16xf32>
    %eq3A = vector.broadcast %get3A_1 : vector<1024x1xf32> to vector<1024x16xf32>
    %eq3A_2 = arith.cmpf oeq, %eq3A, %convert_element_type3A : vector<1024x16xf32>
    %convert_element_type3A_3 = arith.extui %eq3A_2 : vector<1024x16xi1> to vector<1024x16xi32>
    %convert_element_type3A_4 = arith.sitofp %convert_element_type3A_3 : vector<1024x16xi32> to vector<1024x16xf32>
    %get3A_5 = arith.constant 0 : index
    %get3A_6 = arith.constant 0 : index
    %get3A_7 = vector.load %arg2[%get3A_5, %get3A_6] : memref<16x128xf32, #tpu.memory_space<vmem>>, vector<16x128xf32>
    %dot_general3A = arith.constant dense<0.000000e+00> : vector<1024x128xf32>
    %dot_general3A_8 = tpu.matmul %convert_element_type3A_4, %get3A_7, %dot_general3A {dimension_numbers = #tpu.dot_dimension_numbers<[1], [0], [0], [1], [0, 0, 1, 1], [], []>, precision = #tpu.contract_precision<fp32>, transpose_lhs_hint = false} : vector<1024x16xf32>, vector<16x128xf32>, vector<1024x128xf32> -> vector<1024x128xf32>
    %swap3A = arith.constant 0 : index
    %swap3A_9 = arith.constant 0 : index
    %swap3A_10 = vector.load %arg3[%swap3A, %swap3A_9] : memref<1024x128xf32, #tpu.memory_space<vmem>>, vector<1024x128xf32>
    tpu.vector_store %arg3[%swap3A, %swap3A_9], %dot_general3A_8 {strides = array<i32>} : memref<1024x128xf32, #tpu.memory_space<vmem>>, vector<1024x128xf32>,
    return
  }
  func.func @transform_0(%arg0: i32) -> (i32, i32) {
    %c0_i32 = arith.constant 0 : i32
    %c0_i32_0 = arith.constant 0 : i32
    return %arg0, %c0_i32 : i32, i32
  }
  func.func @transform_1(%arg0: i32) -> (i32, i32) {
    %c0_i32 = arith.constant 0 : i32
    %c0_i32_0 = arith.constant 0 : i32
    %c0_i32_1 = arith.constant 0 : i32
    return %c0_i32, %c0_i32_0 : i32, i32
  }
  func.func @transform_2(%arg0: i32) -> (i32, i32) {
    %c0_i32 = arith.constant 0 : i32
    %c0_i32_0 = arith.constant 0 : i32
    return %arg0, %c0_i32 : i32, i32
  }
}

module attributes {stable_mosaic.version = 14 : i64} {
  func.func @_edge_w_kernel(%arg0: i32, %arg1: memref<1024x16xf32, #tpu.memory_space<vmem>>, %arg2: memref<1024x16xf32, #tpu.memory_space<vmem>>, %arg3: memref<64x200xf32, #tpu.memory_space<vmem>>, %arg4: memref<64x200xf32, #tpu.memory_space<vmem>>, %arg5: memref<1024x16xf32, #tpu.memory_space<vmem>>, %arg6: memref<1024x16xf32, #tpu.memory_space<vmem>>) attributes {dimension_semantics = [#tpu.dimension_semantics<arbitrary>], iteration_bounds = array<i64: 160>, scalar_prefetch = 0 : i64, scratch_operands = 0 : i64, tpu.core_type = #tpu.core_type<tc>, window_params = [{transform_indices = @transform_0, window_bounds = array<i64: 1024, 16>}, {transform_indices = @transform_1, window_bounds = array<i64: 1024, 16>}, {pipeline_mode = #tpu.pipeline_mode<synchronous>, transform_indices = @transform_2, window_bounds = array<i64: 64, 200>}, {pipeline_mode = #tpu.pipeline_mode<synchronous>, transform_indices = @transform_3, window_bounds = array<i64: 64, 200>}, {transform_indices = @transform_4, window_bounds = array<i64: 1024, 16>}, {transform_indices = @transform_5, window_bounds = array<i64: 1024, 16>}]} {
    %get3A = arith.constant 0 : index
    %get3A_0 = arith.constant 0 : index
    %get3A_1 = vector.load %arg2[%get3A, %get3A_0] : memref<1024x16xf32, #tpu.memory_space<vmem>>, vector<1024x16xf32>
    %get3A_2 = arith.constant 0 : index
    %get3A_3 = arith.constant 0 : index
    %get3A_4 = vector.load %arg1[%get3A_2, %get3A_3] : memref<1024x16xf32, #tpu.memory_space<vmem>>, vector<1024x16xf32>
    %sub3A = arith.subf %get3A_1, %get3A_4 : vector<1024x16xf32>
    %transpose3A = tpu.transpose %sub3A, [1, 0] : vector<1024x16xf32> -> vector<16x1024xf32>
    %slice3A = vector.extract_strided_slice %transpose3A {offsets = [0, 0], sizes = [1, 1024], strides = [1, 1]} : vector<16x1024xf32> to vector<1x1024xf32>
    %slice3A_5 = vector.extract_strided_slice %transpose3A {offsets = [1, 0], sizes = [1, 1024], strides = [1, 1]} : vector<16x1024xf32> to vector<1x1024xf32>
    %slice3A_6 = vector.extract_strided_slice %transpose3A {offsets = [2, 0], sizes = [1, 1024], strides = [1, 1]} : vector<16x1024xf32> to vector<1x1024xf32>
    %mul3A = arith.mulf %slice3A, %slice3A : vector<1x1024xf32>
    %mul3A_7 = arith.mulf %slice3A_5, %slice3A_5 : vector<1x1024xf32>
    %add3A = arith.addf %mul3A, %mul3A_7 : vector<1x1024xf32>
    %mul3A_8 = arith.mulf %slice3A_6, %slice3A_6 : vector<1x1024xf32>
    %add3A_9 = arith.addf %add3A, %mul3A_8 : vector<1x1024xf32>
    %sqrt3A = math.sqrt %add3A_9 : vector<1x1024xf32>
    %add3A_10 = arith.constant 9.99999971E-10 : f32
    %add3A_11 = vector.broadcast %add3A_10 : f32 to vector<1x1024xf32>
    %add3A_12 = arith.addf %sqrt3A, %add3A_11 : vector<1x1024xf32>
    %div3A = arith.divf %slice3A, %add3A_12 : vector<1x1024xf32>
    %div3A_13 = arith.divf %slice3A_5, %add3A_12 : vector<1x1024xf32>
    %div3A_14 = arith.divf %slice3A_6, %add3A_12 : vector<1x1024xf32>
    %broadcast_in_dim3A = arith.constant 1.000000e+00 : f32
    %broadcast_in_dim3A_15 = vector.broadcast %broadcast_in_dim3A : f32 to vector<1x1024xf32>
    %mul3A_16 = arith.constant 1.73205078 : f32
    %mul3A_17 = vector.broadcast %mul3A_16 : f32 to vector<1x1024xf32>
    %mul3A_18 = arith.mulf %mul3A_17, %div3A : vector<1x1024xf32>
    %mul3A_19 = arith.constant 1.73205078 : f32
    %mul3A_20 = vector.broadcast %mul3A_19 : f32 to vector<1x1024xf32>
    %mul3A_21 = arith.mulf %mul3A_20, %div3A_13 : vector<1x1024xf32>
    %mul3A_22 = arith.constant 1.73205078 : f32
    %mul3A_23 = vector.broadcast %mul3A_22 : f32 to vector<1x1024xf32>
    %mul3A_24 = arith.mulf %mul3A_23, %div3A_14 : vector<1x1024xf32>
    %mul3A_25 = arith.constant 3.87298346 : f32
    %mul3A_26 = vector.broadcast %mul3A_25 : f32 to vector<1x1024xf32>
    %mul3A_27 = arith.mulf %mul3A_26, %div3A : vector<1x1024xf32>
    %mul3A_28 = arith.mulf %mul3A_27, %div3A_13 : vector<1x1024xf32>
    %mul3A_29 = arith.constant 3.87298346 : f32
    %mul3A_30 = vector.broadcast %mul3A_29 : f32 to vector<1x1024xf32>
    %mul3A_31 = arith.mulf %mul3A_30, %div3A_13 : vector<1x1024xf32>
    %mul3A_32 = arith.mulf %mul3A_31, %div3A_14 : vector<1x1024xf32>
    %mul3A_33 = arith.constant 3.000000e+00 : f32
    %mul3A_34 = vector.broadcast %mul3A_33 : f32 to vector<1x1024xf32>
    %mul3A_35 = arith.mulf %mul3A_34, %div3A_14 : vector<1x1024xf32>
    %mul3A_36 = arith.mulf %mul3A_35, %div3A_14 : vector<1x1024xf32>
    %sub3A_37 = arith.constant 1.000000e+00 : f32
    %sub3A_38 = vector.broadcast %sub3A_37 : f32 to vector<1x1024xf32>
    %sub3A_39 = arith.subf %mul3A_36, %sub3A_38 : vector<1x1024xf32>
    %mul3A_40 = arith.constant 1.11803401 : f32
    %mul3A_41 = vector.broadcast %mul3A_40 : f32 to vector<1x1024xf32>
    %mul3A_42 = arith.mulf %mul3A_41, %sub3A_39 : vector<1x1024xf32>
    %mul3A_43 = arith.constant 3.87298346 : f32
    %mul3A_44 = vector.broadcast %mul3A_43 : f32 to vector<1x1024xf32>
    %mul3A_45 = arith.mulf %mul3A_44, %div3A : vector<1x1024xf32>
    %mul3A_46 = arith.mulf %mul3A_45, %div3A_14 : vector<1x1024xf32>
    %mul3A_47 = arith.mulf %div3A, %div3A : vector<1x1024xf32>
    %mul3A_48 = arith.mulf %div3A_13, %div3A_13 : vector<1x1024xf32>
    %sub3A_49 = arith.subf %mul3A_47, %mul3A_48 : vector<1x1024xf32>
    %mul3A_50 = arith.constant 1.93649173 : f32
    %mul3A_51 = vector.broadcast %mul3A_50 : f32 to vector<1x1024xf32>
    %mul3A_52 = arith.mulf %mul3A_51, %sub3A_49 : vector<1x1024xf32>
    %mul3A_53 = arith.constant 2.091650e+00 : f32
    %mul3A_54 = vector.broadcast %mul3A_53 : f32 to vector<1x1024xf32>
    %mul3A_55 = arith.mulf %mul3A_54, %div3A_13 : vector<1x1024xf32>
    %mul3A_56 = arith.constant 3.000000e+00 : f32
    %mul3A_57 = vector.broadcast %mul3A_56 : f32 to vector<1x1024xf32>
    %mul3A_58 = arith.mulf %mul3A_57, %div3A : vector<1x1024xf32>
    %mul3A_59 = arith.mulf %mul3A_58, %div3A : vector<1x1024xf32>
    %mul3A_60 = arith.mulf %div3A_13, %div3A_13 : vector<1x1024xf32>
    %sub3A_61 = arith.subf %mul3A_59, %mul3A_60 : vector<1x1024xf32>
    %mul3A_62 = arith.mulf %mul3A_55, %sub3A_61 : vector<1x1024xf32>
    %mul3A_63 = arith.constant 10.2469511 : f32
    %mul3A_64 = vector.broadcast %mul3A_63 : f32 to vector<1x1024xf32>
    %mul3A_65 = arith.mulf %mul3A_64, %div3A : vector<1x1024xf32>
    %mul3A_66 = arith.mulf %mul3A_65, %div3A_13 : vector<1x1024xf32>
    %mul3A_67 = arith.mulf %mul3A_66, %div3A_14 : vector<1x1024xf32>
    %mul3A_68 = arith.constant 1.62018514 : f32
    %mul3A_69 = vector.broadcast %mul3A_68 : f32 to vector<1x1024xf32>
    %mul3A_70 = arith.mulf %mul3A_69, %div3A_13 : vector<1x1024xf32>
    %mul3A_71 = arith.constant 5.000000e+00 : f32
    %mul3A_72 = vector.broadcast %mul3A_71 : f32 to vector<1x1024xf32>
    %mul3A_73 = arith.mulf %mul3A_72, %div3A_14 : vector<1x1024xf32>
    %mul3A_74 = arith.mulf %mul3A_73, %div3A_14 : vector<1x1024xf32>
    %sub3A_75 = arith.constant 1.000000e+00 : f32
    %sub3A_76 = vector.broadcast %sub3A_75 : f32 to vector<1x1024xf32>
    %sub3A_77 = arith.subf %mul3A_74, %sub3A_76 : vector<1x1024xf32>
    %mul3A_78 = arith.mulf %mul3A_70, %sub3A_77 : vector<1x1024xf32>
    %mul3A_79 = arith.constant 5.000000e+00 : f32
    %mul3A_80 = vector.broadcast %mul3A_79 : f32 to vector<1x1024xf32>
    %mul3A_81 = arith.mulf %mul3A_80, %div3A_14 : vector<1x1024xf32>
    %mul3A_82 = arith.mulf %mul3A_81, %div3A_14 : vector<1x1024xf32>
    %mul3A_83 = arith.mulf %mul3A_82, %div3A_14 : vector<1x1024xf32>
    %mul3A_84 = arith.constant 3.000000e+00 : f32
    %mul3A_85 = vector.broadcast %mul3A_84 : f32 to vector<1x1024xf32>
    %mul3A_86 = arith.mulf %mul3A_85, %div3A_14 : vector<1x1024xf32>
    %sub3A_87 = arith.subf %mul3A_83, %mul3A_86 : vector<1x1024xf32>
    %mul3A_88 = arith.constant 1.32287562 : f32
    %mul3A_89 = vector.broadcast %mul3A_88 : f32 to vector<1x1024xf32>
    %mul3A_90 = arith.mulf %mul3A_89, %sub3A_87 : vector<1x1024xf32>
    %mul3A_91 = arith.constant 1.62018514 : f32
    %mul3A_92 = vector.broadcast %mul3A_91 : f32 to vector<1x1024xf32>
    %mul3A_93 = arith.mulf %mul3A_92, %div3A : vector<1x1024xf32>
    %mul3A_94 = arith.constant 5.000000e+00 : f32
    %mul3A_95 = vector.broadcast %mul3A_94 : f32 to vector<1x1024xf32>
    %mul3A_96 = arith.mulf %mul3A_95, %div3A_14 : vector<1x1024xf32>
    %mul3A_97 = arith.mulf %mul3A_96, %div3A_14 : vector<1x1024xf32>
    %sub3A_98 = arith.constant 1.000000e+00 : f32
    %sub3A_99 = vector.broadcast %sub3A_98 : f32 to vector<1x1024xf32>
    %sub3A_100 = arith.subf %mul3A_97, %sub3A_99 : vector<1x1024xf32>
    %mul3A_101 = arith.mulf %mul3A_93, %sub3A_100 : vector<1x1024xf32>
    %mul3A_102 = arith.constant 5.12347555 : f32
    %mul3A_103 = vector.broadcast %mul3A_102 : f32 to vector<1x1024xf32>
    %mul3A_104 = arith.mulf %mul3A_103, %div3A_14 : vector<1x1024xf32>
    %mul3A_105 = arith.mulf %div3A, %div3A : vector<1x1024xf32>
    %mul3A_106 = arith.mulf %div3A_13, %div3A_13 : vector<1x1024xf32>
    %sub3A_107 = arith.subf %mul3A_105, %mul3A_106 : vector<1x1024xf32>
    %mul3A_108 = arith.mulf %mul3A_104, %sub3A_107 : vector<1x1024xf32>
    %mul3A_109 = arith.constant 2.091650e+00 : f32
    %mul3A_110 = vector.broadcast %mul3A_109 : f32 to vector<1x1024xf32>
    %mul3A_111 = arith.mulf %mul3A_110, %div3A : vector<1x1024xf32>
    %mul3A_112 = arith.mulf %div3A, %div3A : vector<1x1024xf32>
    %mul3A_113 = arith.constant 3.000000e+00 : f32
    %mul3A_114 = vector.broadcast %mul3A_113 : f32 to vector<1x1024xf32>
    %mul3A_115 = arith.mulf %mul3A_114, %div3A_13 : vector<1x1024xf32>
    %mul3A_116 = arith.mulf %mul3A_115, %div3A_13 : vector<1x1024xf32>
    %sub3A_117 = arith.subf %mul3A_112, %mul3A_116 : vector<1x1024xf32>
    %mul3A_118 = arith.mulf %mul3A_111, %sub3A_117 : vector<1x1024xf32>
    %concatenate3A = tpu.concatenate %broadcast_in_dim3A_15, %mul3A_18, %mul3A_21, %mul3A_24, %mul3A_28, %mul3A_32, %mul3A_42, %mul3A_46, %mul3A_52, %mul3A_62, %mul3A_67, %mul3A_78, %mul3A_90, %mul3A_101, %mul3A_108, %mul3A_118 in 0 : vector<1x1024xf32>, vector<1x1024xf32>, vector<1x1024xf32>, vector<1x1024xf32>, vector<1x1024xf32>, vector<1x1024xf32>, vector<1x1024xf32>, vector<1x1024xf32>, vector<1x1024xf32>, vector<1x1024xf32>, vector<1x1024xf32>, vector<1x1024xf32>, vector<1x1024xf32>, vector<1x1024xf32>, vector<1x1024xf32>, vector<1x1024xf32> -> vector<16x1024xf32>
    %iota3A = tpu.iota {dimensions = array<i32: 0>} : vector<8x1xi32>
    %add3A_119 = arith.constant 1 : i32
    %add3A_120 = vector.broadcast %add3A_119 : i32 to vector<8x1xi32>
    %add3A_121 = arith.addi %iota3A, %add3A_120 : vector<8x1xi32>
    %convert_element_type3A = arith.sitofp %add3A_121 : vector<8x1xi32> to vector<8x1xf32>
    %broadcast_in_dim3A_122 = vector.shape_cast %add3A_12 : vector<1x1024xf32> to vector<1x1024xf32>
    %broadcast_in_dim3A_123 = vector.broadcast %broadcast_in_dim3A_122 : vector<1x1024xf32> to vector<8x1024xf32>
    %mul3A_124 = arith.constant 0.628318548 : f32
    %mul3A_125 = vector.broadcast %mul3A_124 : f32 to vector<8x1xf32>
    %mul3A_126 = arith.mulf %convert_element_type3A, %mul3A_125 : vector<8x1xf32>
    %mul3A_127 = vector.broadcast %mul3A_126 : vector<8x1xf32> to vector<8x1024xf32>
    %mul3A_128 = arith.mulf %broadcast_in_dim3A_123, %mul3A_127 : vector<8x1024xf32>
    %sin3A = math.sin %mul3A_128 : vector<8x1024xf32>
    %div3A_129 = arith.constant 0.632455527 : f32
    %div3A_130 = vector.broadcast %div3A_129 : f32 to vector<8x1024xf32>
    %div3A_131 = arith.divf %div3A_130, %broadcast_in_dim3A_123 : vector<8x1024xf32>
    %mul3A_132 = arith.mulf %sin3A, %div3A_131 : vector<8x1024xf32>
    %div3A_133 = arith.constant 5.000000e+00 : f32
    %div3A_134 = vector.broadcast %div3A_133 : f32 to vector<1x1024xf32>
    %div3A_135 = arith.divf %add3A_12, %div3A_134 : vector<1x1024xf32>
    %mul3A_136 = arith.mulf %div3A_135, %div3A_135 : vector<1x1024xf32>
    %mul3A_137 = arith.mulf %mul3A_136, %mul3A_136 : vector<1x1024xf32>
    %mul3A_138 = arith.mulf %mul3A_137, %div3A_135 : vector<1x1024xf32>
    %mul3A_139 = arith.mulf %mul3A_137, %mul3A_136 : vector<1x1024xf32>
    %mul3A_140 = arith.mulf %mul3A_139, %div3A_135 : vector<1x1024xf32>
    %mul3A_141 = arith.constant 2.100000e+01 : f32
    %mul3A_142 = vector.broadcast %mul3A_141 : f32 to vector<1x1024xf32>
    %mul3A_143 = arith.mulf %mul3A_142, %mul3A_138 : vector<1x1024xf32>
    %sub3A_144 = arith.constant 1.000000e+00 : f32
    %sub3A_145 = vector.broadcast %sub3A_144 : f32 to vector<1x1024xf32>
    %sub3A_146 = arith.subf %sub3A_145, %mul3A_143 : vector<1x1024xf32>
    %mul3A_147 = arith.constant 3.500000e+01 : f32
    %mul3A_148 = vector.broadcast %mul3A_147 : f32 to vector<1x1024xf32>
    %mul3A_149 = arith.mulf %mul3A_148, %mul3A_139 : vector<1x1024xf32>
    %add3A_150 = arith.addf %sub3A_146, %mul3A_149 : vector<1x1024xf32>
    %mul3A_151 = arith.constant 1.500000e+01 : f32
    %mul3A_152 = vector.broadcast %mul3A_151 : f32 to vector<1x1024xf32>
    %mul3A_153 = arith.mulf %mul3A_152, %mul3A_140 : vector<1x1024xf32>
    %sub3A_154 = arith.subf %add3A_150, %mul3A_153 : vector<1x1024xf32>
    %lt3A = arith.constant 1.000000e+00 : f32
    %lt3A_155 = vector.broadcast %lt3A : f32 to vector<1x1024xf32>
    %lt3A_156 = arith.cmpf olt, %div3A_135, %lt3A_155 : vector<1x1024xf32>
    %jit3A = arith.constant 0.000000e+00 : f32
    %broadcast_in_dim3A_157 = vector.broadcast %jit3A : f32 to vector<1x1024xf32>
    %select_n3A = arith.select %lt3A_156, %sub3A_154, %broadcast_in_dim3A_157 : vector<1x1024xi1>, vector<1x1024xf32>
    %mul3A_158 = vector.broadcast %select_n3A : vector<1x1024xf32> to vector<8x1024xf32>
    %mul3A_159 = arith.mulf %mul3A_132, %mul3A_158 : vector<8x1024xf32>
    %get3A_160 = arith.constant 0 : index
    %get3A_161 = arith.constant 0 : index
    %get3A_162 = vector.load %arg3[%get3A_160, %get3A_161] : memref<64x200xf32, #tpu.memory_space<vmem>>, vector<64x200xf32>
    %slice3A_163 = vector.extract_strided_slice %get3A_162 {offsets = [0, 0], sizes = [64, 8], strides = [1, 1]} : vector<64x200xf32> to vector<64x8xf32>
    %slice3A_164 = vector.extract_strided_slice %get3A_162 {offsets = [0, 8], sizes = [64, 64], strides = [1, 1]} : vector<64x200xf32> to vector<64x64xf32>
    %slice3A_165 = vector.extract_strided_slice %get3A_162 {offsets = [0, 72], sizes = [64, 64], strides = [1, 1]} : vector<64x200xf32> to vector<64x64xf32>
    %slice3A_166 = vector.extract_strided_slice %get3A_162 {offsets = [0, 136], sizes = [16, 64], strides = [1, 1]} : vector<64x200xf32> to vector<16x64xf32>
    %dot_general3A = arith.constant dense<0.000000e+00> : vector<64x1024xf32>
    %dot_general3A_167 = tpu.matmul %slice3A_163, %mul3A_159, %dot_general3A {dimension_numbers = #tpu.dot_dimension_numbers<[1], [0], [0], [1], [0, 0, 1, 1], [], []>, precision = #tpu.contract_precision<fp32>, transpose_lhs_hint = false} : vector<64x8xf32>, vector<8x1024xf32>, vector<64x1024xf32> -> vector<64x1024xf32>
    %neg3A = arith.constant 0.000000e+00 : f32
    %neg3A_168 = vector.broadcast %neg3A : f32 to vector<64x1024xf32>
    %neg3A_169 = arith.subf %neg3A_168, %dot_general3A_167 : vector<64x1024xf32>
    %exp3A = math.exp %neg3A_169 : vector<64x1024xf32>
    %add3A_170 = arith.constant 1.000000e+00 : f32
    %add3A_171 = vector.broadcast %add3A_170 : f32 to vector<64x1024xf32>
    %add3A_172 = arith.addf %add3A_171, %exp3A : vector<64x1024xf32>
    %div3A_173 = arith.divf %dot_general3A_167, %add3A_172 : vector<64x1024xf32>
    %dot_general3A_174 = arith.constant dense<0.000000e+00> : vector<64x1024xf32>
    %dot_general3A_175 = tpu.matmul %slice3A_164, %div3A_173, %dot_general3A_174 {dimension_numbers = #tpu.dot_dimension_numbers<[1], [0], [0], [1], [0, 0, 1, 1], [], []>, precision = #tpu.contract_precision<fp32>, transpose_lhs_hint = false} : vector<64x64xf32>, vector<64x1024xf32>, vector<64x1024xf32> -> vector<64x1024xf32>
    %neg3A_176 = arith.constant 0.000000e+00 : f32
    %neg3A_177 = vector.broadcast %neg3A_176 : f32 to vector<64x1024xf32>
    %neg3A_178 = arith.subf %neg3A_177, %dot_general3A_175 : vector<64x1024xf32>
    %exp3A_179 = math.exp %neg3A_178 : vector<64x1024xf32>
    %add3A_180 = arith.constant 1.000000e+00 : f32
    %add3A_181 = vector.broadcast %add3A_180 : f32 to vector<64x1024xf32>
    %add3A_182 = arith.addf %add3A_181, %exp3A_179 : vector<64x1024xf32>
    %div3A_183 = arith.divf %dot_general3A_175, %add3A_182 : vector<64x1024xf32>
    %dot_general3A_184 = arith.constant dense<0.000000e+00> : vector<64x1024xf32>
    %dot_general3A_185 = tpu.matmul %slice3A_165, %div3A_183, %dot_general3A_184 {dimension_numbers = #tpu.dot_dimension_numbers<[1], [0], [0], [1], [0, 0, 1, 1], [], []>, precision = #tpu.contract_precision<fp32>, transpose_lhs_hint = false} : vector<64x64xf32>, vector<64x1024xf32>, vector<64x1024xf32> -> vector<64x1024xf32>
    %neg3A_186 = arith.constant 0.000000e+00 : f32
    %neg3A_187 = vector.broadcast %neg3A_186 : f32 to vector<64x1024xf32>
    %neg3A_188 = arith.subf %neg3A_187, %dot_general3A_185 : vector<64x1024xf32>
    %exp3A_189 = math.exp %neg3A_188 : vector<64x1024xf32>
    %add3A_190 = arith.constant 1.000000e+00 : f32
    %add3A_191 = vector.broadcast %add3A_190 : f32 to vector<64x1024xf32>
    %add3A_192 = arith.addf %add3A_191, %exp3A_189 : vector<64x1024xf32>
    %div3A_193 = arith.divf %dot_general3A_185, %add3A_192 : vector<64x1024xf32>
    %dot_general3A_194 = arith.constant dense<0.000000e+00> : vector<16x1024xf32>
    %dot_general3A_195 = tpu.matmul %slice3A_166, %div3A_193, %dot_general3A_194 {dimension_numbers = #tpu.dot_dimension_numbers<[1], [0], [0], [1], [0, 0, 1, 1], [], []>, precision = #tpu.contract_precision<fp32>, transpose_lhs_hint = false} : vector<16x64xf32>, vector<64x1024xf32>, vector<16x1024xf32> -> vector<16x1024xf32>
    %mul3A_196 = arith.mulf %concatenate3A, %dot_general3A_195 : vector<16x1024xf32>
    %transpose3A_197 = tpu.transpose %mul3A_196, [1, 0] : vector<16x1024xf32> -> vector<1024x16xf32>
    %swap3A = arith.constant 0 : index
    %swap3A_198 = arith.constant 0 : index
    %swap3A_199 = vector.load %arg5[%swap3A, %swap3A_198] : memref<1024x16xf32, #tpu.memory_space<vmem>>, vector<1024x16xf32>
    tpu.vector_store %arg5[%swap3A, %swap3A_198], %transpose3A_197 {strides = array<i32>} : memref<1024x16xf32, #tpu.memory_space<vmem>>, vector<1024x16xf32>,
    %get3A_200 = arith.constant 0 : index
    %get3A_201 = arith.constant 0 : index
    %get3A_202 = vector.load %arg4[%get3A_200, %get3A_201] : memref<64x200xf32, #tpu.memory_space<vmem>>, vector<64x200xf32>
    %slice3A_203 = vector.extract_strided_slice %get3A_202 {offsets = [0, 0], sizes = [64, 8], strides = [1, 1]} : vector<64x200xf32> to vector<64x8xf32>
    %slice3A_204 = vector.extract_strided_slice %get3A_202 {offsets = [0, 8], sizes = [64, 64], strides = [1, 1]} : vector<64x200xf32> to vector<64x64xf32>
    %slice3A_205 = vector.extract_strided_slice %get3A_202 {offsets = [0, 72], sizes = [64, 64], strides = [1, 1]} : vector<64x200xf32> to vector<64x64xf32>
    %slice3A_206 = vector.extract_strided_slice %get3A_202 {offsets = [0, 136], sizes = [16, 64], strides = [1, 1]} : vector<64x200xf32> to vector<16x64xf32>
    %dot_general3A_207 = arith.constant dense<0.000000e+00> : vector<64x1024xf32>
    %dot_general3A_208 = tpu.matmul %slice3A_203, %mul3A_159, %dot_general3A_207 {dimension_numbers = #tpu.dot_dimension_numbers<[1], [0], [0], [1], [0, 0, 1, 1], [], []>, precision = #tpu.contract_precision<fp32>, transpose_lhs_hint = false} : vector<64x8xf32>, vector<8x1024xf32>, vector<64x1024xf32> -> vector<64x1024xf32>
    %neg3A_209 = arith.constant 0.000000e+00 : f32
    %neg3A_210 = vector.broadcast %neg3A_209 : f32 to vector<64x1024xf32>
    %neg3A_211 = arith.subf %neg3A_210, %dot_general3A_208 : vector<64x1024xf32>
    %exp3A_212 = math.exp %neg3A_211 : vector<64x1024xf32>
    %add3A_213 = arith.constant 1.000000e+00 : f32
    %add3A_214 = vector.broadcast %add3A_213 : f32 to vector<64x1024xf32>
    %add3A_215 = arith.addf %add3A_214, %exp3A_212 : vector<64x1024xf32>
    %div3A_216 = arith.divf %dot_general3A_208, %add3A_215 : vector<64x1024xf32>
    %dot_general3A_217 = arith.constant dense<0.000000e+00> : vector<64x1024xf32>
    %dot_general3A_218 = tpu.matmul %slice3A_204, %div3A_216, %dot_general3A_217 {dimension_numbers = #tpu.dot_dimension_numbers<[1], [0], [0], [1], [0, 0, 1, 1], [], []>, precision = #tpu.contract_precision<fp32>, transpose_lhs_hint = false} : vector<64x64xf32>, vector<64x1024xf32>, vector<64x1024xf32> -> vector<64x1024xf32>
    %neg3A_219 = arith.constant 0.000000e+00 : f32
    %neg3A_220 = vector.broadcast %neg3A_219 : f32 to vector<64x1024xf32>
    %neg3A_221 = arith.subf %neg3A_220, %dot_general3A_218 : vector<64x1024xf32>
    %exp3A_222 = math.exp %neg3A_221 : vector<64x1024xf32>
    %add3A_223 = arith.constant 1.000000e+00 : f32
    %add3A_224 = vector.broadcast %add3A_223 : f32 to vector<64x1024xf32>
    %add3A_225 = arith.addf %add3A_224, %exp3A_222 : vector<64x1024xf32>
    %div3A_226 = arith.divf %dot_general3A_218, %add3A_225 : vector<64x1024xf32>
    %dot_general3A_227 = arith.constant dense<0.000000e+00> : vector<64x1024xf32>
    %dot_general3A_228 = tpu.matmul %slice3A_205, %div3A_226, %dot_general3A_227 {dimension_numbers = #tpu.dot_dimension_numbers<[1], [0], [0], [1], [0, 0, 1, 1], [], []>, precision = #tpu.contract_precision<fp32>, transpose_lhs_hint = false} : vector<64x64xf32>, vector<64x1024xf32>, vector<64x1024xf32> -> vector<64x1024xf32>
    %neg3A_229 = arith.constant 0.000000e+00 : f32
    %neg3A_230 = vector.broadcast %neg3A_229 : f32 to vector<64x1024xf32>
    %neg3A_231 = arith.subf %neg3A_230, %dot_general3A_228 : vector<64x1024xf32>
    %exp3A_232 = math.exp %neg3A_231 : vector<64x1024xf32>
    %add3A_233 = arith.constant 1.000000e+00 : f32
    %add3A_234 = vector.broadcast %add3A_233 : f32 to vector<64x1024xf32>
    %add3A_235 = arith.addf %add3A_234, %exp3A_232 : vector<64x1024xf32>
    %div3A_236 = arith.divf %dot_general3A_228, %add3A_235 : vector<64x1024xf32>
    %dot_general3A_237 = arith.constant dense<0.000000e+00> : vector<16x1024xf32>
    %dot_general3A_238 = tpu.matmul %slice3A_206, %div3A_236, %dot_general3A_237 {dimension_numbers = #tpu.dot_dimension_numbers<[1], [0], [0], [1], [0, 0, 1, 1], [], []>, precision = #tpu.contract_precision<fp32>, transpose_lhs_hint = false} : vector<16x64xf32>, vector<64x1024xf32>, vector<16x1024xf32> -> vector<16x1024xf32>
    %mul3A_239 = arith.mulf %concatenate3A, %dot_general3A_238 : vector<16x1024xf32>
    %transpose3A_240 = tpu.transpose %mul3A_239, [1, 0] : vector<16x1024xf32> -> vector<1024x16xf32>
    %swap3A_241 = arith.constant 0 : index
    %swap3A_242 = arith.constant 0 : index
    %swap3A_243 = vector.load %arg6[%swap3A_241, %swap3A_242] : memref<1024x16xf32, #tpu.memory_space<vmem>>, vector<1024x16xf32>
    tpu.vector_store %arg6[%swap3A_241, %swap3A_242], %transpose3A_240 {strides = array<i32>} : memref<1024x16xf32, #tpu.memory_space<vmem>>, vector<1024x16xf32>,
    return
  }
  func.func @transform_0(%arg0: i32) -> (i32, i32) {
    %c0_i32 = arith.constant 0 : i32
    %c0_i32_0 = arith.constant 0 : i32
    return %arg0, %c0_i32 : i32, i32
  }
  func.func @transform_1(%arg0: i32) -> (i32, i32) {
    %c0_i32 = arith.constant 0 : i32
    %c0_i32_0 = arith.constant 0 : i32
    return %arg0, %c0_i32 : i32, i32
  }
  func.func @transform_2(%arg0: i32) -> (i32, i32) {
    %c0_i32 = arith.constant 0 : i32
    %c0_i32_0 = arith.constant 0 : i32
    %c0_i32_1 = arith.constant 0 : i32
    return %c0_i32, %c0_i32_0 : i32, i32
  }
  func.func @transform_3(%arg0: i32) -> (i32, i32) {
    %c0_i32 = arith.constant 0 : i32
    %c0_i32_0 = arith.constant 0 : i32
    %c0_i32_1 = arith.constant 0 : i32
    return %c0_i32, %c0_i32_0 : i32, i32
  }
  func.func @transform_4(%arg0: i32) -> (i32, i32) {
    %c0_i32 = arith.constant 0 : i32
    %c0_i32_0 = arith.constant 0 : i32
    return %arg0, %c0_i32 : i32, i32
  }
  func.func @transform_5(%arg0: i32) -> (i32, i32) {
    %c0_i32 = arith.constant 0 : i32
    %c0_i32_0 = arith.constant 0 : i32
    return %arg0, %c0_i32 : i32, i32
  }
}

module attributes {stable_mosaic.version = 14 : i64} {
  func.func @_node_update_kernel(%arg0: i32, %arg1: memref<256x2048xf32, #tpu.memory_space<vmem>>, %arg2: memref<256x128xf32, #tpu.memory_space<vmem>>, %arg3: memref<8x128xf32, #tpu.memory_space<vmem>>, %arg4: memref<128x128xf32, #tpu.memory_space<vmem>>, %arg5: memref<128x128xf32, #tpu.memory_space<vmem>>, %arg6: memref<256x128xf32, #tpu.memory_space<vmem>>) attributes {dimension_semantics = [#tpu.dimension_semantics<arbitrary>], iteration_bounds = array<i64: 40>, scalar_prefetch = 0 : i64, scratch_operands = 0 : i64, tpu.core_type = #tpu.core_type<tc>, window_params = [{transform_indices = @transform_0, window_bounds = array<i64: 256, 2048>}, {transform_indices = @transform_1, window_bounds = array<i64: 256, 128>}, {pipeline_mode = #tpu.pipeline_mode<synchronous>, transform_indices = @transform_2, window_bounds = array<i64: 8, 128>}, {pipeline_mode = #tpu.pipeline_mode<synchronous>, transform_indices = @transform_3, window_bounds = array<i64: 128, 128>}, {pipeline_mode = #tpu.pipeline_mode<synchronous>, transform_indices = @transform_4, window_bounds = array<i64: 128, 128>}, {transform_indices = @transform_5, window_bounds = array<i64: 256, 128>}]} {
    %get3A = arith.constant 0 : index
    %get3A_0 = arith.constant 0 : index
    %get3A_1 = vector.load %arg1[%get3A, %get3A_0] : memref<256x2048xf32, #tpu.memory_space<vmem>>, vector<256x2048xf32>
    %mul3A = arith.constant 6.250000e-02 : f32
    %mul3A_2 = vector.broadcast %mul3A : f32 to vector<256x2048xf32>
    %mul3A_3 = arith.mulf %get3A_1, %mul3A_2 : vector<256x2048xf32>
    %get3A_4 = arith.constant 0 : index
    %get3A_5 = arith.constant 0 : index
    %get3A_6 = vector.load %arg3[%get3A_4, %get3A_5] : memref<8x128xf32, #tpu.memory_space<vmem>>, vector<8x128xf32>
    %slice3A = vector.extract_strided_slice %get3A_6 {offsets = [0, 0], sizes = [1, 128], strides = [1, 1]} : vector<8x128xf32> to vector<1x128xf32>
    %slice3A_7 = vector.extract_strided_slice %get3A_6 {offsets = [1, 0], sizes = [1, 128], strides = [1, 1]} : vector<8x128xf32> to vector<1x128xf32>
    %slice3A_8 = vector.extract_strided_slice %mul3A_3 {offsets = [0, 0], sizes = [256, 128], strides = [1, 1]} : vector<256x2048xf32> to vector<256x128xf32>
    %mul3A_9 = arith.mulf %slice3A_8, %slice3A_8 : vector<256x128xf32>
    %slice3A_10 = vector.extract_strided_slice %mul3A_3 {offsets = [0, 128], sizes = [256, 128], strides = [1, 1]} : vector<256x2048xf32> to vector<256x128xf32>
    %slice3A_11 = vector.extract_strided_slice %mul3A_3 {offsets = [0, 128], sizes = [256, 128], strides = [1, 1]} : vector<256x2048xf32> to vector<256x128xf32>
    %mul3A_12 = arith.mulf %slice3A_10, %slice3A_11 : vector<256x128xf32>
    %slice3A_13 = vector.extract_strided_slice %mul3A_3 {offsets = [0, 256], sizes = [256, 128], strides = [1, 1]} : vector<256x2048xf32> to vector<256x128xf32>
    %slice3A_14 = vector.extract_strided_slice %mul3A_3 {offsets = [0, 256], sizes = [256, 128], strides = [1, 1]} : vector<256x2048xf32> to vector<256x128xf32>
    %mul3A_15 = arith.mulf %slice3A_13, %slice3A_14 : vector<256x128xf32>
    %add3A = arith.addf %mul3A_12, %mul3A_15 : vector<256x128xf32>
    %slice3A_16 = vector.extract_strided_slice %mul3A_3 {offsets = [0, 384], sizes = [256, 128], strides = [1, 1]} : vector<256x2048xf32> to vector<256x128xf32>
    %slice3A_17 = vector.extract_strided_slice %mul3A_3 {offsets = [0, 384], sizes = [256, 128], strides = [1, 1]} : vector<256x2048xf32> to vector<256x128xf32>
    %mul3A_18 = arith.mulf %slice3A_16, %slice3A_17 : vector<256x128xf32>
    %add3A_19 = arith.addf %add3A, %mul3A_18 : vector<256x128xf32>
    %slice3A_20 = vector.extract_strided_slice %mul3A_3 {offsets = [0, 512], sizes = [256, 128], strides = [1, 1]} : vector<256x2048xf32> to vector<256x128xf32>
    %slice3A_21 = vector.extract_strided_slice %mul3A_3 {offsets = [0, 512], sizes = [256, 128], strides = [1, 1]} : vector<256x2048xf32> to vector<256x128xf32>
    %mul3A_22 = arith.mulf %slice3A_20, %slice3A_21 : vector<256x128xf32>
    %add3A_23 = arith.constant 0.000000e+00 : f32
    %add3A_24 = vector.broadcast %add3A_23 : f32 to vector<256x128xf32>
    %add3A_25 = arith.addf %add3A_24, %mul3A_22 : vector<256x128xf32>
    %slice3A_26 = vector.extract_strided_slice %mul3A_3 {offsets = [0, 640], sizes = [256, 128], strides = [1, 1]} : vector<256x2048xf32> to vector<256x128xf32>
    %slice3A_27 = vector.extract_strided_slice %mul3A_3 {offsets = [0, 640], sizes = [256, 128], strides = [1, 1]} : vector<256x2048xf32> to vector<256x128xf32>
    %mul3A_28 = arith.mulf %slice3A_26, %slice3A_27 : vector<256x128xf32>
    %add3A_29 = arith.addf %add3A_25, %mul3A_28 : vector<256x128xf32>
    %slice3A_30 = vector.extract_strided_slice %mul3A_3 {offsets = [0, 768], sizes = [256, 128], strides = [1, 1]} : vector<256x2048xf32> to vector<256x128xf32>
    %slice3A_31 = vector.extract_strided_slice %mul3A_3 {offsets = [0, 768], sizes = [256, 128], strides = [1, 1]} : vector<256x2048xf32> to vector<256x128xf32>
    %mul3A_32 = arith.mulf %slice3A_30, %slice3A_31 : vector<256x128xf32>
    %add3A_33 = arith.addf %add3A_29, %mul3A_32 : vector<256x128xf32>
    %slice3A_34 = vector.extract_strided_slice %mul3A_3 {offsets = [0, 896], sizes = [256, 128], strides = [1, 1]} : vector<256x2048xf32> to vector<256x128xf32>
    %slice3A_35 = vector.extract_strided_slice %mul3A_3 {offsets = [0, 896], sizes = [256, 128], strides = [1, 1]} : vector<256x2048xf32> to vector<256x128xf32>
    %mul3A_36 = arith.mulf %slice3A_34, %slice3A_35 : vector<256x128xf32>
    %add3A_37 = arith.addf %add3A_33, %mul3A_36 : vector<256x128xf32>
    %slice3A_38 = vector.extract_strided_slice %mul3A_3 {offsets = [0, 1024], sizes = [256, 128], strides = [1, 1]} : vector<256x2048xf32> to vector<256x128xf32>
    %slice3A_39 = vector.extract_strided_slice %mul3A_3 {offsets = [0, 1024], sizes = [256, 128], strides = [1, 1]} : vector<256x2048xf32> to vector<256x128xf32>
    %mul3A_40 = arith.mulf %slice3A_38, %slice3A_39 : vector<256x128xf32>
    %add3A_41 = arith.addf %add3A_37, %mul3A_40 : vector<256x128xf32>
    %slice3A_42 = vector.extract_strided_slice %mul3A_3 {offsets = [0, 1152], sizes = [256, 128], strides = [1, 1]} : vector<256x2048xf32> to vector<256x128xf32>
    %slice3A_43 = vector.extract_strided_slice %mul3A_3 {offsets = [0, 1152], sizes = [256, 128], strides = [1, 1]} : vector<256x2048xf32> to vector<256x128xf32>
    %mul3A_44 = arith.mulf %slice3A_42, %slice3A_43 : vector<256x128xf32>
    %add3A_45 = arith.constant 0.000000e+00 : f32
    %add3A_46 = vector.broadcast %add3A_45 : f32 to vector<256x128xf32>
    %add3A_47 = arith.addf %add3A_46, %mul3A_44 : vector<256x128xf32>
    %slice3A_48 = vector.extract_strided_slice %mul3A_3 {offsets = [0, 1280], sizes = [256, 128], strides = [1, 1]} : vector<256x2048xf32> to vector<256x128xf32>
    %slice3A_49 = vector.extract_strided_slice %mul3A_3 {offsets = [0, 1280], sizes = [256, 128], strides = [1, 1]} : vector<256x2048xf32> to vector<256x128xf32>
    %mul3A_50 = arith.mulf %slice3A_48, %slice3A_49 : vector<256x128xf32>
    %add3A_51 = arith.addf %add3A_47, %mul3A_50 : vector<256x128xf32>
    %slice3A_52 = vector.extract_strided_slice %mul3A_3 {offsets = [0, 1408], sizes = [256, 128], strides = [1, 1]} : vector<256x2048xf32> to vector<256x128xf32>
    %slice3A_53 = vector.extract_strided_slice %mul3A_3 {offsets = [0, 1408], sizes = [256, 128], strides = [1, 1]} : vector<256x2048xf32> to vector<256x128xf32>
    %mul3A_54 = arith.mulf %slice3A_52, %slice3A_53 : vector<256x128xf32>
    %add3A_55 = arith.addf %add3A_51, %mul3A_54 : vector<256x128xf32>
    %slice3A_56 = vector.extract_strided_slice %mul3A_3 {offsets = [0, 1536], sizes = [256, 128], strides = [1, 1]} : vector<256x2048xf32> to vector<256x128xf32>
    %slice3A_57 = vector.extract_strided_slice %mul3A_3 {offsets = [0, 1536], sizes = [256, 128], strides = [1, 1]} : vector<256x2048xf32> to vector<256x128xf32>
    %mul3A_58 = arith.mulf %slice3A_56, %slice3A_57 : vector<256x128xf32>
    %add3A_59 = arith.addf %add3A_55, %mul3A_58 : vector<256x128xf32>
    %slice3A_60 = vector.extract_strided_slice %mul3A_3 {offsets = [0, 1664], sizes = [256, 128], strides = [1, 1]} : vector<256x2048xf32> to vector<256x128xf32>
    %slice3A_61 = vector.extract_strided_slice %mul3A_3 {offsets = [0, 1664], sizes = [256, 128], strides = [1, 1]} : vector<256x2048xf32> to vector<256x128xf32>
    %mul3A_62 = arith.mulf %slice3A_60, %slice3A_61 : vector<256x128xf32>
    %add3A_63 = arith.addf %add3A_59, %mul3A_62 : vector<256x128xf32>
    %slice3A_64 = vector.extract_strided_slice %mul3A_3 {offsets = [0, 1792], sizes = [256, 128], strides = [1, 1]} : vector<256x2048xf32> to vector<256x128xf32>
    %slice3A_65 = vector.extract_strided_slice %mul3A_3 {offsets = [0, 1792], sizes = [256, 128], strides = [1, 1]} : vector<256x2048xf32> to vector<256x128xf32>
    %mul3A_66 = arith.mulf %slice3A_64, %slice3A_65 : vector<256x128xf32>
    %add3A_67 = arith.addf %add3A_63, %mul3A_66 : vector<256x128xf32>
    %slice3A_68 = vector.extract_strided_slice %mul3A_3 {offsets = [0, 1920], sizes = [256, 128], strides = [1, 1]} : vector<256x2048xf32> to vector<256x128xf32>
    %slice3A_69 = vector.extract_strided_slice %mul3A_3 {offsets = [0, 1920], sizes = [256, 128], strides = [1, 1]} : vector<256x2048xf32> to vector<256x128xf32>
    %mul3A_70 = arith.mulf %slice3A_68, %slice3A_69 : vector<256x128xf32>
    %add3A_71 = arith.addf %add3A_67, %mul3A_70 : vector<256x128xf32>
    %slice3A_72 = vector.extract_strided_slice %get3A_6 {offsets = [2, 0], sizes = [1, 128], strides = [1, 1]} : vector<8x128xf32> to vector<1x128xf32>
    %mul3A_73 = vector.broadcast %slice3A_72 : vector<1x128xf32> to vector<256x128xf32>
    %mul3A_74 = arith.mulf %mul3A_9, %mul3A_73 : vector<256x128xf32>
    %add3A_75 = arith.addf %slice3A_8, %mul3A_74 : vector<256x128xf32>
    %slice3A_76 = vector.extract_strided_slice %get3A_6 {offsets = [3, 0], sizes = [1, 128], strides = [1, 1]} : vector<8x128xf32> to vector<1x128xf32>
    %mul3A_77 = vector.broadcast %slice3A_76 : vector<1x128xf32> to vector<256x128xf32>
    %mul3A_78 = arith.mulf %add3A_19, %mul3A_77 : vector<256x128xf32>
    %add3A_79 = arith.addf %add3A_75, %mul3A_78 : vector<256x128xf32>
    %slice3A_80 = vector.extract_strided_slice %get3A_6 {offsets = [4, 0], sizes = [1, 128], strides = [1, 1]} : vector<8x128xf32> to vector<1x128xf32>
    %mul3A_81 = vector.broadcast %slice3A_80 : vector<1x128xf32> to vector<256x128xf32>
    %mul3A_82 = arith.mulf %add3A_41, %mul3A_81 : vector<256x128xf32>
    %add3A_83 = arith.addf %add3A_79, %mul3A_82 : vector<256x128xf32>
    %slice3A_84 = vector.extract_strided_slice %get3A_6 {offsets = [5, 0], sizes = [1, 128], strides = [1, 1]} : vector<8x128xf32> to vector<1x128xf32>
    %mul3A_85 = vector.broadcast %slice3A_84 : vector<1x128xf32> to vector<256x128xf32>
    %mul3A_86 = arith.mulf %add3A_71, %mul3A_85 : vector<256x128xf32>
    %add3A_87 = arith.addf %add3A_83, %mul3A_86 : vector<256x128xf32>
    %mul3A_88 = arith.mulf %add3A_87, %add3A_87 : vector<256x128xf32>
    %mul3A_89 = vector.broadcast %slice3A : vector<1x128xf32> to vector<256x128xf32>
    %mul3A_90 = arith.mulf %mul3A_88, %mul3A_89 : vector<256x128xf32>
    %add3A_91 = arith.addf %add3A_87, %mul3A_90 : vector<256x128xf32>
    %mul3A_92 = arith.mulf %add3A_87, %add3A_87 : vector<256x128xf32>
    %mul3A_93 = arith.mulf %mul3A_92, %add3A_87 : vector<256x128xf32>
    %mul3A_94 = vector.broadcast %slice3A_7 : vector<1x128xf32> to vector<256x128xf32>
    %mul3A_95 = arith.mulf %mul3A_93, %mul3A_94 : vector<256x128xf32>
    %add3A_96 = arith.addf %add3A_91, %mul3A_95 : vector<256x128xf32>
    %get3A_97 = arith.constant 0 : index
    %get3A_98 = arith.constant 0 : index
    %get3A_99 = vector.load %arg4[%get3A_97, %get3A_98] : memref<128x128xf32, #tpu.memory_space<vmem>>, vector<128x128xf32>
    %dot_general3A = arith.constant dense<0.000000e+00> : vector<256x128xf32>
    %dot_general3A_100 = tpu.matmul %add3A_96, %get3A_99, %dot_general3A {dimension_numbers = #tpu.dot_dimension_numbers<[1], [0], [0], [1], [0, 0, 1, 1], [], []>, precision = #tpu.contract_precision<fp32>, transpose_lhs_hint = false} : vector<256x128xf32>, vector<128x128xf32>, vector<256x128xf32> -> vector<256x128xf32>
    %get3A_101 = arith.constant 0 : index
    %get3A_102 = arith.constant 0 : index
    %get3A_103 = vector.load %arg2[%get3A_101, %get3A_102] : memref<256x128xf32, #tpu.memory_space<vmem>>, vector<256x128xf32>
    %neg3A = arith.constant 0.000000e+00 : f32
    %neg3A_104 = vector.broadcast %neg3A : f32 to vector<256x128xf32>
    %neg3A_105 = arith.subf %neg3A_104, %dot_general3A_100 : vector<256x128xf32>
    %exp3A = math.exp %neg3A_105 : vector<256x128xf32>
    %add3A_106 = arith.constant 1.000000e+00 : f32
    %add3A_107 = vector.broadcast %add3A_106 : f32 to vector<256x128xf32>
    %add3A_108 = arith.addf %add3A_107, %exp3A : vector<256x128xf32>
    %div3A = arith.divf %dot_general3A_100, %add3A_108 : vector<256x128xf32>
    %get3A_109 = arith.constant 0 : index
    %get3A_110 = arith.constant 0 : index
    %get3A_111 = vector.load %arg5[%get3A_109, %get3A_110] : memref<128x128xf32, #tpu.memory_space<vmem>>, vector<128x128xf32>
    %dot_general3A_112 = arith.constant dense<0.000000e+00> : vector<256x128xf32>
    %dot_general3A_113 = tpu.matmul %get3A_103, %get3A_111, %dot_general3A_112 {dimension_numbers = #tpu.dot_dimension_numbers<[1], [0], [0], [1], [0, 0, 1, 1], [], []>, precision = #tpu.contract_precision<fp32>, transpose_lhs_hint = false} : vector<256x128xf32>, vector<128x128xf32>, vector<256x128xf32> -> vector<256x128xf32>
    %add3A_114 = arith.addf %div3A, %dot_general3A_113 : vector<256x128xf32>
    %swap3A = arith.constant 0 : index
    %swap3A_115 = arith.constant 0 : index
    %swap3A_116 = vector.load %arg6[%swap3A, %swap3A_115] : memref<256x128xf32, #tpu.memory_space<vmem>>, vector<256x128xf32>
    tpu.vector_store %arg6[%swap3A, %swap3A_115], %add3A_114 {strides = array<i32>} : memref<256x128xf32, #tpu.memory_space<vmem>>, vector<256x128xf32>,
    return
  }
  func.func @transform_0(%arg0: i32) -> (i32, i32) {
    %c0_i32 = arith.constant 0 : i32
    %c0_i32_0 = arith.constant 0 : i32
    return %arg0, %c0_i32 : i32, i32
  }
  func.func @transform_1(%arg0: i32) -> (i32, i32) {
    %c0_i32 = arith.constant 0 : i32
    %c0_i32_0 = arith.constant 0 : i32
    return %arg0, %c0_i32 : i32, i32
  }
  func.func @transform_2(%arg0: i32) -> (i32, i32) {
    %c0_i32 = arith.constant 0 : i32
    %c0_i32_0 = arith.constant 0 : i32
    %c0_i32_1 = arith.constant 0 : i32
    return %c0_i32, %c0_i32_0 : i32, i32
  }
  func.func @transform_3(%arg0: i32) -> (i32, i32) {
    %c0_i32 = arith.constant 0 : i32
    %c0_i32_0 = arith.constant 0 : i32
    %c0_i32_1 = arith.constant 0 : i32
    return %c0_i32, %c0_i32_0 : i32, i32
  }
  func.func @transform_4(%arg0: i32) -> (i32, i32) {
    %c0_i32 = arith.constant 0 : i32
    %c0_i32_0 = arith.constant 0 : i32
    %c0_i32_1 = arith.constant 0 : i32
    return %c0_i32, %c0_i32_0 : i32, i32
  }
  func.func @transform_5(%arg0: i32) -> (i32, i32) {
    %c0_i32 = arith.constant 0 : i32
    %c0_i32_0 = arith.constant 0 : i32
    return %arg0, %c0_i32 : i32, i32
  }
}

module attributes {stable_mosaic.version = 14 : i64} {
  func.func @_readout_kernel(%arg0: i32, %arg1: memref<1024x128xf32, #tpu.memory_space<vmem>>, %arg2: memref<1024x128xf32, #tpu.memory_space<vmem>>, %arg3: memref<1024x1xf32, #tpu.memory_space<vmem>>, %arg4: memref<1x16xf32, #tpu.memory_space<vmem>>, %arg5: memref<1x128xf32, #tpu.memory_space<vmem>>, %arg6: memref<128x16xf32, #tpu.memory_space<vmem>>, %arg7: memref<1x16xf32, #tpu.memory_space<vmem>>, %arg8: memref<1024x1xf32, #tpu.memory_space<vmem>>) attributes {dimension_semantics = [#tpu.dimension_semantics<arbitrary>], iteration_bounds = array<i64: 10>, scalar_prefetch = 0 : i64, scratch_operands = 0 : i64, tpu.core_type = #tpu.core_type<tc>, window_params = [{transform_indices = @transform_0, window_bounds = array<i64: 1024, 128>}, {transform_indices = @transform_1, window_bounds = array<i64: 1024, 128>}, {transform_indices = @transform_2, window_bounds = array<i64: 1024, 1>}, {pipeline_mode = #tpu.pipeline_mode<synchronous>, transform_indices = @transform_3, window_bounds = array<i64: 1, 16>}, {pipeline_mode = #tpu.pipeline_mode<synchronous>, transform_indices = @transform_4, window_bounds = array<i64: 1, 128>}, {pipeline_mode = #tpu.pipeline_mode<synchronous>, transform_indices = @transform_5, window_bounds = array<i64: 128, 16>}, {pipeline_mode = #tpu.pipeline_mode<synchronous>, transform_indices = @transform_6, window_bounds = array<i64: 1, 16>}, {transform_indices = @transform_7, window_bounds = array<i64: 1024, 1>}]} {
    %get3A = arith.constant 0 : index
    %get3A_0 = arith.constant 0 : index
    %get3A_1 = vector.load %arg3[%get3A, %get3A_0] : memref<1024x1xf32, #tpu.memory_space<vmem>>, vector<1024x1xf32>
    %iota3A = tpu.iota {dimensions = array<i32: 1>} : vector<1024x16xi32>
    %convert_element_type3A = arith.sitofp %iota3A : vector<1024x16xi32> to vector<1024x16xf32>
    %eq3A = vector.broadcast %get3A_1 : vector<1024x1xf32> to vector<1024x16xf32>
    %eq3A_2 = arith.cmpf oeq, %eq3A, %convert_element_type3A : vector<1024x16xf32>
    %convert_element_type3A_3 = arith.extui %eq3A_2 : vector<1024x16xi1> to vector<1024x16xi32>
    %convert_element_type3A_4 = arith.sitofp %convert_element_type3A_3 : vector<1024x16xi32> to vector<1024x16xf32>
    %get3A_5 = arith.constant 0 : index
    %get3A_6 = arith.constant 0 : index
    %get3A_7 = vector.load %arg4[%get3A_5, %get3A_6] : memref<1x16xf32, #tpu.memory_space<vmem>>, vector<1x16xf32>
    %mul3A = vector.broadcast %get3A_7 : vector<1x16xf32> to vector<1024x16xf32>
    %mul3A_8 = arith.mulf %convert_element_type3A_4, %mul3A : vector<1024x16xf32>
    %reduce_sum3A = arith.constant dense<0.000000e+00> : vector<1024xf32>
    %reduce_sum3A_9 = vector.multi_reduction <add>, %mul3A_8, %reduce_sum3A [1] : vector<1024x16xf32> to vector<1024xf32>
    %broadcast_in_dim3A = vector.shape_cast %reduce_sum3A_9 : vector<1024xf32> to vector<1024x1xf32>
    %get3A_10 = arith.constant 0 : index
    %get3A_11 = arith.constant 0 : index
    %get3A_12 = vector.load %arg1[%get3A_10, %get3A_11] : memref<1024x128xf32, #tpu.memory_space<vmem>>, vector<1024x128xf32>
    %get3A_13 = arith.constant 0 : index
    %get3A_14 = arith.constant 0 : index
    %get3A_15 = vector.load %arg5[%get3A_13, %get3A_14] : memref<1x128xf32, #tpu.memory_space<vmem>>, vector<1x128xf32>
    %mul3A_16 = vector.broadcast %get3A_15 : vector<1x128xf32> to vector<1024x128xf32>
    %mul3A_17 = arith.mulf %get3A_12, %mul3A_16 : vector<1024x128xf32>
    %reduce_sum3A_18 = arith.constant dense<0.000000e+00> : vector<1024xf32>
    %reduce_sum3A_19 = vector.multi_reduction <add>, %mul3A_17, %reduce_sum3A_18 [1] : vector<1024x128xf32> to vector<1024xf32>
    %broadcast_in_dim3A_20 = vector.shape_cast %reduce_sum3A_19 : vector<1024xf32> to vector<1024x1xf32>
    %get3A_21 = arith.constant 0 : index
    %get3A_22 = arith.constant 0 : index
    %get3A_23 = vector.load %arg2[%get3A_21, %get3A_22] : memref<1024x128xf32, #tpu.memory_space<vmem>>, vector<1024x128xf32>
    %get3A_24 = arith.constant 0 : index
    %get3A_25 = arith.constant 0 : index
    %get3A_26 = vector.load %arg6[%get3A_24, %get3A_25] : memref<128x16xf32, #tpu.memory_space<vmem>>, vector<128x16xf32>
    %dot_general3A = arith.constant dense<0.000000e+00> : vector<1024x16xf32>
    %dot_general3A_27 = tpu.matmul %get3A_23, %get3A_26, %dot_general3A {dimension_numbers = #tpu.dot_dimension_numbers<[1], [0], [0], [1], [0, 0, 1, 1], [], []>, precision = #tpu.contract_precision<fp32>, transpose_lhs_hint = false} : vector<1024x128xf32>, vector<128x16xf32>, vector<1024x16xf32> -> vector<1024x16xf32>
    %neg3A = arith.constant 0.000000e+00 : f32
    %neg3A_28 = vector.broadcast %neg3A : f32 to vector<1024x16xf32>
    %neg3A_29 = arith.subf %neg3A_28, %dot_general3A_27 : vector<1024x16xf32>
    %exp3A = math.exp %neg3A_29 : vector<1024x16xf32>
    %add3A = arith.constant 1.000000e+00 : f32
    %add3A_30 = vector.broadcast %add3A : f32 to vector<1024x16xf32>
    %add3A_31 = arith.addf %add3A_30, %exp3A : vector<1024x16xf32>
    %div3A = arith.divf %dot_general3A_27, %add3A_31 : vector<1024x16xf32>
    %get3A_32 = arith.constant 0 : index
    %get3A_33 = arith.constant 0 : index
    %get3A_34 = vector.load %arg7[%get3A_32, %get3A_33] : memref<1x16xf32, #tpu.memory_space<vmem>>, vector<1x16xf32>
    %mul3A_35 = vector.broadcast %get3A_34 : vector<1x16xf32> to vector<1024x16xf32>
    %mul3A_36 = arith.mulf %div3A, %mul3A_35 : vector<1024x16xf32>
    %reduce_sum3A_37 = arith.constant dense<0.000000e+00> : vector<1024xf32>
    %reduce_sum3A_38 = vector.multi_reduction <add>, %mul3A_36, %reduce_sum3A_37 [1] : vector<1024x16xf32> to vector<1024xf32>
    %broadcast_in_dim3A_39 = vector.shape_cast %reduce_sum3A_38 : vector<1024xf32> to vector<1024x1xf32>
    %add3A_40 = arith.addf %broadcast_in_dim3A, %broadcast_in_dim3A_20 : vector<1024x1xf32>
    %add3A_41 = arith.addf %add3A_40, %broadcast_in_dim3A_39 : vector<1024x1xf32>
    %swap3A = arith.constant 0 : index
    %swap3A_42 = arith.constant 0 : index
    %swap3A_43 = vector.load %arg8[%swap3A, %swap3A_42] : memref<1024x1xf32, #tpu.memory_space<vmem>>, vector<1024x1xf32>
    tpu.vector_store %arg8[%swap3A, %swap3A_42], %add3A_41 {strides = array<i32>} : memref<1024x1xf32, #tpu.memory_space<vmem>>, vector<1024x1xf32>,
    return
  }
  func.func @transform_0(%arg0: i32) -> (i32, i32) {
    %c0_i32 = arith.constant 0 : i32
    %c0_i32_0 = arith.constant 0 : i32
    return %arg0, %c0_i32 : i32, i32
  }
  func.func @transform_1(%arg0: i32) -> (i32, i32) {
    %c0_i32 = arith.constant 0 : i32
    %c0_i32_0 = arith.constant 0 : i32
    return %arg0, %c0_i32 : i32, i32
  }
  func.func @transform_2(%arg0: i32) -> (i32, i32) {
    %c0_i32 = arith.constant 0 : i32
    %c0_i32_0 = arith.constant 0 : i32
    return %arg0, %c0_i32 : i32, i32
  }
  func.func @transform_3(%arg0: i32) -> (i32, i32) {
    %c0_i32 = arith.constant 0 : i32
    %c0_i32_0 = arith.constant 0 : i32
    %c0_i32_1 = arith.constant 0 : i32
    return %c0_i32, %c0_i32_0 : i32, i32
  }
  func.func @transform_4(%arg0: i32) -> (i32, i32) {
    %c0_i32 = arith.constant 0 : i32
    %c0_i32_0 = arith.constant 0 : i32
    %c0_i32_1 = arith.constant 0 : i32
    return %c0_i32, %c0_i32_0 : i32, i32
  }
  func.func @transform_5(%arg0: i32) -> (i32, i32) {
    %c0_i32 = arith.constant 0 : i32
    %c0_i32_0 = arith.constant 0 : i32
    %c0_i32_1 = arith.constant 0 : i32
    return %c0_i32, %c0_i32_0 : i32, i32
  }
  func.func @transform_6(%arg0: i32) -> (i32, i32) {
    %c0_i32 = arith.constant 0 : i32
    %c0_i32_0 = arith.constant 0 : i32
    %c0_i32_1 = arith.constant 0 : i32
    return %c0_i32, %c0_i32_0 : i32, i32
  }
  func.func @transform_7(%arg0: i32) -> (i32, i32) {
    %c0_i32 = arith.constant 0 : i32
    %c0_i32_0 = arith.constant 0 : i32
    return %arg0, %c0_i32 : i32, i32
  }
}

</mosaic_0001>

<sc_bundles>
// kernel: kernel.10.cloned.1.call-start
scs
__scs_entry_jumppad:
0x0: {  	(pc) =	sbr.rel $0x88, $3  }
0x1: {  	(tag) =	ssettag $0x0;
	lr =	simm.s32 $0x1  }
0x2: {  	[smem:$0x3F87] =	sst lr;
	_ =	strace $0xD0000000  }
0x3: {  	_ = 	snop  }
0x4: {  	_ = 	snop  }
0x5: {  	_ = 	snop  }
0x6: {  	_ = 	snop  }
0x7: {  	_ = 	snop  }
__scs_overlays_trampoline_lowered:
0x8: {  	[smem:$0x3F96] =	sst s0  }
0x9: {  	[smem:$0x3F97] =	sst s1  }
0xa: {  	[smem:$0x3F98] =	sst s2  }
0xb: {  	[smem:$0x3F99] =	sst s3  }
0xc: {  	[smem:$0x3F9A] =	sst s4  }
0xd: {  	[smem:$0x3F9B] =	sst s5  }
0xe: {  	[smem:$0x3F9C] =	sst s6  }
0xf: {  	[smem:$0x3F9D] =	sst s7  }
0x10: {  	[smem:$0x3F9E] =	sst s8  }
0x11: {  	[smem:$0x3F9F] =	sst s9;
	s0 =	simm.s32 @!p0 $0x0  }
0x12: {  	s1 =	sld [smem:$0x3F85];
	s0 =	simm.s32 @p0 $0x1  }
0x13: {  	[smem:$0x3FA0] =	sst s0;
	s0 =	simm.s32 @!p1 $0x0  }
0x14: {  	s2 =	sld [smem:$0x3F84];
	s0 =	simm.s32 @p1 $0x1  }
0x15: {  	[smem:$0x3FA1] =	sst s0;
	s0 =	simm.s32 @!p2 $0x0  }
0x16: {  	s3 =	sld [smem:$0x3FDB];
	s0 =	simm.s32 @p2 $0x1  }
0x17: {  	s4 =	simm.s32 $0x1BF5;
	[smem:$0x3FA3] =	sst s0  }
0x18: {  	s0 =	sld [smem:$0x3F86];
	_ =	swait.ge [sflag:s4], $0x0  }
0x19: {  	s7 =	sld [smem:$0x3F87]  }
0x1a: {  	s8 =	sadd.s32 $0xFFFFE003, lr  }
0x1b: {  	s9 =	sadd.s32 $0xFFFFFEF7, lr;
	s5 =	simm.s32 $0xFFFFFFFF;
	p2 =	slt.u32 s8, $0xFFFFF086  }
0x1c: {  	p1 =	slt.u32 s9, $0xF7A;
	s5 =	simm.s32 @!p2 $0x0  }
0x1d: {  	s5 =	simm.s32 @p1 $0x1;
	p0 =	seq.s32 s7, s2  }
0x1e: {  	s7 =	smul.u32 @!p0 $0xF7A, s2;
	p2 =	seq.s32 @!p0 s5, $0x0  }
0x1f: {  	s9 =	smul.u32 $0xF7A, s1;
	s8 =	simm.s32 @!p0 $0x1BF5;
	p2 =	por !p2, p0  }
0x20: {  	[sflag:s8] =	ssyncset.s32 @!p0 $0xFFFFF086;
	s6 =	sadd.s32 @!p0 s3, s7;
	s7 =	simm.s32 @!p0 $0x108  }
0x21: {  	s3 =	sadd.s32 s3, s9;
	s6 =	sadd.s32 @!p0 $0x88, s6;
	s7 =	simm.s32 @p2 $0x1082  }
0x22: {  	[simem:s7], [sflag:s8] =	dma.local @!p0 [hbm:s6], $0xF7A  }
0x23: {  	s9 =	sor.u32 $0xD0000000, s2;
	s6 =	simm.s32 $0x108;
	_ =	swait.ge @!p0 [sflag:s8], $0x0  }
0x24: {  	s3 =	sadd.s32 $0x88, s3;
	s6 =	simm.s32 @!p1 $0x1082;
	[sflag:s4] =	ssyncset.s32 $0xFFFFF086  }
0x25: {  	[simem:s6], [sflag:s4] =	dma.local [hbm:s3], $0xF7A  }
0x26: {  	[smem:$0x3F87] =	sst s1;
	(tag) =	ssettag s2;
	_ =	strace s9  }
0x27: {  	s1 =	sld [smem:$0x3F97]  }
0x28: {  	s2 =	sld [smem:$0x3F98]  }
0x29: {  	s4 =	sld [smem:$0x3F9A]  }
0x2a: {  	p0 =	seq.s32 s5, $0x0;
	s5 =	sld [smem:$0x3F9B]  }
0x2b: {  	s6 =	sld [smem:$0x3F9C]  }
0x2c: {  	s7 =	sld [smem:$0x3F9D]  }
0x2d: {  	s3 =	simm.s32 $0x108;
	s8 =	sld [smem:$0x3F9E]  }
0x2e: {  	s3 =	simm.s32 @!p0 $0x1082;
	s9 =	sld [smem:$0x3F9F]  }
0x2f: {  	lr =	sadd.s32 s0, s3;
	s0 =	sld [smem:$0x3F96]  }
0x30: {  	s3 =	sld [smem:$0x3F99]  }
0x31: {  	[smem:$0x3FA2] =	sst s10  }
0x32: {  	s10 =	sld [smem:$0x3FA0];
	_ =	sdelay $0x3  }
0x33: {  	p0 =	seq.s32 s10, $0x1;
	s10 =	sld [smem:$0x3FA2];
	_ =	sdelay $0x3  }
0x34: {  	[smem:$0x3FA2] =	sst s10  }
0x35: {  	s10 =	sld [smem:$0x3FA1];
	_ =	sdelay $0x3  }
0x36: {  	p1 =	seq.s32 s10, $0x1;
	s10 =	sld [smem:$0x3FA2];
	_ =	sdelay $0x3  }
0x37: {  	[smem:$0x3FA2] =	sst s10  }
0x38: {  	s10 =	sld [smem:$0x3FA3]  }
0x39: {  	_ = 	snop;
	(pc) =	sbr.ind lr, $3  }
0x3a: {  	_ = 	snop  }
0x3b: {  	_ = 	snop  }
0x3c: {  	p2 =	seq.s32 s10, $0x1;
	s10 =	sld [smem:$0x3FA2]  }
0x3d: {  	_ =	shalt  }
0x3e: {  	_ =	shalt  }
0x3f: {  	_ =	shalt  }
0x40: {  	_ =	shalt  }
0x41: {  	_ =	shalt  }
0x42: {  	_ =	shalt  }
0x43: {  	_ =	shalt  }
0x44: {  	_ =	shalt  }
0x45: {  	_ =	shalt  }
0x46: {  	_ =	shalt  }
0x47: {  	_ =	shalt  }
0x48: {  	_ =	shalt  }
0x49: {  	_ =	shalt  }
0x4a: {  	_ =	shalt  }
0x4b: {  	_ =	shalt  }
0x4c: {  	_ =	shalt  }
0x4d: {  	_ =	shalt  }
0x4e: {  	_ =	shalt  }
0x4f: {  	_ =	shalt  }
0x50: {  	_ =	shalt  }
0x51: {  	_ =	shalt  }
0x52: {  	_ =	shalt  }
0x53: {  	_ =	shalt  }
0x54: {  	_ =	shalt  }
0x55: {  	_ =	shalt  }
0x56: {  	_ =	shalt  }
0x57: {  	_ =	shalt  }
0x58: {  	_ =	shalt  }
0x59: {  	_ =	shalt  }
0x5a: {  	_ =	shalt  }
0x5b: {  	_ =	shalt  }
0x5c: {  	_ =	shalt  }
0x5d: {  	_ =	shalt  }
0x5e: {  	_ =	shalt  }
0x5f: {  	_ =	shalt  }
0x60: {  	_ =	shalt  }
0x61: {  	_ =	shalt  }
0x62: {  	_ =	shalt  }
0x63: {  	_ =	shalt  }
0x64: {  	_ =	shalt  }
0x65: {  	_ =	shalt  }
0x66: {  	_ =	shalt  }
0x67: {  	_ =	shalt  }
0x68: {  	_ =	shalt  }
0x69: {  	_ =	shalt  }
0x6a: {  	_ =	shalt  }
0x6b: {  	_ =	shalt  }
0x6c: {  	_ =	shalt  }
0x6d: {  	_ =	shalt  }
0x6e: {  	_ =	shalt  }
0x6f: {  	_ =	shalt  }
0x70: {  	_ =	shalt  }
0x71: {  	_ =	shalt  }
0x72: {  	_ =	shalt  }
0x73: {  	_ =	shalt  }
0x74: {  	_ =	shalt  }
0x75: {  	_ =	shalt  }
0x76: {  	_ =	shalt  }
0x77: {  	_ =	shalt  }
0x78: {  	_ =	shalt  }
0x79: {  	_ =	shalt  }
0x7a: {  	_ =	shalt  }
0x7b: {  	_ =	shalt  }
0x7c: {  	_ =	shalt  }
0x7d: {  	_ =	shalt  }
0x7e: {  	_ =	shalt  }
0x7f: {  	_ =	shalt  }
0x80: {  	_ =	shalt  }
0x81: {  	_ =	shalt  }
0x82: {  	_ =	shalt  }
0x83: {  	_ =	shalt  }
0x84: {  	_ =	shalt  }
0x85: {  	_ =	shalt  }
0x86: {  	_ =	shalt  }
0x87: {  	_ =	shalt  }
.Lfunc_end0:
.L_simem_size_0:
called_computation_lowered:
.L_overlay_start_0:
0x88: {  	s2 =	sld [smem:$0x3FD9]  }
0x89: {  	s3 =	sld [smem:$0x3FFE];
	_ =	sdelay $0x1  }
0x8a: {  	s1 =	srdreg.scid  }
0x8b: {  	s0 =	sand.u32 $0x1, s1  }
0x8c: {  	s16 =	sshll.u32 s0, $0xA;
	s2 =	sadd.s32 s3, s2  }
0x8d: {  	s2 =	sadd.s32 s2, s16  }
0x8e: {  	[smem:$0x3FAE] =	sst s2  }
0x8f: {  	_ = 	snop  }
0x90: {  	(tm) =	ssettm $0x1  }
0x91: {  	s17 =	sld [smem:$0x3FFB];
	_ =	sdelay $0x3  }
0x92: {  	_ =	strace s17  }
0x93: {  	s2 =	sld [smem:$0x3FFC];
	_ =	sdelay $0x3  }
0x94: {  	_ =	strace s2  }
0x95: {  	s2 =	sld [smem:$0x3FFD];
	_ =	sdelay $0x3  }
0x96: {  	_ =	strace s2  }
0x97: {  	_ =	strace $0x8FFFFFFF  }
0x98: {  	s18 =	sld [smem:$0x3FDB];
	_ =	sdelay $0x1  }
0x99: {  	s19 =	simm.s32 $_scs_section_size  }
0x9a: {  	s4 =	simm.s32 $_size__tile_overlayer_lowered;
	s5 =	simm.s32 $_tile_overlayer_lowered  }
0x9b: {  	s22 =	simm.s32 $0x1BFF;
	s21 =	sshll.u32 s5, $0x1;
	s2 =	sadd.s32 s19, s18  }
0x9c: {  	s6 =	simm.s32 $0x0;
	s20 =	sshll.u32 s4, $0x1;
	s4 =	sadd.s32 s21, s2  }
0x9d: {  	[timem:s6], [sflag:s22] =	dma.local [hbm:s4], s20  }
0x9e: {  	_ =	swait.ge [sflag:s22], s20  }
0x9f: {  	s3 =	ssub.s32 $0x0, s20;
	[sflag:s22] =	ssyncset.done $0x0  }
0xa0: {  	[sflag:s22] =	ssyncadd.s32 s3;
	_ =	sdelay $0x1  }
0xa1: {  	s23 =	simm.s32 $0x1B8B  }
0xa2: {  	_ =	swait.ge [sflag:s23], $0x1  }
0xa3: {  	[sflag:s23] =	ssyncset.done $0x0  }
0xa4: {  	s25 =	simm.s32 $0x1B8E;
	s24 =	sld [smem:$0x3FFE];
	[sflag:s23] =	ssyncadd.s32 $0xFFFFFFFF  }
0xa5: {  	s26 =	simm.s32 $execute0_lowered;
	[smem:$0x3FD2] =	sst s25  }
0xa6: {  	s4 =	sshll.u32 s26, $0x1;
	_ =	strace $0x80000046;
	[dreg:$0x1] =	wrdreg $0xFFFFFFFF  }
0xa7: {  	s28 =	simm.s32 $_size_execute0_lowered;
	s2 =	sadd.s32 s2, s4;
	[dreg:$0x0] =	wrdreg $0x0  }
0xa8: {  	s4 =	sshll.u32 s28, $0x1;
	[dreg:$0x2] =	wrdreg s2  }
0xa9: {  	[dreg:$0x3] =	wrdreg s4  }
0xaa: {  	[dreg:$0x4] =	wrdreg $0xC0  }
0xab: {  	_ =	task [dreg:s6], $0x5FFFF  }
0xac: {  	[dreg:$0x1] =	wrdreg $0xFFFFFFFF  }
0xad: {  	[dreg:$0x0] =	wrdreg $0x60  }
0xae: {  	[dreg:$0x2] =	wrdreg s24  }
0xaf: {  	[dreg:$0x3] =	wrdreg $0x9  }
0xb0: {  	_ =	task.clear_ibuf [dreg:s6], $0x4FFFF;
	_ =	strace $0x90000046  }
0xb1: {  	s29 =	simm.s32 $0x9;
	_ =	strace $0x80000048  }
0xb2: {  	_ =	swait.ge [sflag:s29], $0x1  }
0xb3: {  	[sflag:s29] =	ssyncadd.s32 $0xFFFFFFFF  }
0xb4: {  	_ =	strace $0x90000048  }
0xb5: {  	_ =	sfence  }
0xb6: {  	s30 =	sld [smem:$0x0];
	_ =	sdelay $0x2  }
0xb7: {  	s31 =	sshll.u32 s1, $0xD;
	s1 =	sshrl.u32 s1, $0x2  }
0xb8: {  	s3 =	sand.u32 $0x4000, s31;
	s1 =	sadd.s32 s1, s30  }
0xb9: {  	s0 =	sor.u32 s3, s0;
	s1 =	sshll.u32 s1, $0x11  }
0xba: {  	s0 =	sor.u32 s1, s0  }
0xbb: {  	s0 =	sadd.s32 $0x8F2B, s0  }
0xbc: {  	[sflag:s0] =	ssyncadd.remote.s32 $0x1  }
0xbd: {  	_ =	sfence.sel $0xFFFF  }
0xbe: {  	[dreg:$0x0] =	wrdreg $0xFFFFFFFF;
	(pc) =	sbr.abs _section_cstart, $3  }
0xbf: {  	[dreg:$0x1] =	wrdreg $0xFFFFFFFF  }
0xc0: {  	_ =	task.clear_ibuf [dreg:s6], $0x2FFFF;
	_ =	strace $0x9FFFFFFF  }
0xc1: {  	(tm) =	ssettm $0x7FFFFFFF  }
tec
execute0_lowered:
.L_overlay_start_1:
0x0: {  	(tag) =	ssettag $0x1  }
0x1: {  	s4 =	rddreg [dreg:$0x0]  }
0x2: {  	s0 =	rddreg [dreg:$0x1];
	s1 =	stileid.u32  }
0x3: {  	s3 =	srdreg.scid;
	s2 =	simm.s32 $0x0;
	s6 =	smul.u32 $0x2800, s1  }
0x4: {  	s11 =	simm.s32 $0x1;
	s5 =	sand.u32 $0x1, s3;
	s8 =	smul.u32 $0x5000, s1  }
0x5: {  	s12 =	simm.s32 $0x0;
	[smem:$0x7FF] =	sst s2;
	s7 =	smul.u32 $0x1400, s5  }
0x6: {  	s3 =	sadd.s32 $0x3800, s4;
	s29 =	ssub.s32 $0x2, s5;
	s5 =	smul.u32 $0x2800, s5  }
0x7: {  	_ =	strace $0x80000047;
	s8 =	sadd.s32 s8, s4;
	s9 =	sshrl.u32 s29, $0x1  }
0x8: {  	s6 =	sadd.s32 s7, s6;
	s30 =	ssub.s32 s29, s9;
	s31 =	sadd.s32 s5, s8  }
0x9: {  	s9 =	simm.s32 $0x2;
	s6 =	sshrl.u32 s6, $0x3;
	s5 =	sadd.s32 $0x12800, s31  }
0xa: {  	s10 =	sadd.s32 s6, s4;
	s4 =	smax.u32 s30, $0x1;
	s6 =	sadd.s32 $0x62800, s31  }
0xb: {  	s7 =	sadd.s32 $0x8800, s10;
	s8 =	sadd.s32 $0xD800, s10;
	s10 =	simm.s32 $0x80  }
.LBB2_1:
0xc: {  	s13 =	sadd.s32 $0x0, s8  }
0xd: {  	[tilespmem:s2], [sflag:$0x2] =	stream.linear.gather [hbm4b:s13+s2], $0x80, $0x38;
	[tilespmem:$0x880] =	vst v63  }
0xe: {  	_ =	swait.ge [sflag:s9], $0x80  }
0xf: {  	[sflag:s9] =	ssyncset.done $0x0  }
0x10: {  	[sflag:s9] =	ssyncadd.s32 $0xFFFFFF80  }
0x11: {  	[tilespmem:s10], [sflag:$0x1] =	stream.indirect.gather [hbm4b:s3+s10], $0x10, s2, s10, $0xb8;
	[tilespmem:$0x880] =	vst v63  }
0x12: {  	_ =	swait.ge [sflag:s11], $0x800  }
0x13: {  	[sflag:s11] =	ssyncset.done $0x0  }
0x14: {  	[sflag:s11] =	ssyncadd.s32 $0xFFFFF800  }
0x15: {  	[hbm4b:s6+s2] =	stream.linear.scatter [tilespmem:s10], [sflag:$0x2], $0x800, $0x38;
	[tilespmem:$0x880] =	vst v63  }
0x16: {  	_ =	swait.ge [sflag:s9], $0x800  }
0x17: {  	[sflag:s9] =	ssyncset.done $0x0  }
0x18: {  	s31 =	sadd.s32 $0x0, s7;
	[sflag:s9] =	ssyncadd.s32 $0xFFFFF800  }
0x19: {  	[tilespmem:s2], [sflag:$0x2] =	stream.linear.gather [hbm4b:s31+s2], $0x80, $0x38;
	[tilespmem:$0x880] =	vst v63  }
0x1a: {  	_ =	swait.ge [sflag:s9], $0x80  }
0x1b: {  	[sflag:s9] =	ssyncset.done $0x0  }
0x1c: {  	[sflag:s9] =	ssyncadd.s32 $0xFFFFFF80  }
0x1d: {  	[tilespmem:s10], [sflag:$0x1] =	stream.indirect.gather [hbm4b:s3+s10], $0x10, s2, s10, $0xb8;
	[tilespmem:$0x880] =	vst v63  }
0x1e: {  	_ =	swait.ge [sflag:s11], $0x800  }
0x1f: {  	[sflag:s11] =	ssyncset.done $0x0  }
0x20: {  	[sflag:s11] =	ssyncadd.s32 $0xFFFFF800  }
0x21: {  	[hbm4b:s5+s2] =	stream.linear.scatter [tilespmem:s10], [sflag:$0x2], $0x800, $0x38;
	[tilespmem:$0x880] =	vst v63  }
0x22: {  	s14 =	simm.s32 $0x10;
	s16 =	simm.s32 $0x20;
	_ =	swait.ge [sflag:s9], $0x800  }
0x23: {  	s15 =	sadd.s32 $0x100, s6;
	s13 =	sadd.s32 $0x100, s5;
	[sflag:s9] =	ssyncset.done $0x0  }
.LBB2_2:
0x24: {  	s17 =	sadd.s32 s14, s8  }
0x25: {  	[sflag:s9] =	ssyncadd.s32 $0xFFFFF800;
	s18 =	smov.u32 s16;
	s19 =	sadd.s32 $0x10, s16  }
0x26: {  	[tilespmem:s2], [sflag:$0x2] =	stream.linear.gather [hbm4b:s17+s2], $0x80, $0x38;
	[tilespmem:$0x880] =	vst v63  }
0x27: {  	p0 =	sne.s32 s16, $0x270;
	_ =	swait.ge [sflag:s9], $0x80  }
0x28: {  	[sflag:s9] =	ssyncset.done $0x0  }
0x29: {  	[sflag:s9] =	ssyncadd.s32 $0xFFFFFF80  }
0x2a: {  	[tilespmem:s10], [sflag:$0x1] =	stream.indirect.gather [hbm4b:s3+s10], $0x10, s2, s10, $0xb8;
	[tilespmem:$0x880] =	vst v63  }
0x2b: {  	_ =	swait.ge [sflag:s11], $0x800  }
0x2c: {  	[sflag:s11] =	ssyncset.done $0x0  }
0x2d: {  	[sflag:s11] =	ssyncadd.s32 $0xFFFFF800  }
0x2e: {  	[hbm4b:s15+s2] =	stream.linear.scatter [tilespmem:s10], [sflag:$0x2], $0x800, $0x38;
	[tilespmem:$0x880] =	vst v63  }
0x2f: {  	_ =	swait.ge [sflag:s9], $0x800  }
0x30: {  	[sflag:s9] =	ssyncset.done $0x0  }
0x31: {  	s16 =	sadd.s32 s14, s7;
	s14 =	smov.u32 s18;
	[sflag:s9] =	ssyncadd.s32 $0xFFFFF800  }
0x32: {  	[tilespmem:s2], [sflag:$0x2] =	stream.linear.gather [hbm4b:s16+s2], $0x80, $0x38;
	[tilespmem:$0x880] =	vst v63  }
0x33: {  	_ =	swait.ge [sflag:s9], $0x80  }
0x34: {  	[sflag:s9] =	ssyncset.done $0x0  }
0x35: {  	[sflag:s9] =	ssyncadd.s32 $0xFFFFFF80  }
0x36: {  	[tilespmem:s10], [sflag:$0x1] =	stream.indirect.gather [hbm4b:s3+s10], $0x10, s2, s10, $0xb8;
	[tilespmem:$0x880] =	vst v63  }
0x37: {  	_ =	swait.ge [sflag:s11], $0x800  }
.Ltmp0:
0x38: {  	[sflag:s11] =	ssyncset.done $0x0;
	(pc) =	sbr.rel @p0 .LBB2_2-.Ltmp0, $4  }
0x39: {  	[sflag:s11] =	ssyncadd.s32 $0xFFFFF800  }
0x3a: {  	[hbm4b:s13+s2] =	stream.linear.scatter [tilespmem:s10], [sflag:$0x2], $0x800, $0x38;
	[tilespmem:$0x880] =	vst v63  }
0x3b: {  	s15 =	sadd.s32 $0x100, s15;
	_ =	swait.ge [sflag:s9], $0x800  }
0x3c: {  	s16 =	smov.u32 s19;
	s13 =	sadd.s32 $0x100, s13;
	[sflag:s9] =	ssyncset.done $0x0  }
0x3d: {  	s16 =	sadd.s32 s14, s8;
	[sflag:s9] =	ssyncadd.s32 $0xFFFFF800  }
0x3e: {  	[tilespmem:s2], [sflag:$0x2] =	stream.linear.gather [hbm4b:s16+s2], $0x80, $0x38;
	[tilespmem:$0x880] =	vst v63  }
0x3f: {  	_ =	swait.ge [sflag:s9], $0x80  }
0x40: {  	[sflag:s9] =	ssyncset.done $0x0  }
0x41: {  	[sflag:s9] =	ssyncadd.s32 $0xFFFFFF80  }
0x42: {  	[tilespmem:s10], [sflag:$0x1] =	stream.indirect.gather [hbm4b:s3+s10], $0x10, s2, s10, $0xb8;
	[tilespmem:$0x880] =	vst v63  }
0x43: {  	_ =	swait.ge [sflag:s11], $0x800  }
0x44: {  	[sflag:s11] =	ssyncset.done $0x0  }
0x45: {  	[sflag:s11] =	ssyncadd.s32 $0xFFFFF800  }
0x46: {  	[hbm4b:s15+s2] =	stream.linear.scatter [tilespmem:s10], [sflag:$0x2], $0x800, $0x38;
	[tilespmem:$0x880] =	vst v63  }
0x47: {  	_ =	swait.ge [sflag:s9], $0x800  }
0x48: {  	[sflag:s9] =	ssyncset.done $0x0  }
0x49: {  	s31 =	sadd.s32 s14, s7;
	[sflag:s9] =	ssyncadd.s32 $0xFFFFF800  }
0x4a: {  	[tilespmem:s2], [sflag:$0x2] =	stream.linear.gather [hbm4b:s31+s2], $0x80, $0x38;
	[tilespmem:$0x880] =	vst v63  }
0x4b: {  	_ =	swait.ge [sflag:s9], $0x80  }
0x4c: {  	[sflag:s9] =	ssyncset.done $0x0  }
0x4d: {  	[sflag:s9] =	ssyncadd.s32 $0xFFFFFF80  }
0x4e: {  	[tilespmem:s10], [sflag:$0x1] =	stream.indirect.gather [hbm4b:s3+s10], $0x10, s2, s10, $0xb8;
	[tilespmem:$0x880] =	vst v63  }
0x4f: {  	s12 =	sadd.s32 $0x1, s12;
	_ =	swait.ge [sflag:s11], $0x800  }
0x50: {  	p0 =	sne.s32 s12, s4;
	[sflag:s11] =	ssyncset.done $0x0  }
.Ltmp1:
0x51: {  	[sflag:s11] =	ssyncadd.s32 $0xFFFFF800;
	(pc) =	sbr.rel @p0 .LBB2_1-.Ltmp1, $4  }
0x52: {  	[hbm4b:s13+s2] =	stream.linear.scatter [tilespmem:s10], [sflag:$0x2], $0x800, $0x38;
	[tilespmem:$0x880] =	vst v63  }
0x53: {  	_ =	swait.ge [sflag:s9], $0x800  }
0x54: {  	[sflag:s9] =	ssyncset.done $0x0  }
0x55: {  	[sflag:s9] =	ssyncadd.s32 $0xFFFFF800  }
0x56: {  	_ =	sfence.sel $0x180000  }
0x57: {  	[bflag:$0x0] =	sbarrier.arrive $0xFFFF  }
0x58: {  	p0 =	sne.s32 s1, $0x0;
	_ =	strace $0x90000047  }
0x59: {  	s0 =	sadd.s32 @!p0 $0x100000, s0;
	[bflag:$0x2] =	sbarrier.arrive $0xFFFF  }
0x5a: {  	[sflag:s0] =	ssyncadd.tile.s32 @!p0 $0x1;
	_ =	shalt  }
.Lfunc_end2:
_tile_overlayer_lowered:
.L_overlay_start_2:
0x5b: {  	(tag) =	ssettag $0x2  }
0x5c: {  	s0 =	rddreg [dreg:$0x0];
	s2 =	stileid.u32  }
0x5d: {  	s1 =	rddreg [dreg:$0x1];
	p0 =	sne.s32 s2, $0x0  }
0x5e: {  	s3 =	rddreg [dreg:$0x2];
	[bflag:$0x3] =	sbarrier.arrive $0xFFFF;
	s2 =	simm.s32 @!p0 $0x1C02  }
0x5f: {  	[timem:s3], [sflag:s2] =	dma.local @!p0 [hbm:s0], s1  }
0x60: {  	s0 =	simm.s32 @!p0 $0x2  }
0x61: {  	_ =	swait.ge @!p0 [sflag:s0], s1  }
0x62: {  	s1 =	ssub.s32 @!p0 $0x0, s1;
	[sflag:s0] =	ssyncset.done @!p0 $0x0  }
0x63: {  	[sflag:s0] =	ssyncadd.s32 @!p0 s1  }
0x64: {  	[bflag:$0x3] =	sbarrier.arrive $0xFFFF  }
0x65: {  	_ =	shalt  }

// kernel: kernel.13.cloned.1.call-start
scs
__scs_entry_jumppad:
0x0: {  	(pc) =	sbr.rel $0x88, $3  }
0x1: {  	(tag) =	ssettag $0x0;
	lr =	simm.s32 $0x1  }
0x2: {  	[smem:$0x3F87] =	sst lr;
	_ =	strace $0xD0000000  }
0x3: {  	_ = 	snop  }
0x4: {  	_ = 	snop  }
0x5: {  	_ = 	snop  }
0x6: {  	_ = 	snop  }
0x7: {  	_ = 	snop  }
__scs_overlays_trampoline_lowered:
0x8: {  	[smem:$0x3F96] =	sst s0  }
0x9: {  	[smem:$0x3F97] =	sst s1  }
0xa: {  	[smem:$0x3F98] =	sst s2  }
0xb: {  	[smem:$0x3F99] =	sst s3  }
0xc: {  	[smem:$0x3F9A] =	sst s4  }
0xd: {  	[smem:$0x3F9B] =	sst s5  }
0xe: {  	[smem:$0x3F9C] =	sst s6  }
0xf: {  	[smem:$0x3F9D] =	sst s7  }
0x10: {  	[smem:$0x3F9E] =	sst s8  }
0x11: {  	[smem:$0x3F9F] =	sst s9;
	s0 =	simm.s32 @!p0 $0x0  }
0x12: {  	s1 =	sld [smem:$0x3F85];
	s0 =	simm.s32 @p0 $0x1  }
0x13: {  	[smem:$0x3FA0] =	sst s0;
	s0 =	simm.s32 @!p1 $0x0  }
0x14: {  	s2 =	sld [smem:$0x3F84];
	s0 =	simm.s32 @p1 $0x1  }
0x15: {  	[smem:$0x3FA1] =	sst s0;
	s0 =	simm.s32 @!p2 $0x0  }
0x16: {  	s3 =	sld [smem:$0x3FDB];
	s0 =	simm.s32 @p2 $0x1  }
0x17: {  	s4 =	simm.s32 $0x1BF5;
	[smem:$0x3FA3] =	sst s0  }
0x18: {  	s0 =	sld [smem:$0x3F86];
	_ =	swait.ge [sflag:s4], $0x0  }
0x19: {  	s7 =	sld [smem:$0x3F87]  }
0x1a: {  	s8 =	sadd.s32 $0xFFFFE003, lr  }
0x1b: {  	s9 =	sadd.s32 $0xFFFFFEF7, lr;
	s5 =	simm.s32 $0xFFFFFFFF;
	p2 =	slt.u32 s8, $0xFFFFF086  }
0x1c: {  	p1 =	slt.u32 s9, $0xF7A;
	s5 =	simm.s32 @!p2 $0x0  }
0x1d: {  	s5 =	simm.s32 @p1 $0x1;
	p0 =	seq.s32 s7, s2  }
0x1e: {  	s7 =	smul.u32 @!p0 $0xF7A, s2;
	p2 =	seq.s32 @!p0 s5, $0x0  }
0x1f: {  	s9 =	smul.u32 $0xF7A, s1;
	s8 =	simm.s32 @!p0 $0x1BF5;
	p2 =	por !p2, p0  }
0x20: {  	[sflag:s8] =	ssyncset.s32 @!p0 $0xFFFFF086;
	s6 =	sadd.s32 @!p0 s3, s7;
	s7 =	simm.s32 @!p0 $0x108  }
0x21: {  	s3 =	sadd.s32 s3, s9;
	s6 =	sadd.s32 @!p0 $0x88, s6;
	s7 =	simm.s32 @p2 $0x1082  }
0x22: {  	[simem:s7], [sflag:s8] =	dma.local @!p0 [hbm:s6], $0xF7A  }
0x23: {  	s9 =	sor.u32 $0xD0000000, s2;
	s6 =	simm.s32 $0x108;
	_ =	swait.ge @!p0 [sflag:s8], $0x0  }
0x24: {  	s3 =	sadd.s32 $0x88, s3;
	s6 =	simm.s32 @!p1 $0x1082;
	[sflag:s4] =	ssyncset.s32 $0xFFFFF086  }
0x25: {  	[simem:s6], [sflag:s4] =	dma.local [hbm:s3], $0xF7A  }
0x26: {  	[smem:$0x3F87] =	sst s1;
	(tag) =	ssettag s2;
	_ =	strace s9  }
0x27: {  	s1 =	sld [smem:$0x3F97]  }
0x28: {  	s2 =	sld [smem:$0x3F98]  }
0x29: {  	s4 =	sld [smem:$0x3F9A]  }
0x2a: {  	p0 =	seq.s32 s5, $0x0;
	s5 =	sld [smem:$0x3F9B]  }
0x2b: {  	s6 =	sld [smem:$0x3F9C]  }
0x2c: {  	s7 =	sld [smem:$0x3F9D]  }
0x2d: {  	s3 =	simm.s32 $0x108;
	s8 =	sld [smem:$0x3F9E]  }
0x2e: {  	s3 =	simm.s32 @!p0 $0x1082;
	s9 =	sld [smem:$0x3F9F]  }
0x2f: {  	lr =	sadd.s32 s0, s3;
	s0 =	sld [smem:$0x3F96]  }
0x30: {  	s3 =	sld [smem:$0x3F99]  }
0x31: {  	[smem:$0x3FA2] =	sst s10  }
0x32: {  	s10 =	sld [smem:$0x3FA0];
	_ =	sdelay $0x3  }
0x33: {  	p0 =	seq.s32 s10, $0x1;
	s10 =	sld [smem:$0x3FA2];
	_ =	sdelay $0x3  }
0x34: {  	[smem:$0x3FA2] =	sst s10  }
0x35: {  	s10 =	sld [smem:$0x3FA1];
	_ =	sdelay $0x3  }
0x36: {  	p1 =	seq.s32 s10, $0x1;
	s10 =	sld [smem:$0x3FA2];
	_ =	sdelay $0x3  }
0x37: {  	[smem:$0x3FA2] =	sst s10  }
0x38: {  	s10 =	sld [smem:$0x3FA3]  }
0x39: {  	_ = 	snop;
	(pc) =	sbr.ind lr, $3  }
0x3a: {  	_ = 	snop  }
0x3b: {  	_ = 	snop  }
0x3c: {  	p2 =	seq.s32 s10, $0x1;
	s10 =	sld [smem:$0x3FA2]  }
0x3d: {  	_ =	shalt  }
0x3e: {  	_ =	shalt  }
0x3f: {  	_ =	shalt  }
0x40: {  	_ =	shalt  }
0x41: {  	_ =	shalt  }
0x42: {  	_ =	shalt  }
0x43: {  	_ =	shalt  }
0x44: {  	_ =	shalt  }
0x45: {  	_ =	shalt  }
0x46: {  	_ =	shalt  }
0x47: {  	_ =	shalt  }
0x48: {  	_ =	shalt  }
0x49: {  	_ =	shalt  }
0x4a: {  	_ =	shalt  }
0x4b: {  	_ =	shalt  }
0x4c: {  	_ =	shalt  }
0x4d: {  	_ =	shalt  }
0x4e: {  	_ =	shalt  }
0x4f: {  	_ =	shalt  }
0x50: {  	_ =	shalt  }
0x51: {  	_ =	shalt  }
0x52: {  	_ =	shalt  }
0x53: {  	_ =	shalt  }
0x54: {  	_ =	shalt  }
0x55: {  	_ =	shalt  }
0x56: {  	_ =	shalt  }
0x57: {  	_ =	shalt  }
0x58: {  	_ =	shalt  }
0x59: {  	_ =	shalt  }
0x5a: {  	_ =	shalt  }
0x5b: {  	_ =	shalt  }
0x5c: {  	_ =	shalt  }
0x5d: {  	_ =	shalt  }
0x5e: {  	_ =	shalt  }
0x5f: {  	_ =	shalt  }
0x60: {  	_ =	shalt  }
0x61: {  	_ =	shalt  }
0x62: {  	_ =	shalt  }
0x63: {  	_ =	shalt  }
0x64: {  	_ =	shalt  }
0x65: {  	_ =	shalt  }
0x66: {  	_ =	shalt  }
0x67: {  	_ =	shalt  }
0x68: {  	_ =	shalt  }
0x69: {  	_ =	shalt  }
0x6a: {  	_ =	shalt  }
0x6b: {  	_ =	shalt  }
0x6c: {  	_ =	shalt  }
0x6d: {  	_ =	shalt  }
0x6e: {  	_ =	shalt  }
0x6f: {  	_ =	shalt  }
0x70: {  	_ =	shalt  }
0x71: {  	_ =	shalt  }
0x72: {  	_ =	shalt  }
0x73: {  	_ =	shalt  }
0x74: {  	_ =	shalt  }
0x75: {  	_ =	shalt  }
0x76: {  	_ =	shalt  }
0x77: {  	_ =	shalt  }
0x78: {  	_ =	shalt  }
0x79: {  	_ =	shalt  }
0x7a: {  	_ =	shalt  }
0x7b: {  	_ =	shalt  }
0x7c: {  	_ =	shalt  }
0x7d: {  	_ =	shalt  }
0x7e: {  	_ =	shalt  }
0x7f: {  	_ =	shalt  }
0x80: {  	_ =	shalt  }
0x81: {  	_ =	shalt  }
0x82: {  	_ =	shalt  }
0x83: {  	_ =	shalt  }
0x84: {  	_ =	shalt  }
0x85: {  	_ =	shalt  }
0x86: {  	_ =	shalt  }
0x87: {  	_ =	shalt  }
.Lfunc_end0:
.L_simem_size_0:
called_computation.1_lowered:
.L_overlay_start_0:
0x88: {  	s2 =	sld [smem:$0x3FD9]  }
0x89: {  	s3 =	sld [smem:$0x3FFE];
	_ =	sdelay $0x1  }
0x8a: {  	s1 =	srdreg.scid  }
0x8b: {  	s0 =	sand.u32 $0x1, s1  }
0x8c: {  	s16 =	sshll.u32 s0, $0xA;
	s2 =	sadd.s32 s3, s2  }
0x8d: {  	s2 =	sadd.s32 s2, s16  }
0x8e: {  	[smem:$0x3FAE] =	sst s2  }
0x8f: {  	_ = 	snop  }
0x90: {  	(tm) =	ssettm $0x1  }
0x91: {  	s17 =	sld [smem:$0x3FFB];
	_ =	sdelay $0x3  }
0x92: {  	_ =	strace s17  }
0x93: {  	s2 =	sld [smem:$0x3FFC];
	_ =	sdelay $0x3  }
0x94: {  	_ =	strace s2  }
0x95: {  	s2 =	sld [smem:$0x3FFD];
	_ =	sdelay $0x3  }
0x96: {  	_ =	strace s2  }
0x97: {  	_ =	strace $0x8FFFFFFF  }
0x98: {  	s18 =	sld [smem:$0x3FDB];
	_ =	sdelay $0x1  }
0x99: {  	s19 =	simm.s32 $_scs_section_size  }
0x9a: {  	s4 =	simm.s32 $_size__tile_overlayer_lowered;
	s5 =	simm.s32 $_tile_overlayer_lowered  }
0x9b: {  	s22 =	simm.s32 $0x1BFF;
	s21 =	sshll.u32 s5, $0x1;
	s2 =	sadd.s32 s19, s18  }
0x9c: {  	s6 =	simm.s32 $0x0;
	s20 =	sshll.u32 s4, $0x1;
	s4 =	sadd.s32 s21, s2  }
0x9d: {  	[timem:s6], [sflag:s22] =	dma.local [hbm:s4], s20  }
0x9e: {  	_ =	swait.ge [sflag:s22], s20  }
0x9f: {  	s3 =	ssub.s32 $0x0, s20;
	[sflag:s22] =	ssyncset.done $0x0  }
0xa0: {  	[sflag:s22] =	ssyncadd.s32 s3;
	_ =	sdelay $0x1  }
0xa1: {  	s23 =	simm.s32 $0x1B8B  }
0xa2: {  	_ =	swait.ge [sflag:s23], $0x1  }
0xa3: {  	[sflag:s23] =	ssyncset.done $0x0  }
0xa4: {  	s25 =	simm.s32 $0x1B8E;
	s24 =	sld [smem:$0x3FFE];
	[sflag:s23] =	ssyncadd.s32 $0xFFFFFFFF  }
0xa5: {  	s26 =	simm.s32 $execute0_lowered;
	[smem:$0x3FD2] =	sst s25  }
0xa6: {  	s4 =	sshll.u32 s26, $0x1;
	_ =	strace $0x80000049;
	[dreg:$0x1] =	wrdreg $0xFFFFFFFF  }
0xa7: {  	s28 =	simm.s32 $_size_execute0_lowered;
	s2 =	sadd.s32 s2, s4;
	[dreg:$0x0] =	wrdreg $0x0  }
0xa8: {  	s4 =	sshll.u32 s28, $0x1;
	[dreg:$0x2] =	wrdreg s2  }
0xa9: {  	[dreg:$0x3] =	wrdreg s4  }
0xaa: {  	[dreg:$0x4] =	wrdreg $0xC0  }
0xab: {  	_ =	task [dreg:s6], $0x5FFFF  }
0xac: {  	[dreg:$0x1] =	wrdreg $0xFFFFFFFF  }
0xad: {  	[dreg:$0x0] =	wrdreg $0x60  }
0xae: {  	[dreg:$0x2] =	wrdreg s24  }
0xaf: {  	[dreg:$0x3] =	wrdreg $0x111300  }
0xb0: {  	[dreg:$0x4] =	wrdreg $0x9  }
0xb1: {  	_ =	task.clear_ibuf [dreg:s6], $0x5FFFF;
	_ =	strace $0x90000049  }
0xb2: {  	s29 =	simm.s32 $0x9;
	_ =	strace $0x8000004B  }
0xb3: {  	_ =	swait.ge [sflag:s29], $0x1  }
0xb4: {  	[sflag:s29] =	ssyncadd.s32 $0xFFFFFFFF  }
0xb5: {  	_ =	strace $0x9000004B  }
0xb6: {  	_ =	sfence  }
0xb7: {  	s30 =	sld [smem:$0x0];
	_ =	sdelay $0x2  }
0xb8: {  	s31 =	sshll.u32 s1, $0xD;
	s1 =	sshrl.u32 s1, $0x2  }
0xb9: {  	s3 =	sand.u32 $0x4000, s31;
	s1 =	sadd.s32 s1, s30  }
0xba: {  	s0 =	sor.u32 s3, s0;
	s1 =	sshll.u32 s1, $0x11  }
0xbb: {  	s0 =	sor.u32 s1, s0  }
0xbc: {  	s0 =	sadd.s32 $0x8F2B, s0  }
0xbd: {  	[sflag:s0] =	ssyncadd.remote.s32 $0x1  }
0xbe: {  	_ =	sfence.sel $0xFFFF  }
0xbf: {  	[dreg:$0x0] =	wrdreg $0xFFFFFFFF;
	(pc) =	sbr.abs _section_cstart, $3  }
0xc0: {  	[dreg:$0x1] =	wrdreg $0xFFFFFFFF  }
0xc1: {  	_ =	task.clear_ibuf [dreg:s6], $0x2FFFF;
	_ =	strace $0x9FFFFFFF  }
0xc2: {  	(tm) =	ssettm $0x7FFFFFFF  }
0xc3: {  	_ =	shalt  }
tec
execute0_lowered:
.L_overlay_start_1:
0x0: {  	(tag) =	ssettag $0x1  }
0x1: {  	s0 =	rddreg [dreg:$0x0]  }
0x2: {  	s2 =	rddreg [dreg:$0x1];
	s12 =	simm.s32 $0x0;
	s9 =	stileid.u32  }
0x3: {  	s1 =	srdreg.scid;
	s20 =	simm.s32 $0x3;
	s21 =	simm.s32 $0x2810  }
0x4: {  	s22 =	simm.s32 $0x10130;
	s23 =	simm.s32 $0x5020;
	s24 =	simm.s32 $0x1  }
0x5: {  	s28 =	simm.s32 $0x2;
	s29 =	simm.s32 $0x8130;
	[smem:$0x7FF] =	sst s12  }
0x6: {  	s4 =	smul.u32 $0x2800, s9;
	s5 =	sadd.s32 $0xDA800, s0;
	s1 =	sand.u32 $0x1, s1  }
0x7: {  	s7 =	sshll.u32 s9, $0xC;
	s6 =	sadd.s32 $0x12800, s0;
	s30 =	sshll.u32 s9, $0xF  }
0x8: {  	_ =	strace $0x8000004A;
	s8 =	ssub.s32 $0x2, s1;
	s1 =	sshll.u32 s1, $0x8  }
0x9: {  	s10 =	sadd.s32 s30, s2;
	s3 =	sshrl.u32 s4, $0x3;
	s25 =	sshrl.u32 s8, $0x1  }
0xa: {  	[dreg:$0x6] =	wrdreg s1;
	s13 =	sadd.s32 $0x1000, s10;
	s14 =	sadd.s32 $0x2000, s10  }
0xb: {  	s15 =	sadd.s32 $0x3000, s10;
	s16 =	sadd.s32 $0x4000, s10;
	s17 =	sadd.s32 $0x5000, s10  }
.Ltmp0:
0xc: {  	s18 =	sadd.s32 $0x6000, s10;
	s3 =	sadd.s32 s3, s0;
	(pc) =	sbr.rel .LBB2_1-.Ltmp0, $4  }
0xd: {  	s19 =	sadd.s32 $0x7000, s10;
	s0 =	sadd.s32 s7, s0;
	s26 =	sadd.s32 $0xD800, s3  }
0xe: {  	s7 =	ssub.s32 s8, s25;
	s3 =	sadd.s32 $0x8800, s3;
	[dreg:$0x4] =	wrdreg s26  }
0xf: {  	v1 =	vimm.f32 $0.0e+00;
	v2 =	vimm.s32 $0x0;
	v3 =	vlaneseq.u32;
	s25 =	simm.s32 $0x7830;
	s31 =	smax.u32 s7, $0x1;
	[dreg:$0x5] =	wrdreg s3  }
0x10: {  	v4 =	vimm.s32 $0x28000;
	vm0 =	vmmov $0xffff;
	v0 =	vmov s4;
	s11 =	sadd.s32 $0x102800, s0;
	[dreg:$0x7] =	wrdreg s31;
	s26 =	simm.s32 $0x8030  }
.LBB2_11:
0x11: {  	s12 =	rddreg [dreg:$0x3]  }
0x12: {  	s0 =	rddreg [dreg:$0x7];
	s12 =	sadd.s32 $0x1, s12  }
0x13: {  	p0 =	sne.s32 s12, s0  }
.Ltmp1:
0x14: {  	_ = 	snop;
	(pc) =	sbr.rel @!p0 .LBB2_12-.Ltmp1, $1  }
0x15: {  	_ =	sdelay $0x3  }
.LBB2_1:
0x16: {  	[dreg:$0x3] =	wrdreg s12;
	s0 =	simm.s32 $0x40;
	s1 =	simm.s32 $0x0  }
.LBB2_2:
0x17: {  	p0 =	sne.s32 s0, $0x1FC0;
	[tilespmem:s1+$0x10130] =	vst v1;
	s3 =	smov.u32 s0;
	s0 =	sadd.s32 $0x40, s0  }
.Ltmp2:
0x18: {  	[tilespmem:s1+$0x10930] =	vst v1;
	(pc) =	sbr.rel @p0 .LBB2_2-.Ltmp2, $2  }
0x19: {  	_ =	sdelay $0x2  }
0x1a: {  	s1 =	sshra.s32 s3, $0x2  }
0x1b: {  	[tilespmem:s1+$0x10130] =	vst v1  }
0x1c: {  	[tilespmem:s1+$0x10930] =	vst v1;
	s12 =	simm.s32 $0x0;
	s0 =	rddreg [dreg:$0x4]  }
0x1d: {  	[tilespmem:s12], [sflag:$0x3] =	stream.linear.gather [hbm4b:s0+s12], $0x2800, $0x38;
	[tilespmem:$0x19130] =	vst v63  }
0x1e: {  	_ =	swait.ge [sflag:s20], $0x2800  }
0x1f: {  	[sflag:s20] =	ssyncset.done $0x0  }
0x20: {  	s30 =	rddreg [dreg:$0x5];
	[sflag:s20] =	ssyncadd.s32 $0xFFFFD800  }
0x21: {  	[tilespmem:s21], [sflag:$0x3] =	stream.linear.gather [hbm4b:s30+s12], $0x2800, $0x38;
	[tilespmem:$0x19130] =	vst v63  }
.Ltmp3:
0x22: {  	_ = 	snop;
	(pc) =	sbr.rel .LBB2_4-.Ltmp3, $4  }
0x23: {  	_ =	swait.ge [sflag:s20], $0x2800  }
0x24: {  	[sflag:s20] =	ssyncset.done $0x0  }
0x25: {  	[sflag:s20] =	ssyncadd.s32 $0xFFFFD800  }
0x26: {  	s31 =	simm.s32 $0x0;
	[tilespmem:$0x2800] =	vst v2  }
.LBB2_10:
0x27: {  	[bflag:$0x0] =	sbarrier.arrive $0xFFFF  }
0x28: {  	s0 =	sshll.u32 s0, $0x8;
	s1 =	stileid.u32;
	s31 =	sadd.s32 $0x1, s31  }
0x29: {  	s3 =	sshrl.u32 s10, $0x3;
	s1 =	sshll.u32 s1, $0x6;
	p0 =	sne.s32 s31, $0x14  }
.Ltmp4:
0x2a: {  	s0 =	sadd.s32 s0, s11;
	s1 =	sor.u32 $0x1C03, s1;
	(pc) =	sbr.rel @!p0 .LBB2_11-.Ltmp4, $4  }
0x2b: {  	[hbm:s0], [sflag:s1] =	dma.local [spmem:s3], $0x1000  }
0x2c: {  	_ =	swait.ge [sflag:s20], $0x1000  }
0x2d: {  	[sflag:s20] =	ssyncset.done $0x0  }
0x2e: {  	[sflag:s20] =	ssyncadd.s32 $0xFFFFF000  }
.LBB2_4:
0x2f: {  	s0 =	sshll.u32 s31, $0x9;
	s1 =	rddreg [dreg:$0x6]  }
0x30: {  	s0 =	sor.u32 s1, s0  }
0x31: {  	v5 =	vmov s0  }
0x32: {  	[tilespmem:$0x5010] =	vst v5  }
0x33: {  	[spmem:s10] =	stream.linear.scatter [tilespmem:s22], [sflag:$0x3], $0x1000, $0x38;
	[tilespmem:$0x19130] =	vst v63  }
0x34: {  	_ =	swait.ge [sflag:s20], $0x1000  }
0x35: {  	[sflag:s20] =	ssyncset.done $0x0  }
0x36: {  	[sflag:s20] =	ssyncadd.s32 $0xFFFFF000  }
0x37: {  	[spmem:s13] =	stream.linear.scatter [tilespmem:s22], [sflag:$0x3], $0x1000, $0x38;
	[tilespmem:$0x19130] =	vst v63  }
0x38: {  	_ =	swait.ge [sflag:s20], $0x1000  }
0x39: {  	[sflag:s20] =	ssyncset.done $0x0  }
0x3a: {  	[sflag:s20] =	ssyncadd.s32 $0xFFFFF000  }
0x3b: {  	[spmem:s14] =	stream.linear.scatter [tilespmem:s22], [sflag:$0x3], $0x1000, $0x38;
	[tilespmem:$0x19130] =	vst v63  }
0x3c: {  	_ =	swait.ge [sflag:s20], $0x1000  }
0x3d: {  	[sflag:s20] =	ssyncset.done $0x0  }
0x3e: {  	[sflag:s20] =	ssyncadd.s32 $0xFFFFF000  }
0x3f: {  	[spmem:s15] =	stream.linear.scatter [tilespmem:s22], [sflag:$0x3], $0x1000, $0x38;
	[tilespmem:$0x19130] =	vst v63  }
0x40: {  	_ =	swait.ge [sflag:s20], $0x1000  }
0x41: {  	[sflag:s20] =	ssyncset.done $0x0  }
0x42: {  	[sflag:s20] =	ssyncadd.s32 $0xFFFFF000  }
0x43: {  	[spmem:s16] =	stream.linear.scatter [tilespmem:s22], [sflag:$0x3], $0x1000, $0x38;
	[tilespmem:$0x19130] =	vst v63  }
0x44: {  	_ =	swait.ge [sflag:s20], $0x1000  }
0x45: {  	[sflag:s20] =	ssyncset.done $0x0  }
0x46: {  	[sflag:s20] =	ssyncadd.s32 $0xFFFFF000  }
0x47: {  	[spmem:s17] =	stream.linear.scatter [tilespmem:s22], [sflag:$0x3], $0x1000, $0x38;
	[tilespmem:$0x19130] =	vst v63  }
0x48: {  	_ =	swait.ge [sflag:s20], $0x1000  }
0x49: {  	[sflag:s20] =	ssyncset.done $0x0  }
0x4a: {  	[sflag:s20] =	ssyncadd.s32 $0xFFFFF000  }
0x4b: {  	[spmem:s18] =	stream.linear.scatter [tilespmem:s22], [sflag:$0x3], $0x1000, $0x38;
	[tilespmem:$0x19130] =	vst v63  }
0x4c: {  	_ =	swait.ge [sflag:s20], $0x1000  }
0x4d: {  	[sflag:s20] =	ssyncset.done $0x0  }
0x4e: {  	[sflag:s20] =	ssyncadd.s32 $0xFFFFF000  }
0x4f: {  	[spmem:s19] =	stream.linear.scatter [tilespmem:s22], [sflag:$0x3], $0x1000, $0x38;
	[tilespmem:$0x19130] =	vst v63  }
0x50: {  	_ =	swait.ge [sflag:s20], $0x1000  }
0x51: {  	[sflag:s20] =	ssyncset.done $0x0  }
0x52: {  	[sflag:s20] =	ssyncadd.s32 $0xFFFFF000  }
0x53: {  	s9 =	simm.s32 $0x0;
	[bflag:$0x0] =	sbarrier.arrive $0xFFFF  }
0x54: {  	v7 =	vld [tilespmem:s9+$0x2810];
	_ =	sdelay $0x2  }
0x55: {  	s12 =	sadd.s32 $0x100, s0  }
0x56: {  	v6 =	vmov s12  }
0x57: {  	vm1 =	vge.s32 v7, v5;
	vm2 =	vlt.s32 v7, v6  }
0x58: {  	vm1 =	vmand vm1, vm2  }
0x59: {  	v7 =	vsel vm1, $0x1, v2  }
0x5a: {  	(xrf0) =	vadd.scan.msk.s32 $0xffff, v7;
	_ =	sdelay $0x1  }
0x5b: {  	s30 =	simm.s32 $0x0  }
0x5c: {  	v7 =	vmov s30  }
0x5d: {  	v7 =	vadd.s32 $0xFFFFFFFF, v7  }
0x5e: {  	v7 =	vbroadcast v7, $0x0  }
0x5f: {  	v8, _, _ =	vpop (xrf0)  }
0x60: {  	v7 =	vadd.s32 v8, v7;
	(v2sf) =	vpush v8, $0xF;
	_ =	sdelay $0x3  }
0x61: {  	v9 =	vor.u32 s4, v3;
	s8 =	simm.s32 $0x10  }
0x62: {  	s7 =	simm.s32 $0x80;
	s3 =	simm.s32 $0x0;
	s1 =	smov.u32 s4;
	[tilespmem:v7+s23+$0x0] =	vst.idx.msk vm1, v9  }
.LBB2_5:
0x63: {  	p0 =	sne.s32 s7, $0x9FC0;
	v7 =	vld [tilespmem:s8+$0x2810];
	_ =	sdelay $0x4  }
0x64: {  	vm1 =	vge.s32 v7, v5;
	vm2 =	vlt.s32 v7, v6  }
0x65: {  	vm1 =	vmand vm1, vm2  }
0x66: {  	v7 =	vsel vm1, $0x1, v2  }
0x67: {  	(xrf0) =	vadd.scan.msk.s32 $0xffff, v7  }
0x68: {  	s8 =	spop (v2sf)  }
0x69: {  	s3 =	sadd.s32 s3, s8  }
0x6a: {  	v7 =	vmov s3  }
0x6b: {  	v7 =	vadd.s32 $0xFFFFFFFF, v7  }
0x6c: {  	v7 =	vbroadcast v7, $0x0  }
0x6d: {  	v8, _, _ =	vpop (xrf0)  }
0x6e: {  	v7 =	vadd.s32 v8, v7;
	(v2sf) =	vpush v8, $0xF  }
.Ltmp5:
0x6f: {  	(pc) =	sbr.rel @p0 .LBB2_5-.Ltmp5, $4  }
0x70: {  	_ = 	snop  }
0x71: {  	s1 =	sadd.s32 $0x10, s1  }
0x72: {  	v8 =	vor.u32 s1, v3  }
0x73: {  	s8 =	sshra.s32 s7, $0x2;
	s7 =	sadd.s32 $0x40, s7;
	[tilespmem:v7+s23+$0x0] =	vst.idx.msk vm1, v8  }
0x74: {  	v7 =	vld [tilespmem:s8+$0x2810];
	_ =	sdelay $0x4  }
0x75: {  	vm1 =	vge.s32 v7, v5;
	vm2 =	vlt.s32 v7, v6  }
0x76: {  	vm1 =	vmand vm1, vm2  }
0x77: {  	v6 =	vsel vm1, $0x1, v2  }
0x78: {  	(xrf0) =	vadd.scan.msk.s32 $0xffff, v6;
	_ =	sdelay $0x5  }
0x79: {  	v6, _, _ =	vpop (xrf0)  }
0x7a: {  	(v2sf) =	vpush v6, $0xF;
	_ =	sdelay $0xd  }
0x7b: {  	s7 =	spop (v2sf)  }
0x7c: {  	s3 =	sadd.s32 s3, s7;
	s9 =	spop (v2sf)  }
0x7d: {  	v7 =	vmov s3;
	s3 =	sadd.s32 s3, s9  }
0x7e: {  	s7 =	sadd.s32 $0xF, s3  }
0x7f: {  	s12 =	sand.u32 $0xF, s7  }
0x80: {  	s30 =	sshra.s32 s7, $0x1F;
	p1 =	slt.s32 s7, $0x1;
	p0 =	sne.s32 s12, $0x0  }
0x81: {  	v7 =	vadd.s32 $0xFFFFFFFF, v7;
	s8 =	sshrl.u32 s30, $0x1C;
	p0 =	por !p1, !p0  }
0x82: {  	v7 =	vbroadcast v7, $0x0;
	s7 =	sadd.s32 s8, s7;
	s8 =	simm.s32 $0x1;
	p0 =	por !p0, !p0  }
0x83: {  	s7 =	sshra.s32 s7, $0x4;
	s8 =	simm.s32 @!p0 $0x0  }
0x84: {  	v6 =	vadd.s32 v6, v7;
	s7 =	ssub.s32 s7, s8  }
0x85: {  	p0 =	slt.s32 s7, $0x1  }
.Ltmp6:
0x86: {  	_ = 	snop;
	(pc) =	sbr.rel @p0 .LBB2_10-.Ltmp6, $4  }
0x87: {  	s1 =	sadd.s32 $0x10, s1  }
0x88: {  	v7 =	vor.u32 s1, v3  }
0x89: {  	[tilespmem:v6+s23+$0x0] =	vst.idx.msk vm1, v7  }
0x8a: {  	[tilespmem:s3+$0x5020] =	vst v4;
	s12 =	simm.s32 $0x0;
	s8 =	simm.s32 $0x0  }
.LBB2_7:
0x8b: {  	s1 =	sshll.u32 s12, $0x6  }
0x8c: {  	s1 =	sshra.s32 s1, $0x2  }
0x8d: {  	v7 =	vld [tilespmem:s1+$0x5020];
	_ =	sdelay $0x4  }
0x8e: {  	v6 =	vsub.s32 v7, v0  }
0x8f: {  	vm1 =	vlt.s32 v6, $0x2800  }
0x90: {  	v6 =	vnsel vm1, $0x2800, v6;
	_ =	sdelay $0x4  }
0x91: {  	v8 =	vld.idx.msk [tilespmem:v6+s8+$0x0], $0xffff;
	_ =	sdelay $0x7  }
0x92: {  	v6 =	vld.idx.msk [tilespmem:v6+s21+$0x0], $0xffff;
	[tilespmem:s25], [sflag:$0x1] =	stream.indirect_vreg.gather [hbm4b:s5+s8], $0x80, v8, vm0, $0xb8  }
0x93: {  	_ = 	snop  }
0x94: {  	[tilespmem:s26], [sflag:$0x2] =	stream.indirect_vreg.gather [hbm4b:s6+s8], $0x10, v7, vm0, $0xb8;
	[tilespmem:$0x19130] =	vst v63  }
0x95: {  	_ =	swait.ge [sflag:s24], $0x800  }
0x96: {  	[sflag:s24] =	ssyncset.done $0x0  }
0x97: {  	[sflag:s24] =	ssyncadd.s32 $0xFFFFF800  }
0x98: {  	_ =	swait.ge [sflag:s28], $0x100  }
0x99: {  	s3 =	simm.s32 $0x8530;
	[sflag:s28] =	ssyncset.done $0x0  }
0x9a: {  	s30 =	simm.s32 $0x0;
	s1 =	simm.s32 $0x7870;
	[sflag:s28] =	ssyncadd.s32 $0xFFFFFF00  }
.LBB2_8:
0x9b: {  	s9 =	sshll.u32 s30, $0x4  }
0x9c: {  	v15 =	vmov s9;
	_ =	sdelay $0x3  }
0x9d: {  	v12 =	vld [tilespmem:s1+$0xFFFFFFC0]  }
0x9e: {  	v16 =	vld.idx.msk [tilespmem:v15+s26+$0x0], $0xffff  }
0x9f: {  	v13 =	vld [tilespmem:s1+$0xFFFFFFD0]  }
0xa0: {  	v14 =	vld [tilespmem:s1+$0xFFFFFFE0]  }
0xa1: {  	v11 =	vld [tilespmem:s1+$0xFFFFFFF0]  }
0xa2: {  	v10 =	vld [tilespmem:s1+$0x0]  }
0xa3: {  	v9 =	vld [tilespmem:s1+$0x10];
	v17 =	vmul.f32 v16, v12  }
0xa4: {  	v7 =	vld [tilespmem:s1+$0x20];
	v18 =	vmul.f32 v16, v13  }
0xa5: {  	v8 =	vld [tilespmem:s1+$0x30];
	v33 =	vmul.f32 v16, v14;
	[tilespmem:s3+$0xFFFFFC00] =	vst v17  }
0xa6: {  	v34 =	vmul.f32 v16, v11;
	[tilespmem:s3+$0xFFFFFC10] =	vst v18  }
0xa7: {  	v35 =	vmul.f32 v16, v10;
	[tilespmem:s3+$0xFFFFFC20] =	vst v33  }
0xa8: {  	v19 =	vor.u32 $0x1, v15;
	v36 =	vmul.f32 v16, v9;
	[tilespmem:s3+$0xFFFFFC30] =	vst v34  }
0xa9: {  	v37 =	vmul.f32 v16, v7;
	[tilespmem:s3+$0xFFFFFC40] =	vst v35  }
0xaa: {  	v16 =	vmul.f32 v16, v8;
	[tilespmem:s3+$0xFFFFFC50] =	vst v36  }
0xab: {  	[tilespmem:s3+$0xFFFFFC60] =	vst v37  }
0xac: {  	[tilespmem:s3+$0xFFFFFC70] =	vst v16  }
0xad: {  	v16 =	vld.idx.msk [tilespmem:v19+s26+$0x0], $0xffff;
	_ =	sdelay $0x4  }
0xae: {  	v38 =	vmul.f32 v16, v12  }
0xaf: {  	v39 =	vmul.f32 v16, v13  }
0xb0: {  	v40 =	vmul.f32 v16, v14;
	[tilespmem:s3+$0xFFFFFC80] =	vst v38  }
0xb1: {  	v41 =	vmul.f32 v16, v11;
	[tilespmem:s3+$0xFFFFFC90] =	vst v39  }
0xb2: {  	v42 =	vmul.f32 v16, v10;
	[tilespmem:s3+$0xFFFFFCA0] =	vst v40  }
0xb3: {  	v44 =	vor.u32 $0x2, v15;
	v43 =	vmul.f32 v16, v9;
	[tilespmem:s3+$0xFFFFFCB0] =	vst v41  }
0xb4: {  	v45 =	vmul.f32 v16, v7;
	[tilespmem:s3+$0xFFFFFCC0] =	vst v42  }
0xb5: {  	v16 =	vmul.f32 v16, v8;
	[tilespmem:s3+$0xFFFFFCD0] =	vst v43  }
0xb6: {  	[tilespmem:s3+$0xFFFFFCE0] =	vst v45  }
0xb7: {  	[tilespmem:s3+$0xFFFFFCF0] =	vst v16  }
0xb8: {  	v16 =	vld.idx.msk [tilespmem:v44+s26+$0x0], $0xffff;
	_ =	sdelay $0x4  }
0xb9: {  	v46 =	vmul.f32 v16, v12  }
0xba: {  	v47 =	vmul.f32 v16, v13  }
0xbb: {  	v48 =	vmul.f32 v16, v14;
	[tilespmem:s3+$0xFFFFFD00] =	vst v46  }
0xbc: {  	v49 =	vmul.f32 v16, v11;
	[tilespmem:s3+$0xFFFFFD10] =	vst v47  }
0xbd: {  	v50 =	vmul.f32 v16, v10;
	[tilespmem:s3+$0xFFFFFD20] =	vst v48  }
0xbe: {  	v52 =	vor.u32 $0x3, v15;
	v51 =	vmul.f32 v16, v9;
	[tilespmem:s3+$0xFFFFFD30] =	vst v49  }
0xbf: {  	v53 =	vmul.f32 v16, v7;
	[tilespmem:s3+$0xFFFFFD40] =	vst v50  }
0xc0: {  	v16 =	vmul.f32 v16, v8;
	[tilespmem:s3+$0xFFFFFD50] =	vst v51  }
0xc1: {  	[tilespmem:s3+$0xFFFFFD60] =	vst v53  }
0xc2: {  	[tilespmem:s3+$0xFFFFFD70] =	vst v16  }
0xc3: {  	v16 =	vld.idx.msk [tilespmem:v52+s26+$0x0], $0xffff;
	_ =	sdelay $0x4  }
0xc4: {  	v54 =	vmul.f32 v16, v12  }
0xc5: {  	v55 =	vmul.f32 v16, v13  }
0xc6: {  	v56 =	vmul.f32 v16, v14;
	[tilespmem:s3+$0xFFFFFD80] =	vst v54  }
0xc7: {  	v57 =	vmul.f32 v16, v11;
	[tilespmem:s3+$0xFFFFFD90] =	vst v55  }
0xc8: {  	v58 =	vmul.f32 v16, v10;
	[tilespmem:s3+$0xFFFFFDA0] =	vst v56  }
0xc9: {  	v60 =	vor.u32 $0x4, v15;
	v59 =	vmul.f32 v16, v9;
	[tilespmem:s3+$0xFFFFFDB0] =	vst v57  }
0xca: {  	v61 =	vmul.f32 v16, v7;
	[tilespmem:s3+$0xFFFFFDC0] =	vst v58  }
0xcb: {  	v16 =	vmul.f32 v16, v8;
	[tilespmem:s3+$0xFFFFFDD0] =	vst v59  }
0xcc: {  	[tilespmem:s3+$0xFFFFFDE0] =	vst v61  }
0xcd: {  	[tilespmem:s3+$0xFFFFFDF0] =	vst v16  }
0xce: {  	v16 =	vld.idx.msk [tilespmem:v60+s26+$0x0], $0xffff;
	_ =	sdelay $0x4  }
0xcf: {  	v62 =	vmul.f32 v16, v12  }
0xd0: {  	v63 =	vmul.f32 v16, v13  }
0xd1: {  	v21 =	vmul.f32 v16, v14;
	[tilespmem:s3+$0xFFFFFE00] =	vst v62  }
0xd2: {  	v22 =	vmul.f32 v16, v11;
	[tilespmem:s3+$0xFFFFFE10] =	vst v63  }
0xd3: {  	v23 =	vmul.f32 v16, v10;
	[tilespmem:s3+$0xFFFFFE20] =	vst v21  }
0xd4: {  	v25 =	vor.u32 $0x5, v15;
	v24 =	vmul.f32 v16, v9;
	[tilespmem:s3+$0xFFFFFE30] =	vst v22  }
0xd5: {  	v26 =	vmul.f32 v16, v7;
	[tilespmem:s3+$0xFFFFFE40] =	vst v23  }
0xd6: {  	v16 =	vmul.f32 v16, v8;
	[tilespmem:s3+$0xFFFFFE50] =	vst v24  }
0xd7: {  	[tilespmem:s3+$0xFFFFFE60] =	vst v26  }
0xd8: {  	[tilespmem:s3+$0xFFFFFE70] =	vst v16  }
0xd9: {  	v16 =	vld.idx.msk [tilespmem:v25+s26+$0x0], $0xffff;
	_ =	sdelay $0x4  }
0xda: {  	v27 =	vmul.f32 v16, v12  }
0xdb: {  	v28 =	vmul.f32 v16, v13  }
0xdc: {  	v29 =	vmul.f32 v16, v14;
	[tilespmem:s3+$0xFFFFFE80] =	vst v27  }
0xdd: {  	v30 =	vmul.f32 v16, v11;
	[tilespmem:s3+$0xFFFFFE90] =	vst v28  }
0xde: {  	v31 =	vmul.f32 v16, v10;
	[tilespmem:s3+$0xFFFFFEA0] =	vst v29  }
0xdf: {  	v33 =	vor.u32 $0x6, v15;
	v32 =	vmul.f32 v16, v9;
	[tilespmem:s3+$0xFFFFFEB0] =	vst v30  }
0xe0: {  	v34 =	vmul.f32 v16, v7;
	[tilespmem:s3+$0xFFFFFEC0] =	vst v31  }
0xe1: {  	v16 =	vmul.f32 v16, v8;
	[tilespmem:s3+$0xFFFFFED0] =	vst v32  }
0xe2: {  	[tilespmem:s3+$0xFFFFFEE0] =	vst v34  }
0xe3: {  	[tilespmem:s3+$0xFFFFFEF0] =	vst v16  }
0xe4: {  	v16 =	vld.idx.msk [tilespmem:v33+s26+$0x0], $0xffff;
	_ =	sdelay $0x4  }
0xe5: {  	v35 =	vmul.f32 v16, v12  }
0xe6: {  	v36 =	vmul.f32 v16, v13  }
0xe7: {  	v37 =	vmul.f32 v16, v14;
	[tilespmem:s3+$0xFFFFFF00] =	vst v35  }
0xe8: {  	v38 =	vmul.f32 v16, v11;
	[tilespmem:s3+$0xFFFFFF10] =	vst v36  }
0xe9: {  	v39 =	vmul.f32 v16, v10;
	[tilespmem:s3+$0xFFFFFF20] =	vst v37  }
0xea: {  	v41 =	vor.u32 $0x7, v15;
	v40 =	vmul.f32 v16, v9;
	[tilespmem:s3+$0xFFFFFF30] =	vst v38  }
0xeb: {  	v42 =	vmul.f32 v16, v7;
	[tilespmem:s3+$0xFFFFFF40] =	vst v39  }
0xec: {  	v16 =	vmul.f32 v16, v8;
	[tilespmem:s3+$0xFFFFFF50] =	vst v40  }
0xed: {  	[tilespmem:s3+$0xFFFFFF60] =	vst v42  }
0xee: {  	[tilespmem:s3+$0xFFFFFF70] =	vst v16  }
0xef: {  	v16 =	vld.idx.msk [tilespmem:v41+s26+$0x0], $0xffff;
	_ =	sdelay $0x4  }
0xf0: {  	v43 =	vmul.f32 v16, v12  }
0xf1: {  	v44 =	vmul.f32 v16, v13  }
0xf2: {  	v45 =	vmul.f32 v16, v14;
	[tilespmem:s3+$0xFFFFFF80] =	vst v43  }
0xf3: {  	v46 =	vmul.f32 v16, v11;
	[tilespmem:s3+$0xFFFFFF90] =	vst v44  }
0xf4: {  	v47 =	vmul.f32 v16, v10;
	[tilespmem:s3+$0xFFFFFFA0] =	vst v45  }
0xf5: {  	v49 =	vor.u32 $0x8, v15;
	v48 =	vmul.f32 v16, v9;
	[tilespmem:s3+$0xFFFFFFB0] =	vst v46  }
0xf6: {  	v50 =	vmul.f32 v16, v7;
	[tilespmem:s3+$0xFFFFFFC0] =	vst v47  }
0xf7: {  	v16 =	vmul.f32 v16, v8;
	[tilespmem:s3+$0xFFFFFFD0] =	vst v48  }
0xf8: {  	[tilespmem:s3+$0xFFFFFFE0] =	vst v50  }
0xf9: {  	[tilespmem:s3+$0xFFFFFFF0] =	vst v16  }
0xfa: {  	v16 =	vld.idx.msk [tilespmem:v49+s26+$0x0], $0xffff;
	_ =	sdelay $0x4  }
0xfb: {  	v51 =	vmul.f32 v16, v12  }
0xfc: {  	v52 =	vmul.f32 v16, v13  }
0xfd: {  	v53 =	vmul.f32 v16, v14;
	[tilespmem:s3+$0x0] =	vst v51  }
0xfe: {  	v54 =	vmul.f32 v16, v11;
	[tilespmem:s3+$0x10] =	vst v52  }
0xff: {  	v55 =	vmul.f32 v16, v10;
	[tilespmem:s3+$0x20] =	vst v53  }
0x100: {  	v57 =	vor.u32 $0x9, v15;
	v56 =	vmul.f32 v16, v9;
	[tilespmem:s3+$0x30] =	vst v54  }
0x101: {  	v58 =	vmul.f32 v16, v7;
	[tilespmem:s3+$0x40] =	vst v55  }
0x102: {  	v16 =	vmul.f32 v16, v8;
	[tilespmem:s3+$0x50] =	vst v56  }
0x103: {  	[tilespmem:s3+$0x60] =	vst v58  }
0x104: {  	[tilespmem:s3+$0x70] =	vst v16  }
0x105: {  	v16 =	vld.idx.msk [tilespmem:v57+s26+$0x0], $0xffff;
	_ =	sdelay $0x4  }
0x106: {  	v59 =	vmul.f32 v16, v12  }
0x107: {  	v60 =	vmul.f32 v16, v13  }
0x108: {  	v61 =	vmul.f32 v16, v14;
	[tilespmem:s3+$0x80] =	vst v59  }
0x109: {  	v62 =	vmul.f32 v16, v11;
	[tilespmem:s3+$0x90] =	vst v60  }
0x10a: {  	v63 =	vmul.f32 v16, v10;
	[tilespmem:s3+$0xA0] =	vst v61  }
0x10b: {  	v22 =	vor.u32 $0xA, v15;
	v21 =	vmul.f32 v16, v9;
	[tilespmem:s3+$0xB0] =	vst v62  }
0x10c: {  	v23 =	vmul.f32 v16, v7;
	[tilespmem:s3+$0xC0] =	vst v63  }
0x10d: {  	v16 =	vmul.f32 v16, v8;
	[tilespmem:s3+$0xD0] =	vst v21  }
0x10e: {  	[tilespmem:s3+$0xE0] =	vst v23  }
0x10f: {  	[tilespmem:s3+$0xF0] =	vst v16  }
0x110: {  	v16 =	vld.idx.msk [tilespmem:v22+s26+$0x0], $0xffff;
	_ =	sdelay $0x4  }
0x111: {  	v24 =	vmul.f32 v16, v12  }
0x112: {  	v25 =	vmul.f32 v16, v13  }
0x113: {  	v26 =	vmul.f32 v16, v14;
	[tilespmem:s3+$0x100] =	vst v24  }
0x114: {  	v27 =	vmul.f32 v16, v11;
	[tilespmem:s3+$0x110] =	vst v25  }
0x115: {  	v28 =	vmul.f32 v16, v10;
	[tilespmem:s3+$0x120] =	vst v26  }
0x116: {  	v30 =	vor.u32 $0xB, v15;
	v29 =	vmul.f32 v16, v9;
	[tilespmem:s3+$0x130] =	vst v27  }
0x117: {  	v31 =	vmul.f32 v16, v7;
	[tilespmem:s3+$0x140] =	vst v28  }
0x118: {  	v16 =	vmul.f32 v16, v8;
	[tilespmem:s3+$0x150] =	vst v29  }
0x119: {  	[tilespmem:s3+$0x160] =	vst v31  }
0x11a: {  	[tilespmem:s3+$0x170] =	vst v16  }
0x11b: {  	v16 =	vld.idx.msk [tilespmem:v30+s26+$0x0], $0xffff;
	_ =	sdelay $0x4  }
0x11c: {  	v32 =	vmul.f32 v16, v12  }
0x11d: {  	v33 =	vmul.f32 v16, v13  }
0x11e: {  	v34 =	vmul.f32 v16, v14;
	[tilespmem:s3+$0x180] =	vst v32  }
0x11f: {  	v35 =	vmul.f32 v16, v11;
	[tilespmem:s3+$0x190] =	vst v33  }
0x120: {  	v36 =	vmul.f32 v16, v10;
	[tilespmem:s3+$0x1A0] =	vst v34  }
0x121: {  	v38 =	vor.u32 $0xC, v15;
	v37 =	vmul.f32 v16, v9;
	[tilespmem:s3+$0x1B0] =	vst v35  }
0x122: {  	v39 =	vmul.f32 v16, v7;
	[tilespmem:s3+$0x1C0] =	vst v36  }
0x123: {  	v16 =	vmul.f32 v16, v8;
	[tilespmem:s3+$0x1D0] =	vst v37  }
0x124: {  	[tilespmem:s3+$0x1E0] =	vst v39  }
0x125: {  	[tilespmem:s3+$0x1F0] =	vst v16  }
0x126: {  	v16 =	vld.idx.msk [tilespmem:v38+s26+$0x0], $0xffff;
	_ =	sdelay $0x4  }
0x127: {  	v40 =	vmul.f32 v16, v12  }
0x128: {  	v41 =	vmul.f32 v16, v13  }
0x129: {  	v42 =	vmul.f32 v16, v14;
	[tilespmem:s3+$0x200] =	vst v40  }
0x12a: {  	v43 =	vmul.f32 v16, v11;
	[tilespmem:s3+$0x210] =	vst v41  }
0x12b: {  	v44 =	vmul.f32 v16, v10;
	[tilespmem:s3+$0x220] =	vst v42  }
0x12c: {  	v46 =	vor.u32 $0xD, v15;
	v45 =	vmul.f32 v16, v9;
	[tilespmem:s3+$0x230] =	vst v43  }
0x12d: {  	v47 =	vmul.f32 v16, v7;
	[tilespmem:s3+$0x240] =	vst v44  }
0x12e: {  	v16 =	vmul.f32 v16, v8;
	[tilespmem:s3+$0x250] =	vst v45  }
0x12f: {  	[tilespmem:s3+$0x260] =	vst v47  }
0x130: {  	[tilespmem:s3+$0x270] =	vst v16  }
0x131: {  	v16 =	vld.idx.msk [tilespmem:v46+s26+$0x0], $0xffff;
	_ =	sdelay $0x4  }
0x132: {  	v48 =	vmul.f32 v16, v12  }
0x133: {  	v49 =	vmul.f32 v16, v13  }
0x134: {  	v50 =	vmul.f32 v16, v14;
	[tilespmem:s3+$0x280] =	vst v48  }
0x135: {  	v51 =	vmul.f32 v16, v11;
	[tilespmem:s3+$0x290] =	vst v49  }
0x136: {  	v52 =	vmul.f32 v16, v10;
	[tilespmem:s3+$0x2A0] =	vst v50  }
0x137: {  	v54 =	vor.u32 $0xE, v15;
	v53 =	vmul.f32 v16, v9;
	[tilespmem:s3+$0x2B0] =	vst v51  }
0x138: {  	v55 =	vmul.f32 v16, v7;
	[tilespmem:s3+$0x2C0] =	vst v52  }
0x139: {  	v16 =	vmul.f32 v16, v8;
	[tilespmem:s3+$0x2D0] =	vst v53  }
0x13a: {  	[tilespmem:s3+$0x2E0] =	vst v55  }
0x13b: {  	[tilespmem:s3+$0x2F0] =	vst v16  }
0x13c: {  	v16 =	vld.idx.msk [tilespmem:v54+s26+$0x0], $0xffff;
	_ =	sdelay $0x4  }
0x13d: {  	v56 =	vmul.f32 v16, v12  }
0x13e: {  	v57 =	vmul.f32 v16, v13  }
0x13f: {  	v58 =	vmul.f32 v16, v14;
	[tilespmem:s3+$0x300] =	vst v56  }
0x140: {  	v59 =	vmul.f32 v16, v11;
	[tilespmem:s3+$0x310] =	vst v57  }
0x141: {  	v60 =	vmul.f32 v16, v10;
	[tilespmem:s3+$0x320] =	vst v58  }
0x142: {  	v15 =	vor.u32 $0xF, v15;
	v61 =	vmul.f32 v16, v9;
	[tilespmem:s3+$0x330] =	vst v59  }
0x143: {  	v62 =	vmul.f32 v16, v7;
	[tilespmem:s3+$0x340] =	vst v60  }
0x144: {  	v16 =	vmul.f32 v16, v8;
	[tilespmem:s3+$0x350] =	vst v61  }
0x145: {  	[tilespmem:s3+$0x360] =	vst v62  }
0x146: {  	[tilespmem:s3+$0x370] =	vst v16  }
0x147: {  	v15 =	vld.idx.msk [tilespmem:v15+s26+$0x0], $0xffff;
	_ =	sdelay $0x4  }
0x148: {  	v12 =	vmul.f32 v15, v12  }
0x149: {  	v13 =	vmul.f32 v15, v13  }
0x14a: {  	v63 =	vmul.f32 v15, v14;
	[tilespmem:s3+$0x380] =	vst v12  }
0x14b: {  	v11 =	vmul.f32 v15, v11;
	[tilespmem:s3+$0x390] =	vst v13  }
0x14c: {  	p0 =	sne.s32 s30, $0xF;
	v10 =	vmul.f32 v15, v10;
	[tilespmem:s3+$0x3A0] =	vst v63  }
.Ltmp7:
0x14d: {  	v9 =	vmul.f32 v15, v9;
	[tilespmem:s3+$0x3B0] =	vst v11;
	(pc) =	sbr.rel @p0 .LBB2_8-.Ltmp7, $4  }
0x14e: {  	v7 =	vmul.f32 v15, v7;
	[tilespmem:s3+$0x3C0] =	vst v10  }
0x14f: {  	v8 =	vmul.f32 v15, v8;
	[tilespmem:s3+$0x3D0] =	vst v9  }
0x150: {  	[tilespmem:s3+$0x3E0] =	vst v7  }
0x151: {  	s1 =	sadd.s32 $0x80, s1;
	s30 =	sadd.s32 $0x1, s30;
	[tilespmem:s3+$0x3F0] =	vst v8;
	s3 =	sadd.s32 $0x800, s3  }
0x152: {  	v6 =	vsub.s32 v6, v5;
	_ =	sdelay $0x2  }
0x153: {  	s12 =	sadd.s32 $0x1, s12  }
0x154: {  	p0 =	sne.s32 s12, s7  }
0x155: {  	[spmem:s2] =	stream.indirect_vreg.scatter.add.f32 [tilespmem:s29], [sflag:$0x3], $0x800, v6, vm0, $0xb8;
	[tilespmem:$0x19130] =	vst v63  }
.Ltmp8:
0x156: {  	_ = 	snop;
	(pc) =	sbr.rel @p0 .LBB2_7-.Ltmp8, $4  }
.Ltmp9:
0x157: {  	_ = 	snop;
	(pc) =	sbr.rel @!p0 .LBB2_10-.Ltmp9, $4  }
0x158: {  	_ =	swait.ge [sflag:s20], $0x8000  }
0x159: {  	[sflag:s20] =	ssyncset.done $0x0  }
0x15a: {  	[sflag:s20] =	ssyncadd.s32 $0xFFFF8000  }
0x15b: {  	_ = 	snop  }
.LBB2_12:
0x15c: {  	_ =	sfence.sel $0x180000  }
0x15d: {  	[bflag:$0x0] =	sbarrier.arrive $0xFFFF  }
0x15e: {  	_ =	strace $0x9000004A  }
0x15f: {  	s0 =	stileid.u32;
	[bflag:$0x2] =	sbarrier.arrive $0xFFFF  }
0x160: {  	p0 =	sne.s32 s0, $0x0;
	s0 =	rddreg [dreg:$0x2]  }
0x161: {  	s0 =	sadd.s32 @!p0 $0x100000, s0  }
0x162: {  	[sflag:s0] =	ssyncadd.tile.s32 @!p0 $0x1;
	_ =	shalt  }
.Lfunc_end2:
_tile_overlayer_lowered:
.L_overlay_start_2:
0x163: {  	(tag) =	ssettag $0x2  }
0x164: {  	s0 =	rddreg [dreg:$0x0];
	s2 =	stileid.u32  }
0x165: {  	s1 =	rddreg [dreg:$0x1];
	p0 =	sne.s32 s2, $0x0  }
0x166: {  	s3 =	rddreg [dreg:$0x2];
	[bflag:$0x3] =	sbarrier.arrive $0xFFFF;
	s2 =	simm.s32 @!p0 $0x1C03  }
0x167: {  	[timem:s3], [sflag:s2] =	dma.local @!p0 [hbm:s0], s1  }
0x168: {  	s0 =	simm.s32 @!p0 $0x3  }
0x169: {  	_ =	swait.ge @!p0 [sflag:s0], s1  }
0x16a: {  	s1 =	ssub.s32 @!p0 $0x0, s1;
	[sflag:s0] =	ssyncset.done @!p0 $0x0  }
0x16b: {  	[sflag:s0] =	ssyncadd.s32 @!p0 s1  }
0x16c: {  	[bflag:$0x3] =	sbarrier.arrive $0xFFFF  }
0x16d: {  	_ =	shalt  }

// kernel: kernel.16.cloned.1.call-start
scs
__scs_entry_jumppad:
0x0: {  	(pc) =	sbr.rel $0x88, $3  }
0x1: {  	(tag) =	ssettag $0x0;
	lr =	simm.s32 $0x1  }
0x2: {  	[smem:$0x3F87] =	sst lr;
	_ =	strace $0xD0000000  }
0x3: {  	_ = 	snop  }
0x4: {  	_ = 	snop  }
0x5: {  	_ = 	snop  }
0x6: {  	_ = 	snop  }
0x7: {  	_ = 	snop  }
__scs_overlays_trampoline_lowered:
0x8: {  	[smem:$0x3F96] =	sst s0  }
0x9: {  	[smem:$0x3F97] =	sst s1  }
0xa: {  	[smem:$0x3F98] =	sst s2  }
0xb: {  	[smem:$0x3F99] =	sst s3  }
0xc: {  	[smem:$0x3F9A] =	sst s4  }
0xd: {  	[smem:$0x3F9B] =	sst s5  }
0xe: {  	[smem:$0x3F9C] =	sst s6  }
0xf: {  	[smem:$0x3F9D] =	sst s7  }
0x10: {  	[smem:$0x3F9E] =	sst s8  }
0x11: {  	[smem:$0x3F9F] =	sst s9;
	s0 =	simm.s32 @!p0 $0x0  }
0x12: {  	s1 =	sld [smem:$0x3F85];
	s0 =	simm.s32 @p0 $0x1  }
0x13: {  	[smem:$0x3FA0] =	sst s0;
	s0 =	simm.s32 @!p1 $0x0  }
0x14: {  	s2 =	sld [smem:$0x3F84];
	s0 =	simm.s32 @p1 $0x1  }
0x15: {  	[smem:$0x3FA1] =	sst s0;
	s0 =	simm.s32 @!p2 $0x0  }
0x16: {  	s3 =	sld [smem:$0x3FDB];
	s0 =	simm.s32 @p2 $0x1  }
0x17: {  	s4 =	simm.s32 $0x1BF5;
	[smem:$0x3FA3] =	sst s0  }
0x18: {  	s0 =	sld [smem:$0x3F86];
	_ =	swait.ge [sflag:s4], $0x0  }
0x19: {  	s7 =	sld [smem:$0x3F87]  }
0x1a: {  	s8 =	sadd.s32 $0xFFFFE003, lr  }
0x1b: {  	s9 =	sadd.s32 $0xFFFFFEF7, lr;
	s5 =	simm.s32 $0xFFFFFFFF;
	p2 =	slt.u32 s8, $0xFFFFF086  }
0x1c: {  	p1 =	slt.u32 s9, $0xF7A;
	s5 =	simm.s32 @!p2 $0x0  }
0x1d: {  	s5 =	simm.s32 @p1 $0x1;
	p0 =	seq.s32 s7, s2  }
0x1e: {  	s7 =	smul.u32 @!p0 $0xF7A, s2;
	p2 =	seq.s32 @!p0 s5, $0x0  }
0x1f: {  	s9 =	smul.u32 $0xF7A, s1;
	s8 =	simm.s32 @!p0 $0x1BF5;
	p2 =	por !p2, p0  }
0x20: {  	[sflag:s8] =	ssyncset.s32 @!p0 $0xFFFFF086;
	s6 =	sadd.s32 @!p0 s3, s7;
	s7 =	simm.s32 @!p0 $0x108  }
0x21: {  	s3 =	sadd.s32 s3, s9;
	s6 =	sadd.s32 @!p0 $0x88, s6;
	s7 =	simm.s32 @p2 $0x1082  }
0x22: {  	[simem:s7], [sflag:s8] =	dma.local @!p0 [hbm:s6], $0xF7A  }
0x23: {  	s9 =	sor.u32 $0xD0000000, s2;
	s6 =	simm.s32 $0x108;
	_ =	swait.ge @!p0 [sflag:s8], $0x0  }
0x24: {  	s3 =	sadd.s32 $0x88, s3;
	s6 =	simm.s32 @!p1 $0x1082;
	[sflag:s4] =	ssyncset.s32 $0xFFFFF086  }
0x25: {  	[simem:s6], [sflag:s4] =	dma.local [hbm:s3], $0xF7A  }
0x26: {  	[smem:$0x3F87] =	sst s1;
	(tag) =	ssettag s2;
	_ =	strace s9  }
0x27: {  	s1 =	sld [smem:$0x3F97]  }
0x28: {  	s2 =	sld [smem:$0x3F98]  }
0x29: {  	s4 =	sld [smem:$0x3F9A]  }
0x2a: {  	p0 =	seq.s32 s5, $0x0;
	s5 =	sld [smem:$0x3F9B]  }
0x2b: {  	s6 =	sld [smem:$0x3F9C]  }
0x2c: {  	s7 =	sld [smem:$0x3F9D]  }
0x2d: {  	s3 =	simm.s32 $0x108;
	s8 =	sld [smem:$0x3F9E]  }
0x2e: {  	s3 =	simm.s32 @!p0 $0x1082;
	s9 =	sld [smem:$0x3F9F]  }
0x2f: {  	lr =	sadd.s32 s0, s3;
	s0 =	sld [smem:$0x3F96]  }
0x30: {  	s3 =	sld [smem:$0x3F99]  }
0x31: {  	[smem:$0x3FA2] =	sst s10  }
0x32: {  	s10 =	sld [smem:$0x3FA0];
	_ =	sdelay $0x3  }
0x33: {  	p0 =	seq.s32 s10, $0x1;
	s10 =	sld [smem:$0x3FA2];
	_ =	sdelay $0x3  }
0x34: {  	[smem:$0x3FA2] =	sst s10  }
0x35: {  	s10 =	sld [smem:$0x3FA1];
	_ =	sdelay $0x3  }
0x36: {  	p1 =	seq.s32 s10, $0x1;
	s10 =	sld [smem:$0x3FA2];
	_ =	sdelay $0x3  }
0x37: {  	[smem:$0x3FA2] =	sst s10  }
0x38: {  	s10 =	sld [smem:$0x3FA3]  }
0x39: {  	_ = 	snop;
	(pc) =	sbr.ind lr, $3  }
0x3a: {  	_ = 	snop  }
0x3b: {  	_ = 	snop  }
0x3c: {  	p2 =	seq.s32 s10, $0x1;
	s10 =	sld [smem:$0x3FA2]  }
0x3d: {  	_ =	shalt  }
0x3e: {  	_ =	shalt  }
0x3f: {  	_ =	shalt  }
0x40: {  	_ =	shalt  }
0x41: {  	_ =	shalt  }
0x42: {  	_ =	shalt  }
0x43: {  	_ =	shalt  }
0x44: {  	_ =	shalt  }
0x45: {  	_ =	shalt  }
0x46: {  	_ =	shalt  }
0x47: {  	_ =	shalt  }
0x48: {  	_ =	shalt  }
0x49: {  	_ =	shalt  }
0x4a: {  	_ =	shalt  }
0x4b: {  	_ =	shalt  }
0x4c: {  	_ =	shalt  }
0x4d: {  	_ =	shalt  }
0x4e: {  	_ =	shalt  }
0x4f: {  	_ =	shalt  }
0x50: {  	_ =	shalt  }
0x51: {  	_ =	shalt  }
0x52: {  	_ =	shalt  }
0x53: {  	_ =	shalt  }
0x54: {  	_ =	shalt  }
0x55: {  	_ =	shalt  }
0x56: {  	_ =	shalt  }
0x57: {  	_ =	shalt  }
0x58: {  	_ =	shalt  }
0x59: {  	_ =	shalt  }
0x5a: {  	_ =	shalt  }
0x5b: {  	_ =	shalt  }
0x5c: {  	_ =	shalt  }
0x5d: {  	_ =	shalt  }
0x5e: {  	_ =	shalt  }
0x5f: {  	_ =	shalt  }
0x60: {  	_ =	shalt  }
0x61: {  	_ =	shalt  }
0x62: {  	_ =	shalt  }
0x63: {  	_ =	shalt  }
0x64: {  	_ =	shalt  }
0x65: {  	_ =	shalt  }
0x66: {  	_ =	shalt  }
0x67: {  	_ =	shalt  }
0x68: {  	_ =	shalt  }
0x69: {  	_ =	shalt  }
0x6a: {  	_ =	shalt  }
0x6b: {  	_ =	shalt  }
0x6c: {  	_ =	shalt  }
0x6d: {  	_ =	shalt  }
0x6e: {  	_ =	shalt  }
0x6f: {  	_ =	shalt  }
0x70: {  	_ =	shalt  }
0x71: {  	_ =	shalt  }
0x72: {  	_ =	shalt  }
0x73: {  	_ =	shalt  }
0x74: {  	_ =	shalt  }
0x75: {  	_ =	shalt  }
0x76: {  	_ =	shalt  }
0x77: {  	_ =	shalt  }
0x78: {  	_ =	shalt  }
0x79: {  	_ =	shalt  }
0x7a: {  	_ =	shalt  }
0x7b: {  	_ =	shalt  }
0x7c: {  	_ =	shalt  }
0x7d: {  	_ =	shalt  }
0x7e: {  	_ =	shalt  }
0x7f: {  	_ =	shalt  }
0x80: {  	_ =	shalt  }
0x81: {  	_ =	shalt  }
0x82: {  	_ =	shalt  }
0x83: {  	_ =	shalt  }
0x84: {  	_ =	shalt  }
0x85: {  	_ =	shalt  }
0x86: {  	_ =	shalt  }
0x87: {  	_ =	shalt  }
.Lfunc_end0:
.L_simem_size_0:
called_computation.2_lowered:
.L_overlay_start_0:
0x88: {  	s2 =	sld [smem:$0x3FD9]  }
0x89: {  	s3 =	sld [smem:$0x3FFE];
	_ =	sdelay $0x1  }
0x8a: {  	s1 =	srdreg.scid  }
0x8b: {  	s0 =	sand.u32 $0x1, s1  }
0x8c: {  	s16 =	sshll.u32 s0, $0xA;
	s2 =	sadd.s32 s3, s2  }
0x8d: {  	s2 =	sadd.s32 s2, s16  }
0x8e: {  	[smem:$0x3FAE] =	sst s2  }
0x8f: {  	_ = 	snop  }
0x90: {  	(tm) =	ssettm $0x1  }
0x91: {  	s17 =	sld [smem:$0x3FFB];
	_ =	sdelay $0x3  }
0x92: {  	_ =	strace s17  }
0x93: {  	s2 =	sld [smem:$0x3FFC];
	_ =	sdelay $0x3  }
0x94: {  	_ =	strace s2  }
0x95: {  	s2 =	sld [smem:$0x3FFD];
	_ =	sdelay $0x3  }
0x96: {  	_ =	strace s2  }
0x97: {  	_ =	strace $0x8FFFFFFF  }
0x98: {  	s18 =	sld [smem:$0x3FDB];
	_ =	sdelay $0x1  }
0x99: {  	s19 =	simm.s32 $_scs_section_size  }
0x9a: {  	s4 =	simm.s32 $_size__tile_overlayer_lowered;
	s5 =	simm.s32 $_tile_overlayer_lowered  }
0x9b: {  	s22 =	simm.s32 $0x1BFF;
	s21 =	sshll.u32 s5, $0x1;
	s2 =	sadd.s32 s19, s18  }
0x9c: {  	s6 =	simm.s32 $0x0;
	s20 =	sshll.u32 s4, $0x1;
	s4 =	sadd.s32 s21, s2  }
0x9d: {  	[timem:s6], [sflag:s22] =	dma.local [hbm:s4], s20  }
0x9e: {  	_ =	swait.ge [sflag:s22], s20  }
0x9f: {  	s3 =	ssub.s32 $0x0, s20;
	[sflag:s22] =	ssyncset.done $0x0  }
0xa0: {  	[sflag:s22] =	ssyncadd.s32 s3;
	_ =	sdelay $0x1  }
0xa1: {  	s23 =	simm.s32 $0x1B8B  }
0xa2: {  	_ =	swait.ge [sflag:s23], $0x1  }
0xa3: {  	[sflag:s23] =	ssyncset.done $0x0  }
0xa4: {  	s25 =	simm.s32 $0x1B8E;
	s24 =	sld [smem:$0x3FFE];
	[sflag:s23] =	ssyncadd.s32 $0xFFFFFFFF  }
0xa5: {  	s26 =	simm.s32 $execute0_lowered;
	[smem:$0x3FD2] =	sst s25  }
0xa6: {  	s4 =	sshll.u32 s26, $0x1;
	_ =	strace $0x8000004C;
	[dreg:$0x1] =	wrdreg $0xFFFFFFFF  }
0xa7: {  	s28 =	simm.s32 $_size_execute0_lowered;
	s2 =	sadd.s32 s2, s4;
	[dreg:$0x0] =	wrdreg $0x0  }
0xa8: {  	s4 =	sshll.u32 s28, $0x1;
	[dreg:$0x2] =	wrdreg s2  }
0xa9: {  	[dreg:$0x3] =	wrdreg s4  }
0xaa: {  	[dreg:$0x4] =	wrdreg $0xC0  }
0xab: {  	_ =	task [dreg:s6], $0x5FFFF  }
0xac: {  	[dreg:$0x1] =	wrdreg $0xFFFFFFFF  }
0xad: {  	[dreg:$0x0] =	wrdreg $0x60  }
0xae: {  	[dreg:$0x2] =	wrdreg s24  }
0xaf: {  	[dreg:$0x3] =	wrdreg $0x111300  }
0xb0: {  	[dreg:$0x4] =	wrdreg $0x9  }
0xb1: {  	_ =	task.clear_ibuf [dreg:s6], $0x5FFFF;
	_ =	strace $0x9000004C  }
0xb2: {  	s29 =	simm.s32 $0x9;
	_ =	strace $0x8000004E  }
0xb3: {  	_ =	swait.ge [sflag:s29], $0x1  }
0xb4: {  	[sflag:s29] =	ssyncadd.s32 $0xFFFFFFFF  }
0xb5: {  	_ =	strace $0x9000004E  }
0xb6: {  	_ =	sfence  }
0xb7: {  	s30 =	sld [smem:$0x0];
	_ =	sdelay $0x2  }
0xb8: {  	s31 =	sshll.u32 s1, $0xD;
	s1 =	sshrl.u32 s1, $0x2  }
0xb9: {  	s3 =	sand.u32 $0x4000, s31;
	s1 =	sadd.s32 s1, s30  }
0xba: {  	s0 =	sor.u32 s3, s0;
	s1 =	sshll.u32 s1, $0x11  }
0xbb: {  	s0 =	sor.u32 s1, s0  }
0xbc: {  	s0 =	sadd.s32 $0x8F2B, s0  }
0xbd: {  	[sflag:s0] =	ssyncadd.remote.s32 $0x1  }
0xbe: {  	_ =	sfence.sel $0xFFFF  }
0xbf: {  	[dreg:$0x0] =	wrdreg $0xFFFFFFFF;
	(pc) =	sbr.abs _section_cstart, $3  }
0xc0: {  	[dreg:$0x1] =	wrdreg $0xFFFFFFFF  }
0xc1: {  	_ =	task.clear_ibuf [dreg:s6], $0x2FFFF;
	_ =	strace $0x9FFFFFFF  }
0xc2: {  	(tm) =	ssettm $0x7FFFFFFF  }
0xc3: {  	_ =	shalt  }
tec
execute0_lowered:
.L_overlay_start_1:
0x0: {  	(tag) =	ssettag $0x1  }
0x1: {  	s0 =	rddreg [dreg:$0x0]  }
0x2: {  	s2 =	rddreg [dreg:$0x1];
	s12 =	simm.s32 $0x0;
	s9 =	stileid.u32  }
0x3: {  	s1 =	srdreg.scid;
	s20 =	simm.s32 $0x3;
	s21 =	simm.s32 $0x2810  }
0x4: {  	s22 =	simm.s32 $0x10130;
	s23 =	simm.s32 $0x5020;
	s24 =	simm.s32 $0x1  }
0x5: {  	s28 =	simm.s32 $0x2;
	s29 =	simm.s32 $0x8130;
	[smem:$0x7FF] =	sst s12  }
0x6: {  	s4 =	smul.u32 $0x2800, s9;
	s5 =	sadd.s32 $0x12800, s0;
	s1 =	sand.u32 $0x1, s1  }
0x7: {  	s7 =	sshll.u32 s9, $0xC;
	s6 =	sadd.s32 $0x602A00, s0;
	s30 =	sshll.u32 s9, $0xF  }
0x8: {  	_ =	strace $0x8000004D;
	s8 =	ssub.s32 $0x2, s1;
	s1 =	sshll.u32 s1, $0x8  }
0x9: {  	s10 =	sadd.s32 s30, s2;
	s3 =	sshrl.u32 s4, $0x3;
	s25 =	sshrl.u32 s8, $0x1  }
0xa: {  	[dreg:$0x6] =	wrdreg s1;
	s13 =	sadd.s32 $0x1000, s10;
	s14 =	sadd.s32 $0x2000, s10  }
0xb: {  	s15 =	sadd.s32 $0x3000, s10;
	s16 =	sadd.s32 $0x4000, s10;
	s17 =	sadd.s32 $0x5000, s10  }
.Ltmp0:
0xc: {  	s18 =	sadd.s32 $0x6000, s10;
	s3 =	sadd.s32 s3, s0;
	(pc) =	sbr.rel .LBB2_1-.Ltmp0, $4  }
0xd: {  	s19 =	sadd.s32 $0x7000, s10;
	s0 =	sadd.s32 s7, s0;
	s26 =	sadd.s32 $0xD800, s3  }
0xe: {  	s7 =	ssub.s32 s8, s25;
	s3 =	sadd.s32 $0x8800, s3;
	[dreg:$0x4] =	wrdreg s26  }
0xf: {  	v1 =	vimm.f32 $0.0e+00;
	v2 =	vimm.s32 $0x0;
	v3 =	vlaneseq.u32;
	s25 =	simm.s32 $0x7830;
	s31 =	smax.u32 s7, $0x1;
	[dreg:$0x5] =	wrdreg s3  }
0x10: {  	v4 =	vimm.s32 $0x28000;
	vm0 =	vmmov $0xffff;
	v0 =	vmov s4;
	s11 =	sadd.s32 $0xDA800, s0;
	[dreg:$0x7] =	wrdreg s31;
	s26 =	simm.s32 $0x8030  }
.LBB2_11:
0x11: {  	s12 =	rddreg [dreg:$0x3]  }
0x12: {  	s0 =	rddreg [dreg:$0x7];
	s12 =	sadd.s32 $0x1, s12  }
0x13: {  	p0 =	sne.s32 s12, s0  }
.Ltmp1:
0x14: {  	_ = 	snop;
	(pc) =	sbr.rel @!p0 .LBB2_12-.Ltmp1, $1  }
0x15: {  	_ =	sdelay $0x3  }
.LBB2_1:
0x16: {  	[dreg:$0x3] =	wrdreg s12;
	s0 =	simm.s32 $0x40;
	s1 =	simm.s32 $0x0  }
.LBB2_2:
0x17: {  	p0 =	sne.s32 s0, $0x1FC0;
	[tilespmem:s1+$0x10130] =	vst v1;
	s3 =	smov.u32 s0;
	s0 =	sadd.s32 $0x40, s0  }
.Ltmp2:
0x18: {  	[tilespmem:s1+$0x10930] =	vst v1;
	(pc) =	sbr.rel @p0 .LBB2_2-.Ltmp2, $2  }
0x19: {  	_ =	sdelay $0x2  }
0x1a: {  	s1 =	sshra.s32 s3, $0x2  }
0x1b: {  	[tilespmem:s1+$0x10130] =	vst v1  }
0x1c: {  	[tilespmem:s1+$0x10930] =	vst v1;
	s12 =	simm.s32 $0x0;
	s0 =	rddreg [dreg:$0x4]  }
0x1d: {  	[tilespmem:s12], [sflag:$0x3] =	stream.linear.gather [hbm4b:s0+s12], $0x2800, $0x38;
	[tilespmem:$0x19130] =	vst v63  }
0x1e: {  	_ =	swait.ge [sflag:s20], $0x2800  }
0x1f: {  	[sflag:s20] =	ssyncset.done $0x0  }
0x20: {  	s30 =	rddreg [dreg:$0x5];
	[sflag:s20] =	ssyncadd.s32 $0xFFFFD800  }
0x21: {  	[tilespmem:s21], [sflag:$0x3] =	stream.linear.gather [hbm4b:s30+s12], $0x2800, $0x38;
	[tilespmem:$0x19130] =	vst v63  }
.Ltmp3:
0x22: {  	_ = 	snop;
	(pc) =	sbr.rel .LBB2_4-.Ltmp3, $4  }
0x23: {  	_ =	swait.ge [sflag:s20], $0x2800  }
0x24: {  	[sflag:s20] =	ssyncset.done $0x0  }
0x25: {  	[sflag:s20] =	ssyncadd.s32 $0xFFFFD800  }
0x26: {  	s31 =	simm.s32 $0x0;
	[tilespmem:$0x2800] =	vst v2  }
.LBB2_10:
0x27: {  	[bflag:$0x0] =	sbarrier.arrive $0xFFFF  }
0x28: {  	s0 =	sshll.u32 s0, $0x8;
	s1 =	stileid.u32;
	s31 =	sadd.s32 $0x1, s31  }
0x29: {  	s3 =	sshrl.u32 s10, $0x3;
	s1 =	sshll.u32 s1, $0x6;
	p0 =	sne.s32 s31, $0x14  }
.Ltmp4:
0x2a: {  	s0 =	sadd.s32 s0, s11;
	s1 =	sor.u32 $0x1C03, s1;
	(pc) =	sbr.rel @!p0 .LBB2_11-.Ltmp4, $4  }
0x2b: {  	[hbm:s0], [sflag:s1] =	dma.local [spmem:s3], $0x1000  }
0x2c: {  	_ =	swait.ge [sflag:s20], $0x1000  }
0x2d: {  	[sflag:s20] =	ssyncset.done $0x0  }
0x2e: {  	[sflag:s20] =	ssyncadd.s32 $0xFFFFF000  }
.LBB2_4:
0x2f: {  	s0 =	sshll.u32 s31, $0x9;
	s1 =	rddreg [dreg:$0x6]  }
0x30: {  	s0 =	sor.u32 s1, s0  }
0x31: {  	v5 =	vmov s0  }
0x32: {  	[tilespmem:$0x5010] =	vst v5  }
0x33: {  	[spmem:s10] =	stream.linear.scatter [tilespmem:s22], [sflag:$0x3], $0x1000, $0x38;
	[tilespmem:$0x19130] =	vst v63  }
0x34: {  	_ =	swait.ge [sflag:s20], $0x1000  }
0x35: {  	[sflag:s20] =	ssyncset.done $0x0  }
0x36: {  	[sflag:s20] =	ssyncadd.s32 $0xFFFFF000  }
0x37: {  	[spmem:s13] =	stream.linear.scatter [tilespmem:s22], [sflag:$0x3], $0x1000, $0x38;
	[tilespmem:$0x19130] =	vst v63  }
0x38: {  	_ =	swait.ge [sflag:s20], $0x1000  }
0x39: {  	[sflag:s20] =	ssyncset.done $0x0  }
0x3a: {  	[sflag:s20] =	ssyncadd.s32 $0xFFFFF000  }
0x3b: {  	[spmem:s14] =	stream.linear.scatter [tilespmem:s22], [sflag:$0x3], $0x1000, $0x38;
	[tilespmem:$0x19130] =	vst v63  }
0x3c: {  	_ =	swait.ge [sflag:s20], $0x1000  }
0x3d: {  	[sflag:s20] =	ssyncset.done $0x0  }
0x3e: {  	[sflag:s20] =	ssyncadd.s32 $0xFFFFF000  }
0x3f: {  	[spmem:s15] =	stream.linear.scatter [tilespmem:s22], [sflag:$0x3], $0x1000, $0x38;
	[tilespmem:$0x19130] =	vst v63  }
0x40: {  	_ =	swait.ge [sflag:s20], $0x1000  }
0x41: {  	[sflag:s20] =	ssyncset.done $0x0  }
0x42: {  	[sflag:s20] =	ssyncadd.s32 $0xFFFFF000  }
0x43: {  	[spmem:s16] =	stream.linear.scatter [tilespmem:s22], [sflag:$0x3], $0x1000, $0x38;
	[tilespmem:$0x19130] =	vst v63  }
0x44: {  	_ =	swait.ge [sflag:s20], $0x1000  }
0x45: {  	[sflag:s20] =	ssyncset.done $0x0  }
0x46: {  	[sflag:s20] =	ssyncadd.s32 $0xFFFFF000  }
0x47: {  	[spmem:s17] =	stream.linear.scatter [tilespmem:s22], [sflag:$0x3], $0x1000, $0x38;
	[tilespmem:$0x19130] =	vst v63  }
0x48: {  	_ =	swait.ge [sflag:s20], $0x1000  }
0x49: {  	[sflag:s20] =	ssyncset.done $0x0  }
0x4a: {  	[sflag:s20] =	ssyncadd.s32 $0xFFFFF000  }
0x4b: {  	[spmem:s18] =	stream.linear.scatter [tilespmem:s22], [sflag:$0x3], $0x1000, $0x38;
	[tilespmem:$0x19130] =	vst v63  }
0x4c: {  	_ =	swait.ge [sflag:s20], $0x1000  }
0x4d: {  	[sflag:s20] =	ssyncset.done $0x0  }
0x4e: {  	[sflag:s20] =	ssyncadd.s32 $0xFFFFF000  }
0x4f: {  	[spmem:s19] =	stream.linear.scatter [tilespmem:s22], [sflag:$0x3], $0x1000, $0x38;
	[tilespmem:$0x19130] =	vst v63  }
0x50: {  	_ =	swait.ge [sflag:s20], $0x1000  }
0x51: {  	[sflag:s20] =	ssyncset.done $0x0  }
0x52: {  	[sflag:s20] =	ssyncadd.s32 $0xFFFFF000  }
0x53: {  	s9 =	simm.s32 $0x0;
	[bflag:$0x0] =	sbarrier.arrive $0xFFFF  }
0x54: {  	v7 =	vld [tilespmem:s9+$0x2810];
	_ =	sdelay $0x2  }
0x55: {  	s12 =	sadd.s32 $0x100, s0  }
0x56: {  	v6 =	vmov s12  }
0x57: {  	vm1 =	vge.s32 v7, v5;
	vm2 =	vlt.s32 v7, v6  }
0x58: {  	vm1 =	vmand vm1, vm2  }
0x59: {  	v7 =	vsel vm1, $0x1, v2  }
0x5a: {  	(xrf0) =	vadd.scan.msk.s32 $0xffff, v7;
	_ =	sdelay $0x1  }
0x5b: {  	s30 =	simm.s32 $0x0  }
0x5c: {  	v7 =	vmov s30  }
0x5d: {  	v7 =	vadd.s32 $0xFFFFFFFF, v7  }
0x5e: {  	v7 =	vbroadcast v7, $0x0  }
0x5f: {  	v8, _, _ =	vpop (xrf0)  }
0x60: {  	v7 =	vadd.s32 v8, v7;
	(v2sf) =	vpush v8, $0xF;
	_ =	sdelay $0x3  }
0x61: {  	v9 =	vor.u32 s4, v3;
	s8 =	simm.s32 $0x10  }
0x62: {  	s7 =	simm.s32 $0x80;
	s3 =	simm.s32 $0x0;
	s1 =	smov.u32 s4;
	[tilespmem:v7+s23+$0x0] =	vst.idx.msk vm1, v9  }
.LBB2_5:
0x63: {  	p0 =	sne.s32 s7, $0x9FC0;
	v7 =	vld [tilespmem:s8+$0x2810];
	_ =	sdelay $0x4  }
0x64: {  	vm1 =	vge.s32 v7, v5;
	vm2 =	vlt.s32 v7, v6  }
0x65: {  	vm1 =	vmand vm1, vm2  }
0x66: {  	v7 =	vsel vm1, $0x1, v2  }
0x67: {  	(xrf0) =	vadd.scan.msk.s32 $0xffff, v7  }
0x68: {  	s8 =	spop (v2sf)  }
0x69: {  	s3 =	sadd.s32 s3, s8  }
0x6a: {  	v7 =	vmov s3  }
0x6b: {  	v7 =	vadd.s32 $0xFFFFFFFF, v7  }
0x6c: {  	v7 =	vbroadcast v7, $0x0  }
0x6d: {  	v8, _, _ =	vpop (xrf0)  }
0x6e: {  	v7 =	vadd.s32 v8, v7;
	(v2sf) =	vpush v8, $0xF  }
.Ltmp5:
0x6f: {  	(pc) =	sbr.rel @p0 .LBB2_5-.Ltmp5, $4  }
0x70: {  	_ = 	snop  }
0x71: {  	s1 =	sadd.s32 $0x10, s1  }
0x72: {  	v8 =	vor.u32 s1, v3  }
0x73: {  	s8 =	sshra.s32 s7, $0x2;
	s7 =	sadd.s32 $0x40, s7;
	[tilespmem:v7+s23+$0x0] =	vst.idx.msk vm1, v8  }
0x74: {  	v7 =	vld [tilespmem:s8+$0x2810];
	_ =	sdelay $0x4  }
0x75: {  	vm1 =	vge.s32 v7, v5;
	vm2 =	vlt.s32 v7, v6  }
0x76: {  	vm1 =	vmand vm1, vm2  }
0x77: {  	v6 =	vsel vm1, $0x1, v2  }
0x78: {  	(xrf0) =	vadd.scan.msk.s32 $0xffff, v6;
	_ =	sdelay $0x5  }
0x79: {  	v6, _, _ =	vpop (xrf0)  }
0x7a: {  	(v2sf) =	vpush v6, $0xF;
	_ =	sdelay $0xd  }
0x7b: {  	s7 =	spop (v2sf)  }
0x7c: {  	s3 =	sadd.s32 s3, s7;
	s9 =	spop (v2sf)  }
0x7d: {  	v7 =	vmov s3;
	s3 =	sadd.s32 s3, s9  }
0x7e: {  	s7 =	sadd.s32 $0xF, s3  }
0x7f: {  	s12 =	sand.u32 $0xF, s7  }
0x80: {  	s30 =	sshra.s32 s7, $0x1F;
	p1 =	slt.s32 s7, $0x1;
	p0 =	sne.s32 s12, $0x0  }
0x81: {  	v7 =	vadd.s32 $0xFFFFFFFF, v7;
	s8 =	sshrl.u32 s30, $0x1C;
	p0 =	por !p1, !p0  }
0x82: {  	v7 =	vbroadcast v7, $0x0;
	s7 =	sadd.s32 s8, s7;
	s8 =	simm.s32 $0x1;
	p0 =	por !p0, !p0  }
0x83: {  	s7 =	sshra.s32 s7, $0x4;
	s8 =	simm.s32 @!p0 $0x0  }
0x84: {  	v6 =	vadd.s32 v6, v7;
	s7 =	ssub.s32 s7, s8  }
0x85: {  	p0 =	slt.s32 s7, $0x1  }
.Ltmp6:
0x86: {  	_ = 	snop;
	(pc) =	sbr.rel @p0 .LBB2_10-.Ltmp6, $4  }
0x87: {  	s1 =	sadd.s32 $0x10, s1  }
0x88: {  	v7 =	vor.u32 s1, v3  }
0x89: {  	[tilespmem:v6+s23+$0x0] =	vst.idx.msk vm1, v7  }
0x8a: {  	[tilespmem:s3+$0x5020] =	vst v4;
	s12 =	simm.s32 $0x0;
	s8 =	simm.s32 $0x0  }
.LBB2_7:
0x8b: {  	s1 =	sshll.u32 s12, $0x6  }
0x8c: {  	s1 =	sshra.s32 s1, $0x2  }
0x8d: {  	v7 =	vld [tilespmem:s1+$0x5020];
	_ =	sdelay $0x4  }
0x8e: {  	v6 =	vsub.s32 v7, v0  }
0x8f: {  	vm1 =	vlt.s32 v6, $0x2800  }
0x90: {  	v6 =	vnsel vm1, $0x2800, v6;
	_ =	sdelay $0x4  }
0x91: {  	v8 =	vld.idx.msk [tilespmem:v6+s8+$0x0], $0xffff;
	_ =	sdelay $0x7  }
0x92: {  	v6 =	vld.idx.msk [tilespmem:v6+s21+$0x0], $0xffff;
	[tilespmem:s25], [sflag:$0x1] =	stream.indirect_vreg.gather [hbm4b:s5+s8], $0x80, v8, vm0, $0xb8  }
0x93: {  	_ = 	snop  }
0x94: {  	[tilespmem:s26], [sflag:$0x2] =	stream.indirect_vreg.gather [hbm4b:s6+s8], $0x10, v7, vm0, $0xb8;
	[tilespmem:$0x19130] =	vst v63  }
0x95: {  	_ =	swait.ge [sflag:s24], $0x800  }
0x96: {  	[sflag:s24] =	ssyncset.done $0x0  }
0x97: {  	[sflag:s24] =	ssyncadd.s32 $0xFFFFF800  }
0x98: {  	_ =	swait.ge [sflag:s28], $0x100  }
0x99: {  	s3 =	simm.s32 $0x8530;
	[sflag:s28] =	ssyncset.done $0x0  }
0x9a: {  	s30 =	simm.s32 $0x0;
	s1 =	simm.s32 $0x7870;
	[sflag:s28] =	ssyncadd.s32 $0xFFFFFF00  }
.LBB2_8:
0x9b: {  	s9 =	sshll.u32 s30, $0x4  }
0x9c: {  	v15 =	vmov s9;
	_ =	sdelay $0x3  }
0x9d: {  	v12 =	vld [tilespmem:s1+$0xFFFFFFC0]  }
0x9e: {  	v16 =	vld.idx.msk [tilespmem:v15+s26+$0x0], $0xffff  }
0x9f: {  	v13 =	vld [tilespmem:s1+$0xFFFFFFD0]  }
0xa0: {  	v14 =	vld [tilespmem:s1+$0xFFFFFFE0]  }
0xa1: {  	v11 =	vld [tilespmem:s1+$0xFFFFFFF0]  }
0xa2: {  	v10 =	vld [tilespmem:s1+$0x0]  }
0xa3: {  	v9 =	vld [tilespmem:s1+$0x10];
	v17 =	vmul.f32 v16, v12  }
0xa4: {  	v7 =	vld [tilespmem:s1+$0x20];
	v18 =	vmul.f32 v16, v13  }
0xa5: {  	v8 =	vld [tilespmem:s1+$0x30];
	v33 =	vmul.f32 v16, v14;
	[tilespmem:s3+$0xFFFFFC00] =	vst v17  }
0xa6: {  	v34 =	vmul.f32 v16, v11;
	[tilespmem:s3+$0xFFFFFC10] =	vst v18  }
0xa7: {  	v35 =	vmul.f32 v16, v10;
	[tilespmem:s3+$0xFFFFFC20] =	vst v33  }
0xa8: {  	v19 =	vor.u32 $0x1, v15;
	v36 =	vmul.f32 v16, v9;
	[tilespmem:s3+$0xFFFFFC30] =	vst v34  }
0xa9: {  	v37 =	vmul.f32 v16, v7;
	[tilespmem:s3+$0xFFFFFC40] =	vst v35  }
0xaa: {  	v16 =	vmul.f32 v16, v8;
	[tilespmem:s3+$0xFFFFFC50] =	vst v36  }
0xab: {  	[tilespmem:s3+$0xFFFFFC60] =	vst v37  }
0xac: {  	[tilespmem:s3+$0xFFFFFC70] =	vst v16  }
0xad: {  	v16 =	vld.idx.msk [tilespmem:v19+s26+$0x0], $0xffff;
	_ =	sdelay $0x4  }
0xae: {  	v38 =	vmul.f32 v16, v12  }
0xaf: {  	v39 =	vmul.f32 v16, v13  }
0xb0: {  	v40 =	vmul.f32 v16, v14;
	[tilespmem:s3+$0xFFFFFC80] =	vst v38  }
0xb1: {  	v41 =	vmul.f32 v16, v11;
	[tilespmem:s3+$0xFFFFFC90] =	vst v39  }
0xb2: {  	v42 =	vmul.f32 v16, v10;
	[tilespmem:s3+$0xFFFFFCA0] =	vst v40  }
0xb3: {  	v44 =	vor.u32 $0x2, v15;
	v43 =	vmul.f32 v16, v9;
	[tilespmem:s3+$0xFFFFFCB0] =	vst v41  }
0xb4: {  	v45 =	vmul.f32 v16, v7;
	[tilespmem:s3+$0xFFFFFCC0] =	vst v42  }
0xb5: {  	v16 =	vmul.f32 v16, v8;
	[tilespmem:s3+$0xFFFFFCD0] =	vst v43  }
0xb6: {  	[tilespmem:s3+$0xFFFFFCE0] =	vst v45  }
0xb7: {  	[tilespmem:s3+$0xFFFFFCF0] =	vst v16  }
0xb8: {  	v16 =	vld.idx.msk [tilespmem:v44+s26+$0x0], $0xffff;
	_ =	sdelay $0x4  }
0xb9: {  	v46 =	vmul.f32 v16, v12  }
0xba: {  	v47 =	vmul.f32 v16, v13  }
0xbb: {  	v48 =	vmul.f32 v16, v14;
	[tilespmem:s3+$0xFFFFFD00] =	vst v46  }
0xbc: {  	v49 =	vmul.f32 v16, v11;
	[tilespmem:s3+$0xFFFFFD10] =	vst v47  }
0xbd: {  	v50 =	vmul.f32 v16, v10;
	[tilespmem:s3+$0xFFFFFD20] =	vst v48  }
0xbe: {  	v52 =	vor.u32 $0x3, v15;
	v51 =	vmul.f32 v16, v9;
	[tilespmem:s3+$0xFFFFFD30] =	vst v49  }
0xbf: {  	v53 =	vmul.f32 v16, v7;
	[tilespmem:s3+$0xFFFFFD40] =	vst v50  }
0xc0: {  	v16 =	vmul.f32 v16, v8;
	[tilespmem:s3+$0xFFFFFD50] =	vst v51  }
0xc1: {  	[tilespmem:s3+$0xFFFFFD60] =	vst v53  }
0xc2: {  	[tilespmem:s3+$0xFFFFFD70] =	vst v16  }
0xc3: {  	v16 =	vld.idx.msk [tilespmem:v52+s26+$0x0], $0xffff;
	_ =	sdelay $0x4  }
0xc4: {  	v54 =	vmul.f32 v16, v12  }
0xc5: {  	v55 =	vmul.f32 v16, v13  }
0xc6: {  	v56 =	vmul.f32 v16, v14;
	[tilespmem:s3+$0xFFFFFD80] =	vst v54  }
0xc7: {  	v57 =	vmul.f32 v16, v11;
	[tilespmem:s3+$0xFFFFFD90] =	vst v55  }
0xc8: {  	v58 =	vmul.f32 v16, v10;
	[tilespmem:s3+$0xFFFFFDA0] =	vst v56  }
0xc9: {  	v60 =	vor.u32 $0x4, v15;
	v59 =	vmul.f32 v16, v9;
	[tilespmem:s3+$0xFFFFFDB0] =	vst v57  }
0xca: {  	v61 =	vmul.f32 v16, v7;
	[tilespmem:s3+$0xFFFFFDC0] =	vst v58  }
0xcb: {  	v16 =	vmul.f32 v16, v8;
	[tilespmem:s3+$0xFFFFFDD0] =	vst v59  }
0xcc: {  	[tilespmem:s3+$0xFFFFFDE0] =	vst v61  }
0xcd: {  	[tilespmem:s3+$0xFFFFFDF0] =	vst v16  }
0xce: {  	v16 =	vld.idx.msk [tilespmem:v60+s26+$0x0], $0xffff;
	_ =	sdelay $0x4  }
0xcf: {  	v62 =	vmul.f32 v16, v12  }
0xd0: {  	v63 =	vmul.f32 v16, v13  }
0xd1: {  	v21 =	vmul.f32 v16, v14;
	[tilespmem:s3+$0xFFFFFE00] =	vst v62  }
0xd2: {  	v22 =	vmul.f32 v16, v11;
	[tilespmem:s3+$0xFFFFFE10] =	vst v63  }
0xd3: {  	v23 =	vmul.f32 v16, v10;
	[tilespmem:s3+$0xFFFFFE20] =	vst v21  }
0xd4: {  	v25 =	vor.u32 $0x5, v15;
	v24 =	vmul.f32 v16, v9;
	[tilespmem:s3+$0xFFFFFE30] =	vst v22  }
0xd5: {  	v26 =	vmul.f32 v16, v7;
	[tilespmem:s3+$0xFFFFFE40] =	vst v23  }
0xd6: {  	v16 =	vmul.f32 v16, v8;
	[tilespmem:s3+$0xFFFFFE50] =	vst v24  }
0xd7: {  	[tilespmem:s3+$0xFFFFFE60] =	vst v26  }
0xd8: {  	[tilespmem:s3+$0xFFFFFE70] =	vst v16  }
0xd9: {  	v16 =	vld.idx.msk [tilespmem:v25+s26+$0x0], $0xffff;
	_ =	sdelay $0x4  }
0xda: {  	v27 =	vmul.f32 v16, v12  }
0xdb: {  	v28 =	vmul.f32 v16, v13  }
0xdc: {  	v29 =	vmul.f32 v16, v14;
	[tilespmem:s3+$0xFFFFFE80] =	vst v27  }
0xdd: {  	v30 =	vmul.f32 v16, v11;
	[tilespmem:s3+$0xFFFFFE90] =	vst v28  }
0xde: {  	v31 =	vmul.f32 v16, v10;
	[tilespmem:s3+$0xFFFFFEA0] =	vst v29  }
0xdf: {  	v33 =	vor.u32 $0x6, v15;
	v32 =	vmul.f32 v16, v9;
	[tilespmem:s3+$0xFFFFFEB0] =	vst v30  }
0xe0: {  	v34 =	vmul.f32 v16, v7;
	[tilespmem:s3+$0xFFFFFEC0] =	vst v31  }
0xe1: {  	v16 =	vmul.f32 v16, v8;
	[tilespmem:s3+$0xFFFFFED0] =	vst v32  }
0xe2: {  	[tilespmem:s3+$0xFFFFFEE0] =	vst v34  }
0xe3: {  	[tilespmem:s3+$0xFFFFFEF0] =	vst v16  }
0xe4: {  	v16 =	vld.idx.msk [tilespmem:v33+s26+$0x0], $0xffff;
	_ =	sdelay $0x4  }
0xe5: {  	v35 =	vmul.f32 v16, v12  }
0xe6: {  	v36 =	vmul.f32 v16, v13  }
0xe7: {  	v37 =	vmul.f32 v16, v14;
	[tilespmem:s3+$0xFFFFFF00] =	vst v35  }
0xe8: {  	v38 =	vmul.f32 v16, v11;
	[tilespmem:s3+$0xFFFFFF10] =	vst v36  }
0xe9: {  	v39 =	vmul.f32 v16, v10;
	[tilespmem:s3+$0xFFFFFF20] =	vst v37  }
0xea: {  	v41 =	vor.u32 $0x7, v15;
	v40 =	vmul.f32 v16, v9;
	[tilespmem:s3+$0xFFFFFF30] =	vst v38  }
0xeb: {  	v42 =	vmul.f32 v16, v7;
	[tilespmem:s3+$0xFFFFFF40] =	vst v39  }
0xec: {  	v16 =	vmul.f32 v16, v8;
	[tilespmem:s3+$0xFFFFFF50] =	vst v40  }
0xed: {  	[tilespmem:s3+$0xFFFFFF60] =	vst v42  }
0xee: {  	[tilespmem:s3+$0xFFFFFF70] =	vst v16  }
0xef: {  	v16 =	vld.idx.msk [tilespmem:v41+s26+$0x0], $0xffff;
	_ =	sdelay $0x4  }
0xf0: {  	v43 =	vmul.f32 v16, v12  }
0xf1: {  	v44 =	vmul.f32 v16, v13  }
0xf2: {  	v45 =	vmul.f32 v16, v14;
	[tilespmem:s3+$0xFFFFFF80] =	vst v43  }
0xf3: {  	v46 =	vmul.f32 v16, v11;
	[tilespmem:s3+$0xFFFFFF90] =	vst v44  }
0xf4: {  	v47 =	vmul.f32 v16, v10;
	[tilespmem:s3+$0xFFFFFFA0] =	vst v45  }
0xf5: {  	v49 =	vor.u32 $0x8, v15;
	v48 =	vmul.f32 v16, v9;
	[tilespmem:s3+$0xFFFFFFB0] =	vst v46  }
0xf6: {  	v50 =	vmul.f32 v16, v7;
	[tilespmem:s3+$0xFFFFFFC0] =	vst v47  }
0xf7: {  	v16 =	vmul.f32 v16, v8;
	[tilespmem:s3+$0xFFFFFFD0] =	vst v48  }
0xf8: {  	[tilespmem:s3+$0xFFFFFFE0] =	vst v50  }
0xf9: {  	[tilespmem:s3+$0xFFFFFFF0] =	vst v16  }
0xfa: {  	v16 =	vld.idx.msk [tilespmem:v49+s26+$0x0], $0xffff;
	_ =	sdelay $0x4  }
0xfb: {  	v51 =	vmul.f32 v16, v12  }
0xfc: {  	v52 =	vmul.f32 v16, v13  }
0xfd: {  	v53 =	vmul.f32 v16, v14;
	[tilespmem:s3+$0x0] =	vst v51  }
0xfe: {  	v54 =	vmul.f32 v16, v11;
	[tilespmem:s3+$0x10] =	vst v52  }
0xff: {  	v55 =	vmul.f32 v16, v10;
	[tilespmem:s3+$0x20] =	vst v53  }
0x100: {  	v57 =	vor.u32 $0x9, v15;
	v56 =	vmul.f32 v16, v9;
	[tilespmem:s3+$0x30] =	vst v54  }
0x101: {  	v58 =	vmul.f32 v16, v7;
	[tilespmem:s3+$0x40] =	vst v55  }
0x102: {  	v16 =	vmul.f32 v16, v8;
	[tilespmem:s3+$0x50] =	vst v56  }
0x103: {  	[tilespmem:s3+$0x60] =	vst v58  }
0x104: {  	[tilespmem:s3+$0x70] =	vst v16  }
0x105: {  	v16 =	vld.idx.msk [tilespmem:v57+s26+$0x0], $0xffff;
	_ =	sdelay $0x4  }
0x106: {  	v59 =	vmul.f32 v16, v12  }
0x107: {  	v60 =	vmul.f32 v16, v13  }
0x108: {  	v61 =	vmul.f32 v16, v14;
	[tilespmem:s3+$0x80] =	vst v59  }
0x109: {  	v62 =	vmul.f32 v16, v11;
	[tilespmem:s3+$0x90] =	vst v60  }
0x10a: {  	v63 =	vmul.f32 v16, v10;
	[tilespmem:s3+$0xA0] =	vst v61  }
0x10b: {  	v22 =	vor.u32 $0xA, v15;
	v21 =	vmul.f32 v16, v9;
	[tilespmem:s3+$0xB0] =	vst v62  }
0x10c: {  	v23 =	vmul.f32 v16, v7;
	[tilespmem:s3+$0xC0] =	vst v63  }
0x10d: {  	v16 =	vmul.f32 v16, v8;
	[tilespmem:s3+$0xD0] =	vst v21  }
0x10e: {  	[tilespmem:s3+$0xE0] =	vst v23  }
0x10f: {  	[tilespmem:s3+$0xF0] =	vst v16  }
0x110: {  	v16 =	vld.idx.msk [tilespmem:v22+s26+$0x0], $0xffff;
	_ =	sdelay $0x4  }
0x111: {  	v24 =	vmul.f32 v16, v12  }
0x112: {  	v25 =	vmul.f32 v16, v13  }
0x113: {  	v26 =	vmul.f32 v16, v14;
	[tilespmem:s3+$0x100] =	vst v24  }
0x114: {  	v27 =	vmul.f32 v16, v11;
	[tilespmem:s3+$0x110] =	vst v25  }
0x115: {  	v28 =	vmul.f32 v16, v10;
	[tilespmem:s3+$0x120] =	vst v26  }
0x116: {  	v30 =	vor.u32 $0xB, v15;
	v29 =	vmul.f32 v16, v9;
	[tilespmem:s3+$0x130] =	vst v27  }
0x117: {  	v31 =	vmul.f32 v16, v7;
	[tilespmem:s3+$0x140] =	vst v28  }
0x118: {  	v16 =	vmul.f32 v16, v8;
	[tilespmem:s3+$0x150] =	vst v29  }
0x119: {  	[tilespmem:s3+$0x160] =	vst v31  }
0x11a: {  	[tilespmem:s3+$0x170] =	vst v16  }
0x11b: {  	v16 =	vld.idx.msk [tilespmem:v30+s26+$0x0], $0xffff;
	_ =	sdelay $0x4  }
0x11c: {  	v32 =	vmul.f32 v16, v12  }
0x11d: {  	v33 =	vmul.f32 v16, v13  }
0x11e: {  	v34 =	vmul.f32 v16, v14;
	[tilespmem:s3+$0x180] =	vst v32  }
0x11f: {  	v35 =	vmul.f32 v16, v11;
	[tilespmem:s3+$0x190] =	vst v33  }
0x120: {  	v36 =	vmul.f32 v16, v10;
	[tilespmem:s3+$0x1A0] =	vst v34  }
0x121: {  	v38 =	vor.u32 $0xC, v15;
	v37 =	vmul.f32 v16, v9;
	[tilespmem:s3+$0x1B0] =	vst v35  }
0x122: {  	v39 =	vmul.f32 v16, v7;
	[tilespmem:s3+$0x1C0] =	vst v36  }
0x123: {  	v16 =	vmul.f32 v16, v8;
	[tilespmem:s3+$0x1D0] =	vst v37  }
0x124: {  	[tilespmem:s3+$0x1E0] =	vst v39  }
0x125: {  	[tilespmem:s3+$0x1F0] =	vst v16  }
0x126: {  	v16 =	vld.idx.msk [tilespmem:v38+s26+$0x0], $0xffff;
	_ =	sdelay $0x4  }
0x127: {  	v40 =	vmul.f32 v16, v12  }
0x128: {  	v41 =	vmul.f32 v16, v13  }
0x129: {  	v42 =	vmul.f32 v16, v14;
	[tilespmem:s3+$0x200] =	vst v40  }
0x12a: {  	v43 =	vmul.f32 v16, v11;
	[tilespmem:s3+$0x210] =	vst v41  }
0x12b: {  	v44 =	vmul.f32 v16, v10;
	[tilespmem:s3+$0x220] =	vst v42  }
0x12c: {  	v46 =	vor.u32 $0xD, v15;
	v45 =	vmul.f32 v16, v9;
	[tilespmem:s3+$0x230] =	vst v43  }
0x12d: {  	v47 =	vmul.f32 v16, v7;
	[tilespmem:s3+$0x240] =	vst v44  }
0x12e: {  	v16 =	vmul.f32 v16, v8;
	[tilespmem:s3+$0x250] =	vst v45  }
0x12f: {  	[tilespmem:s3+$0x260] =	vst v47  }
0x130: {  	[tilespmem:s3+$0x270] =	vst v16  }
0x131: {  	v16 =	vld.idx.msk [tilespmem:v46+s26+$0x0], $0xffff;
	_ =	sdelay $0x4  }
0x132: {  	v48 =	vmul.f32 v16, v12  }
0x133: {  	v49 =	vmul.f32 v16, v13  }
0x134: {  	v50 =	vmul.f32 v16, v14;
	[tilespmem:s3+$0x280] =	vst v48  }
0x135: {  	v51 =	vmul.f32 v16, v11;
	[tilespmem:s3+$0x290] =	vst v49  }
0x136: {  	v52 =	vmul.f32 v16, v10;
	[tilespmem:s3+$0x2A0] =	vst v50  }
0x137: {  	v54 =	vor.u32 $0xE, v15;
	v53 =	vmul.f32 v16, v9;
	[tilespmem:s3+$0x2B0] =	vst v51  }
0x138: {  	v55 =	vmul.f32 v16, v7;
	[tilespmem:s3+$0x2C0] =	vst v52  }
0x139: {  	v16 =	vmul.f32 v16, v8;
	[tilespmem:s3+$0x2D0] =	vst v53  }
0x13a: {  	[tilespmem:s3+$0x2E0] =	vst v55  }
0x13b: {  	[tilespmem:s3+$0x2F0] =	vst v16  }
0x13c: {  	v16 =	vld.idx.msk [tilespmem:v54+s26+$0x0], $0xffff;
	_ =	sdelay $0x4  }
0x13d: {  	v56 =	vmul.f32 v16, v12  }
0x13e: {  	v57 =	vmul.f32 v16, v13  }
0x13f: {  	v58 =	vmul.f32 v16, v14;
	[tilespmem:s3+$0x300] =	vst v56  }
0x140: {  	v59 =	vmul.f32 v16, v11;
	[tilespmem:s3+$0x310] =	vst v57  }
0x141: {  	v60 =	vmul.f32 v16, v10;
	[tilespmem:s3+$0x320] =	vst v58  }
0x142: {  	v15 =	vor.u32 $0xF, v15;
	v61 =	vmul.f32 v16, v9;
	[tilespmem:s3+$0x330] =	vst v59  }
0x143: {  	v62 =	vmul.f32 v16, v7;
	[tilespmem:s3+$0x340] =	vst v60  }
0x144: {  	v16 =	vmul.f32 v16, v8;
	[tilespmem:s3+$0x350] =	vst v61  }
0x145: {  	[tilespmem:s3+$0x360] =	vst v62  }
0x146: {  	[tilespmem:s3+$0x370] =	vst v16  }
0x147: {  	v15 =	vld.idx.msk [tilespmem:v15+s26+$0x0], $0xffff;
	_ =	sdelay $0x4  }
0x148: {  	v12 =	vmul.f32 v15, v12  }
0x149: {  	v13 =	vmul.f32 v15, v13  }
0x14a: {  	v63 =	vmul.f32 v15, v14;
	[tilespmem:s3+$0x380] =	vst v12  }
0x14b: {  	v11 =	vmul.f32 v15, v11;
	[tilespmem:s3+$0x390] =	vst v13  }
0x14c: {  	p0 =	sne.s32 s30, $0xF;
	v10 =	vmul.f32 v15, v10;
	[tilespmem:s3+$0x3A0] =	vst v63  }
.Ltmp7:
0x14d: {  	v9 =	vmul.f32 v15, v9;
	[tilespmem:s3+$0x3B0] =	vst v11;
	(pc) =	sbr.rel @p0 .LBB2_8-.Ltmp7, $4  }
0x14e: {  	v7 =	vmul.f32 v15, v7;
	[tilespmem:s3+$0x3C0] =	vst v10  }
0x14f: {  	v8 =	vmul.f32 v15, v8;
	[tilespmem:s3+$0x3D0] =	vst v9  }
0x150: {  	[tilespmem:s3+$0x3E0] =	vst v7  }
0x151: {  	s1 =	sadd.s32 $0x80, s1;
	s30 =	sadd.s32 $0x1, s30;
	[tilespmem:s3+$0x3F0] =	vst v8;
	s3 =	sadd.s32 $0x800, s3  }
0x152: {  	v6 =	vsub.s32 v6, v5;
	_ =	sdelay $0x2  }
0x153: {  	s12 =	sadd.s32 $0x1, s12  }
0x154: {  	p0 =	sne.s32 s12, s7  }
0x155: {  	[spmem:s2] =	stream.indirect_vreg.scatter.add.f32 [tilespmem:s29], [sflag:$0x3], $0x800, v6, vm0, $0xb8;
	[tilespmem:$0x19130] =	vst v63  }
.Ltmp8:
0x156: {  	_ = 	snop;
	(pc) =	sbr.rel @p0 .LBB2_7-.Ltmp8, $4  }
.Ltmp9:
0x157: {  	_ = 	snop;
	(pc) =	sbr.rel @!p0 .LBB2_10-.Ltmp9, $4  }
0x158: {  	_ =	swait.ge [sflag:s20], $0x8000  }
0x159: {  	[sflag:s20] =	ssyncset.done $0x0  }
0x15a: {  	[sflag:s20] =	ssyncadd.s32 $0xFFFF8000  }
0x15b: {  	_ = 	snop  }
.LBB2_12:
0x15c: {  	_ =	sfence.sel $0x180000  }
0x15d: {  	[bflag:$0x0] =	sbarrier.arrive $0xFFFF  }
0x15e: {  	_ =	strace $0x9000004D  }
0x15f: {  	s0 =	stileid.u32;
	[bflag:$0x2] =	sbarrier.arrive $0xFFFF  }
0x160: {  	p0 =	sne.s32 s0, $0x0;
	s0 =	rddreg [dreg:$0x2]  }
0x161: {  	s0 =	sadd.s32 @!p0 $0x100000, s0  }
0x162: {  	[sflag:s0] =	ssyncadd.tile.s32 @!p0 $0x1;
	_ =	shalt  }
.Lfunc_end2:
_tile_overlayer_lowered:
.L_overlay_start_2:
0x163: {  	(tag) =	ssettag $0x2  }
0x164: {  	s0 =	rddreg [dreg:$0x0];
	s2 =	stileid.u32  }
0x165: {  	s1 =	rddreg [dreg:$0x1];
	p0 =	sne.s32 s2, $0x0  }
0x166: {  	s3 =	rddreg [dreg:$0x2];
	[bflag:$0x3] =	sbarrier.arrive $0xFFFF;
	s2 =	simm.s32 @!p0 $0x1C03  }
0x167: {  	[timem:s3], [sflag:s2] =	dma.local @!p0 [hbm:s0], s1  }
0x168: {  	s0 =	simm.s32 @!p0 $0x3  }
0x169: {  	_ =	swait.ge @!p0 [sflag:s0], s1  }
0x16a: {  	s1 =	ssub.s32 @!p0 $0x0, s1;
	[sflag:s0] =	ssyncset.done @!p0 $0x0  }
0x16b: {  	[sflag:s0] =	ssyncadd.s32 @!p0 s1  }
0x16c: {  	[bflag:$0x3] =	sbarrier.arrive $0xFFFF  }
0x16d: {  	_ =	shalt  }

</sc_bundles>
